<compile_context>
chip_gen: v7x
topology: tpu7x:2x2x1
jax: 0.10.2.dev20260603
libtpu: 0.0.44.dev20260713+nightly
codegen_flags: <defaults>
</compile_context>

<pallas_src>
import functools

import jax
import jax.numpy as jnp
from jax import lax
from jax.experimental import pallas as pl
from jax.experimental.pallas import tpu as pltpu
from jax.experimental.pallas import tpu_sc as plsc

B, T, L, H = 16, 128, 128, 128
N = B * T
E = 65536
OUT = 12 * L
NC, NS = 2, 16
NW = NC * NS
EPT = E // NW
CH = 128
NCH = EPT // CH
RPT = N // NS
NBUF = 6
DR = N // 16



def _remap16(v):
    return ((v & (T - 1)) << 4) | (v >> 7)


def _deg_body(edge_hbm, dp_hbm, er_hbm, srcv, dstv, degv, idxv, acc):
    cid = lax.axis_index("c")
    sid = lax.axis_index("s")
    wid = sid * NC + cid
    pltpu.sync_copy(edge_hbm.at[0, wid], srcv)
    pltpu.sync_copy(edge_hbm.at[1, wid], dstv)

    def zero(i, carry):
        def zcol(k, c2):
            degv[i, pl.ds(k * 16, 16)] = jnp.zeros((16,), jnp.float32)
            return c2
        return lax.fori_loop(0, H // 16, zcol, carry)
    lax.fori_loop(0, N // H, zero, 0)

    idxv[0, pl.ds(0, 16)] = lax.iota(jnp.int32, 16)

    pltpu.sync_copy(degv.at[pl.ds(0, 1)], acc.at[pl.ds(sid, 1)])

    ones = jnp.ones((16,), jnp.float32)

    def jloop(j, carry):
        def iloop(i, c2):
            vs = srcv[j, pl.ds(i * 16, 16)]
            srcv[j, pl.ds(i * 16, 16)] = _remap16(vs)
            vd = _remap16(dstv[j, pl.ds(i * 16, 16)])
            dstv[j, pl.ds(i * 16, 16)] = vd
            plsc.addupdate_scatter(degv, [vd >> 7, vd & (H - 1)], ones)
            return c2
        return lax.fori_loop(0, CH // 16, iloop, carry)
    lax.fori_loop(0, NCH, jloop, 0)

    pltpu.sync_copy(srcv, er_hbm.at[0, wid])
    pltpu.sync_copy(dstv, er_hbm.at[1, wid])
    plsc.subcore_barrier()
    pltpu.sync_copy(degv, acc.at[idxv.at[0]], add=True)
    plsc.subcore_barrier()
    pltpu.sync_copy(acc.at[pl.ds(sid, 1)], dp_hbm.at[cid, pl.ds(sid, 1)])


def _scatter_body(g_hbm, er_hbm, zero_hbm, part_hbm,
                  srcv, dstv, rows0, rows1, rows2, rows3, rows4, rows5, acc,
                  g0s, g1s, g2s, g3s, g4s, g5s,
                  s0s, s1s, s2s, s3s, s4s, s5s):
    cid = lax.axis_index("c")
    sid = lax.axis_index("s")
    wid = sid * NC + cid
    pltpu.sync_copy(er_hbm.at[0, wid], srcv)
    pltpu.sync_copy(er_hbm.at[1, wid], dstv)
    bufs = (rows0, rows1, rows2, rows3, rows4, rows5)
    gsems = (g0s, g1s, g2s, g3s, g4s, g5s)
    ssems = (s0s, s1s, s2s, s3s, s4s, s5s)
    gdesc = [None] * NBUF
    sdesc = [None] * NBUF
    for k in range(2):
        gdesc[k] = pltpu.async_copy(g_hbm.at[srcv.at[k]], bufs[k], gsems[k])
    pltpu.sync_copy(zero_hbm, acc.at[pl.ds(sid * RPT, RPT)])
    plsc.subcore_barrier()
    for j in range(NCH):
        b = j % NBUF
        gdesc[b].wait()
        sdesc[b] = pltpu.async_copy(
            bufs[b], acc.at[dstv.at[j]], ssems[b], add=True)
        nj = j + 2
        if nj < NCH:
            nb = nj % NBUF
            if sdesc[nb] is not None:
                sdesc[nb].wait()
            gdesc[nb] = pltpu.async_copy(
                g_hbm.at[srcv.at[nj]], bufs[nb], gsems[nb])
    for j in range(NCH - NBUF, NCH):
        sdesc[j % NBUF].wait()
    plsc.subcore_barrier()
    pltpu.sync_copy(acc.at[pl.ds(sid * RPT, RPT)],
                    part_hbm.at[cid, pl.ds(sid * RPT, RPT)])



def _hw0_body(x_ref, d_ref, w0_ref, hw0_ref):
    c0 = jnp.dot(d_ref[...], w0_ref[L:, :],
                 preferred_element_type=jnp.float32)
    hw0_ref[...] = jnp.dot(x_ref[...], w0_ref[:L, :],
                           preferred_element_type=jnp.float32) + c0


def _scale_body(hw0_ref, dp_ref, g0_ref, dinv_ref):
    deg = dp_ref[...] + 1.0
    dinv = lax.rsqrt(deg)
    dinv_ref[...] = dinv
    g0_ref[...] = hw0_ref[...] * dinv


def _layer_body(s_ref, g_ref, dinv_ref, b_ref, w_ref, out_ref):
    dinv = dinv_ref[...]
    h = jnp.maximum(
        dinv * (s_ref[0] + s_ref[1] + g_ref[...]) + b_ref[...], 0.0)
    out_ref[...] = jnp.dot(
        h, w_ref[...], preferred_element_type=jnp.float32) * dinv


def _lstm_body(s_ref, g_ref, dinv_ref, b_ref, wih_ref, bih_ref, bhh_ref,
               whh_ref, wf_ref, bf_ref, out_ref, xg_scr):
    h2 = jnp.maximum(
        dinv_ref[...] * (s_ref[0] + s_ref[1] + g_ref[...]) + b_ref[...],
        0.0)
    xg_scr[...] = (jnp.dot(h2, wih_ref[...], preferred_element_type=jnp.float32)
                   + bih_ref[...] + bhh_ref[...])
    whh = whh_ref[...]

    def cell(t, hp, cp):
        xt = xg_scr[pl.ds(t * B, B), :]
        gates = xt + jnp.dot(hp, whh, preferred_element_type=jnp.float32)
        i = jax.nn.sigmoid(gates[:, :H])
        f = jax.nn.sigmoid(gates[:, H:2 * H])
        g = jnp.tanh(gates[:, 2 * H:3 * H])
        o = jax.nn.sigmoid(gates[:, 3 * H:])
        c = f * cp + i * g
        hn = o * jnp.tanh(c)
        return hn, c

    def step(k, carry):
        hp, cp = carry
        hp, cp = cell(2 * k, hp, cp)
        hp, cp = cell(2 * k + 1, hp, cp)
        return (hp, cp)

    init = (jnp.zeros((B, H), jnp.float32), jnp.zeros((B, H), jnp.float32))
    hn, _ = lax.fori_loop(0, T // 2, step, init)
    out_ref[...] = jnp.dot(
        hn, wf_ref[...], preferred_element_type=jnp.float32) + bf_ref[...]


def _tc(body, out_shapes):
    return pl.pallas_call(body, out_shape=out_shapes)


@functools.cache
def _sc_kernels():
    mesh = plsc.VectorSubcoreMesh(
        core_axis_name="c", subcore_axis_name="s",
        num_cores=NC, num_subcores=NS)
    params = pltpu.CompilerParams(needs_layout_passes=False)
    deg = pl.kernel(
        _deg_body,
        out_type=(jax.ShapeDtypeStruct((NC, NS, H), jnp.float32),
                  jax.ShapeDtypeStruct((2, NW, NCH, CH), jnp.int32)),
        mesh=mesh,
        compiler_params=params,
        scratch_types=[
            pltpu.VMEM((NCH, CH), jnp.int32),
            pltpu.VMEM((NCH, CH), jnp.int32),
            pltpu.VMEM((NS, H), jnp.float32),
            pltpu.VMEM((1, 16), jnp.int32),
            pltpu.VMEM_SHARED((NS, H), jnp.float32),
        ],
    )
    scatter = pl.kernel(
        _scatter_body,
        out_type=jax.ShapeDtypeStruct((NC, N, H), jnp.float32),
        mesh=mesh,
        compiler_params=params,
        scratch_types=[
            pltpu.VMEM((NCH, CH), jnp.int32),
            pltpu.VMEM((NCH, CH), jnp.int32),
        ] + [pltpu.VMEM((CH, H), jnp.float32)] * NBUF + [
            pltpu.VMEM_SHARED((N, H), jnp.float32),
        ] + [pltpu.SemaphoreType.DMA] * (2 * NBUF),
    )
    return deg, scatter



def kernel(x, distance, edge_index, W0, b0, W1, b1, Wih, Whh, bih, bhh, Wf, bf):
    x2d = x.transpose(1, 0, 2).reshape(N, L)
    dflat = distance.reshape(1, L * L)
    edge_r = edge_index.reshape(2, NW, NCH, CH)
    zero_rows = jnp.zeros((RPT, H), jnp.float32)
    _deg_kernel, _scatter_kernel = _sc_kernels()

    dp, er = _deg_kernel(edge_r)
    dpcol = (dp[0] + dp[1]).reshape(N, 1)

    hw0 = _tc(_hw0_body, jax.ShapeDtypeStruct((N, H), jnp.float32))(
        x2d, dflat, W0)
    g0, dinv = _tc(_scale_body, [
        jax.ShapeDtypeStruct((N, H), jnp.float32),
        jax.ShapeDtypeStruct((N, 1), jnp.float32),
    ])(hw0, dpcol)

    s0 = _scatter_kernel(g0, er, zero_rows)
    g1 = _tc(_layer_body, jax.ShapeDtypeStruct((N, H), jnp.float32))(
        s0, g0, dinv, b0.reshape(1, H), W1)

    s1 = _scatter_kernel(g1, er, zero_rows)
    out = pl.pallas_call(
        _lstm_body,
        out_shape=jax.ShapeDtypeStruct((B, OUT), jnp.float32),
        scratch_shapes=[pltpu.VMEM((N, 4 * H), jnp.float32)],
    )(s1, g1, dinv, b1.reshape(1, H), Wih.T,
      bih.reshape(1, 4 * H), bhh.reshape(1, 4 * H),
      Whh.T, Wf, bf.reshape(1, OUT))
    return out.reshape(B, 12, L)

# --- scband reference (transcript-rebuilt; emitter-appended) ---
"""Pipeline reference for scband-gnnpredictor-with-distance-74217034875600 (READ-ONLY COPY).

The authoritative reference and input builder live on the scoring server;
editing this copy changes nothing except your own understanding.
"""

import jax, jax.numpy as jnp
import numpy as np

B, T, L = 16, 128, 128
H = 128
OUT = 12 * L
N = B * T
E = 65536
IN_SIZE = L + L * L


def setup_inputs(seed: int = 0) -> dict:
    key = jax.random.key(seed)
    ks = jax.random.split(key, 12)
    x = jax.random.normal(ks[0], (B, T, L), dtype=jnp.float32)
    distance = jax.random.uniform(ks[1], (L, L), dtype=jnp.float32)
    edge_index = jax.random.randint(ks[2], (2, E), 0, N, dtype=jnp.int32)
    s0 = 1.0 / np.sqrt(IN_SIZE)
    s1 = 1.0 / np.sqrt(H)
    W0 = jax.random.uniform(ks[3], (IN_SIZE, H), jnp.float32, -s0, s0)
    b0 = jnp.zeros((H,), jnp.float32)
    W1 = jax.random.uniform(ks[4], (H, H), jnp.float32, -s1, s1)
    b1 = jnp.zeros((H,), jnp.float32)
    Wih = jax.random.uniform(ks[5], (4 * H, H), jnp.float32, -s1, s1)
    Whh = jax.random.uniform(ks[6], (4 * H, H), jnp.float32, -s1, s1)
    bih = jax.random.uniform(ks[7], (4 * H,), jnp.float32, -s1, s1)
    bhh = jax.random.uniform(ks[8], (4 * H,), jnp.float32, -s1, s1)
    Wf = jax.random.uniform(ks[9], (H, OUT), jnp.float32, -s1, s1)
    bf = jax.random.uniform(ks[10], (OUT,), jnp.float32, -s1, s1)
    return {"x": x, "distance": distance, "edge_index": edge_index,
            "W0": W0, "b0": b0, "W1": W1, "b1": b1,
            "Wih": Wih, "Whh": Whh, "bih": bih, "bhh": bhh,
            "Wf": Wf, "bf": bf}


def _gcn(h, W, b, src, dst, norm):
    # PyG GCNConv: transform, normalize messages, scatter-add, + bias
    hw = h @ W
    msg = hw[src] * norm[:, None]
    out = jnp.zeros((N, W.shape[1]), dtype=h.dtype).at[dst].add(msg)
    return out + b


def reference(x, distance, edge_index, W0, b0, W1, b1, Wih, Whh, bih, bhh, Wf, bf):
    # x: [B, T, L] -> [B*T, L]; distance repeated per row and concatenated
    xf = x.reshape(N, L)
    dist_exp = jnp.broadcast_to(distance.reshape(1, L * L), (N, L * L))
    h = jnp.concatenate([xf, dist_exp], axis=1)  # [N, IN_SIZE]
    # GCN norm with self-loops (symmetric normalization, PyG gcn_norm)
    loop = jnp.arange(N, dtype=edge_index.dtype)
    src = jnp.concatenate([edge_index[0], loop])
    dst = jnp.concatenate([edge_index[1], loop])
    deg = jnp.zeros((N,), jnp.float32).at[dst].add(1.0)
    dinv = jnp.where(deg > 0, 1.0 / jnp.sqrt(deg), 0.0)
    norm = dinv[src] * dinv[dst]
    h = jax.nn.relu(_gcn(h, W0, b0, src, dst, norm))
    h = jax.nn.relu(_gcn(h, W1, b1, src, dst, norm))
    # (BatchNorm/Dropout modules exist in __init__ but are never applied in forward)
    seq = h.reshape(B, T, H)
    # single-layer LSTM, batch_first, zero init states, PyTorch gate order i,f,g,o
    def step(carry, xt):
        hp, cp = carry
        gates = xt @ Wih.T + bih + hp @ Whh.T + bhh
        i, f, g, o = jnp.split(gates, 4, axis=-1)
        i = jax.nn.sigmoid(i)
        f = jax.nn.sigmoid(f)
        g = jnp.tanh(g)
        o = jax.nn.sigmoid(o)
        c = f * cp + i * g
        hn = o * jnp.tanh(c)
        return (hn, c), hn
    init = (jnp.zeros((B, H), jnp.float32), jnp.zeros((B, H), jnp.float32))
    _, hs = jax.lax.scan(step, init, jnp.swapaxes(seq, 0, 1))
    last = hs[-1]  # out[:, -1, :]
    out = last @ Wf + bf
    return out.reshape(B, 12, L)

if __name__ == "__main__":
    import jax
    _d = setup_inputs()
    print(jax.jit(kernel)(*tuple(_d.values())))

</pallas_src>

<mosaic_0001>
#map = affine_map<(d0, d1) -> (0, 0)>
#map1 = affine_map<(d0, d1) -> (0, 0, 0, 0)>
#map2 = affine_map<(d0, d1) -> (0, 0, 0)>
module attributes {stable_mosaic.version = 14 : i64} {
  func.func @_scatter_body(%arg0: i32, %arg1: i32, %arg2: memref<2048x128xf32, #tpu.memory_space<hbm>>, %arg3: memref<2x32x16x128xi32, #tpu.memory_space<hbm>>, %arg4: memref<128x128xf32, #tpu.memory_space<hbm>>, %arg5: memref<2x2048x128xf32, #tpu.memory_space<hbm>>, %arg6: memref<16x128xi32, #tpu.memory_space<vmem>>, %arg7: memref<16x128xi32, #tpu.memory_space<vmem>>, %arg8: memref<128x128xf32, #tpu.memory_space<vmem>>, %arg9: memref<128x128xf32, #tpu.memory_space<vmem>>, %arg10: memref<128x128xf32, #tpu.memory_space<vmem>>, %arg11: memref<128x128xf32, #tpu.memory_space<vmem>>, %arg12: memref<128x128xf32, #tpu.memory_space<vmem>>, %arg13: memref<128x128xf32, #tpu.memory_space<vmem>>, %arg14: memref<2048x128xf32, #tpu.memory_space<vmem_shared>>, %arg15: memref<!tpu.dma_semaphore, #tpu.memory_space<semaphore_mem>>, %arg16: memref<!tpu.dma_semaphore, #tpu.memory_space<semaphore_mem>>, %arg17: memref<!tpu.dma_semaphore, #tpu.memory_space<semaphore_mem>>, %arg18: memref<!tpu.dma_semaphore, #tpu.memory_space<semaphore_mem>>, %arg19: memref<!tpu.dma_semaphore, #tpu.memory_space<semaphore_mem>>, %arg20: memref<!tpu.dma_semaphore, #tpu.memory_space<semaphore_mem>>, %arg21: memref<!tpu.dma_semaphore, #tpu.memory_space<semaphore_mem>>, %arg22: memref<!tpu.dma_semaphore, #tpu.memory_space<semaphore_mem>>, %arg23: memref<!tpu.dma_semaphore, #tpu.memory_space<semaphore_mem>>, %arg24: memref<!tpu.dma_semaphore, #tpu.memory_space<semaphore_mem>>, %arg25: memref<!tpu.dma_semaphore, #tpu.memory_space<semaphore_mem>>, %arg26: memref<!tpu.dma_semaphore, #tpu.memory_space<semaphore_mem>>) attributes {dimension_semantics = [#tpu.dimension_semantics<core_parallel>, #tpu.dimension_semantics<subcore_parallel>], iteration_bounds = array<i64: 2, 16>, scalar_prefetch = 0 : i64, scratch_operands = 21 : i64, tpu.core_type = #tpu.core_type<sc_vector_subcore>, window_params = [{transform_indices = #map}, {transform_indices = #map1}, {transform_indices = #map}, {transform_indices = #map2}]} {
    %mul3A = arith.constant 2 : i32
    %mul3A_0 = arith.muli %arg1, %mul3A : i32
    %add3A = arith.addi %mul3A_0, %arg0 : i32
    %run_scoped3A = arith.constant 0 : i32
    "tpu.region"() ({
      %run_scoped3A_455 = tpu.sem_alloc : memref<!tpu.dma_semaphore, #tpu.memory_space<semaphore_mem>>
      %dma_start3A_456 = arith.constant 0 : i32
      %dma_start3A_457 = arith.constant 0 : i32
      %dma_start3A_458 = tpu.memref_slice %arg3[%run_scoped3A, %add3A, %dma_start3A_456, %dma_start3A_457] : memref<2x32x16x128xi32, #tpu.memory_space<hbm>> -> memref<1x1x16x128xi32, #tpu.memory_space<hbm>>
      %dma_start3A_459 = tpu.memref_squeeze %dma_start3A_458 : memref<1x1x16x128xi32, #tpu.memory_space<hbm>> -> memref<16x128xi32, #tpu.memory_space<hbm>>
      %dma_start3A_460 = arith.constant 0 : i32
      %dma_start3A_461 = arith.constant 0 : i32
      %dma_start3A_462 = tpu.memref_slice %arg3[%run_scoped3A, %add3A, %dma_start3A_460, %dma_start3A_461] : memref<2x32x16x128xi32, #tpu.memory_space<hbm>> -> memref<1x1x16x128xi32, #tpu.memory_space<hbm>>
      %dma_start3A_463 = tpu.memref_squeeze %dma_start3A_462 : memref<1x1x16x128xi32, #tpu.memory_space<hbm>> -> memref<16x128xi32, #tpu.memory_space<hbm>>
      tpu.enqueue_dma source(%dma_start3A_463 : memref<16x128xi32, #tpu.memory_space<hbm>>) target(%arg6 : memref<16x128xi32, #tpu.memory_space<vmem>>) target_semaphore(%run_scoped3A_455 : memref<!tpu.dma_semaphore, #tpu.memory_space<semaphore_mem>>)
      %dma_wait3A_464 = arith.constant 0 : i32
      %dma_wait3A_465 = arith.constant 0 : i32
      %dma_wait3A_466 = tpu.memref_slice %arg3[%run_scoped3A, %add3A, %dma_wait3A_464, %dma_wait3A_465] : memref<2x32x16x128xi32, #tpu.memory_space<hbm>> -> memref<1x1x16x128xi32, #tpu.memory_space<hbm>>
      %dma_wait3A_467 = tpu.memref_squeeze %dma_wait3A_466 : memref<1x1x16x128xi32, #tpu.memory_space<hbm>> -> memref<16x128xi32, #tpu.memory_space<hbm>>
      %dma_wait3A_468 = arith.constant 0 : i32
      %dma_wait3A_469 = arith.constant 0 : i32
      %dma_wait3A_470 = tpu.memref_slice %arg3[%run_scoped3A, %add3A, %dma_wait3A_468, %dma_wait3A_469] : memref<2x32x16x128xi32, #tpu.memory_space<hbm>> -> memref<1x1x16x128xi32, #tpu.memory_space<hbm>>
      %dma_wait3A_471 = tpu.memref_squeeze %dma_wait3A_470 : memref<1x1x16x128xi32, #tpu.memory_space<hbm>> -> memref<16x128xi32, #tpu.memory_space<hbm>>
      tpu.wait_dma2 semaphore(%run_scoped3A_455 : memref<!tpu.dma_semaphore, #tpu.memory_space<semaphore_mem>>) src(%dma_wait3A_471 : memref<16x128xi32, #tpu.memory_space<hbm>>) dst(%arg6 : memref<16x128xi32, #tpu.memory_space<vmem>>)
      tpu.yield
    }) : () -> ()
    %run_scoped3A_1 = arith.constant 1 : i32
    "tpu.region"() ({
      %run_scoped3A_455 = tpu.sem_alloc : memref<!tpu.dma_semaphore, #tpu.memory_space<semaphore_mem>>
      %dma_start3A_456 = arith.constant 0 : i32
      %dma_start3A_457 = arith.constant 0 : i32
      %dma_start3A_458 = tpu.memref_slice %arg3[%run_scoped3A_1, %add3A, %dma_start3A_456, %dma_start3A_457] : memref<2x32x16x128xi32, #tpu.memory_space<hbm>> -> memref<1x1x16x128xi32, #tpu.memory_space<hbm>>
      %dma_start3A_459 = tpu.memref_squeeze %dma_start3A_458 : memref<1x1x16x128xi32, #tpu.memory_space<hbm>> -> memref<16x128xi32, #tpu.memory_space<hbm>>
      %dma_start3A_460 = arith.constant 0 : i32
      %dma_start3A_461 = arith.constant 0 : i32
      %dma_start3A_462 = tpu.memref_slice %arg3[%run_scoped3A_1, %add3A, %dma_start3A_460, %dma_start3A_461] : memref<2x32x16x128xi32, #tpu.memory_space<hbm>> -> memref<1x1x16x128xi32, #tpu.memory_space<hbm>>
      %dma_start3A_463 = tpu.memref_squeeze %dma_start3A_462 : memref<1x1x16x128xi32, #tpu.memory_space<hbm>> -> memref<16x128xi32, #tpu.memory_space<hbm>>
      tpu.enqueue_dma source(%dma_start3A_463 : memref<16x128xi32, #tpu.memory_space<hbm>>) target(%arg7 : memref<16x128xi32, #tpu.memory_space<vmem>>) target_semaphore(%run_scoped3A_455 : memref<!tpu.dma_semaphore, #tpu.memory_space<semaphore_mem>>)
      %dma_wait3A_464 = arith.constant 0 : i32
      %dma_wait3A_465 = arith.constant 0 : i32
      %dma_wait3A_466 = tpu.memref_slice %arg3[%run_scoped3A_1, %add3A, %dma_wait3A_464, %dma_wait3A_465] : memref<2x32x16x128xi32, #tpu.memory_space<hbm>> -> memref<1x1x16x128xi32, #tpu.memory_space<hbm>>
      %dma_wait3A_467 = tpu.memref_squeeze %dma_wait3A_466 : memref<1x1x16x128xi32, #tpu.memory_space<hbm>> -> memref<16x128xi32, #tpu.memory_space<hbm>>
      %dma_wait3A_468 = arith.constant 0 : i32
      %dma_wait3A_469 = arith.constant 0 : i32
      %dma_wait3A_470 = tpu.memref_slice %arg3[%run_scoped3A_1, %add3A, %dma_wait3A_468, %dma_wait3A_469] : memref<2x32x16x128xi32, #tpu.memory_space<hbm>> -> memref<1x1x16x128xi32, #tpu.memory_space<hbm>>
      %dma_wait3A_471 = tpu.memref_squeeze %dma_wait3A_470 : memref<1x1x16x128xi32, #tpu.memory_space<hbm>> -> memref<16x128xi32, #tpu.memory_space<hbm>>
      tpu.wait_dma2 semaphore(%run_scoped3A_455 : memref<!tpu.dma_semaphore, #tpu.memory_space<semaphore_mem>>) src(%dma_wait3A_471 : memref<16x128xi32, #tpu.memory_space<hbm>>) dst(%arg7 : memref<16x128xi32, #tpu.memory_space<vmem>>)
      tpu.yield
    }) : () -> ()
    %dma_start3A = arith.constant 0 : i32
    %dma_start3A_2 = arith.constant 0 : i32
    %dma_start3A_3 = tpu.memref_slice %arg6[%dma_start3A, %dma_start3A_2] : memref<16x128xi32, #tpu.memory_space<vmem>> -> memref<1x128xi32, #tpu.memory_space<vmem>>
    %dma_start3A_4 = tpu.memref_squeeze %dma_start3A_3 : memref<1x128xi32, #tpu.memory_space<vmem>> -> memref<128xi32, #tpu.memory_space<vmem>>
    %dma_start3A_5 = arith.constant 0 : i32
    %dma_start3A_6 = arith.constant 0 : i32
    %dma_start3A_7 = tpu.memref_slice %arg2[%dma_start3A_5, %dma_start3A_6] : memref<2048x128xf32, #tpu.memory_space<hbm>> -> memref<2048x128xf32, #tpu.memory_space<hbm>>
    tpu.enqueue_indirect_dma source(%dma_start3A_7 : memref<2048x128xf32, #tpu.memory_space<hbm>>) target(%arg8 : memref<128x128xf32, #tpu.memory_space<vmem>>) offsets(%dma_start3A_4 : memref<128xi32, #tpu.memory_space<vmem>>) semaphore(%arg15 : memref<!tpu.dma_semaphore, #tpu.memory_space<semaphore_mem>>)
    %dma_start3A_8 = arith.constant 1 : i32
    %dma_start3A_9 = arith.constant 0 : i32
    %dma_start3A_10 = tpu.memref_slice %arg6[%dma_start3A_8, %dma_start3A_9] : memref<16x128xi32, #tpu.memory_space<vmem>> -> memref<1x128xi32, #tpu.memory_space<vmem>>
    %dma_start3A_11 = tpu.memref_squeeze %dma_start3A_10 : memref<1x128xi32, #tpu.memory_space<vmem>> -> memref<128xi32, #tpu.memory_space<vmem>>
    %dma_start3A_12 = arith.constant 0 : i32
    %dma_start3A_13 = arith.constant 0 : i32
    %dma_start3A_14 = tpu.memref_slice %arg2[%dma_start3A_12, %dma_start3A_13] : memref<2048x128xf32, #tpu.memory_space<hbm>> -> memref<2048x128xf32, #tpu.memory_space<hbm>>
    tpu.enqueue_indirect_dma source(%dma_start3A_14 : memref<2048x128xf32, #tpu.memory_space<hbm>>) target(%arg9 : memref<128x128xf32, #tpu.memory_space<vmem>>) offsets(%dma_start3A_11 : memref<128xi32, #tpu.memory_space<vmem>>) semaphore(%arg16 : memref<!tpu.dma_semaphore, #tpu.memory_space<semaphore_mem>>)
    %mul3A_15 = arith.constant 128 : i32
    %mul3A_16 = arith.muli %arg1, %mul3A_15 : i32
    "tpu.region"() ({
      %run_scoped3A_455 = tpu.sem_alloc : memref<!tpu.dma_semaphore, #tpu.memory_space<semaphore_mem>>
      %dma_start3A_456 = arith.constant 0 : i32
      %dma_start3A_457 = tpu.memref_slice %arg14[%mul3A_16, %dma_start3A_456] : memref<2048x128xf32, #tpu.memory_space<vmem_shared>> -> memref<128x128xf32, #tpu.memory_space<vmem_shared>>
      tpu.enqueue_dma source(%arg4 : memref<128x128xf32, #tpu.memory_space<hbm>>) target(%dma_start3A_457 : memref<128x128xf32, #tpu.memory_space<vmem_shared>>) target_semaphore(%run_scoped3A_455 : memref<!tpu.dma_semaphore, #tpu.memory_space<semaphore_mem>>)
      %dma_wait3A_458 = arith.constant 0 : i32
      %dma_wait3A_459 = tpu.memref_slice %arg14[%mul3A_16, %dma_wait3A_458] : memref<2048x128xf32, #tpu.memory_space<vmem_shared>> -> memref<128x128xf32, #tpu.memory_space<vmem_shared>>
      tpu.wait_dma2 semaphore(%run_scoped3A_455 : memref<!tpu.dma_semaphore, #tpu.memory_space<semaphore_mem>>) src(%arg4 : memref<128x128xf32, #tpu.memory_space<hbm>>) dst(%dma_wait3A_459 : memref<128x128xf32, #tpu.memory_space<vmem_shared>>)
      tpu.yield
    }) : () -> ()
    %barrier3A = arith.constant 0 : index
    tpu.barrier barrier_id(%barrier3A)
    %dma_wait3A = arith.constant 0 : i32
    %dma_wait3A_17 = arith.constant 0 : i32
    %dma_wait3A_18 = tpu.memref_slice %arg6[%dma_wait3A, %dma_wait3A_17] : memref<16x128xi32, #tpu.memory_space<vmem>> -> memref<1x128xi32, #tpu.memory_space<vmem>>
    %dma_wait3A_19 = tpu.memref_squeeze %dma_wait3A_18 : memref<1x128xi32, #tpu.memory_space<vmem>> -> memref<128xi32, #tpu.memory_space<vmem>>
    %dma_wait3A_20 = arith.constant 0 : i32
    %dma_wait3A_21 = arith.constant 0 : i32
    %dma_wait3A_22 = tpu.memref_slice %arg2[%dma_wait3A_20, %dma_wait3A_21] : memref<2048x128xf32, #tpu.memory_space<hbm>> -> memref<2048x128xf32, #tpu.memory_space<hbm>>
    tpu.wait_indirect_dma semaphore(%arg15 : memref<!tpu.dma_semaphore, #tpu.memory_space<semaphore_mem>>) src(%dma_wait3A_22 : memref<2048x128xf32, #tpu.memory_space<hbm>>) dst(%arg8 : memref<128x128xf32, #tpu.memory_space<vmem>>)
    %dma_start3A_23 = arith.constant 0 : i32
    %dma_start3A_24 = arith.constant 0 : i32
    %dma_start3A_25 = tpu.memref_slice %arg7[%dma_start3A_23, %dma_start3A_24] : memref<16x128xi32, #tpu.memory_space<vmem>> -> memref<1x128xi32, #tpu.memory_space<vmem>>
    %dma_start3A_26 = tpu.memref_squeeze %dma_start3A_25 : memref<1x128xi32, #tpu.memory_space<vmem>> -> memref<128xi32, #tpu.memory_space<vmem>>
    %dma_start3A_27 = arith.constant 0 : i32
    %dma_start3A_28 = arith.constant 0 : i32
    %dma_start3A_29 = tpu.memref_slice %arg14[%dma_start3A_27, %dma_start3A_28] : memref<2048x128xf32, #tpu.memory_space<vmem_shared>> -> memref<2048x128xf32, #tpu.memory_space<vmem_shared>>
    tpu.enqueue_indirect_dma source(%arg8 : memref<128x128xf32, #tpu.memory_space<vmem>>) target(%dma_start3A_29 : memref<2048x128xf32, #tpu.memory_space<vmem_shared>>) offsets(%dma_start3A_26 : memref<128xi32, #tpu.memory_space<vmem>>) semaphore(%arg21 : memref<!tpu.dma_semaphore, #tpu.memory_space<semaphore_mem>>) {add = true}
    %dma_start3A_30 = arith.constant 2 : i32
    %dma_start3A_31 = arith.constant 0 : i32
    %dma_start3A_32 = tpu.memref_slice %arg6[%dma_start3A_30, %dma_start3A_31] : memref<16x128xi32, #tpu.memory_space<vmem>> -> memref<1x128xi32, #tpu.memory_space<vmem>>
    %dma_start3A_33 = tpu.memref_squeeze %dma_start3A_32 : memref<1x128xi32, #tpu.memory_space<vmem>> -> memref<128xi32, #tpu.memory_space<vmem>>
    %dma_start3A_34 = arith.constant 0 : i32
    %dma_start3A_35 = arith.constant 0 : i32
    %dma_start3A_36 = tpu.memref_slice %arg2[%dma_start3A_34, %dma_start3A_35] : memref<2048x128xf32, #tpu.memory_space<hbm>> -> memref<2048x128xf32, #tpu.memory_space<hbm>>
    tpu.enqueue_indirect_dma source(%dma_start3A_36 : memref<2048x128xf32, #tpu.memory_space<hbm>>) target(%arg10 : memref<128x128xf32, #tpu.memory_space<vmem>>) offsets(%dma_start3A_33 : memref<128xi32, #tpu.memory_space<vmem>>) semaphore(%arg17 : memref<!tpu.dma_semaphore, #tpu.memory_space<semaphore_mem>>)
    %dma_wait3A_37 = arith.constant 1 : i32
    %dma_wait3A_38 = arith.constant 0 : i32
    %dma_wait3A_39 = tpu.memref_slice %arg6[%dma_wait3A_37, %dma_wait3A_38] : memref<16x128xi32, #tpu.memory_space<vmem>> -> memref<1x128xi32, #tpu.memory_space<vmem>>
    %dma_wait3A_40 = tpu.memref_squeeze %dma_wait3A_39 : memref<1x128xi32, #tpu.memory_space<vmem>> -> memref<128xi32, #tpu.memory_space<vmem>>
    %dma_wait3A_41 = arith.constant 0 : i32
    %dma_wait3A_42 = arith.constant 0 : i32
    %dma_wait3A_43 = tpu.memref_slice %arg2[%dma_wait3A_41, %dma_wait3A_42] : memref<2048x128xf32, #tpu.memory_space<hbm>> -> memref<2048x128xf32, #tpu.memory_space<hbm>>
    tpu.wait_indirect_dma semaphore(%arg16 : memref<!tpu.dma_semaphore, #tpu.memory_space<semaphore_mem>>) src(%dma_wait3A_43 : memref<2048x128xf32, #tpu.memory_space<hbm>>) dst(%arg9 : memref<128x128xf32, #tpu.memory_space<vmem>>)
    %dma_start3A_44 = arith.constant 1 : i32
    %dma_start3A_45 = arith.constant 0 : i32
    %dma_start3A_46 = tpu.memref_slice %arg7[%dma_start3A_44, %dma_start3A_45] : memref<16x128xi32, #tpu.memory_space<vmem>> -> memref<1x128xi32, #tpu.memory_space<vmem>>
    %dma_start3A_47 = tpu.memref_squeeze %dma_start3A_46 : memref<1x128xi32, #tpu.memory_space<vmem>> -> memref<128xi32, #tpu.memory_space<vmem>>
    %dma_start3A_48 = arith.constant 0 : i32
    %dma_start3A_49 = arith.constant 0 : i32
    %dma_start3A_50 = tpu.memref_slice %arg14[%dma_start3A_48, %dma_start3A_49] : memref<2048x128xf32, #tpu.memory_space<vmem_shared>> -> memref<2048x128xf32, #tpu.memory_space<vmem_shared>>
    tpu.enqueue_indirect_dma source(%arg9 : memref<128x128xf32, #tpu.memory_space<vmem>>) target(%dma_start3A_50 : memref<2048x128xf32, #tpu.memory_space<vmem_shared>>) offsets(%dma_start3A_47 : memref<128xi32, #tpu.memory_space<vmem>>) semaphore(%arg22 : memref<!tpu.dma_semaphore, #tpu.memory_space<semaphore_mem>>) {add = true}
    %dma_start3A_51 = arith.constant 3 : i32
    %dma_start3A_52 = arith.constant 0 : i32
    %dma_start3A_53 = tpu.memref_slice %arg6[%dma_start3A_51, %dma_start3A_52] : memref<16x128xi32, #tpu.memory_space<vmem>> -> memref<1x128xi32, #tpu.memory_space<vmem>>
    %dma_start3A_54 = tpu.memref_squeeze %dma_start3A_53 : memref<1x128xi32, #tpu.memory_space<vmem>> -> memref<128xi32, #tpu.memory_space<vmem>>
    %dma_start3A_55 = arith.constant 0 : i32
    %dma_start3A_56 = arith.constant 0 : i32
    %dma_start3A_57 = tpu.memref_slice %arg2[%dma_start3A_55, %dma_start3A_56] : memref<2048x128xf32, #tpu.memory_space<hbm>> -> memref<2048x128xf32, #tpu.memory_space<hbm>>
    tpu.enqueue_indirect_dma source(%dma_start3A_57 : memref<2048x128xf32, #tpu.memory_space<hbm>>) target(%arg11 : memref<128x128xf32, #tpu.memory_space<vmem>>) offsets(%dma_start3A_54 : memref<128xi32, #tpu.memory_space<vmem>>) semaphore(%arg18 : memref<!tpu.dma_semaphore, #tpu.memory_space<semaphore_mem>>)
    %dma_wait3A_58 = arith.constant 2 : i32
    %dma_wait3A_59 = arith.constant 0 : i32
    %dma_wait3A_60 = tpu.memref_slice %arg6[%dma_wait3A_58, %dma_wait3A_59] : memref<16x128xi32, #tpu.memory_space<vmem>> -> memref<1x128xi32, #tpu.memory_space<vmem>>
    %dma_wait3A_61 = tpu.memref_squeeze %dma_wait3A_60 : memref<1x128xi32, #tpu.memory_space<vmem>> -> memref<128xi32, #tpu.memory_space<vmem>>
    %dma_wait3A_62 = arith.constant 0 : i32
    %dma_wait3A_63 = arith.constant 0 : i32
    %dma_wait3A_64 = tpu.memref_slice %arg2[%dma_wait3A_62, %dma_wait3A_63] : memref<2048x128xf32, #tpu.memory_space<hbm>> -> memref<2048x128xf32, #tpu.memory_space<hbm>>
    tpu.wait_indirect_dma semaphore(%arg17 : memref<!tpu.dma_semaphore, #tpu.memory_space<semaphore_mem>>) src(%dma_wait3A_64 : memref<2048x128xf32, #tpu.memory_space<hbm>>) dst(%arg10 : memref<128x128xf32, #tpu.memory_space<vmem>>)
    %dma_start3A_65 = arith.constant 2 : i32
    %dma_start3A_66 = arith.constant 0 : i32
    %dma_start3A_67 = tpu.memref_slice %arg7[%dma_start3A_65, %dma_start3A_66] : memref<16x128xi32, #tpu.memory_space<vmem>> -> memref<1x128xi32, #tpu.memory_space<vmem>>
    %dma_start3A_68 = tpu.memref_squeeze %dma_start3A_67 : memref<1x128xi32, #tpu.memory_space<vmem>> -> memref<128xi32, #tpu.memory_space<vmem>>
    %dma_start3A_69 = arith.constant 0 : i32
    %dma_start3A_70 = arith.constant 0 : i32
    %dma_start3A_71 = tpu.memref_slice %arg14[%dma_start3A_69, %dma_start3A_70] : memref<2048x128xf32, #tpu.memory_space<vmem_shared>> -> memref<2048x128xf32, #tpu.memory_space<vmem_shared>>
    tpu.enqueue_indirect_dma source(%arg10 : memref<128x128xf32, #tpu.memory_space<vmem>>) target(%dma_start3A_71 : memref<2048x128xf32, #tpu.memory_space<vmem_shared>>) offsets(%dma_start3A_68 : memref<128xi32, #tpu.memory_space<vmem>>) semaphore(%arg23 : memref<!tpu.dma_semaphore, #tpu.memory_space<semaphore_mem>>) {add = true}
    %dma_start3A_72 = arith.constant 4 : i32
    %dma_start3A_73 = arith.constant 0 : i32
    %dma_start3A_74 = tpu.memref_slice %arg6[%dma_start3A_72, %dma_start3A_73] : memref<16x128xi32, #tpu.memory_space<vmem>> -> memref<1x128xi32, #tpu.memory_space<vmem>>
    %dma_start3A_75 = tpu.memref_squeeze %dma_start3A_74 : memref<1x128xi32, #tpu.memory_space<vmem>> -> memref<128xi32, #tpu.memory_space<vmem>>
    %dma_start3A_76 = arith.constant 0 : i32
    %dma_start3A_77 = arith.constant 0 : i32
    %dma_start3A_78 = tpu.memref_slice %arg2[%dma_start3A_76, %dma_start3A_77] : memref<2048x128xf32, #tpu.memory_space<hbm>> -> memref<2048x128xf32, #tpu.memory_space<hbm>>
    tpu.enqueue_indirect_dma source(%dma_start3A_78 : memref<2048x128xf32, #tpu.memory_space<hbm>>) target(%arg12 : memref<128x128xf32, #tpu.memory_space<vmem>>) offsets(%dma_start3A_75 : memref<128xi32, #tpu.memory_space<vmem>>) semaphore(%arg19 : memref<!tpu.dma_semaphore, #tpu.memory_space<semaphore_mem>>)
    %dma_wait3A_79 = arith.constant 3 : i32
    %dma_wait3A_80 = arith.constant 0 : i32
    %dma_wait3A_81 = tpu.memref_slice %arg6[%dma_wait3A_79, %dma_wait3A_80] : memref<16x128xi32, #tpu.memory_space<vmem>> -> memref<1x128xi32, #tpu.memory_space<vmem>>
    %dma_wait3A_82 = tpu.memref_squeeze %dma_wait3A_81 : memref<1x128xi32, #tpu.memory_space<vmem>> -> memref<128xi32, #tpu.memory_space<vmem>>
    %dma_wait3A_83 = arith.constant 0 : i32
    %dma_wait3A_84 = arith.constant 0 : i32
    %dma_wait3A_85 = tpu.memref_slice %arg2[%dma_wait3A_83, %dma_wait3A_84] : memref<2048x128xf32, #tpu.memory_space<hbm>> -> memref<2048x128xf32, #tpu.memory_space<hbm>>
    tpu.wait_indirect_dma semaphore(%arg18 : memref<!tpu.dma_semaphore, #tpu.memory_space<semaphore_mem>>) src(%dma_wait3A_85 : memref<2048x128xf32, #tpu.memory_space<hbm>>) dst(%arg11 : memref<128x128xf32, #tpu.memory_space<vmem>>)
    %dma_start3A_86 = arith.constant 3 : i32
    %dma_start3A_87 = arith.constant 0 : i32
    %dma_start3A_88 = tpu.memref_slice %arg7[%dma_start3A_86, %dma_start3A_87] : memref<16x128xi32, #tpu.memory_space<vmem>> -> memref<1x128xi32, #tpu.memory_space<vmem>>
    %dma_start3A_89 = tpu.memref_squeeze %dma_start3A_88 : memref<1x128xi32, #tpu.memory_space<vmem>> -> memref<128xi32, #tpu.memory_space<vmem>>
    %dma_start3A_90 = arith.constant 0 : i32
    %dma_start3A_91 = arith.constant 0 : i32
    %dma_start3A_92 = tpu.memref_slice %arg14[%dma_start3A_90, %dma_start3A_91] : memref<2048x128xf32, #tpu.memory_space<vmem_shared>> -> memref<2048x128xf32, #tpu.memory_space<vmem_shared>>
    tpu.enqueue_indirect_dma source(%arg11 : memref<128x128xf32, #tpu.memory_space<vmem>>) target(%dma_start3A_92 : memref<2048x128xf32, #tpu.memory_space<vmem_shared>>) offsets(%dma_start3A_89 : memref<128xi32, #tpu.memory_space<vmem>>) semaphore(%arg24 : memref<!tpu.dma_semaphore, #tpu.memory_space<semaphore_mem>>) {add = true}
    %dma_start3A_93 = arith.constant 5 : i32
    %dma_start3A_94 = arith.constant 0 : i32
    %dma_start3A_95 = tpu.memref_slice %arg6[%dma_start3A_93, %dma_start3A_94] : memref<16x128xi32, #tpu.memory_space<vmem>> -> memref<1x128xi32, #tpu.memory_space<vmem>>
    %dma_start3A_96 = tpu.memref_squeeze %dma_start3A_95 : memref<1x128xi32, #tpu.memory_space<vmem>> -> memref<128xi32, #tpu.memory_space<vmem>>
    %dma_start3A_97 = arith.constant 0 : i32
    %dma_start3A_98 = arith.constant 0 : i32
    %dma_start3A_99 = tpu.memref_slice %arg2[%dma_start3A_97, %dma_start3A_98] : memref<2048x128xf32, #tpu.memory_space<hbm>> -> memref<2048x128xf32, #tpu.memory_space<hbm>>
    tpu.enqueue_indirect_dma source(%dma_start3A_99 : memref<2048x128xf32, #tpu.memory_space<hbm>>) target(%arg13 : memref<128x128xf32, #tpu.memory_space<vmem>>) offsets(%dma_start3A_96 : memref<128xi32, #tpu.memory_space<vmem>>) semaphore(%arg20 : memref<!tpu.dma_semaphore, #tpu.memory_space<semaphore_mem>>)
    %dma_wait3A_100 = arith.constant 4 : i32
    %dma_wait3A_101 = arith.constant 0 : i32
    %dma_wait3A_102 = tpu.memref_slice %arg6[%dma_wait3A_100, %dma_wait3A_101] : memref<16x128xi32, #tpu.memory_space<vmem>> -> memref<1x128xi32, #tpu.memory_space<vmem>>
    %dma_wait3A_103 = tpu.memref_squeeze %dma_wait3A_102 : memref<1x128xi32, #tpu.memory_space<vmem>> -> memref<128xi32, #tpu.memory_space<vmem>>
    %dma_wait3A_104 = arith.constant 0 : i32
    %dma_wait3A_105 = arith.constant 0 : i32
    %dma_wait3A_106 = tpu.memref_slice %arg2[%dma_wait3A_104, %dma_wait3A_105] : memref<2048x128xf32, #tpu.memory_space<hbm>> -> memref<2048x128xf32, #tpu.memory_space<hbm>>
    tpu.wait_indirect_dma semaphore(%arg19 : memref<!tpu.dma_semaphore, #tpu.memory_space<semaphore_mem>>) src(%dma_wait3A_106 : memref<2048x128xf32, #tpu.memory_space<hbm>>) dst(%arg12 : memref<128x128xf32, #tpu.memory_space<vmem>>)
    %dma_start3A_107 = arith.constant 4 : i32
    %dma_start3A_108 = arith.constant 0 : i32
    %dma_start3A_109 = tpu.memref_slice %arg7[%dma_start3A_107, %dma_start3A_108] : memref<16x128xi32, #tpu.memory_space<vmem>> -> memref<1x128xi32, #tpu.memory_space<vmem>>
    %dma_start3A_110 = tpu.memref_squeeze %dma_start3A_109 : memref<1x128xi32, #tpu.memory_space<vmem>> -> memref<128xi32, #tpu.memory_space<vmem>>
    %dma_start3A_111 = arith.constant 0 : i32
    %dma_start3A_112 = arith.constant 0 : i32
    %dma_start3A_113 = tpu.memref_slice %arg14[%dma_start3A_111, %dma_start3A_112] : memref<2048x128xf32, #tpu.memory_space<vmem_shared>> -> memref<2048x128xf32, #tpu.memory_space<vmem_shared>>
    tpu.enqueue_indirect_dma source(%arg12 : memref<128x128xf32, #tpu.memory_space<vmem>>) target(%dma_start3A_113 : memref<2048x128xf32, #tpu.memory_space<vmem_shared>>) offsets(%dma_start3A_110 : memref<128xi32, #tpu.memory_space<vmem>>) semaphore(%arg25 : memref<!tpu.dma_semaphore, #tpu.memory_space<semaphore_mem>>) {add = true}
    %dma_wait3A_114 = arith.constant 0 : i32
    %dma_wait3A_115 = arith.constant 0 : i32
    %dma_wait3A_116 = tpu.memref_slice %arg7[%dma_wait3A_114, %dma_wait3A_115] : memref<16x128xi32, #tpu.memory_space<vmem>> -> memref<1x128xi32, #tpu.memory_space<vmem>>
    %dma_wait3A_117 = tpu.memref_squeeze %dma_wait3A_116 : memref<1x128xi32, #tpu.memory_space<vmem>> -> memref<128xi32, #tpu.memory_space<vmem>>
    %dma_wait3A_118 = arith.constant 0 : i32
    %dma_wait3A_119 = arith.constant 0 : i32
    %dma_wait3A_120 = tpu.memref_slice %arg14[%dma_wait3A_118, %dma_wait3A_119] : memref<2048x128xf32, #tpu.memory_space<vmem_shared>> -> memref<2048x128xf32, #tpu.memory_space<vmem_shared>>
    tpu.wait_indirect_dma semaphore(%arg21 : memref<!tpu.dma_semaphore, #tpu.memory_space<semaphore_mem>>) src(%arg8 : memref<128x128xf32, #tpu.memory_space<vmem>>) dst(%dma_wait3A_120 : memref<2048x128xf32, #tpu.memory_space<vmem_shared>>)
    %dma_start3A_121 = arith.constant 6 : i32
    %dma_start3A_122 = arith.constant 0 : i32
    %dma_start3A_123 = tpu.memref_slice %arg6[%dma_start3A_121, %dma_start3A_122] : memref<16x128xi32, #tpu.memory_space<vmem>> -> memref<1x128xi32, #tpu.memory_space<vmem>>
    %dma_start3A_124 = tpu.memref_squeeze %dma_start3A_123 : memref<1x128xi32, #tpu.memory_space<vmem>> -> memref<128xi32, #tpu.memory_space<vmem>>
    %dma_start3A_125 = arith.constant 0 : i32
    %dma_start3A_126 = arith.constant 0 : i32
    %dma_start3A_127 = tpu.memref_slice %arg2[%dma_start3A_125, %dma_start3A_126] : memref<2048x128xf32, #tpu.memory_space<hbm>> -> memref<2048x128xf32, #tpu.memory_space<hbm>>
    tpu.enqueue_indirect_dma source(%dma_start3A_127 : memref<2048x128xf32, #tpu.memory_space<hbm>>) target(%arg8 : memref<128x128xf32, #tpu.memory_space<vmem>>) offsets(%dma_start3A_124 : memref<128xi32, #tpu.memory_space<vmem>>) semaphore(%arg15 : memref<!tpu.dma_semaphore, #tpu.memory_space<semaphore_mem>>)
    %dma_wait3A_128 = arith.constant 5 : i32
    %dma_wait3A_129 = arith.constant 0 : i32
    %dma_wait3A_130 = tpu.memref_slice %arg6[%dma_wait3A_128, %dma_wait3A_129] : memref<16x128xi32, #tpu.memory_space<vmem>> -> memref<1x128xi32, #tpu.memory_space<vmem>>
    %dma_wait3A_131 = tpu.memref_squeeze %dma_wait3A_130 : memref<1x128xi32, #tpu.memory_space<vmem>> -> memref<128xi32, #tpu.memory_space<vmem>>
    %dma_wait3A_132 = arith.constant 0 : i32
    %dma_wait3A_133 = arith.constant 0 : i32
    %dma_wait3A_134 = tpu.memref_slice %arg2[%dma_wait3A_132, %dma_wait3A_133] : memref<2048x128xf32, #tpu.memory_space<hbm>> -> memref<2048x128xf32, #tpu.memory_space<hbm>>
    tpu.wait_indirect_dma semaphore(%arg20 : memref<!tpu.dma_semaphore, #tpu.memory_space<semaphore_mem>>) src(%dma_wait3A_134 : memref<2048x128xf32, #tpu.memory_space<hbm>>) dst(%arg13 : memref<128x128xf32, #tpu.memory_space<vmem>>)
    %dma_start3A_135 = arith.constant 5 : i32
    %dma_start3A_136 = arith.constant 0 : i32
    %dma_start3A_137 = tpu.memref_slice %arg7[%dma_start3A_135, %dma_start3A_136] : memref<16x128xi32, #tpu.memory_space<vmem>> -> memref<1x128xi32, #tpu.memory_space<vmem>>
    %dma_start3A_138 = tpu.memref_squeeze %dma_start3A_137 : memref<1x128xi32, #tpu.memory_space<vmem>> -> memref<128xi32, #tpu.memory_space<vmem>>
    %dma_start3A_139 = arith.constant 0 : i32
    %dma_start3A_140 = arith.constant 0 : i32
    %dma_start3A_141 = tpu.memref_slice %arg14[%dma_start3A_139, %dma_start3A_140] : memref<2048x128xf32, #tpu.memory_space<vmem_shared>> -> memref<2048x128xf32, #tpu.memory_space<vmem_shared>>
    tpu.enqueue_indirect_dma source(%arg13 : memref<128x128xf32, #tpu.memory_space<vmem>>) target(%dma_start3A_141 : memref<2048x128xf32, #tpu.memory_space<vmem_shared>>) offsets(%dma_start3A_138 : memref<128xi32, #tpu.memory_space<vmem>>) semaphore(%arg26 : memref<!tpu.dma_semaphore, #tpu.memory_space<semaphore_mem>>) {add = true}
    %dma_wait3A_142 = arith.constant 1 : i32
    %dma_wait3A_143 = arith.constant 0 : i32
    %dma_wait3A_144 = tpu.memref_slice %arg7[%dma_wait3A_142, %dma_wait3A_143] : memref<16x128xi32, #tpu.memory_space<vmem>> -> memref<1x128xi32, #tpu.memory_space<vmem>>
    %dma_wait3A_145 = tpu.memref_squeeze %dma_wait3A_144 : memref<1x128xi32, #tpu.memory_space<vmem>> -> memref<128xi32, #tpu.memory_space<vmem>>
    %dma_wait3A_146 = arith.constant 0 : i32
    %dma_wait3A_147 = arith.constant 0 : i32
    %dma_wait3A_148 = tpu.memref_slice %arg14[%dma_wait3A_146, %dma_wait3A_147] : memref<2048x128xf32, #tpu.memory_space<vmem_shared>> -> memref<2048x128xf32, #tpu.memory_space<vmem_shared>>
    tpu.wait_indirect_dma semaphore(%arg22 : memref<!tpu.dma_semaphore, #tpu.memory_space<semaphore_mem>>) src(%arg9 : memref<128x128xf32, #tpu.memory_space<vmem>>) dst(%dma_wait3A_148 : memref<2048x128xf32, #tpu.memory_space<vmem_shared>>)
    %dma_start3A_149 = arith.constant 7 : i32
    %dma_start3A_150 = arith.constant 0 : i32
    %dma_start3A_151 = tpu.memref_slice %arg6[%dma_start3A_149, %dma_start3A_150] : memref<16x128xi32, #tpu.memory_space<vmem>> -> memref<1x128xi32, #tpu.memory_space<vmem>>
    %dma_start3A_152 = tpu.memref_squeeze %dma_start3A_151 : memref<1x128xi32, #tpu.memory_space<vmem>> -> memref<128xi32, #tpu.memory_space<vmem>>
    %dma_start3A_153 = arith.constant 0 : i32
    %dma_start3A_154 = arith.constant 0 : i32
    %dma_start3A_155 = tpu.memref_slice %arg2[%dma_start3A_153, %dma_start3A_154] : memref<2048x128xf32, #tpu.memory_space<hbm>> -> memref<2048x128xf32, #tpu.memory_space<hbm>>
    tpu.enqueue_indirect_dma source(%dma_start3A_155 : memref<2048x128xf32, #tpu.memory_space<hbm>>) target(%arg9 : memref<128x128xf32, #tpu.memory_space<vmem>>) offsets(%dma_start3A_152 : memref<128xi32, #tpu.memory_space<vmem>>) semaphore(%arg16 : memref<!tpu.dma_semaphore, #tpu.memory_space<semaphore_mem>>)
    %dma_wait3A_156 = arith.constant 6 : i32
    %dma_wait3A_157 = arith.constant 0 : i32
    %dma_wait3A_158 = tpu.memref_slice %arg6[%dma_wait3A_156, %dma_wait3A_157] : memref<16x128xi32, #tpu.memory_space<vmem>> -> memref<1x128xi32, #tpu.memory_space<vmem>>
    %dma_wait3A_159 = tpu.memref_squeeze %dma_wait3A_158 : memref<1x128xi32, #tpu.memory_space<vmem>> -> memref<128xi32, #tpu.memory_space<vmem>>
    %dma_wait3A_160 = arith.constant 0 : i32
    %dma_wait3A_161 = arith.constant 0 : i32
    %dma_wait3A_162 = tpu.memref_slice %arg2[%dma_wait3A_160, %dma_wait3A_161] : memref<2048x128xf32, #tpu.memory_space<hbm>> -> memref<2048x128xf32, #tpu.memory_space<hbm>>
    tpu.wait_indirect_dma semaphore(%arg15 : memref<!tpu.dma_semaphore, #tpu.memory_space<semaphore_mem>>) src(%dma_wait3A_162 : memref<2048x128xf32, #tpu.memory_space<hbm>>) dst(%arg8 : memref<128x128xf32, #tpu.memory_space<vmem>>)
    %dma_start3A_163 = arith.constant 6 : i32
    %dma_start3A_164 = arith.constant 0 : i32
    %dma_start3A_165 = tpu.memref_slice %arg7[%dma_start3A_163, %dma_start3A_164] : memref<16x128xi32, #tpu.memory_space<vmem>> -> memref<1x128xi32, #tpu.memory_space<vmem>>
    %dma_start3A_166 = tpu.memref_squeeze %dma_start3A_165 : memref<1x128xi32, #tpu.memory_space<vmem>> -> memref<128xi32, #tpu.memory_space<vmem>>
    %dma_start3A_167 = arith.constant 0 : i32
    %dma_start3A_168 = arith.constant 0 : i32
    %dma_start3A_169 = tpu.memref_slice %arg14[%dma_start3A_167, %dma_start3A_168] : memref<2048x128xf32, #tpu.memory_space<vmem_shared>> -> memref<2048x128xf32, #tpu.memory_space<vmem_shared>>
    tpu.enqueue_indirect_dma source(%arg8 : memref<128x128xf32, #tpu.memory_space<vmem>>) target(%dma_start3A_169 : memref<2048x128xf32, #tpu.memory_space<vmem_shared>>) offsets(%dma_start3A_166 : memref<128xi32, #tpu.memory_space<vmem>>) semaphore(%arg21 : memref<!tpu.dma_semaphore, #tpu.memory_space<semaphore_mem>>) {add = true}
    %dma_wait3A_170 = arith.constant 2 : i32
    %dma_wait3A_171 = arith.constant 0 : i32
    %dma_wait3A_172 = tpu.memref_slice %arg7[%dma_wait3A_170, %dma_wait3A_171] : memref<16x128xi32, #tpu.memory_space<vmem>> -> memref<1x128xi32, #tpu.memory_space<vmem>>
    %dma_wait3A_173 = tpu.memref_squeeze %dma_wait3A_172 : memref<1x128xi32, #tpu.memory_space<vmem>> -> memref<128xi32, #tpu.memory_space<vmem>>
    %dma_wait3A_174 = arith.constant 0 : i32
    %dma_wait3A_175 = arith.constant 0 : i32
    %dma_wait3A_176 = tpu.memref_slice %arg14[%dma_wait3A_174, %dma_wait3A_175] : memref<2048x128xf32, #tpu.memory_space<vmem_shared>> -> memref<2048x128xf32, #tpu.memory_space<vmem_shared>>
    tpu.wait_indirect_dma semaphore(%arg23 : memref<!tpu.dma_semaphore, #tpu.memory_space<semaphore_mem>>) src(%arg10 : memref<128x128xf32, #tpu.memory_space<vmem>>) dst(%dma_wait3A_176 : memref<2048x128xf32, #tpu.memory_space<vmem_shared>>)
    %dma_start3A_177 = arith.constant 8 : i32
    %dma_start3A_178 = arith.constant 0 : i32
    %dma_start3A_179 = tpu.memref_slice %arg6[%dma_start3A_177, %dma_start3A_178] : memref<16x128xi32, #tpu.memory_space<vmem>> -> memref<1x128xi32, #tpu.memory_space<vmem>>
    %dma_start3A_180 = tpu.memref_squeeze %dma_start3A_179 : memref<1x128xi32, #tpu.memory_space<vmem>> -> memref<128xi32, #tpu.memory_space<vmem>>
    %dma_start3A_181 = arith.constant 0 : i32
    %dma_start3A_182 = arith.constant 0 : i32
    %dma_start3A_183 = tpu.memref_slice %arg2[%dma_start3A_181, %dma_start3A_182] : memref<2048x128xf32, #tpu.memory_space<hbm>> -> memref<2048x128xf32, #tpu.memory_space<hbm>>
    tpu.enqueue_indirect_dma source(%dma_start3A_183 : memref<2048x128xf32, #tpu.memory_space<hbm>>) target(%arg10 : memref<128x128xf32, #tpu.memory_space<vmem>>) offsets(%dma_start3A_180 : memref<128xi32, #tpu.memory_space<vmem>>) semaphore(%arg17 : memref<!tpu.dma_semaphore, #tpu.memory_space<semaphore_mem>>)
    %dma_wait3A_184 = arith.constant 7 : i32
    %dma_wait3A_185 = arith.constant 0 : i32
    %dma_wait3A_186 = tpu.memref_slice %arg6[%dma_wait3A_184, %dma_wait3A_185] : memref<16x128xi32, #tpu.memory_space<vmem>> -> memref<1x128xi32, #tpu.memory_space<vmem>>
    %dma_wait3A_187 = tpu.memref_squeeze %dma_wait3A_186 : memref<1x128xi32, #tpu.memory_space<vmem>> -> memref<128xi32, #tpu.memory_space<vmem>>
    %dma_wait3A_188 = arith.constant 0 : i32
    %dma_wait3A_189 = arith.constant 0 : i32
    %dma_wait3A_190 = tpu.memref_slice %arg2[%dma_wait3A_188, %dma_wait3A_189] : memref<2048x128xf32, #tpu.memory_space<hbm>> -> memref<2048x128xf32, #tpu.memory_space<hbm>>
    tpu.wait_indirect_dma semaphore(%arg16 : memref<!tpu.dma_semaphore, #tpu.memory_space<semaphore_mem>>) src(%dma_wait3A_190 : memref<2048x128xf32, #tpu.memory_space<hbm>>) dst(%arg9 : memref<128x128xf32, #tpu.memory_space<vmem>>)
    %dma_start3A_191 = arith.constant 7 : i32
    %dma_start3A_192 = arith.constant 0 : i32
    %dma_start3A_193 = tpu.memref_slice %arg7[%dma_start3A_191, %dma_start3A_192] : memref<16x128xi32, #tpu.memory_space<vmem>> -> memref<1x128xi32, #tpu.memory_space<vmem>>
    %dma_start3A_194 = tpu.memref_squeeze %dma_start3A_193 : memref<1x128xi32, #tpu.memory_space<vmem>> -> memref<128xi32, #tpu.memory_space<vmem>>
    %dma_start3A_195 = arith.constant 0 : i32
    %dma_start3A_196 = arith.constant 0 : i32
    %dma_start3A_197 = tpu.memref_slice %arg14[%dma_start3A_195, %dma_start3A_196] : memref<2048x128xf32, #tpu.memory_space<vmem_shared>> -> memref<2048x128xf32, #tpu.memory_space<vmem_shared>>
    tpu.enqueue_indirect_dma source(%arg9 : memref<128x128xf32, #tpu.memory_space<vmem>>) target(%dma_start3A_197 : memref<2048x128xf32, #tpu.memory_space<vmem_shared>>) offsets(%dma_start3A_194 : memref<128xi32, #tpu.memory_space<vmem>>) semaphore(%arg22 : memref<!tpu.dma_semaphore, #tpu.memory_space<semaphore_mem>>) {add = true}
    %dma_wait3A_198 = arith.constant 3 : i32
    %dma_wait3A_199 = arith.constant 0 : i32
    %dma_wait3A_200 = tpu.memref_slice %arg7[%dma_wait3A_198, %dma_wait3A_199] : memref<16x128xi32, #tpu.memory_space<vmem>> -> memref<1x128xi32, #tpu.memory_space<vmem>>
    %dma_wait3A_201 = tpu.memref_squeeze %dma_wait3A_200 : memref<1x128xi32, #tpu.memory_space<vmem>> -> memref<128xi32, #tpu.memory_space<vmem>>
    %dma_wait3A_202 = arith.constant 0 : i32
    %dma_wait3A_203 = arith.constant 0 : i32
    %dma_wait3A_204 = tpu.memref_slice %arg14[%dma_wait3A_202, %dma_wait3A_203] : memref<2048x128xf32, #tpu.memory_space<vmem_shared>> -> memref<2048x128xf32, #tpu.memory_space<vmem_shared>>
    tpu.wait_indirect_dma semaphore(%arg24 : memref<!tpu.dma_semaphore, #tpu.memory_space<semaphore_mem>>) src(%arg11 : memref<128x128xf32, #tpu.memory_space<vmem>>) dst(%dma_wait3A_204 : memref<2048x128xf32, #tpu.memory_space<vmem_shared>>)
    %dma_start3A_205 = arith.constant 9 : i32
    %dma_start3A_206 = arith.constant 0 : i32
    %dma_start3A_207 = tpu.memref_slice %arg6[%dma_start3A_205, %dma_start3A_206] : memref<16x128xi32, #tpu.memory_space<vmem>> -> memref<1x128xi32, #tpu.memory_space<vmem>>
    %dma_start3A_208 = tpu.memref_squeeze %dma_start3A_207 : memref<1x128xi32, #tpu.memory_space<vmem>> -> memref<128xi32, #tpu.memory_space<vmem>>
    %dma_start3A_209 = arith.constant 0 : i32
    %dma_start3A_210 = arith.constant 0 : i32
    %dma_start3A_211 = tpu.memref_slice %arg2[%dma_start3A_209, %dma_start3A_210] : memref<2048x128xf32, #tpu.memory_space<hbm>> -> memref<2048x128xf32, #tpu.memory_space<hbm>>
    tpu.enqueue_indirect_dma source(%dma_start3A_211 : memref<2048x128xf32, #tpu.memory_space<hbm>>) target(%arg11 : memref<128x128xf32, #tpu.memory_space<vmem>>) offsets(%dma_start3A_208 : memref<128xi32, #tpu.memory_space<vmem>>) semaphore(%arg18 : memref<!tpu.dma_semaphore, #tpu.memory_space<semaphore_mem>>)
    %dma_wait3A_212 = arith.constant 8 : i32
    %dma_wait3A_213 = arith.constant 0 : i32
    %dma_wait3A_214 = tpu.memref_slice %arg6[%dma_wait3A_212, %dma_wait3A_213] : memref<16x128xi32, #tpu.memory_space<vmem>> -> memref<1x128xi32, #tpu.memory_space<vmem>>
    %dma_wait3A_215 = tpu.memref_squeeze %dma_wait3A_214 : memref<1x128xi32, #tpu.memory_space<vmem>> -> memref<128xi32, #tpu.memory_space<vmem>>
    %dma_wait3A_216 = arith.constant 0 : i32
    %dma_wait3A_217 = arith.constant 0 : i32
    %dma_wait3A_218 = tpu.memref_slice %arg2[%dma_wait3A_216, %dma_wait3A_217] : memref<2048x128xf32, #tpu.memory_space<hbm>> -> memref<2048x128xf32, #tpu.memory_space<hbm>>
    tpu.wait_indirect_dma semaphore(%arg17 : memref<!tpu.dma_semaphore, #tpu.memory_space<semaphore_mem>>) src(%dma_wait3A_218 : memref<2048x128xf32, #tpu.memory_space<hbm>>) dst(%arg10 : memref<128x128xf32, #tpu.memory_space<vmem>>)
    %dma_start3A_219 = arith.constant 8 : i32
    %dma_start3A_220 = arith.constant 0 : i32
    %dma_start3A_221 = tpu.memref_slice %arg7[%dma_start3A_219, %dma_start3A_220] : memref<16x128xi32, #tpu.memory_space<vmem>> -> memref<1x128xi32, #tpu.memory_space<vmem>>
    %dma_start3A_222 = tpu.memref_squeeze %dma_start3A_221 : memref<1x128xi32, #tpu.memory_space<vmem>> -> memref<128xi32, #tpu.memory_space<vmem>>
    %dma_start3A_223 = arith.constant 0 : i32
    %dma_start3A_224 = arith.constant 0 : i32
    %dma_start3A_225 = tpu.memref_slice %arg14[%dma_start3A_223, %dma_start3A_224] : memref<2048x128xf32, #tpu.memory_space<vmem_shared>> -> memref<2048x128xf32, #tpu.memory_space<vmem_shared>>
    tpu.enqueue_indirect_dma source(%arg10 : memref<128x128xf32, #tpu.memory_space<vmem>>) target(%dma_start3A_225 : memref<2048x128xf32, #tpu.memory_space<vmem_shared>>) offsets(%dma_start3A_222 : memref<128xi32, #tpu.memory_space<vmem>>) semaphore(%arg23 : memref<!tpu.dma_semaphore, #tpu.memory_space<semaphore_mem>>) {add = true}
    %dma_wait3A_226 = arith.constant 4 : i32
    %dma_wait3A_227 = arith.constant 0 : i32
    %dma_wait3A_228 = tpu.memref_slice %arg7[%dma_wait3A_226, %dma_wait3A_227] : memref<16x128xi32, #tpu.memory_space<vmem>> -> memref<1x128xi32, #tpu.memory_space<vmem>>
    %dma_wait3A_229 = tpu.memref_squeeze %dma_wait3A_228 : memref<1x128xi32, #tpu.memory_space<vmem>> -> memref<128xi32, #tpu.memory_space<vmem>>
    %dma_wait3A_230 = arith.constant 0 : i32
    %dma_wait3A_231 = arith.constant 0 : i32
    %dma_wait3A_232 = tpu.memref_slice %arg14[%dma_wait3A_230, %dma_wait3A_231] : memref<2048x128xf32, #tpu.memory_space<vmem_shared>> -> memref<2048x128xf32, #tpu.memory_space<vmem_shared>>
    tpu.wait_indirect_dma semaphore(%arg25 : memref<!tpu.dma_semaphore, #tpu.memory_space<semaphore_mem>>) src(%arg12 : memref<128x128xf32, #tpu.memory_space<vmem>>) dst(%dma_wait3A_232 : memref<2048x128xf32, #tpu.memory_space<vmem_shared>>)
    %dma_start3A_233 = arith.constant 10 : i32
    %dma_start3A_234 = arith.constant 0 : i32
    %dma_start3A_235 = tpu.memref_slice %arg6[%dma_start3A_233, %dma_start3A_234] : memref<16x128xi32, #tpu.memory_space<vmem>> -> memref<1x128xi32, #tpu.memory_space<vmem>>
    %dma_start3A_236 = tpu.memref_squeeze %dma_start3A_235 : memref<1x128xi32, #tpu.memory_space<vmem>> -> memref<128xi32, #tpu.memory_space<vmem>>
    %dma_start3A_237 = arith.constant 0 : i32
    %dma_start3A_238 = arith.constant 0 : i32
    %dma_start3A_239 = tpu.memref_slice %arg2[%dma_start3A_237, %dma_start3A_238] : memref<2048x128xf32, #tpu.memory_space<hbm>> -> memref<2048x128xf32, #tpu.memory_space<hbm>>
    tpu.enqueue_indirect_dma source(%dma_start3A_239 : memref<2048x128xf32, #tpu.memory_space<hbm>>) target(%arg12 : memref<128x128xf32, #tpu.memory_space<vmem>>) offsets(%dma_start3A_236 : memref<128xi32, #tpu.memory_space<vmem>>) semaphore(%arg19 : memref<!tpu.dma_semaphore, #tpu.memory_space<semaphore_mem>>)
    %dma_wait3A_240 = arith.constant 9 : i32
    %dma_wait3A_241 = arith.constant 0 : i32
    %dma_wait3A_242 = tpu.memref_slice %arg6[%dma_wait3A_240, %dma_wait3A_241] : memref<16x128xi32, #tpu.memory_space<vmem>> -> memref<1x128xi32, #tpu.memory_space<vmem>>
    %dma_wait3A_243 = tpu.memref_squeeze %dma_wait3A_242 : memref<1x128xi32, #tpu.memory_space<vmem>> -> memref<128xi32, #tpu.memory_space<vmem>>
    %dma_wait3A_244 = arith.constant 0 : i32
    %dma_wait3A_245 = arith.constant 0 : i32
    %dma_wait3A_246 = tpu.memref_slice %arg2[%dma_wait3A_244, %dma_wait3A_245] : memref<2048x128xf32, #tpu.memory_space<hbm>> -> memref<2048x128xf32, #tpu.memory_space<hbm>>
    tpu.wait_indirect_dma semaphore(%arg18 : memref<!tpu.dma_semaphore, #tpu.memory_space<semaphore_mem>>) src(%dma_wait3A_246 : memref<2048x128xf32, #tpu.memory_space<hbm>>) dst(%arg11 : memref<128x128xf32, #tpu.memory_space<vmem>>)
    %dma_start3A_247 = arith.constant 9 : i32
    %dma_start3A_248 = arith.constant 0 : i32
    %dma_start3A_249 = tpu.memref_slice %arg7[%dma_start3A_247, %dma_start3A_248] : memref<16x128xi32, #tpu.memory_space<vmem>> -> memref<1x128xi32, #tpu.memory_space<vmem>>
    %dma_start3A_250 = tpu.memref_squeeze %dma_start3A_249 : memref<1x128xi32, #tpu.memory_space<vmem>> -> memref<128xi32, #tpu.memory_space<vmem>>
    %dma_start3A_251 = arith.constant 0 : i32
    %dma_start3A_252 = arith.constant 0 : i32
    %dma_start3A_253 = tpu.memref_slice %arg14[%dma_start3A_251, %dma_start3A_252] : memref<2048x128xf32, #tpu.memory_space<vmem_shared>> -> memref<2048x128xf32, #tpu.memory_space<vmem_shared>>
    tpu.enqueue_indirect_dma source(%arg11 : memref<128x128xf32, #tpu.memory_space<vmem>>) target(%dma_start3A_253 : memref<2048x128xf32, #tpu.memory_space<vmem_shared>>) offsets(%dma_start3A_250 : memref<128xi32, #tpu.memory_space<vmem>>) semaphore(%arg24 : memref<!tpu.dma_semaphore, #tpu.memory_space<semaphore_mem>>) {add = true}
    %dma_wait3A_254 = arith.constant 5 : i32
    %dma_wait3A_255 = arith.constant 0 : i32
    %dma_wait3A_256 = tpu.memref_slice %arg7[%dma_wait3A_254, %dma_wait3A_255] : memref<16x128xi32, #tpu.memory_space<vmem>> -> memref<1x128xi32, #tpu.memory_space<vmem>>
    %dma_wait3A_257 = tpu.memref_squeeze %dma_wait3A_256 : memref<1x128xi32, #tpu.memory_space<vmem>> -> memref<128xi32, #tpu.memory_space<vmem>>
    %dma_wait3A_258 = arith.constant 0 : i32
    %dma_wait3A_259 = arith.constant 0 : i32
    %dma_wait3A_260 = tpu.memref_slice %arg14[%dma_wait3A_258, %dma_wait3A_259] : memref<2048x128xf32, #tpu.memory_space<vmem_shared>> -> memref<2048x128xf32, #tpu.memory_space<vmem_shared>>
    tpu.wait_indirect_dma semaphore(%arg26 : memref<!tpu.dma_semaphore, #tpu.memory_space<semaphore_mem>>) src(%arg13 : memref<128x128xf32, #tpu.memory_space<vmem>>) dst(%dma_wait3A_260 : memref<2048x128xf32, #tpu.memory_space<vmem_shared>>)
    %dma_start3A_261 = arith.constant 11 : i32
    %dma_start3A_262 = arith.constant 0 : i32
    %dma_start3A_263 = tpu.memref_slice %arg6[%dma_start3A_261, %dma_start3A_262] : memref<16x128xi32, #tpu.memory_space<vmem>> -> memref<1x128xi32, #tpu.memory_space<vmem>>
    %dma_start3A_264 = tpu.memref_squeeze %dma_start3A_263 : memref<1x128xi32, #tpu.memory_space<vmem>> -> memref<128xi32, #tpu.memory_space<vmem>>
    %dma_start3A_265 = arith.constant 0 : i32
    %dma_start3A_266 = arith.constant 0 : i32
    %dma_start3A_267 = tpu.memref_slice %arg2[%dma_start3A_265, %dma_start3A_266] : memref<2048x128xf32, #tpu.memory_space<hbm>> -> memref<2048x128xf32, #tpu.memory_space<hbm>>
    tpu.enqueue_indirect_dma source(%dma_start3A_267 : memref<2048x128xf32, #tpu.memory_space<hbm>>) target(%arg13 : memref<128x128xf32, #tpu.memory_space<vmem>>) offsets(%dma_start3A_264 : memref<128xi32, #tpu.memory_space<vmem>>) semaphore(%arg20 : memref<!tpu.dma_semaphore, #tpu.memory_space<semaphore_mem>>)
    %dma_wait3A_268 = arith.constant 10 : i32
    %dma_wait3A_269 = arith.constant 0 : i32
    %dma_wait3A_270 = tpu.memref_slice %arg6[%dma_wait3A_268, %dma_wait3A_269] : memref<16x128xi32, #tpu.memory_space<vmem>> -> memref<1x128xi32, #tpu.memory_space<vmem>>
    %dma_wait3A_271 = tpu.memref_squeeze %dma_wait3A_270 : memref<1x128xi32, #tpu.memory_space<vmem>> -> memref<128xi32, #tpu.memory_space<vmem>>
    %dma_wait3A_272 = arith.constant 0 : i32
    %dma_wait3A_273 = arith.constant 0 : i32
    %dma_wait3A_274 = tpu.memref_slice %arg2[%dma_wait3A_272, %dma_wait3A_273] : memref<2048x128xf32, #tpu.memory_space<hbm>> -> memref<2048x128xf32, #tpu.memory_space<hbm>>
    tpu.wait_indirect_dma semaphore(%arg19 : memref<!tpu.dma_semaphore, #tpu.memory_space<semaphore_mem>>) src(%dma_wait3A_274 : memref<2048x128xf32, #tpu.memory_space<hbm>>) dst(%arg12 : memref<128x128xf32, #tpu.memory_space<vmem>>)
    %dma_start3A_275 = arith.constant 10 : i32
    %dma_start3A_276 = arith.constant 0 : i32
    %dma_start3A_277 = tpu.memref_slice %arg7[%dma_start3A_275, %dma_start3A_276] : memref<16x128xi32, #tpu.memory_space<vmem>> -> memref<1x128xi32, #tpu.memory_space<vmem>>
    %dma_start3A_278 = tpu.memref_squeeze %dma_start3A_277 : memref<1x128xi32, #tpu.memory_space<vmem>> -> memref<128xi32, #tpu.memory_space<vmem>>
    %dma_start3A_279 = arith.constant 0 : i32
    %dma_start3A_280 = arith.constant 0 : i32
    %dma_start3A_281 = tpu.memref_slice %arg14[%dma_start3A_279, %dma_start3A_280] : memref<2048x128xf32, #tpu.memory_space<vmem_shared>> -> memref<2048x128xf32, #tpu.memory_space<vmem_shared>>
    tpu.enqueue_indirect_dma source(%arg12 : memref<128x128xf32, #tpu.memory_space<vmem>>) target(%dma_start3A_281 : memref<2048x128xf32, #tpu.memory_space<vmem_shared>>) offsets(%dma_start3A_278 : memref<128xi32, #tpu.memory_space<vmem>>) semaphore(%arg25 : memref<!tpu.dma_semaphore, #tpu.memory_space<semaphore_mem>>) {add = true}
    %dma_wait3A_282 = arith.constant 6 : i32
    %dma_wait3A_283 = arith.constant 0 : i32
    %dma_wait3A_284 = tpu.memref_slice %arg7[%dma_wait3A_282, %dma_wait3A_283] : memref<16x128xi32, #tpu.memory_space<vmem>> -> memref<1x128xi32, #tpu.memory_space<vmem>>
    %dma_wait3A_285 = tpu.memref_squeeze %dma_wait3A_284 : memref<1x128xi32, #tpu.memory_space<vmem>> -> memref<128xi32, #tpu.memory_space<vmem>>
    %dma_wait3A_286 = arith.constant 0 : i32
    %dma_wait3A_287 = arith.constant 0 : i32
    %dma_wait3A_288 = tpu.memref_slice %arg14[%dma_wait3A_286, %dma_wait3A_287] : memref<2048x128xf32, #tpu.memory_space<vmem_shared>> -> memref<2048x128xf32, #tpu.memory_space<vmem_shared>>
    tpu.wait_indirect_dma semaphore(%arg21 : memref<!tpu.dma_semaphore, #tpu.memory_space<semaphore_mem>>) src(%arg8 : memref<128x128xf32, #tpu.memory_space<vmem>>) dst(%dma_wait3A_288 : memref<2048x128xf32, #tpu.memory_space<vmem_shared>>)
    %dma_start3A_289 = arith.constant 12 : i32
    %dma_start3A_290 = arith.constant 0 : i32
    %dma_start3A_291 = tpu.memref_slice %arg6[%dma_start3A_289, %dma_start3A_290] : memref<16x128xi32, #tpu.memory_space<vmem>> -> memref<1x128xi32, #tpu.memory_space<vmem>>
    %dma_start3A_292 = tpu.memref_squeeze %dma_start3A_291 : memref<1x128xi32, #tpu.memory_space<vmem>> -> memref<128xi32, #tpu.memory_space<vmem>>
    %dma_start3A_293 = arith.constant 0 : i32
    %dma_start3A_294 = arith.constant 0 : i32
    %dma_start3A_295 = tpu.memref_slice %arg2[%dma_start3A_293, %dma_start3A_294] : memref<2048x128xf32, #tpu.memory_space<hbm>> -> memref<2048x128xf32, #tpu.memory_space<hbm>>
    tpu.enqueue_indirect_dma source(%dma_start3A_295 : memref<2048x128xf32, #tpu.memory_space<hbm>>) target(%arg8 : memref<128x128xf32, #tpu.memory_space<vmem>>) offsets(%dma_start3A_292 : memref<128xi32, #tpu.memory_space<vmem>>) semaphore(%arg15 : memref<!tpu.dma_semaphore, #tpu.memory_space<semaphore_mem>>)
    %dma_wait3A_296 = arith.constant 11 : i32
    %dma_wait3A_297 = arith.constant 0 : i32
    %dma_wait3A_298 = tpu.memref_slice %arg6[%dma_wait3A_296, %dma_wait3A_297] : memref<16x128xi32, #tpu.memory_space<vmem>> -> memref<1x128xi32, #tpu.memory_space<vmem>>
    %dma_wait3A_299 = tpu.memref_squeeze %dma_wait3A_298 : memref<1x128xi32, #tpu.memory_space<vmem>> -> memref<128xi32, #tpu.memory_space<vmem>>
    %dma_wait3A_300 = arith.constant 0 : i32
    %dma_wait3A_301 = arith.constant 0 : i32
    %dma_wait3A_302 = tpu.memref_slice %arg2[%dma_wait3A_300, %dma_wait3A_301] : memref<2048x128xf32, #tpu.memory_space<hbm>> -> memref<2048x128xf32, #tpu.memory_space<hbm>>
    tpu.wait_indirect_dma semaphore(%arg20 : memref<!tpu.dma_semaphore, #tpu.memory_space<semaphore_mem>>) src(%dma_wait3A_302 : memref<2048x128xf32, #tpu.memory_space<hbm>>) dst(%arg13 : memref<128x128xf32, #tpu.memory_space<vmem>>)
    %dma_start3A_303 = arith.constant 11 : i32
    %dma_start3A_304 = arith.constant 0 : i32
    %dma_start3A_305 = tpu.memref_slice %arg7[%dma_start3A_303, %dma_start3A_304] : memref<16x128xi32, #tpu.memory_space<vmem>> -> memref<1x128xi32, #tpu.memory_space<vmem>>
    %dma_start3A_306 = tpu.memref_squeeze %dma_start3A_305 : memref<1x128xi32, #tpu.memory_space<vmem>> -> memref<128xi32, #tpu.memory_space<vmem>>
    %dma_start3A_307 = arith.constant 0 : i32
    %dma_start3A_308 = arith.constant 0 : i32
    %dma_start3A_309 = tpu.memref_slice %arg14[%dma_start3A_307, %dma_start3A_308] : memref<2048x128xf32, #tpu.memory_space<vmem_shared>> -> memref<2048x128xf32, #tpu.memory_space<vmem_shared>>
    tpu.enqueue_indirect_dma source(%arg13 : memref<128x128xf32, #tpu.memory_space<vmem>>) target(%dma_start3A_309 : memref<2048x128xf32, #tpu.memory_space<vmem_shared>>) offsets(%dma_start3A_306 : memref<128xi32, #tpu.memory_space<vmem>>) semaphore(%arg26 : memref<!tpu.dma_semaphore, #tpu.memory_space<semaphore_mem>>) {add = true}
    %dma_wait3A_310 = arith.constant 7 : i32
    %dma_wait3A_311 = arith.constant 0 : i32
    %dma_wait3A_312 = tpu.memref_slice %arg7[%dma_wait3A_310, %dma_wait3A_311] : memref<16x128xi32, #tpu.memory_space<vmem>> -> memref<1x128xi32, #tpu.memory_space<vmem>>
    %dma_wait3A_313 = tpu.memref_squeeze %dma_wait3A_312 : memref<1x128xi32, #tpu.memory_space<vmem>> -> memref<128xi32, #tpu.memory_space<vmem>>
    %dma_wait3A_314 = arith.constant 0 : i32
    %dma_wait3A_315 = arith.constant 0 : i32
    %dma_wait3A_316 = tpu.memref_slice %arg14[%dma_wait3A_314, %dma_wait3A_315] : memref<2048x128xf32, #tpu.memory_space<vmem_shared>> -> memref<2048x128xf32, #tpu.memory_space<vmem_shared>>
    tpu.wait_indirect_dma semaphore(%arg22 : memref<!tpu.dma_semaphore, #tpu.memory_space<semaphore_mem>>) src(%arg9 : memref<128x128xf32, #tpu.memory_space<vmem>>) dst(%dma_wait3A_316 : memref<2048x128xf32, #tpu.memory_space<vmem_shared>>)
    %dma_start3A_317 = arith.constant 13 : i32
    %dma_start3A_318 = arith.constant 0 : i32
    %dma_start3A_319 = tpu.memref_slice %arg6[%dma_start3A_317, %dma_start3A_318] : memref<16x128xi32, #tpu.memory_space<vmem>> -> memref<1x128xi32, #tpu.memory_space<vmem>>
    %dma_start3A_320 = tpu.memref_squeeze %dma_start3A_319 : memref<1x128xi32, #tpu.memory_space<vmem>> -> memref<128xi32, #tpu.memory_space<vmem>>
    %dma_start3A_321 = arith.constant 0 : i32
    %dma_start3A_322 = arith.constant 0 : i32
    %dma_start3A_323 = tpu.memref_slice %arg2[%dma_start3A_321, %dma_start3A_322] : memref<2048x128xf32, #tpu.memory_space<hbm>> -> memref<2048x128xf32, #tpu.memory_space<hbm>>
    tpu.enqueue_indirect_dma source(%dma_start3A_323 : memref<2048x128xf32, #tpu.memory_space<hbm>>) target(%arg9 : memref<128x128xf32, #tpu.memory_space<vmem>>) offsets(%dma_start3A_320 : memref<128xi32, #tpu.memory_space<vmem>>) semaphore(%arg16 : memref<!tpu.dma_semaphore, #tpu.memory_space<semaphore_mem>>)
    %dma_wait3A_324 = arith.constant 12 : i32
    %dma_wait3A_325 = arith.constant 0 : i32
    %dma_wait3A_326 = tpu.memref_slice %arg6[%dma_wait3A_324, %dma_wait3A_325] : memref<16x128xi32, #tpu.memory_space<vmem>> -> memref<1x128xi32, #tpu.memory_space<vmem>>
    %dma_wait3A_327 = tpu.memref_squeeze %dma_wait3A_326 : memref<1x128xi32, #tpu.memory_space<vmem>> -> memref<128xi32, #tpu.memory_space<vmem>>
    %dma_wait3A_328 = arith.constant 0 : i32
    %dma_wait3A_329 = arith.constant 0 : i32
    %dma_wait3A_330 = tpu.memref_slice %arg2[%dma_wait3A_328, %dma_wait3A_329] : memref<2048x128xf32, #tpu.memory_space<hbm>> -> memref<2048x128xf32, #tpu.memory_space<hbm>>
    tpu.wait_indirect_dma semaphore(%arg15 : memref<!tpu.dma_semaphore, #tpu.memory_space<semaphore_mem>>) src(%dma_wait3A_330 : memref<2048x128xf32, #tpu.memory_space<hbm>>) dst(%arg8 : memref<128x128xf32, #tpu.memory_space<vmem>>)
    %dma_start3A_331 = arith.constant 12 : i32
    %dma_start3A_332 = arith.constant 0 : i32
    %dma_start3A_333 = tpu.memref_slice %arg7[%dma_start3A_331, %dma_start3A_332] : memref<16x128xi32, #tpu.memory_space<vmem>> -> memref<1x128xi32, #tpu.memory_space<vmem>>
    %dma_start3A_334 = tpu.memref_squeeze %dma_start3A_333 : memref<1x128xi32, #tpu.memory_space<vmem>> -> memref<128xi32, #tpu.memory_space<vmem>>
    %dma_start3A_335 = arith.constant 0 : i32
    %dma_start3A_336 = arith.constant 0 : i32
    %dma_start3A_337 = tpu.memref_slice %arg14[%dma_start3A_335, %dma_start3A_336] : memref<2048x128xf32, #tpu.memory_space<vmem_shared>> -> memref<2048x128xf32, #tpu.memory_space<vmem_shared>>
    tpu.enqueue_indirect_dma source(%arg8 : memref<128x128xf32, #tpu.memory_space<vmem>>) target(%dma_start3A_337 : memref<2048x128xf32, #tpu.memory_space<vmem_shared>>) offsets(%dma_start3A_334 : memref<128xi32, #tpu.memory_space<vmem>>) semaphore(%arg21 : memref<!tpu.dma_semaphore, #tpu.memory_space<semaphore_mem>>) {add = true}
    %dma_wait3A_338 = arith.constant 8 : i32
    %dma_wait3A_339 = arith.constant 0 : i32
    %dma_wait3A_340 = tpu.memref_slice %arg7[%dma_wait3A_338, %dma_wait3A_339] : memref<16x128xi32, #tpu.memory_space<vmem>> -> memref<1x128xi32, #tpu.memory_space<vmem>>
    %dma_wait3A_341 = tpu.memref_squeeze %dma_wait3A_340 : memref<1x128xi32, #tpu.memory_space<vmem>> -> memref<128xi32, #tpu.memory_space<vmem>>
    %dma_wait3A_342 = arith.constant 0 : i32
    %dma_wait3A_343 = arith.constant 0 : i32
    %dma_wait3A_344 = tpu.memref_slice %arg14[%dma_wait3A_342, %dma_wait3A_343] : memref<2048x128xf32, #tpu.memory_space<vmem_shared>> -> memref<2048x128xf32, #tpu.memory_space<vmem_shared>>
    tpu.wait_indirect_dma semaphore(%arg23 : memref<!tpu.dma_semaphore, #tpu.memory_space<semaphore_mem>>) src(%arg10 : memref<128x128xf32, #tpu.memory_space<vmem>>) dst(%dma_wait3A_344 : memref<2048x128xf32, #tpu.memory_space<vmem_shared>>)
    %dma_start3A_345 = arith.constant 14 : i32
    %dma_start3A_346 = arith.constant 0 : i32
    %dma_start3A_347 = tpu.memref_slice %arg6[%dma_start3A_345, %dma_start3A_346] : memref<16x128xi32, #tpu.memory_space<vmem>> -> memref<1x128xi32, #tpu.memory_space<vmem>>
    %dma_start3A_348 = tpu.memref_squeeze %dma_start3A_347 : memref<1x128xi32, #tpu.memory_space<vmem>> -> memref<128xi32, #tpu.memory_space<vmem>>
    %dma_start3A_349 = arith.constant 0 : i32
    %dma_start3A_350 = arith.constant 0 : i32
    %dma_start3A_351 = tpu.memref_slice %arg2[%dma_start3A_349, %dma_start3A_350] : memref<2048x128xf32, #tpu.memory_space<hbm>> -> memref<2048x128xf32, #tpu.memory_space<hbm>>
    tpu.enqueue_indirect_dma source(%dma_start3A_351 : memref<2048x128xf32, #tpu.memory_space<hbm>>) target(%arg10 : memref<128x128xf32, #tpu.memory_space<vmem>>) offsets(%dma_start3A_348 : memref<128xi32, #tpu.memory_space<vmem>>) semaphore(%arg17 : memref<!tpu.dma_semaphore, #tpu.memory_space<semaphore_mem>>)
    %dma_wait3A_352 = arith.constant 13 : i32
    %dma_wait3A_353 = arith.constant 0 : i32
    %dma_wait3A_354 = tpu.memref_slice %arg6[%dma_wait3A_352, %dma_wait3A_353] : memref<16x128xi32, #tpu.memory_space<vmem>> -> memref<1x128xi32, #tpu.memory_space<vmem>>
    %dma_wait3A_355 = tpu.memref_squeeze %dma_wait3A_354 : memref<1x128xi32, #tpu.memory_space<vmem>> -> memref<128xi32, #tpu.memory_space<vmem>>
    %dma_wait3A_356 = arith.constant 0 : i32
    %dma_wait3A_357 = arith.constant 0 : i32
    %dma_wait3A_358 = tpu.memref_slice %arg2[%dma_wait3A_356, %dma_wait3A_357] : memref<2048x128xf32, #tpu.memory_space<hbm>> -> memref<2048x128xf32, #tpu.memory_space<hbm>>
    tpu.wait_indirect_dma semaphore(%arg16 : memref<!tpu.dma_semaphore, #tpu.memory_space<semaphore_mem>>) src(%dma_wait3A_358 : memref<2048x128xf32, #tpu.memory_space<hbm>>) dst(%arg9 : memref<128x128xf32, #tpu.memory_space<vmem>>)
    %dma_start3A_359 = arith.constant 13 : i32
    %dma_start3A_360 = arith.constant 0 : i32
    %dma_start3A_361 = tpu.memref_slice %arg7[%dma_start3A_359, %dma_start3A_360] : memref<16x128xi32, #tpu.memory_space<vmem>> -> memref<1x128xi32, #tpu.memory_space<vmem>>
    %dma_start3A_362 = tpu.memref_squeeze %dma_start3A_361 : memref<1x128xi32, #tpu.memory_space<vmem>> -> memref<128xi32, #tpu.memory_space<vmem>>
    %dma_start3A_363 = arith.constant 0 : i32
    %dma_start3A_364 = arith.constant 0 : i32
    %dma_start3A_365 = tpu.memref_slice %arg14[%dma_start3A_363, %dma_start3A_364] : memref<2048x128xf32, #tpu.memory_space<vmem_shared>> -> memref<2048x128xf32, #tpu.memory_space<vmem_shared>>
    tpu.enqueue_indirect_dma source(%arg9 : memref<128x128xf32, #tpu.memory_space<vmem>>) target(%dma_start3A_365 : memref<2048x128xf32, #tpu.memory_space<vmem_shared>>) offsets(%dma_start3A_362 : memref<128xi32, #tpu.memory_space<vmem>>) semaphore(%arg22 : memref<!tpu.dma_semaphore, #tpu.memory_space<semaphore_mem>>) {add = true}
    %dma_wait3A_366 = arith.constant 9 : i32
    %dma_wait3A_367 = arith.constant 0 : i32
    %dma_wait3A_368 = tpu.memref_slice %arg7[%dma_wait3A_366, %dma_wait3A_367] : memref<16x128xi32, #tpu.memory_space<vmem>> -> memref<1x128xi32, #tpu.memory_space<vmem>>
    %dma_wait3A_369 = tpu.memref_squeeze %dma_wait3A_368 : memref<1x128xi32, #tpu.memory_space<vmem>> -> memref<128xi32, #tpu.memory_space<vmem>>
    %dma_wait3A_370 = arith.constant 0 : i32
    %dma_wait3A_371 = arith.constant 0 : i32
    %dma_wait3A_372 = tpu.memref_slice %arg14[%dma_wait3A_370, %dma_wait3A_371] : memref<2048x128xf32, #tpu.memory_space<vmem_shared>> -> memref<2048x128xf32, #tpu.memory_space<vmem_shared>>
    tpu.wait_indirect_dma semaphore(%arg24 : memref<!tpu.dma_semaphore, #tpu.memory_space<semaphore_mem>>) src(%arg11 : memref<128x128xf32, #tpu.memory_space<vmem>>) dst(%dma_wait3A_372 : memref<2048x128xf32, #tpu.memory_space<vmem_shared>>)
    %dma_start3A_373 = arith.constant 15 : i32
    %dma_start3A_374 = arith.constant 0 : i32
    %dma_start3A_375 = tpu.memref_slice %arg6[%dma_start3A_373, %dma_start3A_374] : memref<16x128xi32, #tpu.memory_space<vmem>> -> memref<1x128xi32, #tpu.memory_space<vmem>>
    %dma_start3A_376 = tpu.memref_squeeze %dma_start3A_375 : memref<1x128xi32, #tpu.memory_space<vmem>> -> memref<128xi32, #tpu.memory_space<vmem>>
    %dma_start3A_377 = arith.constant 0 : i32
    %dma_start3A_378 = arith.constant 0 : i32
    %dma_start3A_379 = tpu.memref_slice %arg2[%dma_start3A_377, %dma_start3A_378] : memref<2048x128xf32, #tpu.memory_space<hbm>> -> memref<2048x128xf32, #tpu.memory_space<hbm>>
    tpu.enqueue_indirect_dma source(%dma_start3A_379 : memref<2048x128xf32, #tpu.memory_space<hbm>>) target(%arg11 : memref<128x128xf32, #tpu.memory_space<vmem>>) offsets(%dma_start3A_376 : memref<128xi32, #tpu.memory_space<vmem>>) semaphore(%arg18 : memref<!tpu.dma_semaphore, #tpu.memory_space<semaphore_mem>>)
    %dma_wait3A_380 = arith.constant 14 : i32
    %dma_wait3A_381 = arith.constant 0 : i32
    %dma_wait3A_382 = tpu.memref_slice %arg6[%dma_wait3A_380, %dma_wait3A_381] : memref<16x128xi32, #tpu.memory_space<vmem>> -> memref<1x128xi32, #tpu.memory_space<vmem>>
    %dma_wait3A_383 = tpu.memref_squeeze %dma_wait3A_382 : memref<1x128xi32, #tpu.memory_space<vmem>> -> memref<128xi32, #tpu.memory_space<vmem>>
    %dma_wait3A_384 = arith.constant 0 : i32
    %dma_wait3A_385 = arith.constant 0 : i32
    %dma_wait3A_386 = tpu.memref_slice %arg2[%dma_wait3A_384, %dma_wait3A_385] : memref<2048x128xf32, #tpu.memory_space<hbm>> -> memref<2048x128xf32, #tpu.memory_space<hbm>>
    tpu.wait_indirect_dma semaphore(%arg17 : memref<!tpu.dma_semaphore, #tpu.memory_space<semaphore_mem>>) src(%dma_wait3A_386 : memref<2048x128xf32, #tpu.memory_space<hbm>>) dst(%arg10 : memref<128x128xf32, #tpu.memory_space<vmem>>)
    %dma_start3A_387 = arith.constant 14 : i32
    %dma_start3A_388 = arith.constant 0 : i32
    %dma_start3A_389 = tpu.memref_slice %arg7[%dma_start3A_387, %dma_start3A_388] : memref<16x128xi32, #tpu.memory_space<vmem>> -> memref<1x128xi32, #tpu.memory_space<vmem>>
    %dma_start3A_390 = tpu.memref_squeeze %dma_start3A_389 : memref<1x128xi32, #tpu.memory_space<vmem>> -> memref<128xi32, #tpu.memory_space<vmem>>
    %dma_start3A_391 = arith.constant 0 : i32
    %dma_start3A_392 = arith.constant 0 : i32
    %dma_start3A_393 = tpu.memref_slice %arg14[%dma_start3A_391, %dma_start3A_392] : memref<2048x128xf32, #tpu.memory_space<vmem_shared>> -> memref<2048x128xf32, #tpu.memory_space<vmem_shared>>
    tpu.enqueue_indirect_dma source(%arg10 : memref<128x128xf32, #tpu.memory_space<vmem>>) target(%dma_start3A_393 : memref<2048x128xf32, #tpu.memory_space<vmem_shared>>) offsets(%dma_start3A_390 : memref<128xi32, #tpu.memory_space<vmem>>) semaphore(%arg23 : memref<!tpu.dma_semaphore, #tpu.memory_space<semaphore_mem>>) {add = true}
    %dma_wait3A_394 = arith.constant 15 : i32
    %dma_wait3A_395 = arith.constant 0 : i32
    %dma_wait3A_396 = tpu.memref_slice %arg6[%dma_wait3A_394, %dma_wait3A_395] : memref<16x128xi32, #tpu.memory_space<vmem>> -> memref<1x128xi32, #tpu.memory_space<vmem>>
    %dma_wait3A_397 = tpu.memref_squeeze %dma_wait3A_396 : memref<1x128xi32, #tpu.memory_space<vmem>> -> memref<128xi32, #tpu.memory_space<vmem>>
    %dma_wait3A_398 = arith.constant 0 : i32
    %dma_wait3A_399 = arith.constant 0 : i32
    %dma_wait3A_400 = tpu.memref_slice %arg2[%dma_wait3A_398, %dma_wait3A_399] : memref<2048x128xf32, #tpu.memory_space<hbm>> -> memref<2048x128xf32, #tpu.memory_space<hbm>>
    tpu.wait_indirect_dma semaphore(%arg18 : memref<!tpu.dma_semaphore, #tpu.memory_space<semaphore_mem>>) src(%dma_wait3A_400 : memref<2048x128xf32, #tpu.memory_space<hbm>>) dst(%arg11 : memref<128x128xf32, #tpu.memory_space<vmem>>)
    %dma_start3A_401 = arith.constant 15 : i32
    %dma_start3A_402 = arith.constant 0 : i32
    %dma_start3A_403 = tpu.memref_slice %arg7[%dma_start3A_401, %dma_start3A_402] : memref<16x128xi32, #tpu.memory_space<vmem>> -> memref<1x128xi32, #tpu.memory_space<vmem>>
    %dma_start3A_404 = tpu.memref_squeeze %dma_start3A_403 : memref<1x128xi32, #tpu.memory_space<vmem>> -> memref<128xi32, #tpu.memory_space<vmem>>
    %dma_start3A_405 = arith.constant 0 : i32
    %dma_start3A_406 = arith.constant 0 : i32
    %dma_start3A_407 = tpu.memref_slice %arg14[%dma_start3A_405, %dma_start3A_406] : memref<2048x128xf32, #tpu.memory_space<vmem_shared>> -> memref<2048x128xf32, #tpu.memory_space<vmem_shared>>
    tpu.enqueue_indirect_dma source(%arg11 : memref<128x128xf32, #tpu.memory_space<vmem>>) target(%dma_start3A_407 : memref<2048x128xf32, #tpu.memory_space<vmem_shared>>) offsets(%dma_start3A_404 : memref<128xi32, #tpu.memory_space<vmem>>) semaphore(%arg24 : memref<!tpu.dma_semaphore, #tpu.memory_space<semaphore_mem>>) {add = true}
    %dma_wait3A_408 = arith.constant 10 : i32
    %dma_wait3A_409 = arith.constant 0 : i32
    %dma_wait3A_410 = tpu.memref_slice %arg7[%dma_wait3A_408, %dma_wait3A_409] : memref<16x128xi32, #tpu.memory_space<vmem>> -> memref<1x128xi32, #tpu.memory_space<vmem>>
    %dma_wait3A_411 = tpu.memref_squeeze %dma_wait3A_410 : memref<1x128xi32, #tpu.memory_space<vmem>> -> memref<128xi32, #tpu.memory_space<vmem>>
    %dma_wait3A_412 = arith.constant 0 : i32
    %dma_wait3A_413 = arith.constant 0 : i32
    %dma_wait3A_414 = tpu.memref_slice %arg14[%dma_wait3A_412, %dma_wait3A_413] : memref<2048x128xf32, #tpu.memory_space<vmem_shared>> -> memref<2048x128xf32, #tpu.memory_space<vmem_shared>>
    tpu.wait_indirect_dma semaphore(%arg25 : memref<!tpu.dma_semaphore, #tpu.memory_space<semaphore_mem>>) src(%arg12 : memref<128x128xf32, #tpu.memory_space<vmem>>) dst(%dma_wait3A_414 : memref<2048x128xf32, #tpu.memory_space<vmem_shared>>)
    %dma_wait3A_415 = arith.constant 11 : i32
    %dma_wait3A_416 = arith.constant 0 : i32
    %dma_wait3A_417 = tpu.memref_slice %arg7[%dma_wait3A_415, %dma_wait3A_416] : memref<16x128xi32, #tpu.memory_space<vmem>> -> memref<1x128xi32, #tpu.memory_space<vmem>>
    %dma_wait3A_418 = tpu.memref_squeeze %dma_wait3A_417 : memref<1x128xi32, #tpu.memory_space<vmem>> -> memref<128xi32, #tpu.memory_space<vmem>>
    %dma_wait3A_419 = arith.constant 0 : i32
    %dma_wait3A_420 = arith.constant 0 : i32
    %dma_wait3A_421 = tpu.memref_slice %arg14[%dma_wait3A_419, %dma_wait3A_420] : memref<2048x128xf32, #tpu.memory_space<vmem_shared>> -> memref<2048x128xf32, #tpu.memory_space<vmem_shared>>
    tpu.wait_indirect_dma semaphore(%arg26 : memref<!tpu.dma_semaphore, #tpu.memory_space<semaphore_mem>>) src(%arg13 : memref<128x128xf32, #tpu.memory_space<vmem>>) dst(%dma_wait3A_421 : memref<2048x128xf32, #tpu.memory_space<vmem_shared>>)
    %dma_wait3A_422 = arith.constant 12 : i32
    %dma_wait3A_423 = arith.constant 0 : i32
    %dma_wait3A_424 = tpu.memref_slice %arg7[%dma_wait3A_422, %dma_wait3A_423] : memref<16x128xi32, #tpu.memory_space<vmem>> -> memref<1x128xi32, #tpu.memory_space<vmem>>
    %dma_wait3A_425 = tpu.memref_squeeze %dma_wait3A_424 : memref<1x128xi32, #tpu.memory_space<vmem>> -> memref<128xi32, #tpu.memory_space<vmem>>
    %dma_wait3A_426 = arith.constant 0 : i32
    %dma_wait3A_427 = arith.constant 0 : i32
    %dma_wait3A_428 = tpu.memref_slice %arg14[%dma_wait3A_426, %dma_wait3A_427] : memref<2048x128xf32, #tpu.memory_space<vmem_shared>> -> memref<2048x128xf32, #tpu.memory_space<vmem_shared>>
    tpu.wait_indirect_dma semaphore(%arg21 : memref<!tpu.dma_semaphore, #tpu.memory_space<semaphore_mem>>) src(%arg8 : memref<128x128xf32, #tpu.memory_space<vmem>>) dst(%dma_wait3A_428 : memref<2048x128xf32, #tpu.memory_space<vmem_shared>>)
    %dma_wait3A_429 = arith.constant 13 : i32
    %dma_wait3A_430 = arith.constant 0 : i32
    %dma_wait3A_431 = tpu.memref_slice %arg7[%dma_wait3A_429, %dma_wait3A_430] : memref<16x128xi32, #tpu.memory_space<vmem>> -> memref<1x128xi32, #tpu.memory_space<vmem>>
    %dma_wait3A_432 = tpu.memref_squeeze %dma_wait3A_431 : memref<1x128xi32, #tpu.memory_space<vmem>> -> memref<128xi32, #tpu.memory_space<vmem>>
    %dma_wait3A_433 = arith.constant 0 : i32
    %dma_wait3A_434 = arith.constant 0 : i32
    %dma_wait3A_435 = tpu.memref_slice %arg14[%dma_wait3A_433, %dma_wait3A_434] : memref<2048x128xf32, #tpu.memory_space<vmem_shared>> -> memref<2048x128xf32, #tpu.memory_space<vmem_shared>>
    tpu.wait_indirect_dma semaphore(%arg22 : memref<!tpu.dma_semaphore, #tpu.memory_space<semaphore_mem>>) src(%arg9 : memref<128x128xf32, #tpu.memory_space<vmem>>) dst(%dma_wait3A_435 : memref<2048x128xf32, #tpu.memory_space<vmem_shared>>)
    %dma_wait3A_436 = arith.constant 14 : i32
    %dma_wait3A_437 = arith.constant 0 : i32
    %dma_wait3A_438 = tpu.memref_slice %arg7[%dma_wait3A_436, %dma_wait3A_437] : memref<16x128xi32, #tpu.memory_space<vmem>> -> memref<1x128xi32, #tpu.memory_space<vmem>>
    %dma_wait3A_439 = tpu.memref_squeeze %dma_wait3A_438 : memref<1x128xi32, #tpu.memory_space<vmem>> -> memref<128xi32, #tpu.memory_space<vmem>>
    %dma_wait3A_440 = arith.constant 0 : i32
    %dma_wait3A_441 = arith.constant 0 : i32
    %dma_wait3A_442 = tpu.memref_slice %arg14[%dma_wait3A_440, %dma_wait3A_441] : memref<2048x128xf32, #tpu.memory_space<vmem_shared>> -> memref<2048x128xf32, #tpu.memory_space<vmem_shared>>
    tpu.wait_indirect_dma semaphore(%arg23 : memref<!tpu.dma_semaphore, #tpu.memory_space<semaphore_mem>>) src(%arg10 : memref<128x128xf32, #tpu.memory_space<vmem>>) dst(%dma_wait3A_442 : memref<2048x128xf32, #tpu.memory_space<vmem_shared>>)
    %dma_wait3A_443 = arith.constant 15 : i32
    %dma_wait3A_444 = arith.constant 0 : i32
    %dma_wait3A_445 = tpu.memref_slice %arg7[%dma_wait3A_443, %dma_wait3A_444] : memref<16x128xi32, #tpu.memory_space<vmem>> -> memref<1x128xi32, #tpu.memory_space<vmem>>
    %dma_wait3A_446 = tpu.memref_squeeze %dma_wait3A_445 : memref<1x128xi32, #tpu.memory_space<vmem>> -> memref<128xi32, #tpu.memory_space<vmem>>
    %dma_wait3A_447 = arith.constant 0 : i32
    %dma_wait3A_448 = arith.constant 0 : i32
    %dma_wait3A_449 = tpu.memref_slice %arg14[%dma_wait3A_447, %dma_wait3A_448] : memref<2048x128xf32, #tpu.memory_space<vmem_shared>> -> memref<2048x128xf32, #tpu.memory_space<vmem_shared>>
    tpu.wait_indirect_dma semaphore(%arg24 : memref<!tpu.dma_semaphore, #tpu.memory_space<semaphore_mem>>) src(%arg11 : memref<128x128xf32, #tpu.memory_space<vmem>>) dst(%dma_wait3A_449 : memref<2048x128xf32, #tpu.memory_space<vmem_shared>>)
    %barrier3A_450 = arith.constant 0 : index
    tpu.barrier barrier_id(%barrier3A_450)
    %mul3A_451 = arith.constant 128 : i32
    %mul3A_452 = arith.muli %arg1, %mul3A_451 : i32
    %mul3A_453 = arith.constant 128 : i32
    %mul3A_454 = arith.muli %arg1, %mul3A_453 : i32
    "tpu.region"() ({
      %run_scoped3A_455 = tpu.sem_alloc : memref<!tpu.dma_semaphore, #tpu.memory_space<semaphore_mem>>
      %dma_start3A_456 = arith.constant 0 : i32
      %dma_start3A_457 = tpu.memref_slice %arg5[%arg0, %mul3A_454, %dma_start3A_456] : memref<2x2048x128xf32, #tpu.memory_space<hbm>> -> memref<1x128x128xf32, #tpu.memory_space<hbm>>
      %dma_start3A_458 = tpu.memref_squeeze %dma_start3A_457 : memref<1x128x128xf32, #tpu.memory_space<hbm>> -> memref<128x128xf32, #tpu.memory_space<hbm>>
      %dma_start3A_459 = arith.constant 0 : i32
      %dma_start3A_460 = tpu.memref_slice %arg14[%mul3A_452, %dma_start3A_459] : memref<2048x128xf32, #tpu.memory_space<vmem_shared>> -> memref<128x128xf32, #tpu.memory_space<vmem_shared>>
      tpu.enqueue_dma source(%dma_start3A_460 : memref<128x128xf32, #tpu.memory_space<vmem_shared>>) target(%dma_start3A_458 : memref<128x128xf32, #tpu.memory_space<hbm>>) target_semaphore(%run_scoped3A_455 : memref<!tpu.dma_semaphore, #tpu.memory_space<semaphore_mem>>)
      %dma_wait3A_461 = arith.constant 0 : i32
      %dma_wait3A_462 = tpu.memref_slice %arg5[%arg0, %mul3A_454, %dma_wait3A_461] : memref<2x2048x128xf32, #tpu.memory_space<hbm>> -> memref<1x128x128xf32, #tpu.memory_space<hbm>>
      %dma_wait3A_463 = tpu.memref_squeeze %dma_wait3A_462 : memref<1x128x128xf32, #tpu.memory_space<hbm>> -> memref<128x128xf32, #tpu.memory_space<hbm>>
      %dma_wait3A_464 = arith.constant 0 : i32
      %dma_wait3A_465 = tpu.memref_slice %arg14[%mul3A_452, %dma_wait3A_464] : memref<2048x128xf32, #tpu.memory_space<vmem_shared>> -> memref<128x128xf32, #tpu.memory_space<vmem_shared>>
      tpu.wait_dma2 semaphore(%run_scoped3A_455 : memref<!tpu.dma_semaphore, #tpu.memory_space<semaphore_mem>>) src(%dma_wait3A_465 : memref<128x128xf32, #tpu.memory_space<vmem_shared>>) dst(%dma_wait3A_463 : memref<128x128xf32, #tpu.memory_space<hbm>>)
      tpu.yield
    }) : () -> ()
    return
  }
}

#map = affine_map<(d0, d1) -> (0, 0, 0, 0)>
#map1 = affine_map<(d0, d1) -> (0, 0, 0)>
module attributes {stable_mosaic.version = 14 : i64} {
  func.func @_deg_body(%arg0: i32, %arg1: i32, %arg2: memref<2x32x16x128xi32, #tpu.memory_space<hbm>>, %arg3: memref<2x16x128xf32, #tpu.memory_space<hbm>>, %arg4: memref<2x32x16x128xi32, #tpu.memory_space<hbm>>, %arg5: memref<16x128xi32, #tpu.memory_space<vmem>>, %arg6: memref<16x128xi32, #tpu.memory_space<vmem>>, %arg7: memref<16x128xf32, #tpu.memory_space<vmem>>, %arg8: memref<1x16xi32, #tpu.memory_space<vmem>>, %arg9: memref<16x128xf32, #tpu.memory_space<vmem_shared>>) attributes {dimension_semantics = [#tpu.dimension_semantics<core_parallel>, #tpu.dimension_semantics<subcore_parallel>], iteration_bounds = array<i64: 2, 16>, scalar_prefetch = 0 : i64, scratch_operands = 5 : i64, tpu.core_type = #tpu.core_type<sc_vector_subcore>, window_params = [{transform_indices = #map}, {transform_indices = #map1}, {transform_indices = #map}]} {
    %mul3A = arith.constant 2 : i32
    %mul3A_0 = arith.muli %arg1, %mul3A : i32
    %add3A = arith.addi %mul3A_0, %arg0 : i32
    %run_scoped3A = arith.constant 0 : i32
    "tpu.region"() ({
      %run_scoped3A_21 = tpu.sem_alloc : memref<!tpu.dma_semaphore, #tpu.memory_space<semaphore_mem>>
      %dma_start3A = arith.constant 0 : i32
      %dma_start3A_22 = arith.constant 0 : i32
      %dma_start3A_23 = tpu.memref_slice %arg2[%run_scoped3A, %add3A, %dma_start3A, %dma_start3A_22] : memref<2x32x16x128xi32, #tpu.memory_space<hbm>> -> memref<1x1x16x128xi32, #tpu.memory_space<hbm>>
      %dma_start3A_24 = tpu.memref_squeeze %dma_start3A_23 : memref<1x1x16x128xi32, #tpu.memory_space<hbm>> -> memref<16x128xi32, #tpu.memory_space<hbm>>
      %dma_start3A_25 = arith.constant 0 : i32
      %dma_start3A_26 = arith.constant 0 : i32
      %dma_start3A_27 = tpu.memref_slice %arg2[%run_scoped3A, %add3A, %dma_start3A_25, %dma_start3A_26] : memref<2x32x16x128xi32, #tpu.memory_space<hbm>> -> memref<1x1x16x128xi32, #tpu.memory_space<hbm>>
      %dma_start3A_28 = tpu.memref_squeeze %dma_start3A_27 : memref<1x1x16x128xi32, #tpu.memory_space<hbm>> -> memref<16x128xi32, #tpu.memory_space<hbm>>
      tpu.enqueue_dma source(%dma_start3A_28 : memref<16x128xi32, #tpu.memory_space<hbm>>) target(%arg5 : memref<16x128xi32, #tpu.memory_space<vmem>>) target_semaphore(%run_scoped3A_21 : memref<!tpu.dma_semaphore, #tpu.memory_space<semaphore_mem>>)
      %dma_wait3A = arith.constant 0 : i32
      %dma_wait3A_29 = arith.constant 0 : i32
      %dma_wait3A_30 = tpu.memref_slice %arg2[%run_scoped3A, %add3A, %dma_wait3A, %dma_wait3A_29] : memref<2x32x16x128xi32, #tpu.memory_space<hbm>> -> memref<1x1x16x128xi32, #tpu.memory_space<hbm>>
      %dma_wait3A_31 = tpu.memref_squeeze %dma_wait3A_30 : memref<1x1x16x128xi32, #tpu.memory_space<hbm>> -> memref<16x128xi32, #tpu.memory_space<hbm>>
      %dma_wait3A_32 = arith.constant 0 : i32
      %dma_wait3A_33 = arith.constant 0 : i32
      %dma_wait3A_34 = tpu.memref_slice %arg2[%run_scoped3A, %add3A, %dma_wait3A_32, %dma_wait3A_33] : memref<2x32x16x128xi32, #tpu.memory_space<hbm>> -> memref<1x1x16x128xi32, #tpu.memory_space<hbm>>
      %dma_wait3A_35 = tpu.memref_squeeze %dma_wait3A_34 : memref<1x1x16x128xi32, #tpu.memory_space<hbm>> -> memref<16x128xi32, #tpu.memory_space<hbm>>
      tpu.wait_dma2 semaphore(%run_scoped3A_21 : memref<!tpu.dma_semaphore, #tpu.memory_space<semaphore_mem>>) src(%dma_wait3A_35 : memref<16x128xi32, #tpu.memory_space<hbm>>) dst(%arg5 : memref<16x128xi32, #tpu.memory_space<vmem>>)
      tpu.yield
    }) : () -> ()
    %run_scoped3A_1 = arith.constant 1 : i32
    "tpu.region"() ({
      %run_scoped3A_21 = tpu.sem_alloc : memref<!tpu.dma_semaphore, #tpu.memory_space<semaphore_mem>>
      %dma_start3A = arith.constant 0 : i32
      %dma_start3A_22 = arith.constant 0 : i32
      %dma_start3A_23 = tpu.memref_slice %arg2[%run_scoped3A_1, %add3A, %dma_start3A, %dma_start3A_22] : memref<2x32x16x128xi32, #tpu.memory_space<hbm>> -> memref<1x1x16x128xi32, #tpu.memory_space<hbm>>
      %dma_start3A_24 = tpu.memref_squeeze %dma_start3A_23 : memref<1x1x16x128xi32, #tpu.memory_space<hbm>> -> memref<16x128xi32, #tpu.memory_space<hbm>>
      %dma_start3A_25 = arith.constant 0 : i32
      %dma_start3A_26 = arith.constant 0 : i32
      %dma_start3A_27 = tpu.memref_slice %arg2[%run_scoped3A_1, %add3A, %dma_start3A_25, %dma_start3A_26] : memref<2x32x16x128xi32, #tpu.memory_space<hbm>> -> memref<1x1x16x128xi32, #tpu.memory_space<hbm>>
      %dma_start3A_28 = tpu.memref_squeeze %dma_start3A_27 : memref<1x1x16x128xi32, #tpu.memory_space<hbm>> -> memref<16x128xi32, #tpu.memory_space<hbm>>
      tpu.enqueue_dma source(%dma_start3A_28 : memref<16x128xi32, #tpu.memory_space<hbm>>) target(%arg6 : memref<16x128xi32, #tpu.memory_space<vmem>>) target_semaphore(%run_scoped3A_21 : memref<!tpu.dma_semaphore, #tpu.memory_space<semaphore_mem>>)
      %dma_wait3A = arith.constant 0 : i32
      %dma_wait3A_29 = arith.constant 0 : i32
      %dma_wait3A_30 = tpu.memref_slice %arg2[%run_scoped3A_1, %add3A, %dma_wait3A, %dma_wait3A_29] : memref<2x32x16x128xi32, #tpu.memory_space<hbm>> -> memref<1x1x16x128xi32, #tpu.memory_space<hbm>>
      %dma_wait3A_31 = tpu.memref_squeeze %dma_wait3A_30 : memref<1x1x16x128xi32, #tpu.memory_space<hbm>> -> memref<16x128xi32, #tpu.memory_space<hbm>>
      %dma_wait3A_32 = arith.constant 0 : i32
      %dma_wait3A_33 = arith.constant 0 : i32
      %dma_wait3A_34 = tpu.memref_slice %arg2[%run_scoped3A_1, %add3A, %dma_wait3A_32, %dma_wait3A_33] : memref<2x32x16x128xi32, #tpu.memory_space<hbm>> -> memref<1x1x16x128xi32, #tpu.memory_space<hbm>>
      %dma_wait3A_35 = tpu.memref_squeeze %dma_wait3A_34 : memref<1x1x16x128xi32, #tpu.memory_space<hbm>> -> memref<16x128xi32, #tpu.memory_space<hbm>>
      tpu.wait_dma2 semaphore(%run_scoped3A_21 : memref<!tpu.dma_semaphore, #tpu.memory_space<semaphore_mem>>) src(%dma_wait3A_35 : memref<16x128xi32, #tpu.memory_space<hbm>>) dst(%arg6 : memref<16x128xi32, #tpu.memory_space<vmem>>)
      tpu.yield
    }) : () -> ()
    %scan3A = arith.constant 0 : i32
    %scan3A_2 = arith.constant 0 : i32
    %scan3A_3 = arith.constant 16 : i32
    %scan3A_4 = arith.addi %scan3A_2, %scan3A_3 : i32
    %scan3A_5 = arith.constant 1 : i32
    scf.for %scan3A_21 = %scan3A_2 to %scan3A_4 step %scan3A_5  : i32 {
      %scan3A_22 = arith.constant 0 : i32
      %scan3A_23 = arith.constant 8 : i32
      %scan3A_24 = arith.addi %scan3A_22, %scan3A_23 : i32
      %scan3A_25 = arith.constant 1 : i32
      scf.for %scan3A_27 = %scan3A_22 to %scan3A_24 step %scan3A_25  : i32 {
        %broadcast_in_dim3A_28 = arith.constant 0.000000e+00 : f32
        %broadcast_in_dim3A_29 = vector.broadcast %broadcast_in_dim3A_28 : f32 to vector<16xf32>
        %mul3A_30 = arith.constant 16 : i32
        %mul3A_31 = arith.muli %scan3A_27, %mul3A_30 : i32
        %swap3A_32 = arith.index_cast %scan3A_21 : i32 to index
        %swap3A_33 = arith.index_cast %mul3A_31 : i32 to index
        %swap3A_34 = tpu.vector_load %arg7[%swap3A_32, %swap3A_33] {strides = array<i32>} : memref<16x128xf32, #tpu.memory_space<vmem>>, vector<16xf32>,
        tpu.vector_store %arg7[%swap3A_32, %swap3A_33], %broadcast_in_dim3A_29 {strides = array<i32>} : memref<16x128xf32, #tpu.memory_space<vmem>>, vector<16xf32>,
      }
      %scan3A_26 = arith.constant 8 : i32
    }
    %scan3A_6 = arith.constant 16 : i32
    %iota3A = tpu.iota {dimensions = array<i32: 0>} : vector<16xi32>
    %swap3A = arith.constant 0 : i32
    %swap3A_7 = arith.index_cast %swap3A : i32 to index
    %swap3A_8 = arith.constant 0 : index
    %swap3A_9 = tpu.vector_load %arg8[%swap3A_7, %swap3A_8] {strides = array<i32>} : memref<1x16xi32, #tpu.memory_space<vmem>>, vector<16xi32>,
    tpu.vector_store %arg8[%swap3A_7, %swap3A_8], %iota3A {strides = array<i32>} : memref<1x16xi32, #tpu.memory_space<vmem>>, vector<16xi32>,
    "tpu.region"() ({
      %run_scoped3A_21 = tpu.sem_alloc : memref<!tpu.dma_semaphore, #tpu.memory_space<semaphore_mem>>
      %dma_start3A = arith.constant 0 : i32
      %dma_start3A_22 = arith.constant 0 : i32
      %dma_start3A_23 = tpu.memref_slice %arg7[%dma_start3A, %dma_start3A_22] : memref<16x128xf32, #tpu.memory_space<vmem>> -> memref<1x128xf32, #tpu.memory_space<vmem>>
      %dma_start3A_24 = arith.constant 0 : i32
      %dma_start3A_25 = tpu.memref_slice %arg9[%arg1, %dma_start3A_24] : memref<16x128xf32, #tpu.memory_space<vmem_shared>> -> memref<1x128xf32, #tpu.memory_space<vmem_shared>>
      %dma_start3A_26 = arith.constant 0 : i32
      %dma_start3A_27 = tpu.memref_slice %arg9[%arg1, %dma_start3A_26] : memref<16x128xf32, #tpu.memory_space<vmem_shared>> -> memref<1x128xf32, #tpu.memory_space<vmem_shared>>
      %dma_start3A_28 = arith.constant 0 : i32
      %dma_start3A_29 = arith.constant 0 : i32
      %dma_start3A_30 = tpu.memref_slice %arg7[%dma_start3A_28, %dma_start3A_29] : memref<16x128xf32, #tpu.memory_space<vmem>> -> memref<1x128xf32, #tpu.memory_space<vmem>>
      tpu.enqueue_dma source(%dma_start3A_30 : memref<1x128xf32, #tpu.memory_space<vmem>>) target(%dma_start3A_27 : memref<1x128xf32, #tpu.memory_space<vmem_shared>>) target_semaphore(%run_scoped3A_21 : memref<!tpu.dma_semaphore, #tpu.memory_space<semaphore_mem>>)
      %dma_wait3A = arith.constant 0 : i32
      %dma_wait3A_31 = arith.constant 0 : i32
      %dma_wait3A_32 = tpu.memref_slice %arg7[%dma_wait3A, %dma_wait3A_31] : memref<16x128xf32, #tpu.memory_space<vmem>> -> memref<1x128xf32, #tpu.memory_space<vmem>>
      %dma_wait3A_33 = arith.constant 0 : i32
      %dma_wait3A_34 = tpu.memref_slice %arg9[%arg1, %dma_wait3A_33] : memref<16x128xf32, #tpu.memory_space<vmem_shared>> -> memref<1x128xf32, #tpu.memory_space<vmem_shared>>
      %dma_wait3A_35 = arith.constant 0 : i32
      %dma_wait3A_36 = tpu.memref_slice %arg9[%arg1, %dma_wait3A_35] : memref<16x128xf32, #tpu.memory_space<vmem_shared>> -> memref<1x128xf32, #tpu.memory_space<vmem_shared>>
      %dma_wait3A_37 = arith.constant 0 : i32
      %dma_wait3A_38 = arith.constant 0 : i32
      %dma_wait3A_39 = tpu.memref_slice %arg7[%dma_wait3A_37, %dma_wait3A_38] : memref<16x128xf32, #tpu.memory_space<vmem>> -> memref<1x128xf32, #tpu.memory_space<vmem>>
      tpu.wait_dma2 semaphore(%run_scoped3A_21 : memref<!tpu.dma_semaphore, #tpu.memory_space<semaphore_mem>>) src(%dma_wait3A_39 : memref<1x128xf32, #tpu.memory_space<vmem>>) dst(%dma_wait3A_36 : memref<1x128xf32, #tpu.memory_space<vmem_shared>>)
      tpu.yield
    }) : () -> ()
    %broadcast_in_dim3A = arith.constant 1.000000e+00 : f32
    %broadcast_in_dim3A_10 = vector.broadcast %broadcast_in_dim3A : f32 to vector<16xf32>
    %scan3A_11 = arith.constant 0 : i32
    %scan3A_12 = arith.constant 0 : i32
    %scan3A_13 = arith.constant 16 : i32
    %scan3A_14 = arith.addi %scan3A_12, %scan3A_13 : i32
    %scan3A_15 = arith.constant 1 : i32
    scf.for %scan3A_21 = %scan3A_12 to %scan3A_14 step %scan3A_15  : i32 {
      %scan3A_22 = arith.constant 0 : i32
      %scan3A_23 = arith.constant 8 : i32
      %scan3A_24 = arith.addi %scan3A_22, %scan3A_23 : i32
      %scan3A_25 = arith.constant 1 : i32
      scf.for %scan3A_27 = %scan3A_22 to %scan3A_24 step %scan3A_25  : i32 {
        %mul3A_28 = arith.constant 16 : i32
        %mul3A_29 = arith.muli %scan3A_27, %mul3A_28 : i32
        %get3A = arith.index_cast %scan3A_21 : i32 to index
        %get3A_30 = arith.index_cast %mul3A_29 : i32 to index
        %get3A_31 = tpu.vector_load %arg5[%get3A, %get3A_30] {strides = array<i32>} : memref<16x128xi32, #tpu.memory_space<vmem>>, vector<16xi32>,
        %and3A = arith.constant 127 : i32
        %and3A_32 = vector.broadcast %and3A : i32 to vector<16xi32>
        %and3A_33 = arith.andi %get3A_31, %and3A_32 : vector<16xi32>
        %shift_left3A = arith.constant 4 : i32
        %shift_left3A_34 = vector.broadcast %shift_left3A : i32 to vector<16xi32>
        %shift_left3A_35 = arith.shli %and3A_33, %shift_left3A_34 : vector<16xi32>
        %shift_right_arithmetic3A = arith.constant 7 : i32
        %shift_right_arithmetic3A_36 = vector.broadcast %shift_right_arithmetic3A : i32 to vector<16xi32>
        %shift_right_arithmetic3A_37 = arith.shrsi %get3A_31, %shift_right_arithmetic3A_36 : vector<16xi32>
        %or3A = arith.ori %shift_left3A_35, %shift_right_arithmetic3A_37 : vector<16xi32>
        %mul3A_38 = arith.constant 16 : i32
        %mul3A_39 = arith.muli %scan3A_27, %mul3A_38 : i32
        %swap3A_40 = arith.index_cast %scan3A_21 : i32 to index
        %swap3A_41 = arith.index_cast %mul3A_39 : i32 to index
        %swap3A_42 = tpu.vector_load %arg5[%swap3A_40, %swap3A_41] {strides = array<i32>} : memref<16x128xi32, #tpu.memory_space<vmem>>, vector<16xi32>,
        tpu.vector_store %arg5[%swap3A_40, %swap3A_41], %or3A {strides = array<i32>} : memref<16x128xi32, #tpu.memory_space<vmem>>, vector<16xi32>,
        %mul3A_43 = arith.constant 16 : i32
        %mul3A_44 = arith.muli %scan3A_27, %mul3A_43 : i32
        %get3A_45 = arith.index_cast %scan3A_21 : i32 to index
        %get3A_46 = arith.index_cast %mul3A_44 : i32 to index
        %get3A_47 = tpu.vector_load %arg6[%get3A_45, %get3A_46] {strides = array<i32>} : memref<16x128xi32, #tpu.memory_space<vmem>>, vector<16xi32>,
        %and3A_48 = arith.constant 127 : i32
        %and3A_49 = vector.broadcast %and3A_48 : i32 to vector<16xi32>
        %and3A_50 = arith.andi %get3A_47, %and3A_49 : vector<16xi32>
        %shift_left3A_51 = arith.constant 4 : i32
        %shift_left3A_52 = vector.broadcast %shift_left3A_51 : i32 to vector<16xi32>
        %shift_left3A_53 = arith.shli %and3A_50, %shift_left3A_52 : vector<16xi32>
        %shift_right_arithmetic3A_54 = arith.constant 7 : i32
        %shift_right_arithmetic3A_55 = vector.broadcast %shift_right_arithmetic3A_54 : i32 to vector<16xi32>
        %shift_right_arithmetic3A_56 = arith.shrsi %get3A_47, %shift_right_arithmetic3A_55 : vector<16xi32>
        %or3A_57 = arith.ori %shift_left3A_53, %shift_right_arithmetic3A_56 : vector<16xi32>
        %mul3A_58 = arith.constant 16 : i32
        %mul3A_59 = arith.muli %scan3A_27, %mul3A_58 : i32
        %swap3A_60 = arith.index_cast %scan3A_21 : i32 to index
        %swap3A_61 = arith.index_cast %mul3A_59 : i32 to index
        %swap3A_62 = tpu.vector_load %arg6[%swap3A_60, %swap3A_61] {strides = array<i32>} : memref<16x128xi32, #tpu.memory_space<vmem>>, vector<16xi32>,
        tpu.vector_store %arg6[%swap3A_60, %swap3A_61], %or3A_57 {strides = array<i32>} : memref<16x128xi32, #tpu.memory_space<vmem>>, vector<16xi32>,
        %shift_right_arithmetic3A_63 = arith.constant 7 : i32
        %shift_right_arithmetic3A_64 = vector.broadcast %shift_right_arithmetic3A_63 : i32 to vector<16xi32>
        %shift_right_arithmetic3A_65 = arith.shrsi %or3A_57, %shift_right_arithmetic3A_64 : vector<16xi32>
        %and3A_66 = arith.constant 127 : i32
        %and3A_67 = vector.broadcast %and3A_66 : i32 to vector<16xi32>
        %and3A_68 = arith.andi %or3A_57, %and3A_67 : vector<16xi32>
        tpu.vector_store_idx %arg7[%shift_right_arithmetic3A_65, %and3A_68], %broadcast_in_dim3A_10 {add = true} : memref<16x128xf32, #tpu.memory_space<vmem>>[vector<16xi32>, vector<16xi32>], vector<16xf32>,
      }
      %scan3A_26 = arith.constant 8 : i32
    }
    %scan3A_16 = arith.constant 16 : i32
    %run_scoped3A_17 = arith.constant 0 : i32
    "tpu.region"() ({
      %run_scoped3A_21 = tpu.sem_alloc : memref<!tpu.dma_semaphore, #tpu.memory_space<semaphore_mem>>
      %dma_start3A = arith.constant 0 : i32
      %dma_start3A_22 = arith.constant 0 : i32
      %dma_start3A_23 = tpu.memref_slice %arg4[%run_scoped3A_17, %add3A, %dma_start3A, %dma_start3A_22] : memref<2x32x16x128xi32, #tpu.memory_space<hbm>> -> memref<1x1x16x128xi32, #tpu.memory_space<hbm>>
      %dma_start3A_24 = tpu.memref_squeeze %dma_start3A_23 : memref<1x1x16x128xi32, #tpu.memory_space<hbm>> -> memref<16x128xi32, #tpu.memory_space<hbm>>
      %dma_start3A_25 = arith.constant 0 : i32
      %dma_start3A_26 = arith.constant 0 : i32
      %dma_start3A_27 = tpu.memref_slice %arg4[%run_scoped3A_17, %add3A, %dma_start3A_25, %dma_start3A_26] : memref<2x32x16x128xi32, #tpu.memory_space<hbm>> -> memref<1x1x16x128xi32, #tpu.memory_space<hbm>>
      %dma_start3A_28 = tpu.memref_squeeze %dma_start3A_27 : memref<1x1x16x128xi32, #tpu.memory_space<hbm>> -> memref<16x128xi32, #tpu.memory_space<hbm>>
      tpu.enqueue_dma source(%arg5 : memref<16x128xi32, #tpu.memory_space<vmem>>) target(%dma_start3A_28 : memref<16x128xi32, #tpu.memory_space<hbm>>) target_semaphore(%run_scoped3A_21 : memref<!tpu.dma_semaphore, #tpu.memory_space<semaphore_mem>>)
      %dma_wait3A = arith.constant 0 : i32
      %dma_wait3A_29 = arith.constant 0 : i32
      %dma_wait3A_30 = tpu.memref_slice %arg4[%run_scoped3A_17, %add3A, %dma_wait3A, %dma_wait3A_29] : memref<2x32x16x128xi32, #tpu.memory_space<hbm>> -> memref<1x1x16x128xi32, #tpu.memory_space<hbm>>
      %dma_wait3A_31 = tpu.memref_squeeze %dma_wait3A_30 : memref<1x1x16x128xi32, #tpu.memory_space<hbm>> -> memref<16x128xi32, #tpu.memory_space<hbm>>
      %dma_wait3A_32 = arith.constant 0 : i32
      %dma_wait3A_33 = arith.constant 0 : i32
      %dma_wait3A_34 = tpu.memref_slice %arg4[%run_scoped3A_17, %add3A, %dma_wait3A_32, %dma_wait3A_33] : memref<2x32x16x128xi32, #tpu.memory_space<hbm>> -> memref<1x1x16x128xi32, #tpu.memory_space<hbm>>
      %dma_wait3A_35 = tpu.memref_squeeze %dma_wait3A_34 : memref<1x1x16x128xi32, #tpu.memory_space<hbm>> -> memref<16x128xi32, #tpu.memory_space<hbm>>
      tpu.wait_dma2 semaphore(%run_scoped3A_21 : memref<!tpu.dma_semaphore, #tpu.memory_space<semaphore_mem>>) src(%arg5 : memref<16x128xi32, #tpu.memory_space<vmem>>) dst(%dma_wait3A_35 : memref<16x128xi32, #tpu.memory_space<hbm>>)
      tpu.yield
    }) : () -> ()
    %run_scoped3A_18 = arith.constant 1 : i32
    "tpu.region"() ({
      %run_scoped3A_21 = tpu.sem_alloc : memref<!tpu.dma_semaphore, #tpu.memory_space<semaphore_mem>>
      %dma_start3A = arith.constant 0 : i32
      %dma_start3A_22 = arith.constant 0 : i32
      %dma_start3A_23 = tpu.memref_slice %arg4[%run_scoped3A_18, %add3A, %dma_start3A, %dma_start3A_22] : memref<2x32x16x128xi32, #tpu.memory_space<hbm>> -> memref<1x1x16x128xi32, #tpu.memory_space<hbm>>
      %dma_start3A_24 = tpu.memref_squeeze %dma_start3A_23 : memref<1x1x16x128xi32, #tpu.memory_space<hbm>> -> memref<16x128xi32, #tpu.memory_space<hbm>>
      %dma_start3A_25 = arith.constant 0 : i32
      %dma_start3A_26 = arith.constant 0 : i32
      %dma_start3A_27 = tpu.memref_slice %arg4[%run_scoped3A_18, %add3A, %dma_start3A_25, %dma_start3A_26] : memref<2x32x16x128xi32, #tpu.memory_space<hbm>> -> memref<1x1x16x128xi32, #tpu.memory_space<hbm>>
      %dma_start3A_28 = tpu.memref_squeeze %dma_start3A_27 : memref<1x1x16x128xi32, #tpu.memory_space<hbm>> -> memref<16x128xi32, #tpu.memory_space<hbm>>
      tpu.enqueue_dma source(%arg6 : memref<16x128xi32, #tpu.memory_space<vmem>>) target(%dma_start3A_28 : memref<16x128xi32, #tpu.memory_space<hbm>>) target_semaphore(%run_scoped3A_21 : memref<!tpu.dma_semaphore, #tpu.memory_space<semaphore_mem>>)
      %dma_wait3A = arith.constant 0 : i32
      %dma_wait3A_29 = arith.constant 0 : i32
      %dma_wait3A_30 = tpu.memref_slice %arg4[%run_scoped3A_18, %add3A, %dma_wait3A, %dma_wait3A_29] : memref<2x32x16x128xi32, #tpu.memory_space<hbm>> -> memref<1x1x16x128xi32, #tpu.memory_space<hbm>>
      %dma_wait3A_31 = tpu.memref_squeeze %dma_wait3A_30 : memref<1x1x16x128xi32, #tpu.memory_space<hbm>> -> memref<16x128xi32, #tpu.memory_space<hbm>>
      %dma_wait3A_32 = arith.constant 0 : i32
      %dma_wait3A_33 = arith.constant 0 : i32
      %dma_wait3A_34 = tpu.memref_slice %arg4[%run_scoped3A_18, %add3A, %dma_wait3A_32, %dma_wait3A_33] : memref<2x32x16x128xi32, #tpu.memory_space<hbm>> -> memref<1x1x16x128xi32, #tpu.memory_space<hbm>>
      %dma_wait3A_35 = tpu.memref_squeeze %dma_wait3A_34 : memref<1x1x16x128xi32, #tpu.memory_space<hbm>> -> memref<16x128xi32, #tpu.memory_space<hbm>>
      tpu.wait_dma2 semaphore(%run_scoped3A_21 : memref<!tpu.dma_semaphore, #tpu.memory_space<semaphore_mem>>) src(%arg6 : memref<16x128xi32, #tpu.memory_space<vmem>>) dst(%dma_wait3A_35 : memref<16x128xi32, #tpu.memory_space<hbm>>)
      tpu.yield
    }) : () -> ()
    %barrier3A = arith.constant 0 : index
    tpu.barrier barrier_id(%barrier3A)
    %run_scoped3A_19 = arith.constant 0 : i32
    "tpu.region"() ({
      %run_scoped3A_21 = tpu.sem_alloc : memref<!tpu.dma_semaphore, #tpu.memory_space<semaphore_mem>>
      %dma_start3A = arith.constant 0 : i32
      %dma_start3A_22 = tpu.memref_slice %arg8[%run_scoped3A_19, %dma_start3A] : memref<1x16xi32, #tpu.memory_space<vmem>> -> memref<1x16xi32, #tpu.memory_space<vmem>>
      %dma_start3A_23 = tpu.memref_squeeze %dma_start3A_22 : memref<1x16xi32, #tpu.memory_space<vmem>> -> memref<16xi32, #tpu.memory_space<vmem>>
      %dma_start3A_24 = arith.constant 0 : i32
      %dma_start3A_25 = arith.constant 0 : i32
      %dma_start3A_26 = tpu.memref_slice %arg9[%dma_start3A_24, %dma_start3A_25] : memref<16x128xf32, #tpu.memory_space<vmem_shared>> -> memref<16x128xf32, #tpu.memory_space<vmem_shared>>
      tpu.enqueue_indirect_dma source(%arg7 : memref<16x128xf32, #tpu.memory_space<vmem>>) target(%dma_start3A_26 : memref<16x128xf32, #tpu.memory_space<vmem_shared>>) offsets(%dma_start3A_23 : memref<16xi32, #tpu.memory_space<vmem>>) semaphore(%run_scoped3A_21 : memref<!tpu.dma_semaphore, #tpu.memory_space<semaphore_mem>>) {add = true}
      %dma_wait3A = arith.constant 0 : i32
      %dma_wait3A_27 = tpu.memref_slice %arg8[%run_scoped3A_19, %dma_wait3A] : memref<1x16xi32, #tpu.memory_space<vmem>> -> memref<1x16xi32, #tpu.memory_space<vmem>>
      %dma_wait3A_28 = tpu.memref_squeeze %dma_wait3A_27 : memref<1x16xi32, #tpu.memory_space<vmem>> -> memref<16xi32, #tpu.memory_space<vmem>>
      %dma_wait3A_29 = arith.constant 0 : i32
      %dma_wait3A_30 = arith.constant 0 : i32
      %dma_wait3A_31 = tpu.memref_slice %arg9[%dma_wait3A_29, %dma_wait3A_30] : memref<16x128xf32, #tpu.memory_space<vmem_shared>> -> memref<16x128xf32, #tpu.memory_space<vmem_shared>>
      tpu.wait_indirect_dma semaphore(%run_scoped3A_21 : memref<!tpu.dma_semaphore, #tpu.memory_space<semaphore_mem>>) src(%arg7 : memref<16x128xf32, #tpu.memory_space<vmem>>) dst(%dma_wait3A_31 : memref<16x128xf32, #tpu.memory_space<vmem_shared>>)
      tpu.yield
    }) : () -> ()
    %barrier3A_20 = arith.constant 0 : index
    tpu.barrier barrier_id(%barrier3A_20)
    "tpu.region"() ({
      %run_scoped3A_21 = tpu.sem_alloc : memref<!tpu.dma_semaphore, #tpu.memory_space<semaphore_mem>>
      %dma_start3A = arith.constant 0 : i32
      %dma_start3A_22 = tpu.memref_slice %arg3[%arg0, %arg1, %dma_start3A] : memref<2x16x128xf32, #tpu.memory_space<hbm>> -> memref<1x1x128xf32, #tpu.memory_space<hbm>>
      %dma_start3A_23 = tpu.memref_squeeze %dma_start3A_22 : memref<1x1x128xf32, #tpu.memory_space<hbm>> -> memref<1x128xf32, #tpu.memory_space<hbm>>
      %dma_start3A_24 = arith.constant 0 : i32
      %dma_start3A_25 = tpu.memref_slice %arg9[%arg1, %dma_start3A_24] : memref<16x128xf32, #tpu.memory_space<vmem_shared>> -> memref<1x128xf32, #tpu.memory_space<vmem_shared>>
      tpu.enqueue_dma source(%dma_start3A_25 : memref<1x128xf32, #tpu.memory_space<vmem_shared>>) target(%dma_start3A_23 : memref<1x128xf32, #tpu.memory_space<hbm>>) target_semaphore(%run_scoped3A_21 : memref<!tpu.dma_semaphore, #tpu.memory_space<semaphore_mem>>)
      %dma_wait3A = arith.constant 0 : i32
      %dma_wait3A_26 = tpu.memref_slice %arg3[%arg0, %arg1, %dma_wait3A] : memref<2x16x128xf32, #tpu.memory_space<hbm>> -> memref<1x1x128xf32, #tpu.memory_space<hbm>>
      %dma_wait3A_27 = tpu.memref_squeeze %dma_wait3A_26 : memref<1x1x128xf32, #tpu.memory_space<hbm>> -> memref<1x128xf32, #tpu.memory_space<hbm>>
      %dma_wait3A_28 = arith.constant 0 : i32
      %dma_wait3A_29 = tpu.memref_slice %arg9[%arg1, %dma_wait3A_28] : memref<16x128xf32, #tpu.memory_space<vmem_shared>> -> memref<1x128xf32, #tpu.memory_space<vmem_shared>>
      tpu.wait_dma2 semaphore(%run_scoped3A_21 : memref<!tpu.dma_semaphore, #tpu.memory_space<semaphore_mem>>) src(%dma_wait3A_29 : memref<1x128xf32, #tpu.memory_space<vmem_shared>>) dst(%dma_wait3A_27 : memref<1x128xf32, #tpu.memory_space<hbm>>)
      tpu.yield
    }) : () -> ()
    return
  }
}

#map = affine_map<(d0, d1) -> (0, 0)>
#map1 = affine_map<(d0, d1) -> (0, 0, 0, 0)>
#map2 = affine_map<(d0, d1) -> (0, 0, 0)>
module attributes {stable_mosaic.version = 14 : i64} {
  func.func @_scatter_body(%arg0: i32, %arg1: i32, %arg2: memref<2048x128xf32, #tpu.memory_space<hbm>>, %arg3: memref<2x32x16x128xi32, #tpu.memory_space<hbm>>, %arg4: memref<128x128xf32, #tpu.memory_space<hbm>>, %arg5: memref<2x2048x128xf32, #tpu.memory_space<hbm>>, %arg6: memref<16x128xi32, #tpu.memory_space<vmem>>, %arg7: memref<16x128xi32, #tpu.memory_space<vmem>>, %arg8: memref<128x128xf32, #tpu.memory_space<vmem>>, %arg9: memref<128x128xf32, #tpu.memory_space<vmem>>, %arg10: memref<128x128xf32, #tpu.memory_space<vmem>>, %arg11: memref<128x128xf32, #tpu.memory_space<vmem>>, %arg12: memref<128x128xf32, #tpu.memory_space<vmem>>, %arg13: memref<128x128xf32, #tpu.memory_space<vmem>>, %arg14: memref<2048x128xf32, #tpu.memory_space<vmem_shared>>, %arg15: memref<!tpu.dma_semaphore, #tpu.memory_space<semaphore_mem>>, %arg16: memref<!tpu.dma_semaphore, #tpu.memory_space<semaphore_mem>>, %arg17: memref<!tpu.dma_semaphore, #tpu.memory_space<semaphore_mem>>, %arg18: memref<!tpu.dma_semaphore, #tpu.memory_space<semaphore_mem>>, %arg19: memref<!tpu.dma_semaphore, #tpu.memory_space<semaphore_mem>>, %arg20: memref<!tpu.dma_semaphore, #tpu.memory_space<semaphore_mem>>, %arg21: memref<!tpu.dma_semaphore, #tpu.memory_space<semaphore_mem>>, %arg22: memref<!tpu.dma_semaphore, #tpu.memory_space<semaphore_mem>>, %arg23: memref<!tpu.dma_semaphore, #tpu.memory_space<semaphore_mem>>, %arg24: memref<!tpu.dma_semaphore, #tpu.memory_space<semaphore_mem>>, %arg25: memref<!tpu.dma_semaphore, #tpu.memory_space<semaphore_mem>>, %arg26: memref<!tpu.dma_semaphore, #tpu.memory_space<semaphore_mem>>) attributes {dimension_semantics = [#tpu.dimension_semantics<core_parallel>, #tpu.dimension_semantics<subcore_parallel>], iteration_bounds = array<i64: 2, 16>, scalar_prefetch = 0 : i64, scratch_operands = 21 : i64, tpu.core_type = #tpu.core_type<sc_vector_subcore>, window_params = [{transform_indices = #map}, {transform_indices = #map1}, {transform_indices = #map}, {transform_indices = #map2}]} {
    %mul3A = arith.constant 2 : i32
    %mul3A_0 = arith.muli %arg1, %mul3A : i32
    %add3A = arith.addi %mul3A_0, %arg0 : i32
    %run_scoped3A = arith.constant 0 : i32
    "tpu.region"() ({
      %run_scoped3A_455 = tpu.sem_alloc : memref<!tpu.dma_semaphore, #tpu.memory_space<semaphore_mem>>
      %dma_start3A_456 = arith.constant 0 : i32
      %dma_start3A_457 = arith.constant 0 : i32
      %dma_start3A_458 = tpu.memref_slice %arg3[%run_scoped3A, %add3A, %dma_start3A_456, %dma_start3A_457] : memref<2x32x16x128xi32, #tpu.memory_space<hbm>> -> memref<1x1x16x128xi32, #tpu.memory_space<hbm>>
      %dma_start3A_459 = tpu.memref_squeeze %dma_start3A_458 : memref<1x1x16x128xi32, #tpu.memory_space<hbm>> -> memref<16x128xi32, #tpu.memory_space<hbm>>
      %dma_start3A_460 = arith.constant 0 : i32
      %dma_start3A_461 = arith.constant 0 : i32
      %dma_start3A_462 = tpu.memref_slice %arg3[%run_scoped3A, %add3A, %dma_start3A_460, %dma_start3A_461] : memref<2x32x16x128xi32, #tpu.memory_space<hbm>> -> memref<1x1x16x128xi32, #tpu.memory_space<hbm>>
      %dma_start3A_463 = tpu.memref_squeeze %dma_start3A_462 : memref<1x1x16x128xi32, #tpu.memory_space<hbm>> -> memref<16x128xi32, #tpu.memory_space<hbm>>
      tpu.enqueue_dma source(%dma_start3A_463 : memref<16x128xi32, #tpu.memory_space<hbm>>) target(%arg6 : memref<16x128xi32, #tpu.memory_space<vmem>>) target_semaphore(%run_scoped3A_455 : memref<!tpu.dma_semaphore, #tpu.memory_space<semaphore_mem>>)
      %dma_wait3A_464 = arith.constant 0 : i32
      %dma_wait3A_465 = arith.constant 0 : i32
      %dma_wait3A_466 = tpu.memref_slice %arg3[%run_scoped3A, %add3A, %dma_wait3A_464, %dma_wait3A_465] : memref<2x32x16x128xi32, #tpu.memory_space<hbm>> -> memref<1x1x16x128xi32, #tpu.memory_space<hbm>>
      %dma_wait3A_467 = tpu.memref_squeeze %dma_wait3A_466 : memref<1x1x16x128xi32, #tpu.memory_space<hbm>> -> memref<16x128xi32, #tpu.memory_space<hbm>>
      %dma_wait3A_468 = arith.constant 0 : i32
      %dma_wait3A_469 = arith.constant 0 : i32
      %dma_wait3A_470 = tpu.memref_slice %arg3[%run_scoped3A, %add3A, %dma_wait3A_468, %dma_wait3A_469] : memref<2x32x16x128xi32, #tpu.memory_space<hbm>> -> memref<1x1x16x128xi32, #tpu.memory_space<hbm>>
      %dma_wait3A_471 = tpu.memref_squeeze %dma_wait3A_470 : memref<1x1x16x128xi32, #tpu.memory_space<hbm>> -> memref<16x128xi32, #tpu.memory_space<hbm>>
      tpu.wait_dma2 semaphore(%run_scoped3A_455 : memref<!tpu.dma_semaphore, #tpu.memory_space<semaphore_mem>>) src(%dma_wait3A_471 : memref<16x128xi32, #tpu.memory_space<hbm>>) dst(%arg6 : memref<16x128xi32, #tpu.memory_space<vmem>>)
      tpu.yield
    }) : () -> ()
    %run_scoped3A_1 = arith.constant 1 : i32
    "tpu.region"() ({
      %run_scoped3A_455 = tpu.sem_alloc : memref<!tpu.dma_semaphore, #tpu.memory_space<semaphore_mem>>
      %dma_start3A_456 = arith.constant 0 : i32
      %dma_start3A_457 = arith.constant 0 : i32
      %dma_start3A_458 = tpu.memref_slice %arg3[%run_scoped3A_1, %add3A, %dma_start3A_456, %dma_start3A_457] : memref<2x32x16x128xi32, #tpu.memory_space<hbm>> -> memref<1x1x16x128xi32, #tpu.memory_space<hbm>>
      %dma_start3A_459 = tpu.memref_squeeze %dma_start3A_458 : memref<1x1x16x128xi32, #tpu.memory_space<hbm>> -> memref<16x128xi32, #tpu.memory_space<hbm>>
      %dma_start3A_460 = arith.constant 0 : i32
      %dma_start3A_461 = arith.constant 0 : i32
      %dma_start3A_462 = tpu.memref_slice %arg3[%run_scoped3A_1, %add3A, %dma_start3A_460, %dma_start3A_461] : memref<2x32x16x128xi32, #tpu.memory_space<hbm>> -> memref<1x1x16x128xi32, #tpu.memory_space<hbm>>
      %dma_start3A_463 = tpu.memref_squeeze %dma_start3A_462 : memref<1x1x16x128xi32, #tpu.memory_space<hbm>> -> memref<16x128xi32, #tpu.memory_space<hbm>>
      tpu.enqueue_dma source(%dma_start3A_463 : memref<16x128xi32, #tpu.memory_space<hbm>>) target(%arg7 : memref<16x128xi32, #tpu.memory_space<vmem>>) target_semaphore(%run_scoped3A_455 : memref<!tpu.dma_semaphore, #tpu.memory_space<semaphore_mem>>)
      %dma_wait3A_464 = arith.constant 0 : i32
      %dma_wait3A_465 = arith.constant 0 : i32
      %dma_wait3A_466 = tpu.memref_slice %arg3[%run_scoped3A_1, %add3A, %dma_wait3A_464, %dma_wait3A_465] : memref<2x32x16x128xi32, #tpu.memory_space<hbm>> -> memref<1x1x16x128xi32, #tpu.memory_space<hbm>>
      %dma_wait3A_467 = tpu.memref_squeeze %dma_wait3A_466 : memref<1x1x16x128xi32, #tpu.memory_space<hbm>> -> memref<16x128xi32, #tpu.memory_space<hbm>>
      %dma_wait3A_468 = arith.constant 0 : i32
      %dma_wait3A_469 = arith.constant 0 : i32
      %dma_wait3A_470 = tpu.memref_slice %arg3[%run_scoped3A_1, %add3A, %dma_wait3A_468, %dma_wait3A_469] : memref<2x32x16x128xi32, #tpu.memory_space<hbm>> -> memref<1x1x16x128xi32, #tpu.memory_space<hbm>>
      %dma_wait3A_471 = tpu.memref_squeeze %dma_wait3A_470 : memref<1x1x16x128xi32, #tpu.memory_space<hbm>> -> memref<16x128xi32, #tpu.memory_space<hbm>>
      tpu.wait_dma2 semaphore(%run_scoped3A_455 : memref<!tpu.dma_semaphore, #tpu.memory_space<semaphore_mem>>) src(%dma_wait3A_471 : memref<16x128xi32, #tpu.memory_space<hbm>>) dst(%arg7 : memref<16x128xi32, #tpu.memory_space<vmem>>)
      tpu.yield
    }) : () -> ()
    %dma_start3A = arith.constant 0 : i32
    %dma_start3A_2 = arith.constant 0 : i32
    %dma_start3A_3 = tpu.memref_slice %arg6[%dma_start3A, %dma_start3A_2] : memref<16x128xi32, #tpu.memory_space<vmem>> -> memref<1x128xi32, #tpu.memory_space<vmem>>
    %dma_start3A_4 = tpu.memref_squeeze %dma_start3A_3 : memref<1x128xi32, #tpu.memory_space<vmem>> -> memref<128xi32, #tpu.memory_space<vmem>>
    %dma_start3A_5 = arith.constant 0 : i32
    %dma_start3A_6 = arith.constant 0 : i32
    %dma_start3A_7 = tpu.memref_slice %arg2[%dma_start3A_5, %dma_start3A_6] : memref<2048x128xf32, #tpu.memory_space<hbm>> -> memref<2048x128xf32, #tpu.memory_space<hbm>>
    tpu.enqueue_indirect_dma source(%dma_start3A_7 : memref<2048x128xf32, #tpu.memory_space<hbm>>) target(%arg8 : memref<128x128xf32, #tpu.memory_space<vmem>>) offsets(%dma_start3A_4 : memref<128xi32, #tpu.memory_space<vmem>>) semaphore(%arg15 : memref<!tpu.dma_semaphore, #tpu.memory_space<semaphore_mem>>)
    %dma_start3A_8 = arith.constant 1 : i32
    %dma_start3A_9 = arith.constant 0 : i32
    %dma_start3A_10 = tpu.memref_slice %arg6[%dma_start3A_8, %dma_start3A_9] : memref<16x128xi32, #tpu.memory_space<vmem>> -> memref<1x128xi32, #tpu.memory_space<vmem>>
    %dma_start3A_11 = tpu.memref_squeeze %dma_start3A_10 : memref<1x128xi32, #tpu.memory_space<vmem>> -> memref<128xi32, #tpu.memory_space<vmem>>
    %dma_start3A_12 = arith.constant 0 : i32
    %dma_start3A_13 = arith.constant 0 : i32
    %dma_start3A_14 = tpu.memref_slice %arg2[%dma_start3A_12, %dma_start3A_13] : memref<2048x128xf32, #tpu.memory_space<hbm>> -> memref<2048x128xf32, #tpu.memory_space<hbm>>
    tpu.enqueue_indirect_dma source(%dma_start3A_14 : memref<2048x128xf32, #tpu.memory_space<hbm>>) target(%arg9 : memref<128x128xf32, #tpu.memory_space<vmem>>) offsets(%dma_start3A_11 : memref<128xi32, #tpu.memory_space<vmem>>) semaphore(%arg16 : memref<!tpu.dma_semaphore, #tpu.memory_space<semaphore_mem>>)
    %mul3A_15 = arith.constant 128 : i32
    %mul3A_16 = arith.muli %arg1, %mul3A_15 : i32
    "tpu.region"() ({
      %run_scoped3A_455 = tpu.sem_alloc : memref<!tpu.dma_semaphore, #tpu.memory_space<semaphore_mem>>
      %dma_start3A_456 = arith.constant 0 : i32
      %dma_start3A_457 = tpu.memref_slice %arg14[%mul3A_16, %dma_start3A_456] : memref<2048x128xf32, #tpu.memory_space<vmem_shared>> -> memref<128x128xf32, #tpu.memory_space<vmem_shared>>
      tpu.enqueue_dma source(%arg4 : memref<128x128xf32, #tpu.memory_space<hbm>>) target(%dma_start3A_457 : memref<128x128xf32, #tpu.memory_space<vmem_shared>>) target_semaphore(%run_scoped3A_455 : memref<!tpu.dma_semaphore, #tpu.memory_space<semaphore_mem>>)
      %dma_wait3A_458 = arith.constant 0 : i32
      %dma_wait3A_459 = tpu.memref_slice %arg14[%mul3A_16, %dma_wait3A_458] : memref<2048x128xf32, #tpu.memory_space<vmem_shared>> -> memref<128x128xf32, #tpu.memory_space<vmem_shared>>
      tpu.wait_dma2 semaphore(%run_scoped3A_455 : memref<!tpu.dma_semaphore, #tpu.memory_space<semaphore_mem>>) src(%arg4 : memref<128x128xf32, #tpu.memory_space<hbm>>) dst(%dma_wait3A_459 : memref<128x128xf32, #tpu.memory_space<vmem_shared>>)
      tpu.yield
    }) : () -> ()
    %barrier3A = arith.constant 0 : index
    tpu.barrier barrier_id(%barrier3A)
    %dma_wait3A = arith.constant 0 : i32
    %dma_wait3A_17 = arith.constant 0 : i32
    %dma_wait3A_18 = tpu.memref_slice %arg6[%dma_wait3A, %dma_wait3A_17] : memref<16x128xi32, #tpu.memory_space<vmem>> -> memref<1x128xi32, #tpu.memory_space<vmem>>
    %dma_wait3A_19 = tpu.memref_squeeze %dma_wait3A_18 : memref<1x128xi32, #tpu.memory_space<vmem>> -> memref<128xi32, #tpu.memory_space<vmem>>
    %dma_wait3A_20 = arith.constant 0 : i32
    %dma_wait3A_21 = arith.constant 0 : i32
    %dma_wait3A_22 = tpu.memref_slice %arg2[%dma_wait3A_20, %dma_wait3A_21] : memref<2048x128xf32, #tpu.memory_space<hbm>> -> memref<2048x128xf32, #tpu.memory_space<hbm>>
    tpu.wait_indirect_dma semaphore(%arg15 : memref<!tpu.dma_semaphore, #tpu.memory_space<semaphore_mem>>) src(%dma_wait3A_22 : memref<2048x128xf32, #tpu.memory_space<hbm>>) dst(%arg8 : memref<128x128xf32, #tpu.memory_space<vmem>>)
    %dma_start3A_23 = arith.constant 0 : i32
    %dma_start3A_24 = arith.constant 0 : i32
    %dma_start3A_25 = tpu.memref_slice %arg7[%dma_start3A_23, %dma_start3A_24] : memref<16x128xi32, #tpu.memory_space<vmem>> -> memref<1x128xi32, #tpu.memory_space<vmem>>
    %dma_start3A_26 = tpu.memref_squeeze %dma_start3A_25 : memref<1x128xi32, #tpu.memory_space<vmem>> -> memref<128xi32, #tpu.memory_space<vmem>>
    %dma_start3A_27 = arith.constant 0 : i32
    %dma_start3A_28 = arith.constant 0 : i32
    %dma_start3A_29 = tpu.memref_slice %arg14[%dma_start3A_27, %dma_start3A_28] : memref<2048x128xf32, #tpu.memory_space<vmem_shared>> -> memref<2048x128xf32, #tpu.memory_space<vmem_shared>>
    tpu.enqueue_indirect_dma source(%arg8 : memref<128x128xf32, #tpu.memory_space<vmem>>) target(%dma_start3A_29 : memref<2048x128xf32, #tpu.memory_space<vmem_shared>>) offsets(%dma_start3A_26 : memref<128xi32, #tpu.memory_space<vmem>>) semaphore(%arg21 : memref<!tpu.dma_semaphore, #tpu.memory_space<semaphore_mem>>) {add = true}
    %dma_start3A_30 = arith.constant 2 : i32
    %dma_start3A_31 = arith.constant 0 : i32
    %dma_start3A_32 = tpu.memref_slice %arg6[%dma_start3A_30, %dma_start3A_31] : memref<16x128xi32, #tpu.memory_space<vmem>> -> memref<1x128xi32, #tpu.memory_space<vmem>>
    %dma_start3A_33 = tpu.memref_squeeze %dma_start3A_32 : memref<1x128xi32, #tpu.memory_space<vmem>> -> memref<128xi32, #tpu.memory_space<vmem>>
    %dma_start3A_34 = arith.constant 0 : i32
    %dma_start3A_35 = arith.constant 0 : i32
    %dma_start3A_36 = tpu.memref_slice %arg2[%dma_start3A_34, %dma_start3A_35] : memref<2048x128xf32, #tpu.memory_space<hbm>> -> memref<2048x128xf32, #tpu.memory_space<hbm>>
    tpu.enqueue_indirect_dma source(%dma_start3A_36 : memref<2048x128xf32, #tpu.memory_space<hbm>>) target(%arg10 : memref<128x128xf32, #tpu.memory_space<vmem>>) offsets(%dma_start3A_33 : memref<128xi32, #tpu.memory_space<vmem>>) semaphore(%arg17 : memref<!tpu.dma_semaphore, #tpu.memory_space<semaphore_mem>>)
    %dma_wait3A_37 = arith.constant 1 : i32
    %dma_wait3A_38 = arith.constant 0 : i32
    %dma_wait3A_39 = tpu.memref_slice %arg6[%dma_wait3A_37, %dma_wait3A_38] : memref<16x128xi32, #tpu.memory_space<vmem>> -> memref<1x128xi32, #tpu.memory_space<vmem>>
    %dma_wait3A_40 = tpu.memref_squeeze %dma_wait3A_39 : memref<1x128xi32, #tpu.memory_space<vmem>> -> memref<128xi32, #tpu.memory_space<vmem>>
    %dma_wait3A_41 = arith.constant 0 : i32
    %dma_wait3A_42 = arith.constant 0 : i32
    %dma_wait3A_43 = tpu.memref_slice %arg2[%dma_wait3A_41, %dma_wait3A_42] : memref<2048x128xf32, #tpu.memory_space<hbm>> -> memref<2048x128xf32, #tpu.memory_space<hbm>>
    tpu.wait_indirect_dma semaphore(%arg16 : memref<!tpu.dma_semaphore, #tpu.memory_space<semaphore_mem>>) src(%dma_wait3A_43 : memref<2048x128xf32, #tpu.memory_space<hbm>>) dst(%arg9 : memref<128x128xf32, #tpu.memory_space<vmem>>)
    %dma_start3A_44 = arith.constant 1 : i32
    %dma_start3A_45 = arith.constant 0 : i32
    %dma_start3A_46 = tpu.memref_slice %arg7[%dma_start3A_44, %dma_start3A_45] : memref<16x128xi32, #tpu.memory_space<vmem>> -> memref<1x128xi32, #tpu.memory_space<vmem>>
    %dma_start3A_47 = tpu.memref_squeeze %dma_start3A_46 : memref<1x128xi32, #tpu.memory_space<vmem>> -> memref<128xi32, #tpu.memory_space<vmem>>
    %dma_start3A_48 = arith.constant 0 : i32
    %dma_start3A_49 = arith.constant 0 : i32
    %dma_start3A_50 = tpu.memref_slice %arg14[%dma_start3A_48, %dma_start3A_49] : memref<2048x128xf32, #tpu.memory_space<vmem_shared>> -> memref<2048x128xf32, #tpu.memory_space<vmem_shared>>
    tpu.enqueue_indirect_dma source(%arg9 : memref<128x128xf32, #tpu.memory_space<vmem>>) target(%dma_start3A_50 : memref<2048x128xf32, #tpu.memory_space<vmem_shared>>) offsets(%dma_start3A_47 : memref<128xi32, #tpu.memory_space<vmem>>) semaphore(%arg22 : memref<!tpu.dma_semaphore, #tpu.memory_space<semaphore_mem>>) {add = true}
    %dma_start3A_51 = arith.constant 3 : i32
    %dma_start3A_52 = arith.constant 0 : i32
    %dma_start3A_53 = tpu.memref_slice %arg6[%dma_start3A_51, %dma_start3A_52] : memref<16x128xi32, #tpu.memory_space<vmem>> -> memref<1x128xi32, #tpu.memory_space<vmem>>
    %dma_start3A_54 = tpu.memref_squeeze %dma_start3A_53 : memref<1x128xi32, #tpu.memory_space<vmem>> -> memref<128xi32, #tpu.memory_space<vmem>>
    %dma_start3A_55 = arith.constant 0 : i32
    %dma_start3A_56 = arith.constant 0 : i32
    %dma_start3A_57 = tpu.memref_slice %arg2[%dma_start3A_55, %dma_start3A_56] : memref<2048x128xf32, #tpu.memory_space<hbm>> -> memref<2048x128xf32, #tpu.memory_space<hbm>>
    tpu.enqueue_indirect_dma source(%dma_start3A_57 : memref<2048x128xf32, #tpu.memory_space<hbm>>) target(%arg11 : memref<128x128xf32, #tpu.memory_space<vmem>>) offsets(%dma_start3A_54 : memref<128xi32, #tpu.memory_space<vmem>>) semaphore(%arg18 : memref<!tpu.dma_semaphore, #tpu.memory_space<semaphore_mem>>)
    %dma_wait3A_58 = arith.constant 2 : i32
    %dma_wait3A_59 = arith.constant 0 : i32
    %dma_wait3A_60 = tpu.memref_slice %arg6[%dma_wait3A_58, %dma_wait3A_59] : memref<16x128xi32, #tpu.memory_space<vmem>> -> memref<1x128xi32, #tpu.memory_space<vmem>>
    %dma_wait3A_61 = tpu.memref_squeeze %dma_wait3A_60 : memref<1x128xi32, #tpu.memory_space<vmem>> -> memref<128xi32, #tpu.memory_space<vmem>>
    %dma_wait3A_62 = arith.constant 0 : i32
    %dma_wait3A_63 = arith.constant 0 : i32
    %dma_wait3A_64 = tpu.memref_slice %arg2[%dma_wait3A_62, %dma_wait3A_63] : memref<2048x128xf32, #tpu.memory_space<hbm>> -> memref<2048x128xf32, #tpu.memory_space<hbm>>
    tpu.wait_indirect_dma semaphore(%arg17 : memref<!tpu.dma_semaphore, #tpu.memory_space<semaphore_mem>>) src(%dma_wait3A_64 : memref<2048x128xf32, #tpu.memory_space<hbm>>) dst(%arg10 : memref<128x128xf32, #tpu.memory_space<vmem>>)
    %dma_start3A_65 = arith.constant 2 : i32
    %dma_start3A_66 = arith.constant 0 : i32
    %dma_start3A_67 = tpu.memref_slice %arg7[%dma_start3A_65, %dma_start3A_66] : memref<16x128xi32, #tpu.memory_space<vmem>> -> memref<1x128xi32, #tpu.memory_space<vmem>>
    %dma_start3A_68 = tpu.memref_squeeze %dma_start3A_67 : memref<1x128xi32, #tpu.memory_space<vmem>> -> memref<128xi32, #tpu.memory_space<vmem>>
    %dma_start3A_69 = arith.constant 0 : i32
    %dma_start3A_70 = arith.constant 0 : i32
    %dma_start3A_71 = tpu.memref_slice %arg14[%dma_start3A_69, %dma_start3A_70] : memref<2048x128xf32, #tpu.memory_space<vmem_shared>> -> memref<2048x128xf32, #tpu.memory_space<vmem_shared>>
    tpu.enqueue_indirect_dma source(%arg10 : memref<128x128xf32, #tpu.memory_space<vmem>>) target(%dma_start3A_71 : memref<2048x128xf32, #tpu.memory_space<vmem_shared>>) offsets(%dma_start3A_68 : memref<128xi32, #tpu.memory_space<vmem>>) semaphore(%arg23 : memref<!tpu.dma_semaphore, #tpu.memory_space<semaphore_mem>>) {add = true}
    %dma_start3A_72 = arith.constant 4 : i32
    %dma_start3A_73 = arith.constant 0 : i32
    %dma_start3A_74 = tpu.memref_slice %arg6[%dma_start3A_72, %dma_start3A_73] : memref<16x128xi32, #tpu.memory_space<vmem>> -> memref<1x128xi32, #tpu.memory_space<vmem>>
    %dma_start3A_75 = tpu.memref_squeeze %dma_start3A_74 : memref<1x128xi32, #tpu.memory_space<vmem>> -> memref<128xi32, #tpu.memory_space<vmem>>
    %dma_start3A_76 = arith.constant 0 : i32
    %dma_start3A_77 = arith.constant 0 : i32
    %dma_start3A_78 = tpu.memref_slice %arg2[%dma_start3A_76, %dma_start3A_77] : memref<2048x128xf32, #tpu.memory_space<hbm>> -> memref<2048x128xf32, #tpu.memory_space<hbm>>
    tpu.enqueue_indirect_dma source(%dma_start3A_78 : memref<2048x128xf32, #tpu.memory_space<hbm>>) target(%arg12 : memref<128x128xf32, #tpu.memory_space<vmem>>) offsets(%dma_start3A_75 : memref<128xi32, #tpu.memory_space<vmem>>) semaphore(%arg19 : memref<!tpu.dma_semaphore, #tpu.memory_space<semaphore_mem>>)
    %dma_wait3A_79 = arith.constant 3 : i32
    %dma_wait3A_80 = arith.constant 0 : i32
    %dma_wait3A_81 = tpu.memref_slice %arg6[%dma_wait3A_79, %dma_wait3A_80] : memref<16x128xi32, #tpu.memory_space<vmem>> -> memref<1x128xi32, #tpu.memory_space<vmem>>
    %dma_wait3A_82 = tpu.memref_squeeze %dma_wait3A_81 : memref<1x128xi32, #tpu.memory_space<vmem>> -> memref<128xi32, #tpu.memory_space<vmem>>
    %dma_wait3A_83 = arith.constant 0 : i32
    %dma_wait3A_84 = arith.constant 0 : i32
    %dma_wait3A_85 = tpu.memref_slice %arg2[%dma_wait3A_83, %dma_wait3A_84] : memref<2048x128xf32, #tpu.memory_space<hbm>> -> memref<2048x128xf32, #tpu.memory_space<hbm>>
    tpu.wait_indirect_dma semaphore(%arg18 : memref<!tpu.dma_semaphore, #tpu.memory_space<semaphore_mem>>) src(%dma_wait3A_85 : memref<2048x128xf32, #tpu.memory_space<hbm>>) dst(%arg11 : memref<128x128xf32, #tpu.memory_space<vmem>>)
    %dma_start3A_86 = arith.constant 3 : i32
    %dma_start3A_87 = arith.constant 0 : i32
    %dma_start3A_88 = tpu.memref_slice %arg7[%dma_start3A_86, %dma_start3A_87] : memref<16x128xi32, #tpu.memory_space<vmem>> -> memref<1x128xi32, #tpu.memory_space<vmem>>
    %dma_start3A_89 = tpu.memref_squeeze %dma_start3A_88 : memref<1x128xi32, #tpu.memory_space<vmem>> -> memref<128xi32, #tpu.memory_space<vmem>>
    %dma_start3A_90 = arith.constant 0 : i32
    %dma_start3A_91 = arith.constant 0 : i32
    %dma_start3A_92 = tpu.memref_slice %arg14[%dma_start3A_90, %dma_start3A_91] : memref<2048x128xf32, #tpu.memory_space<vmem_shared>> -> memref<2048x128xf32, #tpu.memory_space<vmem_shared>>
    tpu.enqueue_indirect_dma source(%arg11 : memref<128x128xf32, #tpu.memory_space<vmem>>) target(%dma_start3A_92 : memref<2048x128xf32, #tpu.memory_space<vmem_shared>>) offsets(%dma_start3A_89 : memref<128xi32, #tpu.memory_space<vmem>>) semaphore(%arg24 : memref<!tpu.dma_semaphore, #tpu.memory_space<semaphore_mem>>) {add = true}
    %dma_start3A_93 = arith.constant 5 : i32
    %dma_start3A_94 = arith.constant 0 : i32
    %dma_start3A_95 = tpu.memref_slice %arg6[%dma_start3A_93, %dma_start3A_94] : memref<16x128xi32, #tpu.memory_space<vmem>> -> memref<1x128xi32, #tpu.memory_space<vmem>>
    %dma_start3A_96 = tpu.memref_squeeze %dma_start3A_95 : memref<1x128xi32, #tpu.memory_space<vmem>> -> memref<128xi32, #tpu.memory_space<vmem>>
    %dma_start3A_97 = arith.constant 0 : i32
    %dma_start3A_98 = arith.constant 0 : i32
    %dma_start3A_99 = tpu.memref_slice %arg2[%dma_start3A_97, %dma_start3A_98] : memref<2048x128xf32, #tpu.memory_space<hbm>> -> memref<2048x128xf32, #tpu.memory_space<hbm>>
    tpu.enqueue_indirect_dma source(%dma_start3A_99 : memref<2048x128xf32, #tpu.memory_space<hbm>>) target(%arg13 : memref<128x128xf32, #tpu.memory_space<vmem>>) offsets(%dma_start3A_96 : memref<128xi32, #tpu.memory_space<vmem>>) semaphore(%arg20 : memref<!tpu.dma_semaphore, #tpu.memory_space<semaphore_mem>>)
    %dma_wait3A_100 = arith.constant 4 : i32
    %dma_wait3A_101 = arith.constant 0 : i32
    %dma_wait3A_102 = tpu.memref_slice %arg6[%dma_wait3A_100, %dma_wait3A_101] : memref<16x128xi32, #tpu.memory_space<vmem>> -> memref<1x128xi32, #tpu.memory_space<vmem>>
    %dma_wait3A_103 = tpu.memref_squeeze %dma_wait3A_102 : memref<1x128xi32, #tpu.memory_space<vmem>> -> memref<128xi32, #tpu.memory_space<vmem>>
    %dma_wait3A_104 = arith.constant 0 : i32
    %dma_wait3A_105 = arith.constant 0 : i32
    %dma_wait3A_106 = tpu.memref_slice %arg2[%dma_wait3A_104, %dma_wait3A_105] : memref<2048x128xf32, #tpu.memory_space<hbm>> -> memref<2048x128xf32, #tpu.memory_space<hbm>>
    tpu.wait_indirect_dma semaphore(%arg19 : memref<!tpu.dma_semaphore, #tpu.memory_space<semaphore_mem>>) src(%dma_wait3A_106 : memref<2048x128xf32, #tpu.memory_space<hbm>>) dst(%arg12 : memref<128x128xf32, #tpu.memory_space<vmem>>)
    %dma_start3A_107 = arith.constant 4 : i32
    %dma_start3A_108 = arith.constant 0 : i32
    %dma_start3A_109 = tpu.memref_slice %arg7[%dma_start3A_107, %dma_start3A_108] : memref<16x128xi32, #tpu.memory_space<vmem>> -> memref<1x128xi32, #tpu.memory_space<vmem>>
    %dma_start3A_110 = tpu.memref_squeeze %dma_start3A_109 : memref<1x128xi32, #tpu.memory_space<vmem>> -> memref<128xi32, #tpu.memory_space<vmem>>
    %dma_start3A_111 = arith.constant 0 : i32
    %dma_start3A_112 = arith.constant 0 : i32
    %dma_start3A_113 = tpu.memref_slice %arg14[%dma_start3A_111, %dma_start3A_112] : memref<2048x128xf32, #tpu.memory_space<vmem_shared>> -> memref<2048x128xf32, #tpu.memory_space<vmem_shared>>
    tpu.enqueue_indirect_dma source(%arg12 : memref<128x128xf32, #tpu.memory_space<vmem>>) target(%dma_start3A_113 : memref<2048x128xf32, #tpu.memory_space<vmem_shared>>) offsets(%dma_start3A_110 : memref<128xi32, #tpu.memory_space<vmem>>) semaphore(%arg25 : memref<!tpu.dma_semaphore, #tpu.memory_space<semaphore_mem>>) {add = true}
    %dma_wait3A_114 = arith.constant 0 : i32
    %dma_wait3A_115 = arith.constant 0 : i32
    %dma_wait3A_116 = tpu.memref_slice %arg7[%dma_wait3A_114, %dma_wait3A_115] : memref<16x128xi32, #tpu.memory_space<vmem>> -> memref<1x128xi32, #tpu.memory_space<vmem>>
    %dma_wait3A_117 = tpu.memref_squeeze %dma_wait3A_116 : memref<1x128xi32, #tpu.memory_space<vmem>> -> memref<128xi32, #tpu.memory_space<vmem>>
    %dma_wait3A_118 = arith.constant 0 : i32
    %dma_wait3A_119 = arith.constant 0 : i32
    %dma_wait3A_120 = tpu.memref_slice %arg14[%dma_wait3A_118, %dma_wait3A_119] : memref<2048x128xf32, #tpu.memory_space<vmem_shared>> -> memref<2048x128xf32, #tpu.memory_space<vmem_shared>>
    tpu.wait_indirect_dma semaphore(%arg21 : memref<!tpu.dma_semaphore, #tpu.memory_space<semaphore_mem>>) src(%arg8 : memref<128x128xf32, #tpu.memory_space<vmem>>) dst(%dma_wait3A_120 : memref<2048x128xf32, #tpu.memory_space<vmem_shared>>)
    %dma_start3A_121 = arith.constant 6 : i32
    %dma_start3A_122 = arith.constant 0 : i32
    %dma_start3A_123 = tpu.memref_slice %arg6[%dma_start3A_121, %dma_start3A_122] : memref<16x128xi32, #tpu.memory_space<vmem>> -> memref<1x128xi32, #tpu.memory_space<vmem>>
    %dma_start3A_124 = tpu.memref_squeeze %dma_start3A_123 : memref<1x128xi32, #tpu.memory_space<vmem>> -> memref<128xi32, #tpu.memory_space<vmem>>
    %dma_start3A_125 = arith.constant 0 : i32
    %dma_start3A_126 = arith.constant 0 : i32
    %dma_start3A_127 = tpu.memref_slice %arg2[%dma_start3A_125, %dma_start3A_126] : memref<2048x128xf32, #tpu.memory_space<hbm>> -> memref<2048x128xf32, #tpu.memory_space<hbm>>
    tpu.enqueue_indirect_dma source(%dma_start3A_127 : memref<2048x128xf32, #tpu.memory_space<hbm>>) target(%arg8 : memref<128x128xf32, #tpu.memory_space<vmem>>) offsets(%dma_start3A_124 : memref<128xi32, #tpu.memory_space<vmem>>) semaphore(%arg15 : memref<!tpu.dma_semaphore, #tpu.memory_space<semaphore_mem>>)
    %dma_wait3A_128 = arith.constant 5 : i32
    %dma_wait3A_129 = arith.constant 0 : i32
    %dma_wait3A_130 = tpu.memref_slice %arg6[%dma_wait3A_128, %dma_wait3A_129] : memref<16x128xi32, #tpu.memory_space<vmem>> -> memref<1x128xi32, #tpu.memory_space<vmem>>
    %dma_wait3A_131 = tpu.memref_squeeze %dma_wait3A_130 : memref<1x128xi32, #tpu.memory_space<vmem>> -> memref<128xi32, #tpu.memory_space<vmem>>
    %dma_wait3A_132 = arith.constant 0 : i32
    %dma_wait3A_133 = arith.constant 0 : i32
    %dma_wait3A_134 = tpu.memref_slice %arg2[%dma_wait3A_132, %dma_wait3A_133] : memref<2048x128xf32, #tpu.memory_space<hbm>> -> memref<2048x128xf32, #tpu.memory_space<hbm>>
    tpu.wait_indirect_dma semaphore(%arg20 : memref<!tpu.dma_semaphore, #tpu.memory_space<semaphore_mem>>) src(%dma_wait3A_134 : memref<2048x128xf32, #tpu.memory_space<hbm>>) dst(%arg13 : memref<128x128xf32, #tpu.memory_space<vmem>>)
    %dma_start3A_135 = arith.constant 5 : i32
    %dma_start3A_136 = arith.constant 0 : i32
    %dma_start3A_137 = tpu.memref_slice %arg7[%dma_start3A_135, %dma_start3A_136] : memref<16x128xi32, #tpu.memory_space<vmem>> -> memref<1x128xi32, #tpu.memory_space<vmem>>
    %dma_start3A_138 = tpu.memref_squeeze %dma_start3A_137 : memref<1x128xi32, #tpu.memory_space<vmem>> -> memref<128xi32, #tpu.memory_space<vmem>>
    %dma_start3A_139 = arith.constant 0 : i32
    %dma_start3A_140 = arith.constant 0 : i32
    %dma_start3A_141 = tpu.memref_slice %arg14[%dma_start3A_139, %dma_start3A_140] : memref<2048x128xf32, #tpu.memory_space<vmem_shared>> -> memref<2048x128xf32, #tpu.memory_space<vmem_shared>>
    tpu.enqueue_indirect_dma source(%arg13 : memref<128x128xf32, #tpu.memory_space<vmem>>) target(%dma_start3A_141 : memref<2048x128xf32, #tpu.memory_space<vmem_shared>>) offsets(%dma_start3A_138 : memref<128xi32, #tpu.memory_space<vmem>>) semaphore(%arg26 : memref<!tpu.dma_semaphore, #tpu.memory_space<semaphore_mem>>) {add = true}
    %dma_wait3A_142 = arith.constant 1 : i32
    %dma_wait3A_143 = arith.constant 0 : i32
    %dma_wait3A_144 = tpu.memref_slice %arg7[%dma_wait3A_142, %dma_wait3A_143] : memref<16x128xi32, #tpu.memory_space<vmem>> -> memref<1x128xi32, #tpu.memory_space<vmem>>
    %dma_wait3A_145 = tpu.memref_squeeze %dma_wait3A_144 : memref<1x128xi32, #tpu.memory_space<vmem>> -> memref<128xi32, #tpu.memory_space<vmem>>
    %dma_wait3A_146 = arith.constant 0 : i32
    %dma_wait3A_147 = arith.constant 0 : i32
    %dma_wait3A_148 = tpu.memref_slice %arg14[%dma_wait3A_146, %dma_wait3A_147] : memref<2048x128xf32, #tpu.memory_space<vmem_shared>> -> memref<2048x128xf32, #tpu.memory_space<vmem_shared>>
    tpu.wait_indirect_dma semaphore(%arg22 : memref<!tpu.dma_semaphore, #tpu.memory_space<semaphore_mem>>) src(%arg9 : memref<128x128xf32, #tpu.memory_space<vmem>>) dst(%dma_wait3A_148 : memref<2048x128xf32, #tpu.memory_space<vmem_shared>>)
    %dma_start3A_149 = arith.constant 7 : i32
    %dma_start3A_150 = arith.constant 0 : i32
    %dma_start3A_151 = tpu.memref_slice %arg6[%dma_start3A_149, %dma_start3A_150] : memref<16x128xi32, #tpu.memory_space<vmem>> -> memref<1x128xi32, #tpu.memory_space<vmem>>
    %dma_start3A_152 = tpu.memref_squeeze %dma_start3A_151 : memref<1x128xi32, #tpu.memory_space<vmem>> -> memref<128xi32, #tpu.memory_space<vmem>>
    %dma_start3A_153 = arith.constant 0 : i32
    %dma_start3A_154 = arith.constant 0 : i32
    %dma_start3A_155 = tpu.memref_slice %arg2[%dma_start3A_153, %dma_start3A_154] : memref<2048x128xf32, #tpu.memory_space<hbm>> -> memref<2048x128xf32, #tpu.memory_space<hbm>>
    tpu.enqueue_indirect_dma source(%dma_start3A_155 : memref<2048x128xf32, #tpu.memory_space<hbm>>) target(%arg9 : memref<128x128xf32, #tpu.memory_space<vmem>>) offsets(%dma_start3A_152 : memref<128xi32, #tpu.memory_space<vmem>>) semaphore(%arg16 : memref<!tpu.dma_semaphore, #tpu.memory_space<semaphore_mem>>)
    %dma_wait3A_156 = arith.constant 6 : i32
    %dma_wait3A_157 = arith.constant 0 : i32
    %dma_wait3A_158 = tpu.memref_slice %arg6[%dma_wait3A_156, %dma_wait3A_157] : memref<16x128xi32, #tpu.memory_space<vmem>> -> memref<1x128xi32, #tpu.memory_space<vmem>>
    %dma_wait3A_159 = tpu.memref_squeeze %dma_wait3A_158 : memref<1x128xi32, #tpu.memory_space<vmem>> -> memref<128xi32, #tpu.memory_space<vmem>>
    %dma_wait3A_160 = arith.constant 0 : i32
    %dma_wait3A_161 = arith.constant 0 : i32
    %dma_wait3A_162 = tpu.memref_slice %arg2[%dma_wait3A_160, %dma_wait3A_161] : memref<2048x128xf32, #tpu.memory_space<hbm>> -> memref<2048x128xf32, #tpu.memory_space<hbm>>
    tpu.wait_indirect_dma semaphore(%arg15 : memref<!tpu.dma_semaphore, #tpu.memory_space<semaphore_mem>>) src(%dma_wait3A_162 : memref<2048x128xf32, #tpu.memory_space<hbm>>) dst(%arg8 : memref<128x128xf32, #tpu.memory_space<vmem>>)
    %dma_start3A_163 = arith.constant 6 : i32
    %dma_start3A_164 = arith.constant 0 : i32
    %dma_start3A_165 = tpu.memref_slice %arg7[%dma_start3A_163, %dma_start3A_164] : memref<16x128xi32, #tpu.memory_space<vmem>> -> memref<1x128xi32, #tpu.memory_space<vmem>>
    %dma_start3A_166 = tpu.memref_squeeze %dma_start3A_165 : memref<1x128xi32, #tpu.memory_space<vmem>> -> memref<128xi32, #tpu.memory_space<vmem>>
    %dma_start3A_167 = arith.constant 0 : i32
    %dma_start3A_168 = arith.constant 0 : i32
    %dma_start3A_169 = tpu.memref_slice %arg14[%dma_start3A_167, %dma_start3A_168] : memref<2048x128xf32, #tpu.memory_space<vmem_shared>> -> memref<2048x128xf32, #tpu.memory_space<vmem_shared>>
    tpu.enqueue_indirect_dma source(%arg8 : memref<128x128xf32, #tpu.memory_space<vmem>>) target(%dma_start3A_169 : memref<2048x128xf32, #tpu.memory_space<vmem_shared>>) offsets(%dma_start3A_166 : memref<128xi32, #tpu.memory_space<vmem>>) semaphore(%arg21 : memref<!tpu.dma_semaphore, #tpu.memory_space<semaphore_mem>>) {add = true}
    %dma_wait3A_170 = arith.constant 2 : i32
    %dma_wait3A_171 = arith.constant 0 : i32
    %dma_wait3A_172 = tpu.memref_slice %arg7[%dma_wait3A_170, %dma_wait3A_171] : memref<16x128xi32, #tpu.memory_space<vmem>> -> memref<1x128xi32, #tpu.memory_space<vmem>>
    %dma_wait3A_173 = tpu.memref_squeeze %dma_wait3A_172 : memref<1x128xi32, #tpu.memory_space<vmem>> -> memref<128xi32, #tpu.memory_space<vmem>>
    %dma_wait3A_174 = arith.constant 0 : i32
    %dma_wait3A_175 = arith.constant 0 : i32
    %dma_wait3A_176 = tpu.memref_slice %arg14[%dma_wait3A_174, %dma_wait3A_175] : memref<2048x128xf32, #tpu.memory_space<vmem_shared>> -> memref<2048x128xf32, #tpu.memory_space<vmem_shared>>
    tpu.wait_indirect_dma semaphore(%arg23 : memref<!tpu.dma_semaphore, #tpu.memory_space<semaphore_mem>>) src(%arg10 : memref<128x128xf32, #tpu.memory_space<vmem>>) dst(%dma_wait3A_176 : memref<2048x128xf32, #tpu.memory_space<vmem_shared>>)
    %dma_start3A_177 = arith.constant 8 : i32
    %dma_start3A_178 = arith.constant 0 : i32
    %dma_start3A_179 = tpu.memref_slice %arg6[%dma_start3A_177, %dma_start3A_178] : memref<16x128xi32, #tpu.memory_space<vmem>> -> memref<1x128xi32, #tpu.memory_space<vmem>>
    %dma_start3A_180 = tpu.memref_squeeze %dma_start3A_179 : memref<1x128xi32, #tpu.memory_space<vmem>> -> memref<128xi32, #tpu.memory_space<vmem>>
    %dma_start3A_181 = arith.constant 0 : i32
    %dma_start3A_182 = arith.constant 0 : i32
    %dma_start3A_183 = tpu.memref_slice %arg2[%dma_start3A_181, %dma_start3A_182] : memref<2048x128xf32, #tpu.memory_space<hbm>> -> memref<2048x128xf32, #tpu.memory_space<hbm>>
    tpu.enqueue_indirect_dma source(%dma_start3A_183 : memref<2048x128xf32, #tpu.memory_space<hbm>>) target(%arg10 : memref<128x128xf32, #tpu.memory_space<vmem>>) offsets(%dma_start3A_180 : memref<128xi32, #tpu.memory_space<vmem>>) semaphore(%arg17 : memref<!tpu.dma_semaphore, #tpu.memory_space<semaphore_mem>>)
    %dma_wait3A_184 = arith.constant 7 : i32
    %dma_wait3A_185 = arith.constant 0 : i32
    %dma_wait3A_186 = tpu.memref_slice %arg6[%dma_wait3A_184, %dma_wait3A_185] : memref<16x128xi32, #tpu.memory_space<vmem>> -> memref<1x128xi32, #tpu.memory_space<vmem>>
    %dma_wait3A_187 = tpu.memref_squeeze %dma_wait3A_186 : memref<1x128xi32, #tpu.memory_space<vmem>> -> memref<128xi32, #tpu.memory_space<vmem>>
    %dma_wait3A_188 = arith.constant 0 : i32
    %dma_wait3A_189 = arith.constant 0 : i32
    %dma_wait3A_190 = tpu.memref_slice %arg2[%dma_wait3A_188, %dma_wait3A_189] : memref<2048x128xf32, #tpu.memory_space<hbm>> -> memref<2048x128xf32, #tpu.memory_space<hbm>>
    tpu.wait_indirect_dma semaphore(%arg16 : memref<!tpu.dma_semaphore, #tpu.memory_space<semaphore_mem>>) src(%dma_wait3A_190 : memref<2048x128xf32, #tpu.memory_space<hbm>>) dst(%arg9 : memref<128x128xf32, #tpu.memory_space<vmem>>)
    %dma_start3A_191 = arith.constant 7 : i32
    %dma_start3A_192 = arith.constant 0 : i32
    %dma_start3A_193 = tpu.memref_slice %arg7[%dma_start3A_191, %dma_start3A_192] : memref<16x128xi32, #tpu.memory_space<vmem>> -> memref<1x128xi32, #tpu.memory_space<vmem>>
    %dma_start3A_194 = tpu.memref_squeeze %dma_start3A_193 : memref<1x128xi32, #tpu.memory_space<vmem>> -> memref<128xi32, #tpu.memory_space<vmem>>
    %dma_start3A_195 = arith.constant 0 : i32
    %dma_start3A_196 = arith.constant 0 : i32
    %dma_start3A_197 = tpu.memref_slice %arg14[%dma_start3A_195, %dma_start3A_196] : memref<2048x128xf32, #tpu.memory_space<vmem_shared>> -> memref<2048x128xf32, #tpu.memory_space<vmem_shared>>
    tpu.enqueue_indirect_dma source(%arg9 : memref<128x128xf32, #tpu.memory_space<vmem>>) target(%dma_start3A_197 : memref<2048x128xf32, #tpu.memory_space<vmem_shared>>) offsets(%dma_start3A_194 : memref<128xi32, #tpu.memory_space<vmem>>) semaphore(%arg22 : memref<!tpu.dma_semaphore, #tpu.memory_space<semaphore_mem>>) {add = true}
    %dma_wait3A_198 = arith.constant 3 : i32
    %dma_wait3A_199 = arith.constant 0 : i32
    %dma_wait3A_200 = tpu.memref_slice %arg7[%dma_wait3A_198, %dma_wait3A_199] : memref<16x128xi32, #tpu.memory_space<vmem>> -> memref<1x128xi32, #tpu.memory_space<vmem>>
    %dma_wait3A_201 = tpu.memref_squeeze %dma_wait3A_200 : memref<1x128xi32, #tpu.memory_space<vmem>> -> memref<128xi32, #tpu.memory_space<vmem>>
    %dma_wait3A_202 = arith.constant 0 : i32
    %dma_wait3A_203 = arith.constant 0 : i32
    %dma_wait3A_204 = tpu.memref_slice %arg14[%dma_wait3A_202, %dma_wait3A_203] : memref<2048x128xf32, #tpu.memory_space<vmem_shared>> -> memref<2048x128xf32, #tpu.memory_space<vmem_shared>>
    tpu.wait_indirect_dma semaphore(%arg24 : memref<!tpu.dma_semaphore, #tpu.memory_space<semaphore_mem>>) src(%arg11 : memref<128x128xf32, #tpu.memory_space<vmem>>) dst(%dma_wait3A_204 : memref<2048x128xf32, #tpu.memory_space<vmem_shared>>)
    %dma_start3A_205 = arith.constant 9 : i32
    %dma_start3A_206 = arith.constant 0 : i32
    %dma_start3A_207 = tpu.memref_slice %arg6[%dma_start3A_205, %dma_start3A_206] : memref<16x128xi32, #tpu.memory_space<vmem>> -> memref<1x128xi32, #tpu.memory_space<vmem>>
    %dma_start3A_208 = tpu.memref_squeeze %dma_start3A_207 : memref<1x128xi32, #tpu.memory_space<vmem>> -> memref<128xi32, #tpu.memory_space<vmem>>
    %dma_start3A_209 = arith.constant 0 : i32
    %dma_start3A_210 = arith.constant 0 : i32
    %dma_start3A_211 = tpu.memref_slice %arg2[%dma_start3A_209, %dma_start3A_210] : memref<2048x128xf32, #tpu.memory_space<hbm>> -> memref<2048x128xf32, #tpu.memory_space<hbm>>
    tpu.enqueue_indirect_dma source(%dma_start3A_211 : memref<2048x128xf32, #tpu.memory_space<hbm>>) target(%arg11 : memref<128x128xf32, #tpu.memory_space<vmem>>) offsets(%dma_start3A_208 : memref<128xi32, #tpu.memory_space<vmem>>) semaphore(%arg18 : memref<!tpu.dma_semaphore, #tpu.memory_space<semaphore_mem>>)
    %dma_wait3A_212 = arith.constant 8 : i32
    %dma_wait3A_213 = arith.constant 0 : i32
    %dma_wait3A_214 = tpu.memref_slice %arg6[%dma_wait3A_212, %dma_wait3A_213] : memref<16x128xi32, #tpu.memory_space<vmem>> -> memref<1x128xi32, #tpu.memory_space<vmem>>
    %dma_wait3A_215 = tpu.memref_squeeze %dma_wait3A_214 : memref<1x128xi32, #tpu.memory_space<vmem>> -> memref<128xi32, #tpu.memory_space<vmem>>
    %dma_wait3A_216 = arith.constant 0 : i32
    %dma_wait3A_217 = arith.constant 0 : i32
    %dma_wait3A_218 = tpu.memref_slice %arg2[%dma_wait3A_216, %dma_wait3A_217] : memref<2048x128xf32, #tpu.memory_space<hbm>> -> memref<2048x128xf32, #tpu.memory_space<hbm>>
    tpu.wait_indirect_dma semaphore(%arg17 : memref<!tpu.dma_semaphore, #tpu.memory_space<semaphore_mem>>) src(%dma_wait3A_218 : memref<2048x128xf32, #tpu.memory_space<hbm>>) dst(%arg10 : memref<128x128xf32, #tpu.memory_space<vmem>>)
    %dma_start3A_219 = arith.constant 8 : i32
    %dma_start3A_220 = arith.constant 0 : i32
    %dma_start3A_221 = tpu.memref_slice %arg7[%dma_start3A_219, %dma_start3A_220] : memref<16x128xi32, #tpu.memory_space<vmem>> -> memref<1x128xi32, #tpu.memory_space<vmem>>
    %dma_start3A_222 = tpu.memref_squeeze %dma_start3A_221 : memref<1x128xi32, #tpu.memory_space<vmem>> -> memref<128xi32, #tpu.memory_space<vmem>>
    %dma_start3A_223 = arith.constant 0 : i32
    %dma_start3A_224 = arith.constant 0 : i32
    %dma_start3A_225 = tpu.memref_slice %arg14[%dma_start3A_223, %dma_start3A_224] : memref<2048x128xf32, #tpu.memory_space<vmem_shared>> -> memref<2048x128xf32, #tpu.memory_space<vmem_shared>>
    tpu.enqueue_indirect_dma source(%arg10 : memref<128x128xf32, #tpu.memory_space<vmem>>) target(%dma_start3A_225 : memref<2048x128xf32, #tpu.memory_space<vmem_shared>>) offsets(%dma_start3A_222 : memref<128xi32, #tpu.memory_space<vmem>>) semaphore(%arg23 : memref<!tpu.dma_semaphore, #tpu.memory_space<semaphore_mem>>) {add = true}
    %dma_wait3A_226 = arith.constant 4 : i32
    %dma_wait3A_227 = arith.constant 0 : i32
    %dma_wait3A_228 = tpu.memref_slice %arg7[%dma_wait3A_226, %dma_wait3A_227] : memref<16x128xi32, #tpu.memory_space<vmem>> -> memref<1x128xi32, #tpu.memory_space<vmem>>
    %dma_wait3A_229 = tpu.memref_squeeze %dma_wait3A_228 : memref<1x128xi32, #tpu.memory_space<vmem>> -> memref<128xi32, #tpu.memory_space<vmem>>
    %dma_wait3A_230 = arith.constant 0 : i32
    %dma_wait3A_231 = arith.constant 0 : i32
    %dma_wait3A_232 = tpu.memref_slice %arg14[%dma_wait3A_230, %dma_wait3A_231] : memref<2048x128xf32, #tpu.memory_space<vmem_shared>> -> memref<2048x128xf32, #tpu.memory_space<vmem_shared>>
    tpu.wait_indirect_dma semaphore(%arg25 : memref<!tpu.dma_semaphore, #tpu.memory_space<semaphore_mem>>) src(%arg12 : memref<128x128xf32, #tpu.memory_space<vmem>>) dst(%dma_wait3A_232 : memref<2048x128xf32, #tpu.memory_space<vmem_shared>>)
    %dma_start3A_233 = arith.constant 10 : i32
    %dma_start3A_234 = arith.constant 0 : i32
    %dma_start3A_235 = tpu.memref_slice %arg6[%dma_start3A_233, %dma_start3A_234] : memref<16x128xi32, #tpu.memory_space<vmem>> -> memref<1x128xi32, #tpu.memory_space<vmem>>
    %dma_start3A_236 = tpu.memref_squeeze %dma_start3A_235 : memref<1x128xi32, #tpu.memory_space<vmem>> -> memref<128xi32, #tpu.memory_space<vmem>>
    %dma_start3A_237 = arith.constant 0 : i32
    %dma_start3A_238 = arith.constant 0 : i32
    %dma_start3A_239 = tpu.memref_slice %arg2[%dma_start3A_237, %dma_start3A_238] : memref<2048x128xf32, #tpu.memory_space<hbm>> -> memref<2048x128xf32, #tpu.memory_space<hbm>>
    tpu.enqueue_indirect_dma source(%dma_start3A_239 : memref<2048x128xf32, #tpu.memory_space<hbm>>) target(%arg12 : memref<128x128xf32, #tpu.memory_space<vmem>>) offsets(%dma_start3A_236 : memref<128xi32, #tpu.memory_space<vmem>>) semaphore(%arg19 : memref<!tpu.dma_semaphore, #tpu.memory_space<semaphore_mem>>)
    %dma_wait3A_240 = arith.constant 9 : i32
    %dma_wait3A_241 = arith.constant 0 : i32
    %dma_wait3A_242 = tpu.memref_slice %arg6[%dma_wait3A_240, %dma_wait3A_241] : memref<16x128xi32, #tpu.memory_space<vmem>> -> memref<1x128xi32, #tpu.memory_space<vmem>>
    %dma_wait3A_243 = tpu.memref_squeeze %dma_wait3A_242 : memref<1x128xi32, #tpu.memory_space<vmem>> -> memref<128xi32, #tpu.memory_space<vmem>>
    %dma_wait3A_244 = arith.constant 0 : i32
    %dma_wait3A_245 = arith.constant 0 : i32
    %dma_wait3A_246 = tpu.memref_slice %arg2[%dma_wait3A_244, %dma_wait3A_245] : memref<2048x128xf32, #tpu.memory_space<hbm>> -> memref<2048x128xf32, #tpu.memory_space<hbm>>
    tpu.wait_indirect_dma semaphore(%arg18 : memref<!tpu.dma_semaphore, #tpu.memory_space<semaphore_mem>>) src(%dma_wait3A_246 : memref<2048x128xf32, #tpu.memory_space<hbm>>) dst(%arg11 : memref<128x128xf32, #tpu.memory_space<vmem>>)
    %dma_start3A_247 = arith.constant 9 : i32
    %dma_start3A_248 = arith.constant 0 : i32
    %dma_start3A_249 = tpu.memref_slice %arg7[%dma_start3A_247, %dma_start3A_248] : memref<16x128xi32, #tpu.memory_space<vmem>> -> memref<1x128xi32, #tpu.memory_space<vmem>>
    %dma_start3A_250 = tpu.memref_squeeze %dma_start3A_249 : memref<1x128xi32, #tpu.memory_space<vmem>> -> memref<128xi32, #tpu.memory_space<vmem>>
    %dma_start3A_251 = arith.constant 0 : i32
    %dma_start3A_252 = arith.constant 0 : i32
    %dma_start3A_253 = tpu.memref_slice %arg14[%dma_start3A_251, %dma_start3A_252] : memref<2048x128xf32, #tpu.memory_space<vmem_shared>> -> memref<2048x128xf32, #tpu.memory_space<vmem_shared>>
    tpu.enqueue_indirect_dma source(%arg11 : memref<128x128xf32, #tpu.memory_space<vmem>>) target(%dma_start3A_253 : memref<2048x128xf32, #tpu.memory_space<vmem_shared>>) offsets(%dma_start3A_250 : memref<128xi32, #tpu.memory_space<vmem>>) semaphore(%arg24 : memref<!tpu.dma_semaphore, #tpu.memory_space<semaphore_mem>>) {add = true}
    %dma_wait3A_254 = arith.constant 5 : i32
    %dma_wait3A_255 = arith.constant 0 : i32
    %dma_wait3A_256 = tpu.memref_slice %arg7[%dma_wait3A_254, %dma_wait3A_255] : memref<16x128xi32, #tpu.memory_space<vmem>> -> memref<1x128xi32, #tpu.memory_space<vmem>>
    %dma_wait3A_257 = tpu.memref_squeeze %dma_wait3A_256 : memref<1x128xi32, #tpu.memory_space<vmem>> -> memref<128xi32, #tpu.memory_space<vmem>>
    %dma_wait3A_258 = arith.constant 0 : i32
    %dma_wait3A_259 = arith.constant 0 : i32
    %dma_wait3A_260 = tpu.memref_slice %arg14[%dma_wait3A_258, %dma_wait3A_259] : memref<2048x128xf32, #tpu.memory_space<vmem_shared>> -> memref<2048x128xf32, #tpu.memory_space<vmem_shared>>
    tpu.wait_indirect_dma semaphore(%arg26 : memref<!tpu.dma_semaphore, #tpu.memory_space<semaphore_mem>>) src(%arg13 : memref<128x128xf32, #tpu.memory_space<vmem>>) dst(%dma_wait3A_260 : memref<2048x128xf32, #tpu.memory_space<vmem_shared>>)
    %dma_start3A_261 = arith.constant 11 : i32
    %dma_start3A_262 = arith.constant 0 : i32
    %dma_start3A_263 = tpu.memref_slice %arg6[%dma_start3A_261, %dma_start3A_262] : memref<16x128xi32, #tpu.memory_space<vmem>> -> memref<1x128xi32, #tpu.memory_space<vmem>>
    %dma_start3A_264 = tpu.memref_squeeze %dma_start3A_263 : memref<1x128xi32, #tpu.memory_space<vmem>> -> memref<128xi32, #tpu.memory_space<vmem>>
    %dma_start3A_265 = arith.constant 0 : i32
    %dma_start3A_266 = arith.constant 0 : i32
    %dma_start3A_267 = tpu.memref_slice %arg2[%dma_start3A_265, %dma_start3A_266] : memref<2048x128xf32, #tpu.memory_space<hbm>> -> memref<2048x128xf32, #tpu.memory_space<hbm>>
    tpu.enqueue_indirect_dma source(%dma_start3A_267 : memref<2048x128xf32, #tpu.memory_space<hbm>>) target(%arg13 : memref<128x128xf32, #tpu.memory_space<vmem>>) offsets(%dma_start3A_264 : memref<128xi32, #tpu.memory_space<vmem>>) semaphore(%arg20 : memref<!tpu.dma_semaphore, #tpu.memory_space<semaphore_mem>>)
    %dma_wait3A_268 = arith.constant 10 : i32
    %dma_wait3A_269 = arith.constant 0 : i32
    %dma_wait3A_270 = tpu.memref_slice %arg6[%dma_wait3A_268, %dma_wait3A_269] : memref<16x128xi32, #tpu.memory_space<vmem>> -> memref<1x128xi32, #tpu.memory_space<vmem>>
    %dma_wait3A_271 = tpu.memref_squeeze %dma_wait3A_270 : memref<1x128xi32, #tpu.memory_space<vmem>> -> memref<128xi32, #tpu.memory_space<vmem>>
    %dma_wait3A_272 = arith.constant 0 : i32
    %dma_wait3A_273 = arith.constant 0 : i32
    %dma_wait3A_274 = tpu.memref_slice %arg2[%dma_wait3A_272, %dma_wait3A_273] : memref<2048x128xf32, #tpu.memory_space<hbm>> -> memref<2048x128xf32, #tpu.memory_space<hbm>>
    tpu.wait_indirect_dma semaphore(%arg19 : memref<!tpu.dma_semaphore, #tpu.memory_space<semaphore_mem>>) src(%dma_wait3A_274 : memref<2048x128xf32, #tpu.memory_space<hbm>>) dst(%arg12 : memref<128x128xf32, #tpu.memory_space<vmem>>)
    %dma_start3A_275 = arith.constant 10 : i32
    %dma_start3A_276 = arith.constant 0 : i32
    %dma_start3A_277 = tpu.memref_slice %arg7[%dma_start3A_275, %dma_start3A_276] : memref<16x128xi32, #tpu.memory_space<vmem>> -> memref<1x128xi32, #tpu.memory_space<vmem>>
    %dma_start3A_278 = tpu.memref_squeeze %dma_start3A_277 : memref<1x128xi32, #tpu.memory_space<vmem>> -> memref<128xi32, #tpu.memory_space<vmem>>
    %dma_start3A_279 = arith.constant 0 : i32
    %dma_start3A_280 = arith.constant 0 : i32
    %dma_start3A_281 = tpu.memref_slice %arg14[%dma_start3A_279, %dma_start3A_280] : memref<2048x128xf32, #tpu.memory_space<vmem_shared>> -> memref<2048x128xf32, #tpu.memory_space<vmem_shared>>
    tpu.enqueue_indirect_dma source(%arg12 : memref<128x128xf32, #tpu.memory_space<vmem>>) target(%dma_start3A_281 : memref<2048x128xf32, #tpu.memory_space<vmem_shared>>) offsets(%dma_start3A_278 : memref<128xi32, #tpu.memory_space<vmem>>) semaphore(%arg25 : memref<!tpu.dma_semaphore, #tpu.memory_space<semaphore_mem>>) {add = true}
    %dma_wait3A_282 = arith.constant 6 : i32
    %dma_wait3A_283 = arith.constant 0 : i32
    %dma_wait3A_284 = tpu.memref_slice %arg7[%dma_wait3A_282, %dma_wait3A_283] : memref<16x128xi32, #tpu.memory_space<vmem>> -> memref<1x128xi32, #tpu.memory_space<vmem>>
    %dma_wait3A_285 = tpu.memref_squeeze %dma_wait3A_284 : memref<1x128xi32, #tpu.memory_space<vmem>> -> memref<128xi32, #tpu.memory_space<vmem>>
    %dma_wait3A_286 = arith.constant 0 : i32
    %dma_wait3A_287 = arith.constant 0 : i32
    %dma_wait3A_288 = tpu.memref_slice %arg14[%dma_wait3A_286, %dma_wait3A_287] : memref<2048x128xf32, #tpu.memory_space<vmem_shared>> -> memref<2048x128xf32, #tpu.memory_space<vmem_shared>>
    tpu.wait_indirect_dma semaphore(%arg21 : memref<!tpu.dma_semaphore, #tpu.memory_space<semaphore_mem>>) src(%arg8 : memref<128x128xf32, #tpu.memory_space<vmem>>) dst(%dma_wait3A_288 : memref<2048x128xf32, #tpu.memory_space<vmem_shared>>)
    %dma_start3A_289 = arith.constant 12 : i32
    %dma_start3A_290 = arith.constant 0 : i32
    %dma_start3A_291 = tpu.memref_slice %arg6[%dma_start3A_289, %dma_start3A_290] : memref<16x128xi32, #tpu.memory_space<vmem>> -> memref<1x128xi32, #tpu.memory_space<vmem>>
    %dma_start3A_292 = tpu.memref_squeeze %dma_start3A_291 : memref<1x128xi32, #tpu.memory_space<vmem>> -> memref<128xi32, #tpu.memory_space<vmem>>
    %dma_start3A_293 = arith.constant 0 : i32
    %dma_start3A_294 = arith.constant 0 : i32
    %dma_start3A_295 = tpu.memref_slice %arg2[%dma_start3A_293, %dma_start3A_294] : memref<2048x128xf32, #tpu.memory_space<hbm>> -> memref<2048x128xf32, #tpu.memory_space<hbm>>
    tpu.enqueue_indirect_dma source(%dma_start3A_295 : memref<2048x128xf32, #tpu.memory_space<hbm>>) target(%arg8 : memref<128x128xf32, #tpu.memory_space<vmem>>) offsets(%dma_start3A_292 : memref<128xi32, #tpu.memory_space<vmem>>) semaphore(%arg15 : memref<!tpu.dma_semaphore, #tpu.memory_space<semaphore_mem>>)
    %dma_wait3A_296 = arith.constant 11 : i32
    %dma_wait3A_297 = arith.constant 0 : i32
    %dma_wait3A_298 = tpu.memref_slice %arg6[%dma_wait3A_296, %dma_wait3A_297] : memref<16x128xi32, #tpu.memory_space<vmem>> -> memref<1x128xi32, #tpu.memory_space<vmem>>
    %dma_wait3A_299 = tpu.memref_squeeze %dma_wait3A_298 : memref<1x128xi32, #tpu.memory_space<vmem>> -> memref<128xi32, #tpu.memory_space<vmem>>
    %dma_wait3A_300 = arith.constant 0 : i32
    %dma_wait3A_301 = arith.constant 0 : i32
    %dma_wait3A_302 = tpu.memref_slice %arg2[%dma_wait3A_300, %dma_wait3A_301] : memref<2048x128xf32, #tpu.memory_space<hbm>> -> memref<2048x128xf32, #tpu.memory_space<hbm>>
    tpu.wait_indirect_dma semaphore(%arg20 : memref<!tpu.dma_semaphore, #tpu.memory_space<semaphore_mem>>) src(%dma_wait3A_302 : memref<2048x128xf32, #tpu.memory_space<hbm>>) dst(%arg13 : memref<128x128xf32, #tpu.memory_space<vmem>>)
    %dma_start3A_303 = arith.constant 11 : i32
    %dma_start3A_304 = arith.constant 0 : i32
    %dma_start3A_305 = tpu.memref_slice %arg7[%dma_start3A_303, %dma_start3A_304] : memref<16x128xi32, #tpu.memory_space<vmem>> -> memref<1x128xi32, #tpu.memory_space<vmem>>
    %dma_start3A_306 = tpu.memref_squeeze %dma_start3A_305 : memref<1x128xi32, #tpu.memory_space<vmem>> -> memref<128xi32, #tpu.memory_space<vmem>>
    %dma_start3A_307 = arith.constant 0 : i32
    %dma_start3A_308 = arith.constant 0 : i32
    %dma_start3A_309 = tpu.memref_slice %arg14[%dma_start3A_307, %dma_start3A_308] : memref<2048x128xf32, #tpu.memory_space<vmem_shared>> -> memref<2048x128xf32, #tpu.memory_space<vmem_shared>>
    tpu.enqueue_indirect_dma source(%arg13 : memref<128x128xf32, #tpu.memory_space<vmem>>) target(%dma_start3A_309 : memref<2048x128xf32, #tpu.memory_space<vmem_shared>>) offsets(%dma_start3A_306 : memref<128xi32, #tpu.memory_space<vmem>>) semaphore(%arg26 : memref<!tpu.dma_semaphore, #tpu.memory_space<semaphore_mem>>) {add = true}
    %dma_wait3A_310 = arith.constant 7 : i32
    %dma_wait3A_311 = arith.constant 0 : i32
    %dma_wait3A_312 = tpu.memref_slice %arg7[%dma_wait3A_310, %dma_wait3A_311] : memref<16x128xi32, #tpu.memory_space<vmem>> -> memref<1x128xi32, #tpu.memory_space<vmem>>
    %dma_wait3A_313 = tpu.memref_squeeze %dma_wait3A_312 : memref<1x128xi32, #tpu.memory_space<vmem>> -> memref<128xi32, #tpu.memory_space<vmem>>
    %dma_wait3A_314 = arith.constant 0 : i32
    %dma_wait3A_315 = arith.constant 0 : i32
    %dma_wait3A_316 = tpu.memref_slice %arg14[%dma_wait3A_314, %dma_wait3A_315] : memref<2048x128xf32, #tpu.memory_space<vmem_shared>> -> memref<2048x128xf32, #tpu.memory_space<vmem_shared>>
    tpu.wait_indirect_dma semaphore(%arg22 : memref<!tpu.dma_semaphore, #tpu.memory_space<semaphore_mem>>) src(%arg9 : memref<128x128xf32, #tpu.memory_space<vmem>>) dst(%dma_wait3A_316 : memref<2048x128xf32, #tpu.memory_space<vmem_shared>>)
    %dma_start3A_317 = arith.constant 13 : i32
    %dma_start3A_318 = arith.constant 0 : i32
    %dma_start3A_319 = tpu.memref_slice %arg6[%dma_start3A_317, %dma_start3A_318] : memref<16x128xi32, #tpu.memory_space<vmem>> -> memref<1x128xi32, #tpu.memory_space<vmem>>
    %dma_start3A_320 = tpu.memref_squeeze %dma_start3A_319 : memref<1x128xi32, #tpu.memory_space<vmem>> -> memref<128xi32, #tpu.memory_space<vmem>>
    %dma_start3A_321 = arith.constant 0 : i32
    %dma_start3A_322 = arith.constant 0 : i32
    %dma_start3A_323 = tpu.memref_slice %arg2[%dma_start3A_321, %dma_start3A_322] : memref<2048x128xf32, #tpu.memory_space<hbm>> -> memref<2048x128xf32, #tpu.memory_space<hbm>>
    tpu.enqueue_indirect_dma source(%dma_start3A_323 : memref<2048x128xf32, #tpu.memory_space<hbm>>) target(%arg9 : memref<128x128xf32, #tpu.memory_space<vmem>>) offsets(%dma_start3A_320 : memref<128xi32, #tpu.memory_space<vmem>>) semaphore(%arg16 : memref<!tpu.dma_semaphore, #tpu.memory_space<semaphore_mem>>)
    %dma_wait3A_324 = arith.constant 12 : i32
    %dma_wait3A_325 = arith.constant 0 : i32
    %dma_wait3A_326 = tpu.memref_slice %arg6[%dma_wait3A_324, %dma_wait3A_325] : memref<16x128xi32, #tpu.memory_space<vmem>> -> memref<1x128xi32, #tpu.memory_space<vmem>>
    %dma_wait3A_327 = tpu.memref_squeeze %dma_wait3A_326 : memref<1x128xi32, #tpu.memory_space<vmem>> -> memref<128xi32, #tpu.memory_space<vmem>>
    %dma_wait3A_328 = arith.constant 0 : i32
    %dma_wait3A_329 = arith.constant 0 : i32
    %dma_wait3A_330 = tpu.memref_slice %arg2[%dma_wait3A_328, %dma_wait3A_329] : memref<2048x128xf32, #tpu.memory_space<hbm>> -> memref<2048x128xf32, #tpu.memory_space<hbm>>
    tpu.wait_indirect_dma semaphore(%arg15 : memref<!tpu.dma_semaphore, #tpu.memory_space<semaphore_mem>>) src(%dma_wait3A_330 : memref<2048x128xf32, #tpu.memory_space<hbm>>) dst(%arg8 : memref<128x128xf32, #tpu.memory_space<vmem>>)
    %dma_start3A_331 = arith.constant 12 : i32
    %dma_start3A_332 = arith.constant 0 : i32
    %dma_start3A_333 = tpu.memref_slice %arg7[%dma_start3A_331, %dma_start3A_332] : memref<16x128xi32, #tpu.memory_space<vmem>> -> memref<1x128xi32, #tpu.memory_space<vmem>>
    %dma_start3A_334 = tpu.memref_squeeze %dma_start3A_333 : memref<1x128xi32, #tpu.memory_space<vmem>> -> memref<128xi32, #tpu.memory_space<vmem>>
    %dma_start3A_335 = arith.constant 0 : i32
    %dma_start3A_336 = arith.constant 0 : i32
    %dma_start3A_337 = tpu.memref_slice %arg14[%dma_start3A_335, %dma_start3A_336] : memref<2048x128xf32, #tpu.memory_space<vmem_shared>> -> memref<2048x128xf32, #tpu.memory_space<vmem_shared>>
    tpu.enqueue_indirect_dma source(%arg8 : memref<128x128xf32, #tpu.memory_space<vmem>>) target(%dma_start3A_337 : memref<2048x128xf32, #tpu.memory_space<vmem_shared>>) offsets(%dma_start3A_334 : memref<128xi32, #tpu.memory_space<vmem>>) semaphore(%arg21 : memref<!tpu.dma_semaphore, #tpu.memory_space<semaphore_mem>>) {add = true}
    %dma_wait3A_338 = arith.constant 8 : i32
    %dma_wait3A_339 = arith.constant 0 : i32
    %dma_wait3A_340 = tpu.memref_slice %arg7[%dma_wait3A_338, %dma_wait3A_339] : memref<16x128xi32, #tpu.memory_space<vmem>> -> memref<1x128xi32, #tpu.memory_space<vmem>>
    %dma_wait3A_341 = tpu.memref_squeeze %dma_wait3A_340 : memref<1x128xi32, #tpu.memory_space<vmem>> -> memref<128xi32, #tpu.memory_space<vmem>>
    %dma_wait3A_342 = arith.constant 0 : i32
    %dma_wait3A_343 = arith.constant 0 : i32
    %dma_wait3A_344 = tpu.memref_slice %arg14[%dma_wait3A_342, %dma_wait3A_343] : memref<2048x128xf32, #tpu.memory_space<vmem_shared>> -> memref<2048x128xf32, #tpu.memory_space<vmem_shared>>
    tpu.wait_indirect_dma semaphore(%arg23 : memref<!tpu.dma_semaphore, #tpu.memory_space<semaphore_mem>>) src(%arg10 : memref<128x128xf32, #tpu.memory_space<vmem>>) dst(%dma_wait3A_344 : memref<2048x128xf32, #tpu.memory_space<vmem_shared>>)
    %dma_start3A_345 = arith.constant 14 : i32
    %dma_start3A_346 = arith.constant 0 : i32
    %dma_start3A_347 = tpu.memref_slice %arg6[%dma_start3A_345, %dma_start3A_346] : memref<16x128xi32, #tpu.memory_space<vmem>> -> memref<1x128xi32, #tpu.memory_space<vmem>>
    %dma_start3A_348 = tpu.memref_squeeze %dma_start3A_347 : memref<1x128xi32, #tpu.memory_space<vmem>> -> memref<128xi32, #tpu.memory_space<vmem>>
    %dma_start3A_349 = arith.constant 0 : i32
    %dma_start3A_350 = arith.constant 0 : i32
    %dma_start3A_351 = tpu.memref_slice %arg2[%dma_start3A_349, %dma_start3A_350] : memref<2048x128xf32, #tpu.memory_space<hbm>> -> memref<2048x128xf32, #tpu.memory_space<hbm>>
    tpu.enqueue_indirect_dma source(%dma_start3A_351 : memref<2048x128xf32, #tpu.memory_space<hbm>>) target(%arg10 : memref<128x128xf32, #tpu.memory_space<vmem>>) offsets(%dma_start3A_348 : memref<128xi32, #tpu.memory_space<vmem>>) semaphore(%arg17 : memref<!tpu.dma_semaphore, #tpu.memory_space<semaphore_mem>>)
    %dma_wait3A_352 = arith.constant 13 : i32
    %dma_wait3A_353 = arith.constant 0 : i32
    %dma_wait3A_354 = tpu.memref_slice %arg6[%dma_wait3A_352, %dma_wait3A_353] : memref<16x128xi32, #tpu.memory_space<vmem>> -> memref<1x128xi32, #tpu.memory_space<vmem>>
    %dma_wait3A_355 = tpu.memref_squeeze %dma_wait3A_354 : memref<1x128xi32, #tpu.memory_space<vmem>> -> memref<128xi32, #tpu.memory_space<vmem>>
    %dma_wait3A_356 = arith.constant 0 : i32
    %dma_wait3A_357 = arith.constant 0 : i32
    %dma_wait3A_358 = tpu.memref_slice %arg2[%dma_wait3A_356, %dma_wait3A_357] : memref<2048x128xf32, #tpu.memory_space<hbm>> -> memref<2048x128xf32, #tpu.memory_space<hbm>>
    tpu.wait_indirect_dma semaphore(%arg16 : memref<!tpu.dma_semaphore, #tpu.memory_space<semaphore_mem>>) src(%dma_wait3A_358 : memref<2048x128xf32, #tpu.memory_space<hbm>>) dst(%arg9 : memref<128x128xf32, #tpu.memory_space<vmem>>)
    %dma_start3A_359 = arith.constant 13 : i32
    %dma_start3A_360 = arith.constant 0 : i32
    %dma_start3A_361 = tpu.memref_slice %arg7[%dma_start3A_359, %dma_start3A_360] : memref<16x128xi32, #tpu.memory_space<vmem>> -> memref<1x128xi32, #tpu.memory_space<vmem>>
    %dma_start3A_362 = tpu.memref_squeeze %dma_start3A_361 : memref<1x128xi32, #tpu.memory_space<vmem>> -> memref<128xi32, #tpu.memory_space<vmem>>
    %dma_start3A_363 = arith.constant 0 : i32
    %dma_start3A_364 = arith.constant 0 : i32
    %dma_start3A_365 = tpu.memref_slice %arg14[%dma_start3A_363, %dma_start3A_364] : memref<2048x128xf32, #tpu.memory_space<vmem_shared>> -> memref<2048x128xf32, #tpu.memory_space<vmem_shared>>
    tpu.enqueue_indirect_dma source(%arg9 : memref<128x128xf32, #tpu.memory_space<vmem>>) target(%dma_start3A_365 : memref<2048x128xf32, #tpu.memory_space<vmem_shared>>) offsets(%dma_start3A_362 : memref<128xi32, #tpu.memory_space<vmem>>) semaphore(%arg22 : memref<!tpu.dma_semaphore, #tpu.memory_space<semaphore_mem>>) {add = true}
    %dma_wait3A_366 = arith.constant 9 : i32
    %dma_wait3A_367 = arith.constant 0 : i32
    %dma_wait3A_368 = tpu.memref_slice %arg7[%dma_wait3A_366, %dma_wait3A_367] : memref<16x128xi32, #tpu.memory_space<vmem>> -> memref<1x128xi32, #tpu.memory_space<vmem>>
    %dma_wait3A_369 = tpu.memref_squeeze %dma_wait3A_368 : memref<1x128xi32, #tpu.memory_space<vmem>> -> memref<128xi32, #tpu.memory_space<vmem>>
    %dma_wait3A_370 = arith.constant 0 : i32
    %dma_wait3A_371 = arith.constant 0 : i32
    %dma_wait3A_372 = tpu.memref_slice %arg14[%dma_wait3A_370, %dma_wait3A_371] : memref<2048x128xf32, #tpu.memory_space<vmem_shared>> -> memref<2048x128xf32, #tpu.memory_space<vmem_shared>>
    tpu.wait_indirect_dma semaphore(%arg24 : memref<!tpu.dma_semaphore, #tpu.memory_space<semaphore_mem>>) src(%arg11 : memref<128x128xf32, #tpu.memory_space<vmem>>) dst(%dma_wait3A_372 : memref<2048x128xf32, #tpu.memory_space<vmem_shared>>)
    %dma_start3A_373 = arith.constant 15 : i32
    %dma_start3A_374 = arith.constant 0 : i32
    %dma_start3A_375 = tpu.memref_slice %arg6[%dma_start3A_373, %dma_start3A_374] : memref<16x128xi32, #tpu.memory_space<vmem>> -> memref<1x128xi32, #tpu.memory_space<vmem>>
    %dma_start3A_376 = tpu.memref_squeeze %dma_start3A_375 : memref<1x128xi32, #tpu.memory_space<vmem>> -> memref<128xi32, #tpu.memory_space<vmem>>
    %dma_start3A_377 = arith.constant 0 : i32
    %dma_start3A_378 = arith.constant 0 : i32
    %dma_start3A_379 = tpu.memref_slice %arg2[%dma_start3A_377, %dma_start3A_378] : memref<2048x128xf32, #tpu.memory_space<hbm>> -> memref<2048x128xf32, #tpu.memory_space<hbm>>
    tpu.enqueue_indirect_dma source(%dma_start3A_379 : memref<2048x128xf32, #tpu.memory_space<hbm>>) target(%arg11 : memref<128x128xf32, #tpu.memory_space<vmem>>) offsets(%dma_start3A_376 : memref<128xi32, #tpu.memory_space<vmem>>) semaphore(%arg18 : memref<!tpu.dma_semaphore, #tpu.memory_space<semaphore_mem>>)
    %dma_wait3A_380 = arith.constant 14 : i32
    %dma_wait3A_381 = arith.constant 0 : i32
    %dma_wait3A_382 = tpu.memref_slice %arg6[%dma_wait3A_380, %dma_wait3A_381] : memref<16x128xi32, #tpu.memory_space<vmem>> -> memref<1x128xi32, #tpu.memory_space<vmem>>
    %dma_wait3A_383 = tpu.memref_squeeze %dma_wait3A_382 : memref<1x128xi32, #tpu.memory_space<vmem>> -> memref<128xi32, #tpu.memory_space<vmem>>
    %dma_wait3A_384 = arith.constant 0 : i32
    %dma_wait3A_385 = arith.constant 0 : i32
    %dma_wait3A_386 = tpu.memref_slice %arg2[%dma_wait3A_384, %dma_wait3A_385] : memref<2048x128xf32, #tpu.memory_space<hbm>> -> memref<2048x128xf32, #tpu.memory_space<hbm>>
    tpu.wait_indirect_dma semaphore(%arg17 : memref<!tpu.dma_semaphore, #tpu.memory_space<semaphore_mem>>) src(%dma_wait3A_386 : memref<2048x128xf32, #tpu.memory_space<hbm>>) dst(%arg10 : memref<128x128xf32, #tpu.memory_space<vmem>>)
    %dma_start3A_387 = arith.constant 14 : i32
    %dma_start3A_388 = arith.constant 0 : i32
    %dma_start3A_389 = tpu.memref_slice %arg7[%dma_start3A_387, %dma_start3A_388] : memref<16x128xi32, #tpu.memory_space<vmem>> -> memref<1x128xi32, #tpu.memory_space<vmem>>
    %dma_start3A_390 = tpu.memref_squeeze %dma_start3A_389 : memref<1x128xi32, #tpu.memory_space<vmem>> -> memref<128xi32, #tpu.memory_space<vmem>>
    %dma_start3A_391 = arith.constant 0 : i32
    %dma_start3A_392 = arith.constant 0 : i32
    %dma_start3A_393 = tpu.memref_slice %arg14[%dma_start3A_391, %dma_start3A_392] : memref<2048x128xf32, #tpu.memory_space<vmem_shared>> -> memref<2048x128xf32, #tpu.memory_space<vmem_shared>>
    tpu.enqueue_indirect_dma source(%arg10 : memref<128x128xf32, #tpu.memory_space<vmem>>) target(%dma_start3A_393 : memref<2048x128xf32, #tpu.memory_space<vmem_shared>>) offsets(%dma_start3A_390 : memref<128xi32, #tpu.memory_space<vmem>>) semaphore(%arg23 : memref<!tpu.dma_semaphore, #tpu.memory_space<semaphore_mem>>) {add = true}
    %dma_wait3A_394 = arith.constant 15 : i32
    %dma_wait3A_395 = arith.constant 0 : i32
    %dma_wait3A_396 = tpu.memref_slice %arg6[%dma_wait3A_394, %dma_wait3A_395] : memref<16x128xi32, #tpu.memory_space<vmem>> -> memref<1x128xi32, #tpu.memory_space<vmem>>
    %dma_wait3A_397 = tpu.memref_squeeze %dma_wait3A_396 : memref<1x128xi32, #tpu.memory_space<vmem>> -> memref<128xi32, #tpu.memory_space<vmem>>
    %dma_wait3A_398 = arith.constant 0 : i32
    %dma_wait3A_399 = arith.constant 0 : i32
    %dma_wait3A_400 = tpu.memref_slice %arg2[%dma_wait3A_398, %dma_wait3A_399] : memref<2048x128xf32, #tpu.memory_space<hbm>> -> memref<2048x128xf32, #tpu.memory_space<hbm>>
    tpu.wait_indirect_dma semaphore(%arg18 : memref<!tpu.dma_semaphore, #tpu.memory_space<semaphore_mem>>) src(%dma_wait3A_400 : memref<2048x128xf32, #tpu.memory_space<hbm>>) dst(%arg11 : memref<128x128xf32, #tpu.memory_space<vmem>>)
    %dma_start3A_401 = arith.constant 15 : i32
    %dma_start3A_402 = arith.constant 0 : i32
    %dma_start3A_403 = tpu.memref_slice %arg7[%dma_start3A_401, %dma_start3A_402] : memref<16x128xi32, #tpu.memory_space<vmem>> -> memref<1x128xi32, #tpu.memory_space<vmem>>
    %dma_start3A_404 = tpu.memref_squeeze %dma_start3A_403 : memref<1x128xi32, #tpu.memory_space<vmem>> -> memref<128xi32, #tpu.memory_space<vmem>>
    %dma_start3A_405 = arith.constant 0 : i32
    %dma_start3A_406 = arith.constant 0 : i32
    %dma_start3A_407 = tpu.memref_slice %arg14[%dma_start3A_405, %dma_start3A_406] : memref<2048x128xf32, #tpu.memory_space<vmem_shared>> -> memref<2048x128xf32, #tpu.memory_space<vmem_shared>>
    tpu.enqueue_indirect_dma source(%arg11 : memref<128x128xf32, #tpu.memory_space<vmem>>) target(%dma_start3A_407 : memref<2048x128xf32, #tpu.memory_space<vmem_shared>>) offsets(%dma_start3A_404 : memref<128xi32, #tpu.memory_space<vmem>>) semaphore(%arg24 : memref<!tpu.dma_semaphore, #tpu.memory_space<semaphore_mem>>) {add = true}
    %dma_wait3A_408 = arith.constant 10 : i32
    %dma_wait3A_409 = arith.constant 0 : i32
    %dma_wait3A_410 = tpu.memref_slice %arg7[%dma_wait3A_408, %dma_wait3A_409] : memref<16x128xi32, #tpu.memory_space<vmem>> -> memref<1x128xi32, #tpu.memory_space<vmem>>
    %dma_wait3A_411 = tpu.memref_squeeze %dma_wait3A_410 : memref<1x128xi32, #tpu.memory_space<vmem>> -> memref<128xi32, #tpu.memory_space<vmem>>
    %dma_wait3A_412 = arith.constant 0 : i32
    %dma_wait3A_413 = arith.constant 0 : i32
    %dma_wait3A_414 = tpu.memref_slice %arg14[%dma_wait3A_412, %dma_wait3A_413] : memref<2048x128xf32, #tpu.memory_space<vmem_shared>> -> memref<2048x128xf32, #tpu.memory_space<vmem_shared>>
    tpu.wait_indirect_dma semaphore(%arg25 : memref<!tpu.dma_semaphore, #tpu.memory_space<semaphore_mem>>) src(%arg12 : memref<128x128xf32, #tpu.memory_space<vmem>>) dst(%dma_wait3A_414 : memref<2048x128xf32, #tpu.memory_space<vmem_shared>>)
    %dma_wait3A_415 = arith.constant 11 : i32
    %dma_wait3A_416 = arith.constant 0 : i32
    %dma_wait3A_417 = tpu.memref_slice %arg7[%dma_wait3A_415, %dma_wait3A_416] : memref<16x128xi32, #tpu.memory_space<vmem>> -> memref<1x128xi32, #tpu.memory_space<vmem>>
    %dma_wait3A_418 = tpu.memref_squeeze %dma_wait3A_417 : memref<1x128xi32, #tpu.memory_space<vmem>> -> memref<128xi32, #tpu.memory_space<vmem>>
    %dma_wait3A_419 = arith.constant 0 : i32
    %dma_wait3A_420 = arith.constant 0 : i32
    %dma_wait3A_421 = tpu.memref_slice %arg14[%dma_wait3A_419, %dma_wait3A_420] : memref<2048x128xf32, #tpu.memory_space<vmem_shared>> -> memref<2048x128xf32, #tpu.memory_space<vmem_shared>>
    tpu.wait_indirect_dma semaphore(%arg26 : memref<!tpu.dma_semaphore, #tpu.memory_space<semaphore_mem>>) src(%arg13 : memref<128x128xf32, #tpu.memory_space<vmem>>) dst(%dma_wait3A_421 : memref<2048x128xf32, #tpu.memory_space<vmem_shared>>)
    %dma_wait3A_422 = arith.constant 12 : i32
    %dma_wait3A_423 = arith.constant 0 : i32
    %dma_wait3A_424 = tpu.memref_slice %arg7[%dma_wait3A_422, %dma_wait3A_423] : memref<16x128xi32, #tpu.memory_space<vmem>> -> memref<1x128xi32, #tpu.memory_space<vmem>>
    %dma_wait3A_425 = tpu.memref_squeeze %dma_wait3A_424 : memref<1x128xi32, #tpu.memory_space<vmem>> -> memref<128xi32, #tpu.memory_space<vmem>>
    %dma_wait3A_426 = arith.constant 0 : i32
    %dma_wait3A_427 = arith.constant 0 : i32
    %dma_wait3A_428 = tpu.memref_slice %arg14[%dma_wait3A_426, %dma_wait3A_427] : memref<2048x128xf32, #tpu.memory_space<vmem_shared>> -> memref<2048x128xf32, #tpu.memory_space<vmem_shared>>
    tpu.wait_indirect_dma semaphore(%arg21 : memref<!tpu.dma_semaphore, #tpu.memory_space<semaphore_mem>>) src(%arg8 : memref<128x128xf32, #tpu.memory_space<vmem>>) dst(%dma_wait3A_428 : memref<2048x128xf32, #tpu.memory_space<vmem_shared>>)
    %dma_wait3A_429 = arith.constant 13 : i32
    %dma_wait3A_430 = arith.constant 0 : i32
    %dma_wait3A_431 = tpu.memref_slice %arg7[%dma_wait3A_429, %dma_wait3A_430] : memref<16x128xi32, #tpu.memory_space<vmem>> -> memref<1x128xi32, #tpu.memory_space<vmem>>
    %dma_wait3A_432 = tpu.memref_squeeze %dma_wait3A_431 : memref<1x128xi32, #tpu.memory_space<vmem>> -> memref<128xi32, #tpu.memory_space<vmem>>
    %dma_wait3A_433 = arith.constant 0 : i32
    %dma_wait3A_434 = arith.constant 0 : i32
    %dma_wait3A_435 = tpu.memref_slice %arg14[%dma_wait3A_433, %dma_wait3A_434] : memref<2048x128xf32, #tpu.memory_space<vmem_shared>> -> memref<2048x128xf32, #tpu.memory_space<vmem_shared>>
    tpu.wait_indirect_dma semaphore(%arg22 : memref<!tpu.dma_semaphore, #tpu.memory_space<semaphore_mem>>) src(%arg9 : memref<128x128xf32, #tpu.memory_space<vmem>>) dst(%dma_wait3A_435 : memref<2048x128xf32, #tpu.memory_space<vmem_shared>>)
    %dma_wait3A_436 = arith.constant 14 : i32
    %dma_wait3A_437 = arith.constant 0 : i32
    %dma_wait3A_438 = tpu.memref_slice %arg7[%dma_wait3A_436, %dma_wait3A_437] : memref<16x128xi32, #tpu.memory_space<vmem>> -> memref<1x128xi32, #tpu.memory_space<vmem>>
    %dma_wait3A_439 = tpu.memref_squeeze %dma_wait3A_438 : memref<1x128xi32, #tpu.memory_space<vmem>> -> memref<128xi32, #tpu.memory_space<vmem>>
    %dma_wait3A_440 = arith.constant 0 : i32
    %dma_wait3A_441 = arith.constant 0 : i32
    %dma_wait3A_442 = tpu.memref_slice %arg14[%dma_wait3A_440, %dma_wait3A_441] : memref<2048x128xf32, #tpu.memory_space<vmem_shared>> -> memref<2048x128xf32, #tpu.memory_space<vmem_shared>>
    tpu.wait_indirect_dma semaphore(%arg23 : memref<!tpu.dma_semaphore, #tpu.memory_space<semaphore_mem>>) src(%arg10 : memref<128x128xf32, #tpu.memory_space<vmem>>) dst(%dma_wait3A_442 : memref<2048x128xf32, #tpu.memory_space<vmem_shared>>)
    %dma_wait3A_443 = arith.constant 15 : i32
    %dma_wait3A_444 = arith.constant 0 : i32
    %dma_wait3A_445 = tpu.memref_slice %arg7[%dma_wait3A_443, %dma_wait3A_444] : memref<16x128xi32, #tpu.memory_space<vmem>> -> memref<1x128xi32, #tpu.memory_space<vmem>>
    %dma_wait3A_446 = tpu.memref_squeeze %dma_wait3A_445 : memref<1x128xi32, #tpu.memory_space<vmem>> -> memref<128xi32, #tpu.memory_space<vmem>>
    %dma_wait3A_447 = arith.constant 0 : i32
    %dma_wait3A_448 = arith.constant 0 : i32
    %dma_wait3A_449 = tpu.memref_slice %arg14[%dma_wait3A_447, %dma_wait3A_448] : memref<2048x128xf32, #tpu.memory_space<vmem_shared>> -> memref<2048x128xf32, #tpu.memory_space<vmem_shared>>
    tpu.wait_indirect_dma semaphore(%arg24 : memref<!tpu.dma_semaphore, #tpu.memory_space<semaphore_mem>>) src(%arg11 : memref<128x128xf32, #tpu.memory_space<vmem>>) dst(%dma_wait3A_449 : memref<2048x128xf32, #tpu.memory_space<vmem_shared>>)
    %barrier3A_450 = arith.constant 0 : index
    tpu.barrier barrier_id(%barrier3A_450)
    %mul3A_451 = arith.constant 128 : i32
    %mul3A_452 = arith.muli %arg1, %mul3A_451 : i32
    %mul3A_453 = arith.constant 128 : i32
    %mul3A_454 = arith.muli %arg1, %mul3A_453 : i32
    "tpu.region"() ({
      %run_scoped3A_455 = tpu.sem_alloc : memref<!tpu.dma_semaphore, #tpu.memory_space<semaphore_mem>>
      %dma_start3A_456 = arith.constant 0 : i32
      %dma_start3A_457 = tpu.memref_slice %arg5[%arg0, %mul3A_454, %dma_start3A_456] : memref<2x2048x128xf32, #tpu.memory_space<hbm>> -> memref<1x128x128xf32, #tpu.memory_space<hbm>>
      %dma_start3A_458 = tpu.memref_squeeze %dma_start3A_457 : memref<1x128x128xf32, #tpu.memory_space<hbm>> -> memref<128x128xf32, #tpu.memory_space<hbm>>
      %dma_start3A_459 = arith.constant 0 : i32
      %dma_start3A_460 = tpu.memref_slice %arg14[%mul3A_452, %dma_start3A_459] : memref<2048x128xf32, #tpu.memory_space<vmem_shared>> -> memref<128x128xf32, #tpu.memory_space<vmem_shared>>
      tpu.enqueue_dma source(%dma_start3A_460 : memref<128x128xf32, #tpu.memory_space<vmem_shared>>) target(%dma_start3A_458 : memref<128x128xf32, #tpu.memory_space<hbm>>) target_semaphore(%run_scoped3A_455 : memref<!tpu.dma_semaphore, #tpu.memory_space<semaphore_mem>>)
      %dma_wait3A_461 = arith.constant 0 : i32
      %dma_wait3A_462 = tpu.memref_slice %arg5[%arg0, %mul3A_454, %dma_wait3A_461] : memref<2x2048x128xf32, #tpu.memory_space<hbm>> -> memref<1x128x128xf32, #tpu.memory_space<hbm>>
      %dma_wait3A_463 = tpu.memref_squeeze %dma_wait3A_462 : memref<1x128x128xf32, #tpu.memory_space<hbm>> -> memref<128x128xf32, #tpu.memory_space<hbm>>
      %dma_wait3A_464 = arith.constant 0 : i32
      %dma_wait3A_465 = tpu.memref_slice %arg14[%mul3A_452, %dma_wait3A_464] : memref<2048x128xf32, #tpu.memory_space<vmem_shared>> -> memref<128x128xf32, #tpu.memory_space<vmem_shared>>
      tpu.wait_dma2 semaphore(%run_scoped3A_455 : memref<!tpu.dma_semaphore, #tpu.memory_space<semaphore_mem>>) src(%dma_wait3A_465 : memref<128x128xf32, #tpu.memory_space<vmem_shared>>) dst(%dma_wait3A_463 : memref<128x128xf32, #tpu.memory_space<hbm>>)
      tpu.yield
    }) : () -> ()
    return
  }
}

module attributes {stable_mosaic.version = 14 : i64} {
  func.func @_hw0_body(%arg0: memref<2048x128xf32, #tpu.memory_space<vmem>>, %arg1: memref<1x16384xf32, #tpu.memory_space<vmem>>, %arg2: memref<16512x128xf32, #tpu.memory_space<vmem>>, %arg3: memref<2048x128xf32, #tpu.memory_space<vmem>>) attributes {dimension_semantics = [], scalar_prefetch = 0 : i64, scratch_operands = 0 : i64, tpu.core_type = #tpu.core_type<tc>} {
    %get3A = arith.constant 0 : index
    %get3A_0 = arith.constant 0 : index
    %get3A_1 = vector.load %arg1[%get3A, %get3A_0] : memref<1x16384xf32, #tpu.memory_space<vmem>>, vector<1x16384xf32>
    %get3A_2 = arith.constant 128 : index
    %get3A_3 = arith.constant 0 : index
    %get3A_4 = vector.load %arg2[%get3A_2, %get3A_3] : memref<16512x128xf32, #tpu.memory_space<vmem>>, vector<16384x128xf32>
    %dot_general3A = arith.constant dense<0.000000e+00> : vector<1x128xf32>
    %dot_general3A_5 = tpu.matmul %get3A_1, %get3A_4, %dot_general3A {dimension_numbers = #tpu.dot_dimension_numbers<[1], [0], [0], [1], [0, 0, 1, 1], [], []>, transpose_lhs_hint = false} : vector<1x16384xf32>, vector<16384x128xf32>, vector<1x128xf32> -> vector<1x128xf32>
    %get3A_6 = arith.constant 0 : index
    %get3A_7 = arith.constant 0 : index
    %get3A_8 = vector.load %arg0[%get3A_6, %get3A_7] : memref<2048x128xf32, #tpu.memory_space<vmem>>, vector<2048x128xf32>
    %get3A_9 = arith.constant 0 : index
    %get3A_10 = arith.constant 0 : index
    %get3A_11 = vector.load %arg2[%get3A_9, %get3A_10] : memref<16512x128xf32, #tpu.memory_space<vmem>>, vector<128x128xf32>
    %dot_general3A_12 = arith.constant dense<0.000000e+00> : vector<2048x128xf32>
    %dot_general3A_13 = tpu.matmul %get3A_8, %get3A_11, %dot_general3A_12 {dimension_numbers = #tpu.dot_dimension_numbers<[1], [0], [0], [1], [0, 0, 1, 1], [], []>, transpose_lhs_hint = false} : vector<2048x128xf32>, vector<128x128xf32>, vector<2048x128xf32> -> vector<2048x128xf32>
    %add3A = vector.broadcast %dot_general3A_5 : vector<1x128xf32> to vector<2048x128xf32>
    %add3A_14 = arith.addf %dot_general3A_13, %add3A : vector<2048x128xf32>
    %swap3A = arith.constant 0 : index
    %swap3A_15 = arith.constant 0 : index
    %swap3A_16 = vector.load %arg3[%swap3A, %swap3A_15] : memref<2048x128xf32, #tpu.memory_space<vmem>>, vector<2048x128xf32>
    tpu.vector_store %arg3[%swap3A, %swap3A_15], %add3A_14 {strides = array<i32>} : memref<2048x128xf32, #tpu.memory_space<vmem>>, vector<2048x128xf32>,
    return
  }
}

module attributes {stable_mosaic.version = 14 : i64} {
  func.func @_scale_body(%arg0: memref<2048x128xf32, #tpu.memory_space<vmem>>, %arg1: memref<2048x1xf32, #tpu.memory_space<vmem>>, %arg2: memref<2048x128xf32, #tpu.memory_space<vmem>>, %arg3: memref<2048x1xf32, #tpu.memory_space<vmem>>) attributes {dimension_semantics = [], scalar_prefetch = 0 : i64, scratch_operands = 0 : i64, tpu.core_type = #tpu.core_type<tc>} {
    %get3A = arith.constant 0 : index
    %get3A_0 = arith.constant 0 : index
    %get3A_1 = vector.load %arg1[%get3A, %get3A_0] : memref<2048x1xf32, #tpu.memory_space<vmem>>, vector<2048x1xf32>
    %add3A = arith.constant 1.000000e+00 : f32
    %add3A_2 = vector.broadcast %add3A : f32 to vector<2048x1xf32>
    %add3A_3 = arith.addf %get3A_1, %add3A_2 : vector<2048x1xf32>
    %rsqrt3A = math.rsqrt %add3A_3 : vector<2048x1xf32>
    %swap3A = arith.constant 0 : index
    %swap3A_4 = arith.constant 0 : index
    %swap3A_5 = vector.load %arg3[%swap3A, %swap3A_4] : memref<2048x1xf32, #tpu.memory_space<vmem>>, vector<2048x1xf32>
    tpu.vector_store %arg3[%swap3A, %swap3A_4], %rsqrt3A {strides = array<i32>} : memref<2048x1xf32, #tpu.memory_space<vmem>>, vector<2048x1xf32>,
    %get3A_6 = arith.constant 0 : index
    %get3A_7 = arith.constant 0 : index
    %get3A_8 = vector.load %arg0[%get3A_6, %get3A_7] : memref<2048x128xf32, #tpu.memory_space<vmem>>, vector<2048x128xf32>
    %mul3A = vector.broadcast %rsqrt3A : vector<2048x1xf32> to vector<2048x128xf32>
    %mul3A_9 = arith.mulf %get3A_8, %mul3A : vector<2048x128xf32>
    %swap3A_10 = arith.constant 0 : index
    %swap3A_11 = arith.constant 0 : index
    %swap3A_12 = vector.load %arg2[%swap3A_10, %swap3A_11] : memref<2048x128xf32, #tpu.memory_space<vmem>>, vector<2048x128xf32>
    tpu.vector_store %arg2[%swap3A_10, %swap3A_11], %mul3A_9 {strides = array<i32>} : memref<2048x128xf32, #tpu.memory_space<vmem>>, vector<2048x128xf32>,
    return
  }
}

module attributes {stable_mosaic.version = 14 : i64} {
  func.func @_layer_body(%arg0: memref<2x2048x128xf32, #tpu.memory_space<vmem>>, %arg1: memref<2048x128xf32, #tpu.memory_space<vmem>>, %arg2: memref<2048x1xf32, #tpu.memory_space<vmem>>, %arg3: memref<1x128xf32, #tpu.memory_space<vmem>>, %arg4: memref<128x128xf32, #tpu.memory_space<vmem>>, %arg5: memref<2048x128xf32, #tpu.memory_space<vmem>>) attributes {dimension_semantics = [], scalar_prefetch = 0 : i64, scratch_operands = 0 : i64, tpu.core_type = #tpu.core_type<tc>} {
    %get3A = arith.constant 0 : index
    %get3A_0 = arith.constant 0 : index
    %get3A_1 = vector.load %arg2[%get3A, %get3A_0] : memref<2048x1xf32, #tpu.memory_space<vmem>>, vector<2048x1xf32>
    %get3A_2 = arith.constant 0 : index
    %get3A_3 = arith.constant 0 : index
    %get3A_4 = arith.constant 0 : index
    %get3A_5 = vector.load %arg0[%get3A_2, %get3A_3, %get3A_4] : memref<2x2048x128xf32, #tpu.memory_space<vmem>>, vector<1x2048x128xf32>
    %get3A_6 = vector.shape_cast %get3A_5 : vector<1x2048x128xf32> to vector<2048x128xf32>
    %get3A_7 = arith.constant 1 : index
    %get3A_8 = arith.constant 0 : index
    %get3A_9 = arith.constant 0 : index
    %get3A_10 = vector.load %arg0[%get3A_7, %get3A_8, %get3A_9] : memref<2x2048x128xf32, #tpu.memory_space<vmem>>, vector<1x2048x128xf32>
    %get3A_11 = vector.shape_cast %get3A_10 : vector<1x2048x128xf32> to vector<2048x128xf32>
    %add3A = arith.addf %get3A_6, %get3A_11 : vector<2048x128xf32>
    %get3A_12 = arith.constant 0 : index
    %get3A_13 = arith.constant 0 : index
    %get3A_14 = vector.load %arg1[%get3A_12, %get3A_13] : memref<2048x128xf32, #tpu.memory_space<vmem>>, vector<2048x128xf32>
    %add3A_15 = arith.addf %add3A, %get3A_14 : vector<2048x128xf32>
    %mul3A = vector.broadcast %get3A_1 : vector<2048x1xf32> to vector<2048x128xf32>
    %mul3A_16 = arith.mulf %mul3A, %add3A_15 : vector<2048x128xf32>
    %get3A_17 = arith.constant 0 : index
    %get3A_18 = arith.constant 0 : index
    %get3A_19 = vector.load %arg3[%get3A_17, %get3A_18] : memref<1x128xf32, #tpu.memory_space<vmem>>, vector<1x128xf32>
    %add3A_20 = vector.broadcast %get3A_19 : vector<1x128xf32> to vector<2048x128xf32>
    %add3A_21 = arith.addf %mul3A_16, %add3A_20 : vector<2048x128xf32>
    %max3A = arith.constant 0.000000e+00 : f32
    %max3A_22 = vector.broadcast %max3A : f32 to vector<2048x128xf32>
    %max3A_23 = arith.maximumf %add3A_21, %max3A_22 : vector<2048x128xf32>
    %get3A_24 = arith.constant 0 : index
    %get3A_25 = arith.constant 0 : index
    %get3A_26 = vector.load %arg4[%get3A_24, %get3A_25] : memref<128x128xf32, #tpu.memory_space<vmem>>, vector<128x128xf32>
    %dot_general3A = arith.constant dense<0.000000e+00> : vector<2048x128xf32>
    %dot_general3A_27 = tpu.matmul %max3A_23, %get3A_26, %dot_general3A {dimension_numbers = #tpu.dot_dimension_numbers<[1], [0], [0], [1], [0, 0, 1, 1], [], []>, transpose_lhs_hint = false} : vector<2048x128xf32>, vector<128x128xf32>, vector<2048x128xf32> -> vector<2048x128xf32>
    %mul3A_28 = vector.broadcast %get3A_1 : vector<2048x1xf32> to vector<2048x128xf32>
    %mul3A_29 = arith.mulf %dot_general3A_27, %mul3A_28 : vector<2048x128xf32>
    %swap3A = arith.constant 0 : index
    %swap3A_30 = arith.constant 0 : index
    %swap3A_31 = vector.load %arg5[%swap3A, %swap3A_30] : memref<2048x128xf32, #tpu.memory_space<vmem>>, vector<2048x128xf32>
    tpu.vector_store %arg5[%swap3A, %swap3A_30], %mul3A_29 {strides = array<i32>} : memref<2048x128xf32, #tpu.memory_space<vmem>>, vector<2048x128xf32>,
    return
  }
}

module attributes {stable_mosaic.version = 14 : i64} {
  func.func @_lstm_body(%arg0: memref<2x2048x128xf32, #tpu.memory_space<vmem>>, %arg1: memref<2048x128xf32, #tpu.memory_space<vmem>>, %arg2: memref<2048x1xf32, #tpu.memory_space<vmem>>, %arg3: memref<1x128xf32, #tpu.memory_space<vmem>>, %arg4: memref<128x512xf32, #tpu.memory_space<vmem>>, %arg5: memref<1x512xf32, #tpu.memory_space<vmem>>, %arg6: memref<1x512xf32, #tpu.memory_space<vmem>>, %arg7: memref<128x512xf32, #tpu.memory_space<vmem>>, %arg8: memref<128x1536xf32, #tpu.memory_space<vmem>>, %arg9: memref<1x1536xf32, #tpu.memory_space<vmem>>, %arg10: memref<16x1536xf32, #tpu.memory_space<vmem>>, %arg11: memref<2048x512xf32, #tpu.memory_space<vmem>>) attributes {dimension_semantics = [], scalar_prefetch = 0 : i64, scratch_operands = 1 : i64, tpu.core_type = #tpu.core_type<tc>} {
    %get3A = arith.constant 0 : index
    %get3A_0 = arith.constant 0 : index
    %get3A_1 = vector.load %arg2[%get3A, %get3A_0] : memref<2048x1xf32, #tpu.memory_space<vmem>>, vector<2048x1xf32>
    %get3A_2 = arith.constant 0 : index
    %get3A_3 = arith.constant 0 : index
    %get3A_4 = arith.constant 0 : index
    %get3A_5 = vector.load %arg0[%get3A_2, %get3A_3, %get3A_4] : memref<2x2048x128xf32, #tpu.memory_space<vmem>>, vector<1x2048x128xf32>
    %get3A_6 = vector.shape_cast %get3A_5 : vector<1x2048x128xf32> to vector<2048x128xf32>
    %get3A_7 = arith.constant 1 : index
    %get3A_8 = arith.constant 0 : index
    %get3A_9 = arith.constant 0 : index
    %get3A_10 = vector.load %arg0[%get3A_7, %get3A_8, %get3A_9] : memref<2x2048x128xf32, #tpu.memory_space<vmem>>, vector<1x2048x128xf32>
    %get3A_11 = vector.shape_cast %get3A_10 : vector<1x2048x128xf32> to vector<2048x128xf32>
    %add3A = arith.addf %get3A_6, %get3A_11 : vector<2048x128xf32>
    %get3A_12 = arith.constant 0 : index
    %get3A_13 = arith.constant 0 : index
    %get3A_14 = vector.load %arg1[%get3A_12, %get3A_13] : memref<2048x128xf32, #tpu.memory_space<vmem>>, vector<2048x128xf32>
    %add3A_15 = arith.addf %add3A, %get3A_14 : vector<2048x128xf32>
    %mul3A = vector.broadcast %get3A_1 : vector<2048x1xf32> to vector<2048x128xf32>
    %mul3A_16 = arith.mulf %mul3A, %add3A_15 : vector<2048x128xf32>
    %get3A_17 = arith.constant 0 : index
    %get3A_18 = arith.constant 0 : index
    %get3A_19 = vector.load %arg3[%get3A_17, %get3A_18] : memref<1x128xf32, #tpu.memory_space<vmem>>, vector<1x128xf32>
    %add3A_20 = vector.broadcast %get3A_19 : vector<1x128xf32> to vector<2048x128xf32>
    %add3A_21 = arith.addf %mul3A_16, %add3A_20 : vector<2048x128xf32>
    %max3A = arith.constant 0.000000e+00 : f32
    %max3A_22 = vector.broadcast %max3A : f32 to vector<2048x128xf32>
    %max3A_23 = arith.maximumf %add3A_21, %max3A_22 : vector<2048x128xf32>
    %get3A_24 = arith.constant 0 : index
    %get3A_25 = arith.constant 0 : index
    %get3A_26 = vector.load %arg4[%get3A_24, %get3A_25] : memref<128x512xf32, #tpu.memory_space<vmem>>, vector<128x512xf32>
    %dot_general3A = arith.constant dense<0.000000e+00> : vector<2048x512xf32>
    %dot_general3A_27 = tpu.matmul %max3A_23, %get3A_26, %dot_general3A {dimension_numbers = #tpu.dot_dimension_numbers<[1], [0], [0], [1], [0, 0, 1, 1], [], []>, transpose_lhs_hint = false} : vector<2048x128xf32>, vector<128x512xf32>, vector<2048x512xf32> -> vector<2048x512xf32>
    %get3A_28 = arith.constant 0 : index
    %get3A_29 = arith.constant 0 : index
    %get3A_30 = vector.load %arg5[%get3A_28, %get3A_29] : memref<1x512xf32, #tpu.memory_space<vmem>>, vector<1x512xf32>
    %add3A_31 = vector.broadcast %get3A_30 : vector<1x512xf32> to vector<2048x512xf32>
    %add3A_32 = arith.addf %dot_general3A_27, %add3A_31 : vector<2048x512xf32>
    %get3A_33 = arith.constant 0 : index
    %get3A_34 = arith.constant 0 : index
    %get3A_35 = vector.load %arg6[%get3A_33, %get3A_34] : memref<1x512xf32, #tpu.memory_space<vmem>>, vector<1x512xf32>
    %add3A_36 = vector.broadcast %get3A_35 : vector<1x512xf32> to vector<2048x512xf32>
    %add3A_37 = arith.addf %add3A_32, %add3A_36 : vector<2048x512xf32>
    %swap3A = arith.constant 0 : index
    %swap3A_38 = arith.constant 0 : index
    %swap3A_39 = vector.load %arg11[%swap3A, %swap3A_38] : memref<2048x512xf32, #tpu.memory_space<vmem>>, vector<2048x512xf32>
    tpu.vector_store %arg11[%swap3A, %swap3A_38], %add3A_37 {strides = array<i32>} : memref<2048x512xf32, #tpu.memory_space<vmem>>, vector<2048x512xf32>,
    %get3A_40 = arith.constant 0 : index
    %get3A_41 = arith.constant 0 : index
    %get3A_42 = vector.load %arg7[%get3A_40, %get3A_41] : memref<128x512xf32, #tpu.memory_space<vmem>>, vector<128x512xf32>
    %broadcast_in_dim3A = arith.constant 0.000000e+00 : f32
    %broadcast_in_dim3A_43 = vector.broadcast %broadcast_in_dim3A : f32 to vector<16x128xf32>
    %broadcast_in_dim3A_44 = arith.constant 0.000000e+00 : f32
    %broadcast_in_dim3A_45 = vector.broadcast %broadcast_in_dim3A_44 : f32 to vector<16x128xf32>
    %scan3A = arith.constant 0 : i32
    %scan3A_46 = arith.constant 64 : i32
    %scan3A_47 = arith.addi %scan3A, %scan3A_46 : i32
    %scan3A_48 = arith.constant 1 : i32
    %scan3A_49:2 = scf.for %scan3A_64 = %scan3A to %scan3A_47 step %scan3A_48 iter_args(%scan3A_65 = %broadcast_in_dim3A_43, %scan3A_66 = %broadcast_in_dim3A_45) -> (vector<16x128xf32>, vector<16x128xf32>)  : i32 {
      %mul3A_67 = arith.constant 2 : i32
      %mul3A_68 = arith.muli %mul3A_67, %scan3A_64 : i32
      %mul3A_69 = arith.constant 16 : i32
      %mul3A_70 = arith.muli %mul3A_68, %mul3A_69 : i32
      %get3A_71 = arith.index_cast %mul3A_70 : i32 to index
      %get3A_72 = arith.constant 0 : index
      %get3A_73 = vector.load %arg11[%get3A_71, %get3A_72] : memref<2048x512xf32, #tpu.memory_space<vmem>>, vector<16x512xf32>
      %dot_general3A_74 = arith.constant dense<0.000000e+00> : vector<16x512xf32>
      %dot_general3A_75 = tpu.matmul %scan3A_65, %get3A_42, %dot_general3A_74 {dimension_numbers = #tpu.dot_dimension_numbers<[1], [0], [0], [1], [0, 0, 1, 1], [], []>, transpose_lhs_hint = false} : vector<16x128xf32>, vector<128x512xf32>, vector<16x512xf32> -> vector<16x512xf32>
      %add3A_76 = arith.addf %get3A_73, %dot_general3A_75 : vector<16x512xf32>
      %slice3A = vector.extract_strided_slice %add3A_76 {offsets = [0, 0], sizes = [16, 128], strides = [1, 1]} : vector<16x512xf32> to vector<16x128xf32>
      %logistic3A = arith.negf %slice3A : vector<16x128xf32>
      %logistic3A_77 = math.exp %logistic3A : vector<16x128xf32>
      %logistic3A_78 = arith.constant 1.000000e+00 : f32
      %logistic3A_79 = vector.broadcast %logistic3A_78 : f32 to vector<16x128xf32>
      %logistic3A_80 = arith.addf %logistic3A_79, %logistic3A_77 : vector<16x128xf32>
      %logistic3A_81 = arith.divf %logistic3A_79, %logistic3A_80 : vector<16x128xf32>
      %slice3A_82 = vector.extract_strided_slice %add3A_76 {offsets = [0, 128], sizes = [16, 128], strides = [1, 1]} : vector<16x512xf32> to vector<16x128xf32>
      %logistic3A_83 = arith.negf %slice3A_82 : vector<16x128xf32>
      %logistic3A_84 = math.exp %logistic3A_83 : vector<16x128xf32>
      %logistic3A_85 = arith.constant 1.000000e+00 : f32
      %logistic3A_86 = vector.broadcast %logistic3A_85 : f32 to vector<16x128xf32>
      %logistic3A_87 = arith.addf %logistic3A_86, %logistic3A_84 : vector<16x128xf32>
      %logistic3A_88 = arith.divf %logistic3A_86, %logistic3A_87 : vector<16x128xf32>
      %slice3A_89 = vector.extract_strided_slice %add3A_76 {offsets = [0, 256], sizes = [16, 128], strides = [1, 1]} : vector<16x512xf32> to vector<16x128xf32>
      %tanh3A = math.tanh %slice3A_89 : vector<16x128xf32>
      %slice3A_90 = vector.extract_strided_slice %add3A_76 {offsets = [0, 384], sizes = [16, 128], strides = [1, 1]} : vector<16x512xf32> to vector<16x128xf32>
      %logistic3A_91 = arith.negf %slice3A_90 : vector<16x128xf32>
      %logistic3A_92 = math.exp %logistic3A_91 : vector<16x128xf32>
      %logistic3A_93 = arith.constant 1.000000e+00 : f32
      %logistic3A_94 = vector.broadcast %logistic3A_93 : f32 to vector<16x128xf32>
      %logistic3A_95 = arith.addf %logistic3A_94, %logistic3A_92 : vector<16x128xf32>
      %logistic3A_96 = arith.divf %logistic3A_94, %logistic3A_95 : vector<16x128xf32>
      %mul3A_97 = arith.mulf %logistic3A_88, %scan3A_66 : vector<16x128xf32>
      %mul3A_98 = arith.mulf %logistic3A_81, %tanh3A : vector<16x128xf32>
      %add3A_99 = arith.addf %mul3A_97, %mul3A_98 : vector<16x128xf32>
      %tanh3A_100 = math.tanh %add3A_99 : vector<16x128xf32>
      %mul3A_101 = arith.mulf %logistic3A_96, %tanh3A_100 : vector<16x128xf32>
      %mul3A_102 = arith.constant 2 : i32
      %mul3A_103 = arith.muli %mul3A_102, %scan3A_64 : i32
      %add3A_104 = arith.constant 1 : i32
      %add3A_105 = arith.addi %mul3A_103, %add3A_104 : i32
      %mul3A_106 = arith.constant 16 : i32
      %mul3A_107 = arith.muli %add3A_105, %mul3A_106 : i32
      %get3A_108 = arith.index_cast %mul3A_107 : i32 to index
      %get3A_109 = arith.constant 0 : index
      %get3A_110 = vector.load %arg11[%get3A_108, %get3A_109] : memref<2048x512xf32, #tpu.memory_space<vmem>>, vector<16x512xf32>
      %dot_general3A_111 = arith.constant dense<0.000000e+00> : vector<16x512xf32>
      %dot_general3A_112 = tpu.matmul %mul3A_101, %get3A_42, %dot_general3A_111 {dimension_numbers = #tpu.dot_dimension_numbers<[1], [0], [0], [1], [0, 0, 1, 1], [], []>, transpose_lhs_hint = false} : vector<16x128xf32>, vector<128x512xf32>, vector<16x512xf32> -> vector<16x512xf32>
      %add3A_113 = arith.addf %get3A_110, %dot_general3A_112 : vector<16x512xf32>
      %slice3A_114 = vector.extract_strided_slice %add3A_113 {offsets = [0, 0], sizes = [16, 128], strides = [1, 1]} : vector<16x512xf32> to vector<16x128xf32>
      %logistic3A_115 = arith.negf %slice3A_114 : vector<16x128xf32>
      %logistic3A_116 = math.exp %logistic3A_115 : vector<16x128xf32>
      %logistic3A_117 = arith.constant 1.000000e+00 : f32
      %logistic3A_118 = vector.broadcast %logistic3A_117 : f32 to vector<16x128xf32>
      %logistic3A_119 = arith.addf %logistic3A_118, %logistic3A_116 : vector<16x128xf32>
      %logistic3A_120 = arith.divf %logistic3A_118, %logistic3A_119 : vector<16x128xf32>
      %slice3A_121 = vector.extract_strided_slice %add3A_113 {offsets = [0, 128], sizes = [16, 128], strides = [1, 1]} : vector<16x512xf32> to vector<16x128xf32>
      %logistic3A_122 = arith.negf %slice3A_121 : vector<16x128xf32>
      %logistic3A_123 = math.exp %logistic3A_122 : vector<16x128xf32>
      %logistic3A_124 = arith.constant 1.000000e+00 : f32
      %logistic3A_125 = vector.broadcast %logistic3A_124 : f32 to vector<16x128xf32>
      %logistic3A_126 = arith.addf %logistic3A_125, %logistic3A_123 : vector<16x128xf32>
      %logistic3A_127 = arith.divf %logistic3A_125, %logistic3A_126 : vector<16x128xf32>
      %slice3A_128 = vector.extract_strided_slice %add3A_113 {offsets = [0, 256], sizes = [16, 128], strides = [1, 1]} : vector<16x512xf32> to vector<16x128xf32>
      %tanh3A_129 = math.tanh %slice3A_128 : vector<16x128xf32>
      %slice3A_130 = vector.extract_strided_slice %add3A_113 {offsets = [0, 384], sizes = [16, 128], strides = [1, 1]} : vector<16x512xf32> to vector<16x128xf32>
      %logistic3A_131 = arith.negf %slice3A_130 : vector<16x128xf32>
      %logistic3A_132 = math.exp %logistic3A_131 : vector<16x128xf32>
      %logistic3A_133 = arith.constant 1.000000e+00 : f32
      %logistic3A_134 = vector.broadcast %logistic3A_133 : f32 to vector<16x128xf32>
      %logistic3A_135 = arith.addf %logistic3A_134, %logistic3A_132 : vector<16x128xf32>
      %logistic3A_136 = arith.divf %logistic3A_134, %logistic3A_135 : vector<16x128xf32>
      %mul3A_137 = arith.mulf %logistic3A_127, %add3A_99 : vector<16x128xf32>
      %mul3A_138 = arith.mulf %logistic3A_120, %tanh3A_129 : vector<16x128xf32>
      %add3A_139 = arith.addf %mul3A_137, %mul3A_138 : vector<16x128xf32>
      %tanh3A_140 = math.tanh %add3A_139 : vector<16x128xf32>
      %mul3A_141 = arith.mulf %logistic3A_136, %tanh3A_140 : vector<16x128xf32>
      scf.yield %mul3A_141, %add3A_139 : vector<16x128xf32>, vector<16x128xf32>
    }
    %scan3A_50 = arith.constant 64 : i32
    %get3A_51 = arith.constant 0 : index
    %get3A_52 = arith.constant 0 : index
    %get3A_53 = vector.load %arg8[%get3A_51, %get3A_52] : memref<128x1536xf32, #tpu.memory_space<vmem>>, vector<128x1536xf32>
    %dot_general3A_54 = arith.constant dense<0.000000e+00> : vector<16x1536xf32>
    %dot_general3A_55 = tpu.matmul %scan3A_49#0, %get3A_53, %dot_general3A_54 {dimension_numbers = #tpu.dot_dimension_numbers<[1], [0], [0], [1], [0, 0, 1, 1], [], []>, transpose_lhs_hint = false} : vector<16x128xf32>, vector<128x1536xf32>, vector<16x1536xf32> -> vector<16x1536xf32>
    %get3A_56 = arith.constant 0 : index
    %get3A_57 = arith.constant 0 : index
    %get3A_58 = vector.load %arg9[%get3A_56, %get3A_57] : memref<1x1536xf32, #tpu.memory_space<vmem>>, vector<1x1536xf32>
    %add3A_59 = vector.broadcast %get3A_58 : vector<1x1536xf32> to vector<16x1536xf32>
    %add3A_60 = arith.addf %dot_general3A_55, %add3A_59 : vector<16x1536xf32>
    %swap3A_61 = arith.constant 0 : index
    %swap3A_62 = arith.constant 0 : index
    %swap3A_63 = vector.load %arg10[%swap3A_61, %swap3A_62] : memref<16x1536xf32, #tpu.memory_space<vmem>>, vector<16x1536xf32>
    tpu.vector_store %arg10[%swap3A_61, %swap3A_62], %add3A_60 {strides = array<i32>} : memref<16x1536xf32, #tpu.memory_space<vmem>>, vector<16x1536xf32>,
    return
  }
}

</mosaic_0001>

<sc_bundles>
// kernel: kernel.12.cloned.1.call-start
scs
__scs_entry_jumppad:
0x0: {  	(pc) =	sbr.rel $0x88, $3  }
0x1: {  	(tag) =	ssettag $0x0;
	lr =	simm.s32 $0x1  }
0x2: {  	[smem:$0x3F94] =	sst lr;
	_ =	strace $0xD0000000  }
0x3: {  	_ = 	snop  }
0x4: {  	_ = 	snop  }
0x5: {  	_ = 	snop  }
0x6: {  	_ = 	snop  }
0x7: {  	_ = 	snop  }
__scs_overlays_trampoline_lowered:
0x8: {  	[smem:$0x3FA3] =	sst s0  }
0x9: {  	[smem:$0x3FA4] =	sst s1  }
0xa: {  	[smem:$0x3FA5] =	sst s2  }
0xb: {  	[smem:$0x3FA6] =	sst s3  }
0xc: {  	[smem:$0x3FA7] =	sst s4  }
0xd: {  	[smem:$0x3FA8] =	sst s5  }
0xe: {  	[smem:$0x3FA9] =	sst s6  }
0xf: {  	[smem:$0x3FAA] =	sst s7  }
0x10: {  	[smem:$0x3FAB] =	sst s8  }
0x11: {  	[smem:$0x3FAC] =	sst s9;
	s0 =	simm.s32 @!p0 $0x0  }
0x12: {  	s1 =	sld [smem:$0x3F92];
	s0 =	simm.s32 @p0 $0x1  }
0x13: {  	[smem:$0x3FAD] =	sst s0;
	s0 =	simm.s32 @!p1 $0x0  }
0x14: {  	s2 =	sld [smem:$0x3F91];
	s0 =	simm.s32 @p1 $0x1  }
0x15: {  	[smem:$0x3FAE] =	sst s0;
	s0 =	simm.s32 @!p2 $0x0  }
0x16: {  	s3 =	sld [smem:$0x3FDB];
	s0 =	simm.s32 @p2 $0x1  }
0x17: {  	s4 =	simm.s32 $0x1BF5;
	[smem:$0x3FB0] =	sst s0  }
0x18: {  	s0 =	sld [smem:$0x3F93];
	_ =	swait.ge [sflag:s4], $0x0  }
0x19: {  	s7 =	sld [smem:$0x3F94]  }
0x1a: {  	s8 =	sadd.s32 $0xFFFFE003, lr  }
0x1b: {  	s9 =	sadd.s32 $0xFFFFFEF7, lr;
	s5 =	simm.s32 $0xFFFFFFFF;
	p2 =	slt.u32 s8, $0xFFFFF086  }
0x1c: {  	p1 =	slt.u32 s9, $0xF7A;
	s5 =	simm.s32 @!p2 $0x0  }
0x1d: {  	s5 =	simm.s32 @p1 $0x1;
	p0 =	seq.s32 s7, s2  }
0x1e: {  	s7 =	smul.u32 @!p0 $0xF7A, s2;
	p2 =	seq.s32 @!p0 s5, $0x0  }
0x1f: {  	s9 =	smul.u32 $0xF7A, s1;
	s8 =	simm.s32 @!p0 $0x1BF5;
	p2 =	por !p2, p0  }
0x20: {  	[sflag:s8] =	ssyncset.s32 @!p0 $0xFFFFF086;
	s6 =	sadd.s32 @!p0 s3, s7;
	s7 =	simm.s32 @!p0 $0x108  }
0x21: {  	s3 =	sadd.s32 s3, s9;
	s6 =	sadd.s32 @!p0 $0x88, s6;
	s7 =	simm.s32 @p2 $0x1082  }
0x22: {  	[simem:s7], [sflag:s8] =	dma.local @!p0 [hbm:s6], $0xF7A  }
0x23: {  	s9 =	sor.u32 $0xD0000000, s2;
	s6 =	simm.s32 $0x108;
	_ =	swait.ge @!p0 [sflag:s8], $0x0  }
0x24: {  	s3 =	sadd.s32 $0x88, s3;
	s6 =	simm.s32 @!p1 $0x1082;
	[sflag:s4] =	ssyncset.s32 $0xFFFFF086  }
0x25: {  	[simem:s6], [sflag:s4] =	dma.local [hbm:s3], $0xF7A  }
0x26: {  	[smem:$0x3F94] =	sst s1;
	(tag) =	ssettag s2;
	_ =	strace s9  }
0x27: {  	s1 =	sld [smem:$0x3FA4]  }
0x28: {  	s2 =	sld [smem:$0x3FA5]  }
0x29: {  	s4 =	sld [smem:$0x3FA7]  }
0x2a: {  	p0 =	seq.s32 s5, $0x0;
	s5 =	sld [smem:$0x3FA8]  }
0x2b: {  	s6 =	sld [smem:$0x3FA9]  }
0x2c: {  	s7 =	sld [smem:$0x3FAA]  }
0x2d: {  	s3 =	simm.s32 $0x108;
	s8 =	sld [smem:$0x3FAB]  }
0x2e: {  	s3 =	simm.s32 @!p0 $0x1082;
	s9 =	sld [smem:$0x3FAC]  }
0x2f: {  	lr =	sadd.s32 s0, s3;
	s0 =	sld [smem:$0x3FA3]  }
0x30: {  	s3 =	sld [smem:$0x3FA6]  }
0x31: {  	[smem:$0x3FAF] =	sst s10  }
0x32: {  	s10 =	sld [smem:$0x3FAD];
	_ =	sdelay $0x3  }
0x33: {  	p0 =	seq.s32 s10, $0x1;
	s10 =	sld [smem:$0x3FAF];
	_ =	sdelay $0x3  }
0x34: {  	[smem:$0x3FAF] =	sst s10  }
0x35: {  	s10 =	sld [smem:$0x3FAE];
	_ =	sdelay $0x3  }
0x36: {  	p1 =	seq.s32 s10, $0x1;
	s10 =	sld [smem:$0x3FAF];
	_ =	sdelay $0x3  }
0x37: {  	[smem:$0x3FAF] =	sst s10  }
0x38: {  	s10 =	sld [smem:$0x3FB0]  }
0x39: {  	_ = 	snop;
	(pc) =	sbr.ind lr, $3  }
0x3a: {  	_ = 	snop  }
0x3b: {  	_ = 	snop  }
0x3c: {  	p2 =	seq.s32 s10, $0x1;
	s10 =	sld [smem:$0x3FAF]  }
0x3d: {  	_ =	shalt  }
0x3e: {  	_ =	shalt  }
0x3f: {  	_ =	shalt  }
0x40: {  	_ =	shalt  }
0x41: {  	_ =	shalt  }
0x42: {  	_ =	shalt  }
0x43: {  	_ =	shalt  }
0x44: {  	_ =	shalt  }
0x45: {  	_ =	shalt  }
0x46: {  	_ =	shalt  }
0x47: {  	_ =	shalt  }
0x48: {  	_ =	shalt  }
0x49: {  	_ =	shalt  }
0x4a: {  	_ =	shalt  }
0x4b: {  	_ =	shalt  }
0x4c: {  	_ =	shalt  }
0x4d: {  	_ =	shalt  }
0x4e: {  	_ =	shalt  }
0x4f: {  	_ =	shalt  }
0x50: {  	_ =	shalt  }
0x51: {  	_ =	shalt  }
0x52: {  	_ =	shalt  }
0x53: {  	_ =	shalt  }
0x54: {  	_ =	shalt  }
0x55: {  	_ =	shalt  }
0x56: {  	_ =	shalt  }
0x57: {  	_ =	shalt  }
0x58: {  	_ =	shalt  }
0x59: {  	_ =	shalt  }
0x5a: {  	_ =	shalt  }
0x5b: {  	_ =	shalt  }
0x5c: {  	_ =	shalt  }
0x5d: {  	_ =	shalt  }
0x5e: {  	_ =	shalt  }
0x5f: {  	_ =	shalt  }
0x60: {  	_ =	shalt  }
0x61: {  	_ =	shalt  }
0x62: {  	_ =	shalt  }
0x63: {  	_ =	shalt  }
0x64: {  	_ =	shalt  }
0x65: {  	_ =	shalt  }
0x66: {  	_ =	shalt  }
0x67: {  	_ =	shalt  }
0x68: {  	_ =	shalt  }
0x69: {  	_ =	shalt  }
0x6a: {  	_ =	shalt  }
0x6b: {  	_ =	shalt  }
0x6c: {  	_ =	shalt  }
0x6d: {  	_ =	shalt  }
0x6e: {  	_ =	shalt  }
0x6f: {  	_ =	shalt  }
0x70: {  	_ =	shalt  }
0x71: {  	_ =	shalt  }
0x72: {  	_ =	shalt  }
0x73: {  	_ =	shalt  }
0x74: {  	_ =	shalt  }
0x75: {  	_ =	shalt  }
0x76: {  	_ =	shalt  }
0x77: {  	_ =	shalt  }
0x78: {  	_ =	shalt  }
0x79: {  	_ =	shalt  }
0x7a: {  	_ =	shalt  }
0x7b: {  	_ =	shalt  }
0x7c: {  	_ =	shalt  }
0x7d: {  	_ =	shalt  }
0x7e: {  	_ =	shalt  }
0x7f: {  	_ =	shalt  }
0x80: {  	_ =	shalt  }
0x81: {  	_ =	shalt  }
0x82: {  	_ =	shalt  }
0x83: {  	_ =	shalt  }
0x84: {  	_ =	shalt  }
0x85: {  	_ =	shalt  }
0x86: {  	_ =	shalt  }
0x87: {  	_ =	shalt  }
.Lfunc_end0:
.L_simem_size_0:
called_computation.1_lowered:
.L_overlay_start_0:
0x88: {  	s2 =	sld [smem:$0x3FD9]  }
0x89: {  	s3 =	sld [smem:$0x3FFE];
	_ =	sdelay $0x1  }
0x8a: {  	s1 =	srdreg.scid  }
0x8b: {  	s0 =	sand.u32 $0x1, s1  }
0x8c: {  	s17 =	sshll.u32 s0, $0xA;
	s2 =	sadd.s32 s3, s2  }
0x8d: {  	s2 =	sadd.s32 s2, s17  }
0x8e: {  	[smem:$0x3FBB] =	sst s2  }
0x8f: {  	_ = 	snop  }
0x90: {  	s2 =	sld [smem:$0x3FD0];
	(tm) =	ssettm $0x1  }
0x91: {  	s18 =	sld [smem:$0x3FFB];
	_ =	sdelay $0x3  }
0x92: {  	_ =	strace s18  }
0x93: {  	s3 =	sld [smem:$0x3FFC];
	_ =	sdelay $0x3  }
0x94: {  	_ =	strace s3  }
0x95: {  	s3 =	sld [smem:$0x3FFD];
	_ =	sdelay $0x3  }
0x96: {  	_ =	strace s3  }
0x97: {  	_ =	strace $0x8FFFFFFF  }
0x98: {  	s19 =	sld [smem:$0x3FDB];
	_ =	sdelay $0x1  }
0x99: {  	s4 =	simm.s32 $_scs_section_size  }
0x9a: {  	s5 =	simm.s32 $_size__tile_overlayer_lowered;
	s6 =	simm.s32 $_tile_overlayer_lowered  }
0x9b: {  	s22 =	simm.s32 $0x1BFF;
	s21 =	sshll.u32 s6, $0x1;
	s3 =	sadd.s32 s4, s19  }
0x9c: {  	s7 =	simm.s32 $0x0;
	s20 =	sshll.u32 s5, $0x1;
	s5 =	sadd.s32 s21, s3  }
0x9d: {  	[timem:s7], [sflag:s22] =	dma.local [hbm:s5], s20  }
0x9e: {  	_ =	swait.ge [sflag:s22], s20  }
0x9f: {  	s4 =	ssub.s32 $0x0, s20;
	[sflag:s22] =	ssyncset.done $0x0  }
0xa0: {  	[sflag:s22] =	ssyncadd.s32 s4;
	_ =	sdelay $0x1  }
0xa1: {  	s23 =	simm.s32 $0x1B8B  }
0xa2: {  	_ =	swait.ge [sflag:s23], $0x1  }
0xa3: {  	[sflag:s23] =	ssyncset.done $0x0  }
0xa4: {  	s25 =	simm.s32 $0x1B8E;
	s24 =	sld [smem:$0x3FFE];
	[sflag:s23] =	ssyncadd.s32 $0xFFFFFFFF  }
0xa5: {  	s26 =	simm.s32 $execute0_lowered;
	[smem:$0x3FD2] =	sst s25  }
0xa6: {  	s5 =	sshll.u32 s26, $0x1;
	_ =	strace $0x80000049;
	[dreg:$0x1] =	wrdreg $0xFFFFFFFF  }
0xa7: {  	s28 =	simm.s32 $_size_execute0_lowered;
	s3 =	sadd.s32 s3, s5;
	[dreg:$0x0] =	wrdreg $0x0  }
0xa8: {  	s5 =	sshll.u32 s28, $0x1;
	[dreg:$0x2] =	wrdreg s3  }
0xa9: {  	[dreg:$0x3] =	wrdreg s5  }
0xaa: {  	[dreg:$0x4] =	wrdreg $0xC0  }
0xab: {  	_ =	task [dreg:s7], $0x5FFFF  }
0xac: {  	[dreg:$0x1] =	wrdreg $0xFFFFFFFF  }
0xad: {  	[dreg:$0x0] =	wrdreg $0x60  }
0xae: {  	[dreg:$0x2] =	wrdreg s24  }
0xaf: {  	[dreg:$0x3] =	wrdreg s2  }
0xb0: {  	[dreg:$0x4] =	wrdreg $0x190000  }
0xb1: {  	[dreg:$0x5] =	wrdreg $0x9  }
0xb2: {  	_ =	task.clear_ibuf [dreg:s7], $0x6FFFF;
	_ =	strace $0x90000049  }
0xb3: {  	s29 =	simm.s32 $0x9;
	_ =	strace $0x8000004B  }
0xb4: {  	_ =	swait.ge [sflag:s29], $0x1  }
0xb5: {  	[sflag:s29] =	ssyncadd.s32 $0xFFFFFFFF  }
0xb6: {  	_ =	strace $0x9000004B  }
0xb7: {  	_ =	sfence  }
0xb8: {  	s30 =	sld [smem:$0x0];
	_ =	sdelay $0x2  }
0xb9: {  	s31 =	sshll.u32 s1, $0xD;
	s1 =	sshrl.u32 s1, $0x2  }
0xba: {  	s3 =	sand.u32 $0x4000, s31;
	s1 =	sadd.s32 s1, s30  }
0xbb: {  	s0 =	sor.u32 s3, s0;
	s1 =	sshll.u32 s1, $0x11  }
0xbc: {  	s0 =	sor.u32 s1, s0  }
0xbd: {  	s0 =	sadd.s32 $0x8F2B, s0  }
0xbe: {  	[sflag:s0] =	ssyncadd.remote.s32 $0x1  }
0xbf: {  	_ =	sfence.sel $0xFFFF  }
0xc0: {  	[dreg:$0x0] =	wrdreg $0xFFFFFFFF;
	(pc) =	sbr.abs _section_cstart, $3  }
0xc1: {  	[dreg:$0x1] =	wrdreg $0xFFFFFFFF  }
0xc2: {  	_ =	task.clear_ibuf [dreg:s7], $0x2FFFF;
	_ =	strace $0x9FFFFFFF  }
0xc3: {  	(tm) =	ssettm $0x7FFFFFFF  }
tec
execute0_lowered:
.L_overlay_start_1:
0x0: {  	(tag) =	ssettag $0x1  }
0x1: {  	s0 =	rddreg [dreg:$0x0]  }
0x2: {  	s1 =	rddreg [dreg:$0x1]  }
0x3: {  	s2 =	rddreg [dreg:$0x2];
	s24 =	srdreg.scid  }
0x4: {  	s22 =	rddreg [dreg:$0x3];
	s10 =	stileid.u32;
	s30 =	simm.s32 $0x0  }
0x5: {  	s8 =	simm.s32 $0x880;
	s9 =	simm.s32 $0x180;
	s12 =	simm.s32 $0x900  }
0x6: {  	s14 =	simm.s32 $0x200;
	s15 =	simm.s32 $0x980;
	[dreg:$0x4] =	wrdreg s1  }
0x7: {  	s16 =	simm.s32 $0x280;
	s31 =	simm.s32 $0x800;
	[smem:$0x7FF] =	sst s30  }
0x8: {  	s17 =	simm.s32 $0xA00;
	_ =	strace $0x8000004A;
	[dreg:$0x9] =	wrdreg s8  }
0x9: {  	s18 =	simm.s32 $0x300;
	s19 =	simm.s32 $0xA80;
	[dreg:$0xa] =	wrdreg s9  }
0xa: {  	s20 =	simm.s32 $0x380;
	s23 =	simm.s32 $0xB00;
	[dreg:$0xb] =	wrdreg s12  }
0xb: {  	s29 =	simm.s32 $0x5;
	s28 =	simm.s32 $0x6;
	[dreg:$0xc] =	wrdreg s14  }
0xc: {  	p0 =	por $0x0, $0x0;
	s1 =	sand.u32 $0x1, s24;
	[dreg:$0xd] =	wrdreg s15  }
0xd: {  	s3 =	sshll.u32 s10, $0x9;
	s25 =	sshll.u32 s10, $0xB;
	[dreg:$0xe] =	wrdreg s16  }
0xe: {  	s11 =	sshll.u32 s10, $0xE;
	s21 =	sshll.u32 s10, $0x6;
	[dreg:$0xf] =	wrdreg s17  }
0xf: {  	s24 =	simm.s32 $0x400;
	s10 =	simm.s32 $0x9000;
	[dreg:$0x10] =	wrdreg s18  }
0x10: {  	s4 =	sshll.u32 s1, $0x8;
	s6 =	sshll.u32 s1, $0xF;
	[dreg:$0x11] =	wrdreg s19  }
0x11: {  	s1 =	ssub.s32 $0x2, s1;
	s13 =	sadd.s32 s11, s2;
	[dreg:$0x12] =	wrdreg s20  }
0x12: {  	s9 =	simm.s32 $0x1000;
	s8 =	simm.s32 $0x5000;
	[dreg:$0x13] =	wrdreg s23  }
0x13: {  	[dreg:$0x14] =	wrdreg s24;
	s18 =	simm.s32 $0x1;
	s11 =	simm.s32 $0xC00  }
0x14: {  	s14 =	simm.s32 $0x2;
	s12 =	simm.s32 $0x500;
	[dreg:$0x17] =	wrdreg s11  }
0x15: {  	s15 =	simm.s32 $0x580;
	s16 =	simm.s32 $0xD00;
	[dreg:$0x18] =	wrdreg s12  }
0x16: {  	s17 =	simm.s32 $0x600;
	s19 =	simm.s32 $0xD80;
	[dreg:$0x1a] =	wrdreg s15  }
0x17: {  	s20 =	simm.s32 $0x680;
	s23 =	simm.s32 $0x700;
	[dreg:$0x1b] =	wrdreg s16  }
0x18: {  	s24 =	simm.s32 $0xE80;
	s3 =	sor.u32 s4, s3;
	[dreg:$0x1c] =	wrdreg s17  }
0x19: {  	s4 =	sadd.s32 s25, s0;
	s7 =	sshrl.u32 s1, $0x1;
	[dreg:$0x1d] =	wrdreg s19  }
0x1a: {  	s25 =	simm.s32 $0xB80;
	s11 =	simm.s32 $0xD000;
	[dreg:$0x1e] =	wrdreg s20  }
0x1b: {  	s12 =	simm.s32 $0x3;
	s15 =	simm.s32 $0x4;
	[smem:$0x7FC] =	sst s23  }
0x1c: {  	s16 =	simm.s32 $0x8;
	[smem:$0x7FD] =	sst s24;
	s17 =	simm.s32 $0x9  }
0x1d: {  	s19 =	simm.s32 $0xA;
	s20 =	simm.s32 $0xC;
	s24 =	simm.s32 $0x780  }
0x1e: {  	s23 =	simm.s32 $0xF80;
	s3 =	sadd.s32 s3, s0;
	s26 =	sadd.s32 s6, s4  }
0x1f: {  	s4 =	sadd.s32 $0xB600, s0;
	s6 =	simm.s32 $0x100;
	s1 =	ssub.s32 s1, s7  }
0x20: {  	s7 =	simm.s32 $0x80;
	[dreg:$0x15] =	wrdreg s25;
	s25 =	simm.s32 $0x15000  }
0x21: {  	s5 =	sadd.s32 $0x7600, s3;
	s3 =	sadd.s32 $0x9600, s3;
	[dreg:$0x8] =	wrdreg s6  }
0x22: {  	s0 =	smax.u32 s1, $0x1;
	s6 =	sshrl.u32 s13, $0x3;
	[dreg:$0x5] =	wrdreg s5  }
0x23: {  	s13 =	simm.s32 $0xC80;
	[dreg:$0x6] =	wrdreg s3;
	p1 =	sne.s32 s0, $0x1  }
.Ltmp0:
0x24: {  	s5 =	sadd.s32 $0x13600, s26;
	[dreg:$0x19] =	wrdreg s13;
	(pc) =	sbr.rel @!p1 .LBB2_1-.Ltmp0, $4  }
0x25: {  	s3 =	simm.s32 $0xD;
	s26 =	simm.s32 $0x480;
	[dreg:$0x7] =	wrdreg s5  }
0x26: {  	s13 =	simm.s32 $0x7;
	s0 =	sadd.s32 $0xFFFFFFFF, s0;
	[dreg:$0x16] =	wrdreg s26  }
0x27: {  	s5 =	sor.u32 $0x1C0D, s21;
	s21 =	simm.s32 $0xE00;
	s1 =	rddreg [dreg:$0x5]  }
0x28: {  	s26 =	simm.s32 $0x11000;
	[dreg:$0x1f] =	wrdreg s21;
	s21 =	simm.s32 $0xB  }
0x29: {  	[tilespmem:s30], [sflag:$0xD] =	stream.linear.gather [hbm4b:s1+s30], $0x800, $0x38;
	[tilespmem:$0x1D000] =	vst v63  }
0x2a: {  	_ =	swait.ge [sflag:s3], $0x800  }
0x2b: {  	[sflag:s3] =	ssyncset.done $0x0  }
0x2c: {  	s22 =	rddreg [dreg:$0x6];
	[sflag:s3] =	ssyncadd.s32 $0xFFFFF800  }
0x2d: {  	[tilespmem:s31], [sflag:$0xD] =	stream.linear.gather [hbm4b:s22+s30], $0x800, $0x38;
	[tilespmem:$0x1D000] =	vst v63  }
0x2e: {  	_ =	swait.ge [sflag:s3], $0x800  }
0x2f: {  	[sflag:s3] =	ssyncset.done $0x0  }
0x30: {  	[sflag:s3] =	ssyncadd.s32 $0xFFFFF800  }
0x31: {  	[tilespmem:s9], [sflag:$0x1] =	stream.indirect.gather [hbm4b:s4+s7], $0x80, s30, s7, $0xb8;
	[tilespmem:$0x1D000] =	vst v63  }
0x32: {  	s22 =	rddreg [dreg:$0x4]  }
0x33: {  	[tilespmem:s8], [sflag:$0x2] =	stream.indirect.gather [hbm4b:s4+s7], $0x80, s7, s7, $0xb8;
	[tilespmem:$0x1D000] =	vst v63  }
0x34: {  	[spmem:s6], [sflag:s5] =	dma.local [hbm:s22], $0x800  }
0x35: {  	_ =	swait.ge [sflag:s3], $0x800  }
0x36: {  	[sflag:s3] =	ssyncset.done $0x0  }
0x37: {  	[sflag:s3] =	ssyncadd.s32 $0xFFFFF800  }
0x38: {  	[bflag:$0x0] =	sbarrier.arrive $0xFFFF  }
0x39: {  	_ =	swait.ge [sflag:s18], $0x4000  }
0x3a: {  	[sflag:s18] =	ssyncset.done $0x0  }
0x3b: {  	[sflag:s18] =	ssyncadd.s32 $0xFFFFC000  }
0x3c: {  	[spmem:s2] =	stream.indirect.scatter.add.f32 [tilespmem:s9], [sflag:$0x7], $0x80, s31, s7, $0xb8;
	[tilespmem:$0x1D000] =	vst v63  }
0x3d: {  	s22 =	rddreg [dreg:$0x8]  }
0x3e: {  	[tilespmem:s10], [sflag:$0x3] =	stream.indirect.gather [hbm4b:s4+s7], $0x80, s22, s7, $0xb8;
	[tilespmem:$0x1D000] =	vst v63  }
0x3f: {  	_ =	swait.ge [sflag:s14], $0x4000  }
0x40: {  	[sflag:s14] =	ssyncset.done $0x0  }
0x41: {  	s1 =	rddreg [dreg:$0x9];
	[sflag:s14] =	ssyncadd.s32 $0xFFFFC000  }
0x42: {  	[spmem:s2] =	stream.indirect.scatter.add.f32 [tilespmem:s8], [sflag:$0x8], $0x80, s1, s7, $0xb8;
	[tilespmem:$0x1D000] =	vst v63  }
0x43: {  	s22 =	smov.u32 s0;
	s0 =	rddreg [dreg:$0xa]  }
0x44: {  	[tilespmem:s11], [sflag:$0x4] =	stream.indirect.gather [hbm4b:s4+s7], $0x80, s0, s7, $0xb8;
	[tilespmem:$0x1D000] =	vst v63  }
0x45: {  	_ =	swait.ge [sflag:s12], $0x4000  }
0x46: {  	[sflag:s12] =	ssyncset.done $0x0  }
0x47: {  	s0 =	rddreg [dreg:$0xb];
	[sflag:s12] =	ssyncadd.s32 $0xFFFFC000  }
0x48: {  	[spmem:s2] =	stream.indirect.scatter.add.f32 [tilespmem:s10], [sflag:$0x9], $0x80, s0, s7, $0xb8;
	[tilespmem:$0x1D000] =	vst v63  }
0x49: {  	s1 =	rddreg [dreg:$0xc]  }
0x4a: {  	[tilespmem:s26], [sflag:$0x5] =	stream.indirect.gather [hbm4b:s4+s7], $0x80, s1, s7, $0xb8;
	[tilespmem:$0x1D000] =	vst v63  }
0x4b: {  	_ =	swait.ge [sflag:s15], $0x4000  }
0x4c: {  	[sflag:s15] =	ssyncset.done $0x0  }
0x4d: {  	s0 =	rddreg [dreg:$0xd];
	[sflag:s15] =	ssyncadd.s32 $0xFFFFC000  }
0x4e: {  	[spmem:s2] =	stream.indirect.scatter.add.f32 [tilespmem:s11], [sflag:$0xA], $0x80, s0, s7, $0xb8;
	[tilespmem:$0x1D000] =	vst v63  }
0x4f: {  	s1 =	rddreg [dreg:$0xe]  }
0x50: {  	[tilespmem:s25], [sflag:$0x6] =	stream.indirect.gather [hbm4b:s4+s7], $0x80, s1, s7, $0xb8;
	[tilespmem:$0x1D000] =	vst v63  }
0x51: {  	_ =	swait.ge [sflag:s29], $0x4000  }
0x52: {  	[sflag:s29] =	ssyncset.done $0x0  }
0x53: {  	s1 =	rddreg [dreg:$0xf];
	[sflag:s29] =	ssyncadd.s32 $0xFFFFC000  }
0x54: {  	[spmem:s2] =	stream.indirect.scatter.add.f32 [tilespmem:s26], [sflag:$0xB], $0x80, s1, s7, $0xb8;
	[tilespmem:$0x1D000] =	vst v63  }
0x55: {  	_ =	swait.ge [sflag:s13], $0x4000  }
0x56: {  	[sflag:s13] =	ssyncset.done $0x0  }
0x57: {  	s1 =	rddreg [dreg:$0x10];
	[sflag:s13] =	ssyncadd.s32 $0xFFFFC000  }
0x58: {  	[tilespmem:s9], [sflag:$0x1] =	stream.indirect.gather [hbm4b:s4+s7], $0x80, s1, s7, $0xb8;
	[tilespmem:$0x1D000] =	vst v63  }
0x59: {  	_ =	swait.ge [sflag:s28], $0x4000  }
0x5a: {  	[sflag:s28] =	ssyncset.done $0x0  }
0x5b: {  	s1 =	rddreg [dreg:$0x11];
	[sflag:s28] =	ssyncadd.s32 $0xFFFFC000  }
0x5c: {  	[spmem:s2] =	stream.indirect.scatter.add.f32 [tilespmem:s25], [sflag:$0xC], $0x80, s1, s7, $0xb8;
	[tilespmem:$0x1D000] =	vst v63  }
0x5d: {  	_ =	swait.ge [sflag:s16], $0x4000  }
0x5e: {  	[sflag:s16] =	ssyncset.done $0x0  }
0x5f: {  	s1 =	rddreg [dreg:$0x12];
	[sflag:s16] =	ssyncadd.s32 $0xFFFFC000  }
0x60: {  	[tilespmem:s8], [sflag:$0x2] =	stream.indirect.gather [hbm4b:s4+s7], $0x80, s1, s7, $0xb8;
	[tilespmem:$0x1D000] =	vst v63  }
0x61: {  	_ =	swait.ge [sflag:s18], $0x4000  }
0x62: {  	[sflag:s18] =	ssyncset.done $0x0  }
0x63: {  	s1 =	rddreg [dreg:$0x13];
	[sflag:s18] =	ssyncadd.s32 $0xFFFFC000  }
0x64: {  	[spmem:s2] =	stream.indirect.scatter.add.f32 [tilespmem:s9], [sflag:$0x7], $0x80, s1, s7, $0xb8;
	[tilespmem:$0x1D000] =	vst v63  }
0x65: {  	_ =	swait.ge [sflag:s17], $0x4000  }
0x66: {  	[sflag:s17] =	ssyncset.done $0x0  }
0x67: {  	s1 =	rddreg [dreg:$0x14];
	[sflag:s17] =	ssyncadd.s32 $0xFFFFC000  }
0x68: {  	[tilespmem:s10], [sflag:$0x3] =	stream.indirect.gather [hbm4b:s4+s7], $0x80, s1, s7, $0xb8;
	[tilespmem:$0x1D000] =	vst v63  }
0x69: {  	_ =	swait.ge [sflag:s14], $0x4000  }
0x6a: {  	[sflag:s14] =	ssyncset.done $0x0  }
0x6b: {  	s1 =	rddreg [dreg:$0x15];
	[sflag:s14] =	ssyncadd.s32 $0xFFFFC000  }
0x6c: {  	[spmem:s2] =	stream.indirect.scatter.add.f32 [tilespmem:s8], [sflag:$0x8], $0x80, s1, s7, $0xb8;
	[tilespmem:$0x1D000] =	vst v63  }
0x6d: {  	_ =	swait.ge [sflag:s19], $0x4000  }
0x6e: {  	[sflag:s19] =	ssyncset.done $0x0  }
0x6f: {  	s1 =	rddreg [dreg:$0x16];
	[sflag:s19] =	ssyncadd.s32 $0xFFFFC000  }
0x70: {  	[tilespmem:s11], [sflag:$0x4] =	stream.indirect.gather [hbm4b:s4+s7], $0x80, s1, s7, $0xb8;
	[tilespmem:$0x1D000] =	vst v63  }
0x71: {  	_ =	swait.ge [sflag:s12], $0x4000  }
0x72: {  	[sflag:s12] =	ssyncset.done $0x0  }
0x73: {  	s1 =	rddreg [dreg:$0x17];
	[sflag:s12] =	ssyncadd.s32 $0xFFFFC000  }
0x74: {  	[spmem:s2] =	stream.indirect.scatter.add.f32 [tilespmem:s10], [sflag:$0x9], $0x80, s1, s7, $0xb8;
	[tilespmem:$0x1D000] =	vst v63  }
0x75: {  	_ =	swait.ge [sflag:s21], $0x4000  }
0x76: {  	[sflag:s21] =	ssyncset.done $0x0  }
0x77: {  	s1 =	rddreg [dreg:$0x18];
	[sflag:s21] =	ssyncadd.s32 $0xFFFFC000  }
0x78: {  	[tilespmem:s26], [sflag:$0x5] =	stream.indirect.gather [hbm4b:s4+s7], $0x80, s1, s7, $0xb8;
	[tilespmem:$0x1D000] =	vst v63  }
0x79: {  	_ =	swait.ge [sflag:s15], $0x4000  }
0x7a: {  	[sflag:s15] =	ssyncset.done $0x0  }
0x7b: {  	s1 =	rddreg [dreg:$0x19];
	[sflag:s15] =	ssyncadd.s32 $0xFFFFC000  }
0x7c: {  	[spmem:s2] =	stream.indirect.scatter.add.f32 [tilespmem:s11], [sflag:$0xA], $0x80, s1, s7, $0xb8;
	[tilespmem:$0x1D000] =	vst v63  }
0x7d: {  	_ =	swait.ge [sflag:s20], $0x4000  }
0x7e: {  	[sflag:s20] =	ssyncset.done $0x0  }
0x7f: {  	s1 =	rddreg [dreg:$0x1a];
	[sflag:s20] =	ssyncadd.s32 $0xFFFFC000  }
0x80: {  	[tilespmem:s25], [sflag:$0x6] =	stream.indirect.gather [hbm4b:s4+s7], $0x80, s1, s7, $0xb8;
	[tilespmem:$0x1D000] =	vst v63  }
0x81: {  	_ =	swait.ge [sflag:s29], $0x4000  }
0x82: {  	[sflag:s29] =	ssyncset.done $0x0  }
0x83: {  	s1 =	rddreg [dreg:$0x1b];
	[sflag:s29] =	ssyncadd.s32 $0xFFFFC000  }
0x84: {  	[spmem:s2] =	stream.indirect.scatter.add.f32 [tilespmem:s26], [sflag:$0xB], $0x80, s1, s7, $0xb8;
	[tilespmem:$0x1D000] =	vst v63  }
0x85: {  	_ =	swait.ge [sflag:s13], $0x4000  }
0x86: {  	[sflag:s13] =	ssyncset.done $0x0  }
0x87: {  	s1 =	rddreg [dreg:$0x1c];
	[sflag:s13] =	ssyncadd.s32 $0xFFFFC000  }
0x88: {  	[tilespmem:s9], [sflag:$0x1] =	stream.indirect.gather [hbm4b:s4+s7], $0x80, s1, s7, $0xb8;
	[tilespmem:$0x1D000] =	vst v63  }
0x89: {  	_ =	swait.ge [sflag:s28], $0x4000  }
0x8a: {  	[sflag:s28] =	ssyncset.done $0x0  }
0x8b: {  	s1 =	rddreg [dreg:$0x1d];
	[sflag:s28] =	ssyncadd.s32 $0xFFFFC000  }
0x8c: {  	[spmem:s2] =	stream.indirect.scatter.add.f32 [tilespmem:s25], [sflag:$0xC], $0x80, s1, s7, $0xb8;
	[tilespmem:$0x1D000] =	vst v63  }
0x8d: {  	_ =	swait.ge [sflag:s16], $0x4000  }
0x8e: {  	[sflag:s16] =	ssyncset.done $0x0  }
0x8f: {  	s1 =	rddreg [dreg:$0x1e];
	[sflag:s16] =	ssyncadd.s32 $0xFFFFC000  }
0x90: {  	[tilespmem:s8], [sflag:$0x2] =	stream.indirect.gather [hbm4b:s4+s7], $0x80, s1, s7, $0xb8;
	[tilespmem:$0x1D000] =	vst v63  }
0x91: {  	_ =	swait.ge [sflag:s18], $0x4000  }
0x92: {  	[sflag:s18] =	ssyncset.done $0x0  }
0x93: {  	s1 =	rddreg [dreg:$0x1f];
	[sflag:s18] =	ssyncadd.s32 $0xFFFFC000  }
0x94: {  	[spmem:s2] =	stream.indirect.scatter.add.f32 [tilespmem:s9], [sflag:$0x7], $0x80, s1, s7, $0xb8;
	[tilespmem:$0x1D000] =	vst v63  }
0x95: {  	_ =	swait.ge [sflag:s17], $0x4000  }
0x96: {  	s1 =	sld [smem:$0x7FC]  }
0x97: {  	[sflag:s17] =	ssyncset.done $0x0  }
0x98: {  	[sflag:s17] =	ssyncadd.s32 $0xFFFFC000  }
0x99: {  	[tilespmem:s10], [sflag:$0x3] =	stream.indirect.gather [hbm4b:s4+s7], $0x80, s1, s7, $0xb8;
	[tilespmem:$0x1D000] =	vst v63  }
0x9a: {  	_ =	swait.ge [sflag:s14], $0x4000  }
0x9b: {  	s1 =	sld [smem:$0x7FD]  }
0x9c: {  	[sflag:s14] =	ssyncset.done $0x0  }
0x9d: {  	[sflag:s14] =	ssyncadd.s32 $0xFFFFC000  }
0x9e: {  	[spmem:s2] =	stream.indirect.scatter.add.f32 [tilespmem:s8], [sflag:$0x8], $0x80, s1, s7, $0xb8;
	[tilespmem:$0x1D000] =	vst v63  }
0x9f: {  	_ =	swait.ge [sflag:s19], $0x4000  }
0xa0: {  	[sflag:s19] =	ssyncset.done $0x0  }
0xa1: {  	[sflag:s19] =	ssyncadd.s32 $0xFFFFC000  }
0xa2: {  	[tilespmem:s11], [sflag:$0x4] =	stream.indirect.gather [hbm4b:s4+s7], $0x80, s24, s7, $0xb8;
	[tilespmem:$0x1D000] =	vst v63  }
0xa3: {  	_ =	swait.ge [sflag:s12], $0x4000  }
0xa4: {  	[sflag:s12] =	ssyncset.done $0x0  }
0xa5: {  	s1 =	simm.s32 $0xF00;
	[sflag:s12] =	ssyncadd.s32 $0xFFFFC000  }
0xa6: {  	[spmem:s2] =	stream.indirect.scatter.add.f32 [tilespmem:s10], [sflag:$0x9], $0x80, s1, s7, $0xb8;
	[tilespmem:$0x1D000] =	vst v63  }
0xa7: {  	_ =	swait.ge [sflag:s15], $0x4000  }
0xa8: {  	[sflag:s15] =	ssyncset.done $0x0  }
0xa9: {  	[sflag:s15] =	ssyncadd.s32 $0xFFFFC000  }
0xaa: {  	[spmem:s2] =	stream.indirect.scatter.add.f32 [tilespmem:s11], [sflag:$0xA], $0x80, s23, s7, $0xb8;
	[tilespmem:$0x1D000] =	vst v63  }
0xab: {  	_ =	swait.ge [sflag:s21], $0x4000  }
0xac: {  	[sflag:s21] =	ssyncset.done $0x0  }
0xad: {  	[sflag:s21] =	ssyncadd.s32 $0xFFFFC000  }
0xae: {  	_ =	swait.ge [sflag:s20], $0x4000  }
0xaf: {  	[sflag:s20] =	ssyncset.done $0x0  }
0xb0: {  	[sflag:s20] =	ssyncadd.s32 $0xFFFFC000  }
0xb1: {  	_ =	swait.ge [sflag:s13], $0x4000  }
0xb2: {  	[sflag:s13] =	ssyncset.done $0x0  }
0xb3: {  	[sflag:s13] =	ssyncadd.s32 $0xFFFFC000  }
0xb4: {  	_ =	swait.ge [sflag:s16], $0x4000  }
0xb5: {  	[sflag:s16] =	ssyncset.done $0x0  }
0xb6: {  	[sflag:s16] =	ssyncadd.s32 $0xFFFFC000  }
0xb7: {  	_ =	swait.ge [sflag:s17], $0x4000  }
0xb8: {  	[sflag:s17] =	ssyncset.done $0x0  }
0xb9: {  	[sflag:s17] =	ssyncadd.s32 $0xFFFFC000  }
0xba: {  	_ =	swait.ge [sflag:s19], $0x4000  }
0xbb: {  	[sflag:s19] =	ssyncset.done $0x0  }
0xbc: {  	p1 =	sne.s32 s22, $0x1;
	[sflag:s19] =	ssyncadd.s32 $0xFFFFC000  }
.Ltmp1:
0xbd: {  	[bflag:$0x0] =	sbarrier.arrive $0xFFFF;
	(pc) =	sbr.rel @!p1 .LBB2_3-.Ltmp1, $4  }
0xbe: {  	s1 =	rddreg [dreg:$0x7]  }
0xbf: {  	[hbm:s1], [sflag:s5] =	dma.local [spmem:s6], $0x800  }
0xc0: {  	p0 =	por $0x1, $0x1;
	_ =	swait.ge [sflag:s3], $0x800  }
0xc1: {  	s0 =	sadd.s32 $0xFFFFFFFF, s22;
	s1 =	rddreg [dreg:$0x5];
	[sflag:s3] =	ssyncset.done $0x0  }
.LBB2_4:
0xc2: {  	[sflag:s3] =	ssyncadd.s32 $0xFFFFF800  }
0xc3: {  	[tilespmem:s30], [sflag:$0xD] =	stream.linear.gather [hbm4b:s1+s30], $0x800, $0x38;
	[tilespmem:$0x1D000] =	vst v63  }
0xc4: {  	_ =	swait.ge [sflag:s3], $0x800  }
0xc5: {  	[sflag:s3] =	ssyncset.done $0x0  }
0xc6: {  	s22 =	rddreg [dreg:$0x6];
	[sflag:s3] =	ssyncadd.s32 $0xFFFFF800  }
0xc7: {  	[tilespmem:s31], [sflag:$0xD] =	stream.linear.gather [hbm4b:s22+s30], $0x800, $0x38;
	[tilespmem:$0x1D000] =	vst v63  }
0xc8: {  	_ =	swait.ge [sflag:s3], $0x800  }
0xc9: {  	[sflag:s3] =	ssyncset.done $0x0  }
0xca: {  	[sflag:s3] =	ssyncadd.s32 $0xFFFFF800  }
0xcb: {  	[tilespmem:s9], [sflag:$0x1] =	stream.indirect.gather [hbm4b:s4+s7], $0x80, s30, s7, $0xb8;
	[tilespmem:$0x1D000] =	vst v63  }
0xcc: {  	s22 =	rddreg [dreg:$0x4]  }
0xcd: {  	[tilespmem:s8], [sflag:$0x2] =	stream.indirect.gather [hbm4b:s4+s7], $0x80, s7, s7, $0xb8;
	[tilespmem:$0x1D000] =	vst v63  }
0xce: {  	[spmem:s6], [sflag:s5] =	dma.local [hbm:s22], $0x800  }
0xcf: {  	_ =	swait.ge [sflag:s3], $0x800  }
0xd0: {  	[sflag:s3] =	ssyncset.done $0x0  }
0xd1: {  	[sflag:s3] =	ssyncadd.s32 $0xFFFFF800  }
0xd2: {  	[bflag:$0x0] =	sbarrier.arrive $0xFFFF  }
0xd3: {  	_ =	swait.ge [sflag:s18], $0x4000  }
0xd4: {  	[sflag:s18] =	ssyncset.done $0x0  }
0xd5: {  	[sflag:s18] =	ssyncadd.s32 $0xFFFFC000  }
0xd6: {  	[spmem:s2] =	stream.indirect.scatter.add.f32 [tilespmem:s9], [sflag:$0x7], $0x80, s31, s7, $0xb8;
	[tilespmem:$0x1D000] =	vst v63  }
0xd7: {  	s22 =	rddreg [dreg:$0x8]  }
0xd8: {  	[tilespmem:s10], [sflag:$0x3] =	stream.indirect.gather [hbm4b:s4+s7], $0x80, s22, s7, $0xb8;
	[tilespmem:$0x1D000] =	vst v63  }
0xd9: {  	_ =	swait.ge [sflag:s14], $0x4000  }
0xda: {  	[sflag:s14] =	ssyncset.done $0x0  }
0xdb: {  	s1 =	rddreg [dreg:$0x9];
	[sflag:s14] =	ssyncadd.s32 $0xFFFFC000  }
0xdc: {  	[spmem:s2] =	stream.indirect.scatter.add.f32 [tilespmem:s8], [sflag:$0x8], $0x80, s1, s7, $0xb8;
	[tilespmem:$0x1D000] =	vst v63  }
0xdd: {  	s22 =	rddreg [dreg:$0xa]  }
0xde: {  	[tilespmem:s11], [sflag:$0x4] =	stream.indirect.gather [hbm4b:s4+s7], $0x80, s22, s7, $0xb8;
	[tilespmem:$0x1D000] =	vst v63  }
0xdf: {  	_ =	swait.ge [sflag:s12], $0x4000  }
0xe0: {  	[sflag:s12] =	ssyncset.done $0x0  }
0xe1: {  	s1 =	rddreg [dreg:$0xb];
	[sflag:s12] =	ssyncadd.s32 $0xFFFFC000  }
0xe2: {  	[spmem:s2] =	stream.indirect.scatter.add.f32 [tilespmem:s10], [sflag:$0x9], $0x80, s1, s7, $0xb8;
	[tilespmem:$0x1D000] =	vst v63  }
0xe3: {  	s22 =	rddreg [dreg:$0xc]  }
0xe4: {  	[tilespmem:s26], [sflag:$0x5] =	stream.indirect.gather [hbm4b:s4+s7], $0x80, s22, s7, $0xb8;
	[tilespmem:$0x1D000] =	vst v63  }
0xe5: {  	_ =	swait.ge [sflag:s15], $0x4000  }
0xe6: {  	[sflag:s15] =	ssyncset.done $0x0  }
0xe7: {  	s1 =	rddreg [dreg:$0xd];
	[sflag:s15] =	ssyncadd.s32 $0xFFFFC000  }
0xe8: {  	[spmem:s2] =	stream.indirect.scatter.add.f32 [tilespmem:s11], [sflag:$0xA], $0x80, s1, s7, $0xb8;
	[tilespmem:$0x1D000] =	vst v63  }
0xe9: {  	s22 =	rddreg [dreg:$0xe]  }
0xea: {  	[tilespmem:s25], [sflag:$0x6] =	stream.indirect.gather [hbm4b:s4+s7], $0x80, s22, s7, $0xb8;
	[tilespmem:$0x1D000] =	vst v63  }
0xeb: {  	_ =	swait.ge [sflag:s29], $0x4000  }
0xec: {  	[sflag:s29] =	ssyncset.done $0x0  }
0xed: {  	s22 =	rddreg [dreg:$0xf];
	[sflag:s29] =	ssyncadd.s32 $0xFFFFC000  }
0xee: {  	[spmem:s2] =	stream.indirect.scatter.add.f32 [tilespmem:s26], [sflag:$0xB], $0x80, s22, s7, $0xb8;
	[tilespmem:$0x1D000] =	vst v63  }
0xef: {  	_ =	swait.ge [sflag:s13], $0x4000  }
0xf0: {  	[sflag:s13] =	ssyncset.done $0x0  }
0xf1: {  	s22 =	rddreg [dreg:$0x10];
	[sflag:s13] =	ssyncadd.s32 $0xFFFFC000  }
0xf2: {  	[tilespmem:s9], [sflag:$0x1] =	stream.indirect.gather [hbm4b:s4+s7], $0x80, s22, s7, $0xb8;
	[tilespmem:$0x1D000] =	vst v63  }
0xf3: {  	_ =	swait.ge [sflag:s28], $0x4000  }
0xf4: {  	[sflag:s28] =	ssyncset.done $0x0  }
0xf5: {  	s22 =	rddreg [dreg:$0x11];
	[sflag:s28] =	ssyncadd.s32 $0xFFFFC000  }
0xf6: {  	[spmem:s2] =	stream.indirect.scatter.add.f32 [tilespmem:s25], [sflag:$0xC], $0x80, s22, s7, $0xb8;
	[tilespmem:$0x1D000] =	vst v63  }
0xf7: {  	_ =	swait.ge [sflag:s16], $0x4000  }
0xf8: {  	[sflag:s16] =	ssyncset.done $0x0  }
0xf9: {  	s22 =	rddreg [dreg:$0x12];
	[sflag:s16] =	ssyncadd.s32 $0xFFFFC000  }
0xfa: {  	[tilespmem:s8], [sflag:$0x2] =	stream.indirect.gather [hbm4b:s4+s7], $0x80, s22, s7, $0xb8;
	[tilespmem:$0x1D000] =	vst v63  }
0xfb: {  	_ =	swait.ge [sflag:s18], $0x4000  }
0xfc: {  	[sflag:s18] =	ssyncset.done $0x0  }
0xfd: {  	s22 =	rddreg [dreg:$0x13];
	[sflag:s18] =	ssyncadd.s32 $0xFFFFC000  }
0xfe: {  	[spmem:s2] =	stream.indirect.scatter.add.f32 [tilespmem:s9], [sflag:$0x7], $0x80, s22, s7, $0xb8;
	[tilespmem:$0x1D000] =	vst v63  }
0xff: {  	_ =	swait.ge [sflag:s17], $0x4000  }
0x100: {  	[sflag:s17] =	ssyncset.done $0x0  }
0x101: {  	s22 =	rddreg [dreg:$0x14];
	[sflag:s17] =	ssyncadd.s32 $0xFFFFC000  }
0x102: {  	[tilespmem:s10], [sflag:$0x3] =	stream.indirect.gather [hbm4b:s4+s7], $0x80, s22, s7, $0xb8;
	[tilespmem:$0x1D000] =	vst v63  }
0x103: {  	_ =	swait.ge [sflag:s14], $0x4000  }
0x104: {  	[sflag:s14] =	ssyncset.done $0x0  }
0x105: {  	s22 =	rddreg [dreg:$0x15];
	[sflag:s14] =	ssyncadd.s32 $0xFFFFC000  }
0x106: {  	[spmem:s2] =	stream.indirect.scatter.add.f32 [tilespmem:s8], [sflag:$0x8], $0x80, s22, s7, $0xb8;
	[tilespmem:$0x1D000] =	vst v63  }
0x107: {  	_ =	swait.ge [sflag:s19], $0x4000  }
0x108: {  	[sflag:s19] =	ssyncset.done $0x0  }
0x109: {  	s22 =	rddreg [dreg:$0x16];
	[sflag:s19] =	ssyncadd.s32 $0xFFFFC000  }
0x10a: {  	[tilespmem:s11], [sflag:$0x4] =	stream.indirect.gather [hbm4b:s4+s7], $0x80, s22, s7, $0xb8;
	[tilespmem:$0x1D000] =	vst v63  }
0x10b: {  	_ =	swait.ge [sflag:s12], $0x4000  }
0x10c: {  	[sflag:s12] =	ssyncset.done $0x0  }
0x10d: {  	s22 =	rddreg [dreg:$0x17];
	[sflag:s12] =	ssyncadd.s32 $0xFFFFC000  }
0x10e: {  	[spmem:s2] =	stream.indirect.scatter.add.f32 [tilespmem:s10], [sflag:$0x9], $0x80, s22, s7, $0xb8;
	[tilespmem:$0x1D000] =	vst v63  }
0x10f: {  	_ =	swait.ge [sflag:s21], $0x4000  }
0x110: {  	[sflag:s21] =	ssyncset.done $0x0  }
0x111: {  	s22 =	rddreg [dreg:$0x18];
	[sflag:s21] =	ssyncadd.s32 $0xFFFFC000  }
0x112: {  	[tilespmem:s26], [sflag:$0x5] =	stream.indirect.gather [hbm4b:s4+s7], $0x80, s22, s7, $0xb8;
	[tilespmem:$0x1D000] =	vst v63  }
0x113: {  	_ =	swait.ge [sflag:s15], $0x4000  }
0x114: {  	[sflag:s15] =	ssyncset.done $0x0  }
0x115: {  	s22 =	rddreg [dreg:$0x19];
	[sflag:s15] =	ssyncadd.s32 $0xFFFFC000  }
0x116: {  	[spmem:s2] =	stream.indirect.scatter.add.f32 [tilespmem:s11], [sflag:$0xA], $0x80, s22, s7, $0xb8;
	[tilespmem:$0x1D000] =	vst v63  }
0x117: {  	_ =	swait.ge [sflag:s20], $0x4000  }
0x118: {  	[sflag:s20] =	ssyncset.done $0x0  }
0x119: {  	s22 =	rddreg [dreg:$0x1a];
	[sflag:s20] =	ssyncadd.s32 $0xFFFFC000  }
0x11a: {  	[tilespmem:s25], [sflag:$0x6] =	stream.indirect.gather [hbm4b:s4+s7], $0x80, s22, s7, $0xb8;
	[tilespmem:$0x1D000] =	vst v63  }
0x11b: {  	_ =	swait.ge [sflag:s29], $0x4000  }
0x11c: {  	[sflag:s29] =	ssyncset.done $0x0  }
0x11d: {  	s22 =	rddreg [dreg:$0x1b];
	[sflag:s29] =	ssyncadd.s32 $0xFFFFC000  }
0x11e: {  	[spmem:s2] =	stream.indirect.scatter.add.f32 [tilespmem:s26], [sflag:$0xB], $0x80, s22, s7, $0xb8;
	[tilespmem:$0x1D000] =	vst v63  }
0x11f: {  	_ =	swait.ge [sflag:s13], $0x4000  }
0x120: {  	[sflag:s13] =	ssyncset.done $0x0  }
0x121: {  	s22 =	rddreg [dreg:$0x1c];
	[sflag:s13] =	ssyncadd.s32 $0xFFFFC000  }
0x122: {  	[tilespmem:s9], [sflag:$0x1] =	stream.indirect.gather [hbm4b:s4+s7], $0x80, s22, s7, $0xb8;
	[tilespmem:$0x1D000] =	vst v63  }
0x123: {  	_ =	swait.ge [sflag:s28], $0x4000  }
0x124: {  	[sflag:s28] =	ssyncset.done $0x0  }
0x125: {  	s22 =	rddreg [dreg:$0x1d];
	[sflag:s28] =	ssyncadd.s32 $0xFFFFC000  }
0x126: {  	[spmem:s2] =	stream.indirect.scatter.add.f32 [tilespmem:s25], [sflag:$0xC], $0x80, s22, s7, $0xb8;
	[tilespmem:$0x1D000] =	vst v63  }
0x127: {  	_ =	swait.ge [sflag:s16], $0x4000  }
0x128: {  	[sflag:s16] =	ssyncset.done $0x0  }
0x129: {  	s22 =	rddreg [dreg:$0x1e];
	[sflag:s16] =	ssyncadd.s32 $0xFFFFC000  }
0x12a: {  	[tilespmem:s8], [sflag:$0x2] =	stream.indirect.gather [hbm4b:s4+s7], $0x80, s22, s7, $0xb8;
	[tilespmem:$0x1D000] =	vst v63  }
0x12b: {  	_ =	swait.ge [sflag:s18], $0x4000  }
0x12c: {  	[sflag:s18] =	ssyncset.done $0x0  }
0x12d: {  	s22 =	rddreg [dreg:$0x1f];
	[sflag:s18] =	ssyncadd.s32 $0xFFFFC000  }
0x12e: {  	[spmem:s2] =	stream.indirect.scatter.add.f32 [tilespmem:s9], [sflag:$0x7], $0x80, s22, s7, $0xb8;
	[tilespmem:$0x1D000] =	vst v63  }
0x12f: {  	_ =	swait.ge [sflag:s17], $0x4000  }
0x130: {  	s22 =	sld [smem:$0x7FC]  }
0x131: {  	[sflag:s17] =	ssyncset.done $0x0  }
0x132: {  	[sflag:s17] =	ssyncadd.s32 $0xFFFFC000  }
0x133: {  	[tilespmem:s10], [sflag:$0x3] =	stream.indirect.gather [hbm4b:s4+s7], $0x80, s22, s7, $0xb8;
	[tilespmem:$0x1D000] =	vst v63  }
0x134: {  	_ =	swait.ge [sflag:s14], $0x4000  }
0x135: {  	s22 =	sld [smem:$0x7FD]  }
0x136: {  	[sflag:s14] =	ssyncset.done $0x0  }
0x137: {  	[sflag:s14] =	ssyncadd.s32 $0xFFFFC000  }
0x138: {  	[spmem:s2] =	stream.indirect.scatter.add.f32 [tilespmem:s8], [sflag:$0x8], $0x80, s22, s7, $0xb8;
	[tilespmem:$0x1D000] =	vst v63  }
0x139: {  	_ =	swait.ge [sflag:s19], $0x4000  }
0x13a: {  	[sflag:s19] =	ssyncset.done $0x0  }
0x13b: {  	[sflag:s19] =	ssyncadd.s32 $0xFFFFC000  }
0x13c: {  	[tilespmem:s11], [sflag:$0x4] =	stream.indirect.gather [hbm4b:s4+s7], $0x80, s24, s7, $0xb8;
	[tilespmem:$0x1D000] =	vst v63  }
0x13d: {  	_ =	swait.ge [sflag:s12], $0x4000  }
0x13e: {  	[sflag:s12] =	ssyncset.done $0x0  }
0x13f: {  	s22 =	simm.s32 $0xF00;
	[sflag:s12] =	ssyncadd.s32 $0xFFFFC000  }
0x140: {  	[spmem:s2] =	stream.indirect.scatter.add.f32 [tilespmem:s10], [sflag:$0x9], $0x80, s22, s7, $0xb8;
	[tilespmem:$0x1D000] =	vst v63  }
0x141: {  	_ =	swait.ge [sflag:s15], $0x4000  }
0x142: {  	[sflag:s15] =	ssyncset.done $0x0  }
0x143: {  	[sflag:s15] =	ssyncadd.s32 $0xFFFFC000  }
0x144: {  	[spmem:s2] =	stream.indirect.scatter.add.f32 [tilespmem:s11], [sflag:$0xA], $0x80, s23, s7, $0xb8;
	[tilespmem:$0x1D000] =	vst v63  }
0x145: {  	_ =	swait.ge [sflag:s21], $0x4000  }
0x146: {  	[sflag:s21] =	ssyncset.done $0x0  }
0x147: {  	[sflag:s21] =	ssyncadd.s32 $0xFFFFC000  }
0x148: {  	_ =	swait.ge [sflag:s20], $0x4000  }
0x149: {  	[sflag:s20] =	ssyncset.done $0x0  }
0x14a: {  	[sflag:s20] =	ssyncadd.s32 $0xFFFFC000  }
0x14b: {  	_ =	swait.ge [sflag:s13], $0x4000  }
0x14c: {  	[sflag:s13] =	ssyncset.done $0x0  }
0x14d: {  	[sflag:s13] =	ssyncadd.s32 $0xFFFFC000  }
0x14e: {  	_ =	swait.ge [sflag:s16], $0x4000  }
0x14f: {  	[sflag:s16] =	ssyncset.done $0x0  }
0x150: {  	[sflag:s16] =	ssyncadd.s32 $0xFFFFC000  }
0x151: {  	_ =	swait.ge [sflag:s17], $0x4000  }
0x152: {  	[sflag:s17] =	ssyncset.done $0x0  }
0x153: {  	[sflag:s17] =	ssyncadd.s32 $0xFFFFC000  }
0x154: {  	_ =	swait.ge [sflag:s19], $0x4000  }
0x155: {  	[sflag:s19] =	ssyncset.done $0x0  }
0x156: {  	p1 =	sne.s32 s0, $0x1;
	[sflag:s19] =	ssyncadd.s32 $0xFFFFC000  }
.Ltmp2:
0x157: {  	[bflag:$0x0] =	sbarrier.arrive $0xFFFF;
	(pc) =	sbr.rel @p1 .LBB2_4-.Ltmp2, $4  }
0x158: {  	s22 =	rddreg [dreg:$0x7]  }
0x159: {  	[hbm:s22], [sflag:s5] =	dma.local [spmem:s6], $0x800  }
0x15a: {  	_ =	swait.ge [sflag:s3], $0x800  }
0x15b: {  	s0 =	sadd.s32 $0xFFFFFFFF, s0;
	s1 =	rddreg [dreg:$0x5];
	[sflag:s3] =	ssyncset.done $0x0  }
0x15c: {  	s23 =	simm.s32 $0x780;
	s24 =	simm.s32 $0xF00;
	s22 =	rddreg [dreg:$0x3]  }
.LBB2_6:
0x15d: {  	[sflag:s3] =	ssyncadd.s32 @p0 $0xFFFFF800  }
0x15e: {  	[tilespmem:s30], [sflag:$0xD] =	stream.linear.gather [hbm4b:s1+s30], $0x800, $0x38;
	[tilespmem:$0x1D000] =	vst v63  }
0x15f: {  	_ =	swait.ge [sflag:s3], $0x800  }
0x160: {  	[sflag:s3] =	ssyncset.done $0x0  }
0x161: {  	s0 =	rddreg [dreg:$0x6];
	[sflag:s3] =	ssyncadd.s32 $0xFFFFF800  }
0x162: {  	[tilespmem:s31], [sflag:$0xD] =	stream.linear.gather [hbm4b:s0+s30], $0x800, $0x38;
	[tilespmem:$0x1D000] =	vst v63  }
0x163: {  	_ =	swait.ge [sflag:s3], $0x800  }
0x164: {  	[sflag:s3] =	ssyncset.done $0x0  }
0x165: {  	[sflag:s3] =	ssyncadd.s32 $0xFFFFF800  }
0x166: {  	[tilespmem:s9], [sflag:$0x1] =	stream.indirect.gather [hbm4b:s4+s7], $0x80, s30, s7, $0xb8;
	[tilespmem:$0x1D000] =	vst v63  }
0x167: {  	s30 =	rddreg [dreg:$0x4]  }
0x168: {  	[tilespmem:s8], [sflag:$0x2] =	stream.indirect.gather [hbm4b:s4+s7], $0x80, s7, s7, $0xb8;
	[tilespmem:$0x1D000] =	vst v63  }
0x169: {  	[spmem:s6], [sflag:s5] =	dma.local [hbm:s30], $0x800  }
0x16a: {  	_ =	swait.ge [sflag:s3], $0x800  }
0x16b: {  	[sflag:s3] =	ssyncset.done $0x0  }
0x16c: {  	[sflag:s3] =	ssyncadd.s32 $0xFFFFF800  }
0x16d: {  	[bflag:$0x0] =	sbarrier.arrive $0xFFFF  }
0x16e: {  	_ =	swait.ge [sflag:s18], $0x4000  }
0x16f: {  	[sflag:s18] =	ssyncset.done $0x0  }
0x170: {  	[sflag:s18] =	ssyncadd.s32 $0xFFFFC000  }
0x171: {  	[spmem:s2] =	stream.indirect.scatter.add.f32 [tilespmem:s9], [sflag:$0x7], $0x80, s31, s7, $0xb8;
	[tilespmem:$0x1D000] =	vst v63  }
0x172: {  	s1 =	rddreg [dreg:$0x8]  }
0x173: {  	[tilespmem:s10], [sflag:$0x3] =	stream.indirect.gather [hbm4b:s4+s7], $0x80, s1, s7, $0xb8;
	[tilespmem:$0x1D000] =	vst v63  }
0x174: {  	_ =	swait.ge [sflag:s14], $0x4000  }
0x175: {  	[sflag:s14] =	ssyncset.done $0x0  }
0x176: {  	s30 =	rddreg [dreg:$0x9];
	[sflag:s14] =	ssyncadd.s32 $0xFFFFC000  }
0x177: {  	[spmem:s2] =	stream.indirect.scatter.add.f32 [tilespmem:s8], [sflag:$0x8], $0x80, s30, s7, $0xb8;
	[tilespmem:$0x1D000] =	vst v63  }
0x178: {  	s31 =	rddreg [dreg:$0xa]  }
0x179: {  	[tilespmem:s11], [sflag:$0x4] =	stream.indirect.gather [hbm4b:s4+s7], $0x80, s31, s7, $0xb8;
	[tilespmem:$0x1D000] =	vst v63  }
0x17a: {  	_ =	swait.ge [sflag:s12], $0x4000  }
0x17b: {  	[sflag:s12] =	ssyncset.done $0x0  }
0x17c: {  	s30 =	rddreg [dreg:$0xb];
	[sflag:s12] =	ssyncadd.s32 $0xFFFFC000  }
0x17d: {  	[spmem:s2] =	stream.indirect.scatter.add.f32 [tilespmem:s10], [sflag:$0x9], $0x80, s30, s7, $0xb8;
	[tilespmem:$0x1D000] =	vst v63  }
0x17e: {  	s31 =	rddreg [dreg:$0xc]  }
0x17f: {  	[tilespmem:s26], [sflag:$0x5] =	stream.indirect.gather [hbm4b:s4+s7], $0x80, s31, s7, $0xb8;
	[tilespmem:$0x1D000] =	vst v63  }
0x180: {  	_ =	swait.ge [sflag:s15], $0x4000  }
0x181: {  	[sflag:s15] =	ssyncset.done $0x0  }
0x182: {  	s30 =	rddreg [dreg:$0xd];
	[sflag:s15] =	ssyncadd.s32 $0xFFFFC000  }
0x183: {  	[spmem:s2] =	stream.indirect.scatter.add.f32 [tilespmem:s11], [sflag:$0xA], $0x80, s30, s7, $0xb8;
	[tilespmem:$0x1D000] =	vst v63  }
0x184: {  	s31 =	rddreg [dreg:$0xe]  }
0x185: {  	[tilespmem:s25], [sflag:$0x6] =	stream.indirect.gather [hbm4b:s4+s7], $0x80, s31, s7, $0xb8;
	[tilespmem:$0x1D000] =	vst v63  }
0x186: {  	_ =	swait.ge [sflag:s29], $0x4000  }
0x187: {  	[sflag:s29] =	ssyncset.done $0x0  }
0x188: {  	s1 =	rddreg [dreg:$0xf];
	[sflag:s29] =	ssyncadd.s32 $0xFFFFC000  }
0x189: {  	[spmem:s2] =	stream.indirect.scatter.add.f32 [tilespmem:s26], [sflag:$0xB], $0x80, s1, s7, $0xb8;
	[tilespmem:$0x1D000] =	vst v63  }
0x18a: {  	_ =	swait.ge [sflag:s13], $0x4000  }
0x18b: {  	[sflag:s13] =	ssyncset.done $0x0  }
0x18c: {  	s30 =	rddreg [dreg:$0x10];
	[sflag:s13] =	ssyncadd.s32 $0xFFFFC000  }
0x18d: {  	[tilespmem:s9], [sflag:$0x1] =	stream.indirect.gather [hbm4b:s4+s7], $0x80, s30, s7, $0xb8;
	[tilespmem:$0x1D000] =	vst v63  }
0x18e: {  	_ =	swait.ge [sflag:s28], $0x4000  }
0x18f: {  	[sflag:s28] =	ssyncset.done $0x0  }
0x190: {  	s31 =	rddreg [dreg:$0x11];
	[sflag:s28] =	ssyncadd.s32 $0xFFFFC000  }
0x191: {  	[spmem:s2] =	stream.indirect.scatter.add.f32 [tilespmem:s25], [sflag:$0xC], $0x80, s31, s7, $0xb8;
	[tilespmem:$0x1D000] =	vst v63  }
0x192: {  	_ =	swait.ge [sflag:s16], $0x4000  }
0x193: {  	[sflag:s16] =	ssyncset.done $0x0  }
0x194: {  	s1 =	rddreg [dreg:$0x12];
	[sflag:s16] =	ssyncadd.s32 $0xFFFFC000  }
0x195: {  	[tilespmem:s8], [sflag:$0x2] =	stream.indirect.gather [hbm4b:s4+s7], $0x80, s1, s7, $0xb8;
	[tilespmem:$0x1D000] =	vst v63  }
0x196: {  	_ =	swait.ge [sflag:s18], $0x4000  }
0x197: {  	[sflag:s18] =	ssyncset.done $0x0  }
0x198: {  	s30 =	rddreg [dreg:$0x13];
	[sflag:s18] =	ssyncadd.s32 $0xFFFFC000  }
0x199: {  	[spmem:s2] =	stream.indirect.scatter.add.f32 [tilespmem:s9], [sflag:$0x7], $0x80, s30, s7, $0xb8;
	[tilespmem:$0x1D000] =	vst v63  }
0x19a: {  	_ =	swait.ge [sflag:s17], $0x4000  }
0x19b: {  	[sflag:s17] =	ssyncset.done $0x0  }
0x19c: {  	s31 =	rddreg [dreg:$0x14];
	[sflag:s17] =	ssyncadd.s32 $0xFFFFC000  }
0x19d: {  	[tilespmem:s10], [sflag:$0x3] =	stream.indirect.gather [hbm4b:s4+s7], $0x80, s31, s7, $0xb8;
	[tilespmem:$0x1D000] =	vst v63  }
0x19e: {  	_ =	swait.ge [sflag:s14], $0x4000  }
0x19f: {  	[sflag:s14] =	ssyncset.done $0x0  }
0x1a0: {  	s1 =	rddreg [dreg:$0x15];
	[sflag:s14] =	ssyncadd.s32 $0xFFFFC000  }
0x1a1: {  	[spmem:s2] =	stream.indirect.scatter.add.f32 [tilespmem:s8], [sflag:$0x8], $0x80, s1, s7, $0xb8;
	[tilespmem:$0x1D000] =	vst v63  }
0x1a2: {  	_ =	swait.ge [sflag:s19], $0x4000  }
0x1a3: {  	[sflag:s19] =	ssyncset.done $0x0  }
0x1a4: {  	s30 =	rddreg [dreg:$0x16];
	[sflag:s19] =	ssyncadd.s32 $0xFFFFC000  }
0x1a5: {  	[tilespmem:s11], [sflag:$0x4] =	stream.indirect.gather [hbm4b:s4+s7], $0x80, s30, s7, $0xb8;
	[tilespmem:$0x1D000] =	vst v63  }
0x1a6: {  	_ =	swait.ge [sflag:s12], $0x4000  }
0x1a7: {  	[sflag:s12] =	ssyncset.done $0x0  }
0x1a8: {  	s31 =	rddreg [dreg:$0x17];
	[sflag:s12] =	ssyncadd.s32 $0xFFFFC000  }
0x1a9: {  	[spmem:s2] =	stream.indirect.scatter.add.f32 [tilespmem:s10], [sflag:$0x9], $0x80, s31, s7, $0xb8;
	[tilespmem:$0x1D000] =	vst v63  }
0x1aa: {  	_ =	swait.ge [sflag:s21], $0x4000  }
0x1ab: {  	[sflag:s21] =	ssyncset.done $0x0  }
0x1ac: {  	s1 =	rddreg [dreg:$0x18];
	[sflag:s21] =	ssyncadd.s32 $0xFFFFC000  }
0x1ad: {  	[tilespmem:s26], [sflag:$0x5] =	stream.indirect.gather [hbm4b:s4+s7], $0x80, s1, s7, $0xb8;
	[tilespmem:$0x1D000] =	vst v63  }
0x1ae: {  	_ =	swait.ge [sflag:s15], $0x4000  }
0x1af: {  	[sflag:s15] =	ssyncset.done $0x0  }
0x1b0: {  	s30 =	rddreg [dreg:$0x19];
	[sflag:s15] =	ssyncadd.s32 $0xFFFFC000  }
0x1b1: {  	[spmem:s2] =	stream.indirect.scatter.add.f32 [tilespmem:s11], [sflag:$0xA], $0x80, s30, s7, $0xb8;
	[tilespmem:$0x1D000] =	vst v63  }
0x1b2: {  	_ =	swait.ge [sflag:s20], $0x4000  }
0x1b3: {  	[sflag:s20] =	ssyncset.done $0x0  }
0x1b4: {  	s31 =	rddreg [dreg:$0x1a];
	[sflag:s20] =	ssyncadd.s32 $0xFFFFC000  }
0x1b5: {  	[tilespmem:s25], [sflag:$0x6] =	stream.indirect.gather [hbm4b:s4+s7], $0x80, s31, s7, $0xb8;
	[tilespmem:$0x1D000] =	vst v63  }
0x1b6: {  	_ =	swait.ge [sflag:s29], $0x4000  }
0x1b7: {  	[sflag:s29] =	ssyncset.done $0x0  }
0x1b8: {  	s1 =	rddreg [dreg:$0x1b];
	[sflag:s29] =	ssyncadd.s32 $0xFFFFC000  }
0x1b9: {  	[spmem:s2] =	stream.indirect.scatter.add.f32 [tilespmem:s26], [sflag:$0xB], $0x80, s1, s7, $0xb8;
	[tilespmem:$0x1D000] =	vst v63  }
0x1ba: {  	_ =	swait.ge [sflag:s13], $0x4000  }
0x1bb: {  	[sflag:s13] =	ssyncset.done $0x0  }
0x1bc: {  	s30 =	rddreg [dreg:$0x1c];
	[sflag:s13] =	ssyncadd.s32 $0xFFFFC000  }
0x1bd: {  	[tilespmem:s9], [sflag:$0x1] =	stream.indirect.gather [hbm4b:s4+s7], $0x80, s30, s7, $0xb8;
	[tilespmem:$0x1D000] =	vst v63  }
0x1be: {  	_ =	swait.ge [sflag:s28], $0x4000  }
0x1bf: {  	[sflag:s28] =	ssyncset.done $0x0  }
0x1c0: {  	s31 =	rddreg [dreg:$0x1d];
	[sflag:s28] =	ssyncadd.s32 $0xFFFFC000  }
0x1c1: {  	[spmem:s2] =	stream.indirect.scatter.add.f32 [tilespmem:s25], [sflag:$0xC], $0x80, s31, s7, $0xb8;
	[tilespmem:$0x1D000] =	vst v63  }
0x1c2: {  	_ =	swait.ge [sflag:s16], $0x4000  }
0x1c3: {  	[sflag:s16] =	ssyncset.done $0x0  }
0x1c4: {  	s1 =	rddreg [dreg:$0x1e];
	[sflag:s16] =	ssyncadd.s32 $0xFFFFC000  }
0x1c5: {  	[tilespmem:s8], [sflag:$0x2] =	stream.indirect.gather [hbm4b:s4+s7], $0x80, s1, s7, $0xb8;
	[tilespmem:$0x1D000] =	vst v63  }
0x1c6: {  	_ =	swait.ge [sflag:s18], $0x4000  }
0x1c7: {  	[sflag:s18] =	ssyncset.done $0x0  }
0x1c8: {  	s25 =	rddreg [dreg:$0x1f];
	[sflag:s18] =	ssyncadd.s32 $0xFFFFC000  }
0x1c9: {  	[spmem:s2] =	stream.indirect.scatter.add.f32 [tilespmem:s9], [sflag:$0x7], $0x80, s25, s7, $0xb8;
	[tilespmem:$0x1D000] =	vst v63  }
0x1ca: {  	_ =	swait.ge [sflag:s17], $0x4000  }
0x1cb: {  	s26 =	sld [smem:$0x7FC]  }
0x1cc: {  	[sflag:s17] =	ssyncset.done $0x0  }
0x1cd: {  	[sflag:s17] =	ssyncadd.s32 $0xFFFFC000  }
0x1ce: {  	[tilespmem:s10], [sflag:$0x3] =	stream.indirect.gather [hbm4b:s4+s7], $0x80, s26, s7, $0xb8;
	[tilespmem:$0x1D000] =	vst v63  }
0x1cf: {  	_ =	swait.ge [sflag:s14], $0x4000  }
0x1d0: {  	s28 =	sld [smem:$0x7FD]  }
0x1d1: {  	[sflag:s14] =	ssyncset.done $0x0  }
0x1d2: {  	[sflag:s14] =	ssyncadd.s32 $0xFFFFC000  }
0x1d3: {  	[spmem:s2] =	stream.indirect.scatter.add.f32 [tilespmem:s8], [sflag:$0x8], $0x80, s28, s7, $0xb8;
	[tilespmem:$0x1D000] =	vst v63  }
0x1d4: {  	_ =	swait.ge [sflag:s19], $0x4000  }
0x1d5: {  	[sflag:s19] =	ssyncset.done $0x0  }
0x1d6: {  	[sflag:s19] =	ssyncadd.s32 $0xFFFFC000  }
0x1d7: {  	[tilespmem:s11], [sflag:$0x4] =	stream.indirect.gather [hbm4b:s4+s7], $0x80, s23, s7, $0xb8;
	[tilespmem:$0x1D000] =	vst v63  }
0x1d8: {  	_ =	swait.ge [sflag:s12], $0x4000  }
0x1d9: {  	[sflag:s12] =	ssyncset.done $0x0  }
0x1da: {  	[sflag:s12] =	ssyncadd.s32 $0xFFFFC000  }
0x1db: {  	[spmem:s2] =	stream.indirect.scatter.add.f32 [tilespmem:s10], [sflag:$0x9], $0x80, s24, s7, $0xb8;
	[tilespmem:$0x1D000] =	vst v63  }
0x1dc: {  	_ =	swait.ge [sflag:s15], $0x4000  }
0x1dd: {  	[sflag:s15] =	ssyncset.done $0x0  }
0x1de: {  	s29 =	simm.s32 $0xF80;
	[sflag:s15] =	ssyncadd.s32 $0xFFFFC000  }
0x1df: {  	[spmem:s2] =	stream.indirect.scatter.add.f32 [tilespmem:s11], [sflag:$0xA], $0x80, s29, s7, $0xb8;
	[tilespmem:$0x1D000] =	vst v63  }
0x1e0: {  	_ =	swait.ge [sflag:s21], $0x4000  }
0x1e1: {  	[sflag:s21] =	ssyncset.done $0x0  }
0x1e2: {  	[sflag:s21] =	ssyncadd.s32 $0xFFFFC000  }
0x1e3: {  	_ =	swait.ge [sflag:s20], $0x4000  }
0x1e4: {  	[sflag:s20] =	ssyncset.done $0x0  }
0x1e5: {  	[sflag:s20] =	ssyncadd.s32 $0xFFFFC000  }
0x1e6: {  	_ =	swait.ge [sflag:s13], $0x4000  }
0x1e7: {  	[sflag:s13] =	ssyncset.done $0x0  }
0x1e8: {  	[sflag:s13] =	ssyncadd.s32 $0xFFFFC000  }
0x1e9: {  	_ =	swait.ge [sflag:s16], $0x4000  }
0x1ea: {  	[sflag:s16] =	ssyncset.done $0x0  }
0x1eb: {  	[sflag:s16] =	ssyncadd.s32 $0xFFFFC000  }
0x1ec: {  	_ =	swait.ge [sflag:s17], $0x4000  }
0x1ed: {  	[sflag:s17] =	ssyncset.done $0x0  }
0x1ee: {  	[sflag:s17] =	ssyncadd.s32 $0xFFFFC000  }
0x1ef: {  	_ =	swait.ge [sflag:s19], $0x4000  }
0x1f0: {  	[sflag:s19] =	ssyncset.done $0x0  }
0x1f1: {  	[sflag:s19] =	ssyncadd.s32 $0xFFFFC000  }
0x1f2: {  	[bflag:$0x0] =	sbarrier.arrive $0xFFFF  }
0x1f3: {  	s30 =	rddreg [dreg:$0x7]  }
0x1f4: {  	[hbm:s30], [sflag:s5] =	dma.local [spmem:s6], $0x800  }
0x1f5: {  	_ =	swait.ge [sflag:s3], $0x800  }
0x1f6: {  	[sflag:s3] =	ssyncset.done $0x0  }
0x1f7: {  	[sflag:s3] =	ssyncadd.s32 $0xFFFFF800  }
0x1f8: {  	_ =	sfence.sel $0x180000  }
0x1f9: {  	s31 =	stileid.u32;
	[bflag:$0x0] =	sbarrier.arrive $0xFFFF  }
0x1fa: {  	p0 =	sne.s32 s31, $0x0;
	_ =	strace $0x9000004A  }
0x1fb: {  	s0 =	sadd.s32 @!p0 $0x100000, s22;
	[bflag:$0x2] =	sbarrier.arrive $0xFFFF  }
0x1fc: {  	[sflag:s0] =	ssyncadd.tile.s32 @!p0 $0x1;
	_ =	shalt  }
.LBB2_1:
.Ltmp3:
0x1fd: {  	(pc) =	sbr.rel .LBB2_6-.Ltmp3, $2  }
0x1fe: {  	_ =	sdelay $0x2  }
0x1ff: {  	s23 =	simm.s32 $0x780;
	s24 =	simm.s32 $0xF00  }
.LBB2_3:
.Ltmp4:
0x200: {  	(pc) =	sbr.rel .LBB2_6-.Ltmp4, $2  }
0x201: {  	_ =	sdelay $0x2  }
0x202: {  	s23 =	simm.s32 $0x780;
	s24 =	simm.s32 $0xF00;
	s22 =	rddreg [dreg:$0x3]  }
.Lfunc_end2:
_tile_overlayer_lowered:
.L_overlay_start_2:
0x203: {  	(tag) =	ssettag $0x2  }
0x204: {  	s0 =	rddreg [dreg:$0x0];
	s2 =	stileid.u32  }
0x205: {  	s1 =	rddreg [dreg:$0x1];
	p0 =	sne.s32 s2, $0x0  }
0x206: {  	s3 =	rddreg [dreg:$0x2];
	[bflag:$0x3] =	sbarrier.arrive $0xFFFF;
	s2 =	simm.s32 @!p0 $0x1C0D  }
0x207: {  	[timem:s3], [sflag:s2] =	dma.local @!p0 [hbm:s0], s1  }
0x208: {  	s0 =	simm.s32 @!p0 $0xD  }
0x209: {  	_ =	swait.ge @!p0 [sflag:s0], s1  }
0x20a: {  	s1 =	ssub.s32 @!p0 $0x0, s1;
	[sflag:s0] =	ssyncset.done @!p0 $0x0  }
0x20b: {  	[sflag:s0] =	ssyncadd.s32 @!p0 s1  }
0x20c: {  	[bflag:$0x3] =	sbarrier.arrive $0xFFFF  }
0x20d: {  	_ =	shalt  }

// kernel: kernel.15.cloned.1.call-start
scs
__scs_entry_jumppad:
0x0: {  	(pc) =	sbr.rel $0x88, $3  }
0x1: {  	(tag) =	ssettag $0x0;
	lr =	simm.s32 $0x1  }
0x2: {  	[smem:$0x3F94] =	sst lr;
	_ =	strace $0xD0000000  }
0x3: {  	_ = 	snop  }
0x4: {  	_ = 	snop  }
0x5: {  	_ = 	snop  }
0x6: {  	_ = 	snop  }
0x7: {  	_ = 	snop  }
__scs_overlays_trampoline_lowered:
0x8: {  	[smem:$0x3FA3] =	sst s0  }
0x9: {  	[smem:$0x3FA4] =	sst s1  }
0xa: {  	[smem:$0x3FA5] =	sst s2  }
0xb: {  	[smem:$0x3FA6] =	sst s3  }
0xc: {  	[smem:$0x3FA7] =	sst s4  }
0xd: {  	[smem:$0x3FA8] =	sst s5  }
0xe: {  	[smem:$0x3FA9] =	sst s6  }
0xf: {  	[smem:$0x3FAA] =	sst s7  }
0x10: {  	[smem:$0x3FAB] =	sst s8  }
0x11: {  	[smem:$0x3FAC] =	sst s9;
	s0 =	simm.s32 @!p0 $0x0  }
0x12: {  	s1 =	sld [smem:$0x3F92];
	s0 =	simm.s32 @p0 $0x1  }
0x13: {  	[smem:$0x3FAD] =	sst s0;
	s0 =	simm.s32 @!p1 $0x0  }
0x14: {  	s2 =	sld [smem:$0x3F91];
	s0 =	simm.s32 @p1 $0x1  }
0x15: {  	[smem:$0x3FAE] =	sst s0;
	s0 =	simm.s32 @!p2 $0x0  }
0x16: {  	s3 =	sld [smem:$0x3FDB];
	s0 =	simm.s32 @p2 $0x1  }
0x17: {  	s4 =	simm.s32 $0x1BF5;
	[smem:$0x3FB0] =	sst s0  }
0x18: {  	s0 =	sld [smem:$0x3F93];
	_ =	swait.ge [sflag:s4], $0x0  }
0x19: {  	s7 =	sld [smem:$0x3F94]  }
0x1a: {  	s8 =	sadd.s32 $0xFFFFE003, lr  }
0x1b: {  	s9 =	sadd.s32 $0xFFFFFEF7, lr;
	s5 =	simm.s32 $0xFFFFFFFF;
	p2 =	slt.u32 s8, $0xFFFFF086  }
0x1c: {  	p1 =	slt.u32 s9, $0xF7A;
	s5 =	simm.s32 @!p2 $0x0  }
0x1d: {  	s5 =	simm.s32 @p1 $0x1;
	p0 =	seq.s32 s7, s2  }
0x1e: {  	s7 =	smul.u32 @!p0 $0xF7A, s2;
	p2 =	seq.s32 @!p0 s5, $0x0  }
0x1f: {  	s9 =	smul.u32 $0xF7A, s1;
	s8 =	simm.s32 @!p0 $0x1BF5;
	p2 =	por !p2, p0  }
0x20: {  	[sflag:s8] =	ssyncset.s32 @!p0 $0xFFFFF086;
	s6 =	sadd.s32 @!p0 s3, s7;
	s7 =	simm.s32 @!p0 $0x108  }
0x21: {  	s3 =	sadd.s32 s3, s9;
	s6 =	sadd.s32 @!p0 $0x88, s6;
	s7 =	simm.s32 @p2 $0x1082  }
0x22: {  	[simem:s7], [sflag:s8] =	dma.local @!p0 [hbm:s6], $0xF7A  }
0x23: {  	s9 =	sor.u32 $0xD0000000, s2;
	s6 =	simm.s32 $0x108;
	_ =	swait.ge @!p0 [sflag:s8], $0x0  }
0x24: {  	s3 =	sadd.s32 $0x88, s3;
	s6 =	simm.s32 @!p1 $0x1082;
	[sflag:s4] =	ssyncset.s32 $0xFFFFF086  }
0x25: {  	[simem:s6], [sflag:s4] =	dma.local [hbm:s3], $0xF7A  }
0x26: {  	[smem:$0x3F94] =	sst s1;
	(tag) =	ssettag s2;
	_ =	strace s9  }
0x27: {  	s1 =	sld [smem:$0x3FA4]  }
0x28: {  	s2 =	sld [smem:$0x3FA5]  }
0x29: {  	s4 =	sld [smem:$0x3FA7]  }
0x2a: {  	p0 =	seq.s32 s5, $0x0;
	s5 =	sld [smem:$0x3FA8]  }
0x2b: {  	s6 =	sld [smem:$0x3FA9]  }
0x2c: {  	s7 =	sld [smem:$0x3FAA]  }
0x2d: {  	s3 =	simm.s32 $0x108;
	s8 =	sld [smem:$0x3FAB]  }
0x2e: {  	s3 =	simm.s32 @!p0 $0x1082;
	s9 =	sld [smem:$0x3FAC]  }
0x2f: {  	lr =	sadd.s32 s0, s3;
	s0 =	sld [smem:$0x3FA3]  }
0x30: {  	s3 =	sld [smem:$0x3FA6]  }
0x31: {  	[smem:$0x3FAF] =	sst s10  }
0x32: {  	s10 =	sld [smem:$0x3FAD];
	_ =	sdelay $0x3  }
0x33: {  	p0 =	seq.s32 s10, $0x1;
	s10 =	sld [smem:$0x3FAF];
	_ =	sdelay $0x3  }
0x34: {  	[smem:$0x3FAF] =	sst s10  }
0x35: {  	s10 =	sld [smem:$0x3FAE];
	_ =	sdelay $0x3  }
0x36: {  	p1 =	seq.s32 s10, $0x1;
	s10 =	sld [smem:$0x3FAF];
	_ =	sdelay $0x3  }
0x37: {  	[smem:$0x3FAF] =	sst s10  }
0x38: {  	s10 =	sld [smem:$0x3FB0]  }
0x39: {  	_ = 	snop;
	(pc) =	sbr.ind lr, $3  }
0x3a: {  	_ = 	snop  }
0x3b: {  	_ = 	snop  }
0x3c: {  	p2 =	seq.s32 s10, $0x1;
	s10 =	sld [smem:$0x3FAF]  }
0x3d: {  	_ =	shalt  }
0x3e: {  	_ =	shalt  }
0x3f: {  	_ =	shalt  }
0x40: {  	_ =	shalt  }
0x41: {  	_ =	shalt  }
0x42: {  	_ =	shalt  }
0x43: {  	_ =	shalt  }
0x44: {  	_ =	shalt  }
0x45: {  	_ =	shalt  }
0x46: {  	_ =	shalt  }
0x47: {  	_ =	shalt  }
0x48: {  	_ =	shalt  }
0x49: {  	_ =	shalt  }
0x4a: {  	_ =	shalt  }
0x4b: {  	_ =	shalt  }
0x4c: {  	_ =	shalt  }
0x4d: {  	_ =	shalt  }
0x4e: {  	_ =	shalt  }
0x4f: {  	_ =	shalt  }
0x50: {  	_ =	shalt  }
0x51: {  	_ =	shalt  }
0x52: {  	_ =	shalt  }
0x53: {  	_ =	shalt  }
0x54: {  	_ =	shalt  }
0x55: {  	_ =	shalt  }
0x56: {  	_ =	shalt  }
0x57: {  	_ =	shalt  }
0x58: {  	_ =	shalt  }
0x59: {  	_ =	shalt  }
0x5a: {  	_ =	shalt  }
0x5b: {  	_ =	shalt  }
0x5c: {  	_ =	shalt  }
0x5d: {  	_ =	shalt  }
0x5e: {  	_ =	shalt  }
0x5f: {  	_ =	shalt  }
0x60: {  	_ =	shalt  }
0x61: {  	_ =	shalt  }
0x62: {  	_ =	shalt  }
0x63: {  	_ =	shalt  }
0x64: {  	_ =	shalt  }
0x65: {  	_ =	shalt  }
0x66: {  	_ =	shalt  }
0x67: {  	_ =	shalt  }
0x68: {  	_ =	shalt  }
0x69: {  	_ =	shalt  }
0x6a: {  	_ =	shalt  }
0x6b: {  	_ =	shalt  }
0x6c: {  	_ =	shalt  }
0x6d: {  	_ =	shalt  }
0x6e: {  	_ =	shalt  }
0x6f: {  	_ =	shalt  }
0x70: {  	_ =	shalt  }
0x71: {  	_ =	shalt  }
0x72: {  	_ =	shalt  }
0x73: {  	_ =	shalt  }
0x74: {  	_ =	shalt  }
0x75: {  	_ =	shalt  }
0x76: {  	_ =	shalt  }
0x77: {  	_ =	shalt  }
0x78: {  	_ =	shalt  }
0x79: {  	_ =	shalt  }
0x7a: {  	_ =	shalt  }
0x7b: {  	_ =	shalt  }
0x7c: {  	_ =	shalt  }
0x7d: {  	_ =	shalt  }
0x7e: {  	_ =	shalt  }
0x7f: {  	_ =	shalt  }
0x80: {  	_ =	shalt  }
0x81: {  	_ =	shalt  }
0x82: {  	_ =	shalt  }
0x83: {  	_ =	shalt  }
0x84: {  	_ =	shalt  }
0x85: {  	_ =	shalt  }
0x86: {  	_ =	shalt  }
0x87: {  	_ =	shalt  }
.Lfunc_end0:
.L_simem_size_0:
called_computation.2_lowered:
.L_overlay_start_0:
0x88: {  	s2 =	sld [smem:$0x3FD9]  }
0x89: {  	s3 =	sld [smem:$0x3FFE];
	_ =	sdelay $0x1  }
0x8a: {  	s1 =	srdreg.scid  }
0x8b: {  	s0 =	sand.u32 $0x1, s1  }
0x8c: {  	s17 =	sshll.u32 s0, $0xA;
	s2 =	sadd.s32 s3, s2  }
0x8d: {  	s2 =	sadd.s32 s2, s17  }
0x8e: {  	[smem:$0x3FBB] =	sst s2  }
0x8f: {  	_ = 	snop  }
0x90: {  	s2 =	sld [smem:$0x3FD0];
	(tm) =	ssettm $0x1  }
0x91: {  	s18 =	sld [smem:$0x3FFB];
	_ =	sdelay $0x3  }
0x92: {  	_ =	strace s18  }
0x93: {  	s3 =	sld [smem:$0x3FFC];
	_ =	sdelay $0x3  }
0x94: {  	_ =	strace s3  }
0x95: {  	s3 =	sld [smem:$0x3FFD];
	_ =	sdelay $0x3  }
0x96: {  	_ =	strace s3  }
0x97: {  	_ =	strace $0x8FFFFFFF  }
0x98: {  	s19 =	sld [smem:$0x3FDB];
	_ =	sdelay $0x1  }
0x99: {  	s4 =	simm.s32 $_scs_section_size  }
0x9a: {  	s5 =	simm.s32 $_size__tile_overlayer_lowered;
	s6 =	simm.s32 $_tile_overlayer_lowered  }
0x9b: {  	s22 =	simm.s32 $0x1BFF;
	s21 =	sshll.u32 s6, $0x1;
	s3 =	sadd.s32 s4, s19  }
0x9c: {  	s7 =	simm.s32 $0x0;
	s20 =	sshll.u32 s5, $0x1;
	s5 =	sadd.s32 s21, s3  }
0x9d: {  	[timem:s7], [sflag:s22] =	dma.local [hbm:s5], s20  }
0x9e: {  	_ =	swait.ge [sflag:s22], s20  }
0x9f: {  	s4 =	ssub.s32 $0x0, s20;
	[sflag:s22] =	ssyncset.done $0x0  }
0xa0: {  	[sflag:s22] =	ssyncadd.s32 s4;
	_ =	sdelay $0x1  }
0xa1: {  	s23 =	simm.s32 $0x1B8B  }
0xa2: {  	_ =	swait.ge [sflag:s23], $0x1  }
0xa3: {  	[sflag:s23] =	ssyncset.done $0x0  }
0xa4: {  	s25 =	simm.s32 $0x1B8E;
	s24 =	sld [smem:$0x3FFE];
	[sflag:s23] =	ssyncadd.s32 $0xFFFFFFFF  }
0xa5: {  	s26 =	simm.s32 $execute0_lowered;
	[smem:$0x3FD2] =	sst s25  }
0xa6: {  	s5 =	sshll.u32 s26, $0x1;
	_ =	strace $0x8000004C;
	[dreg:$0x1] =	wrdreg $0xFFFFFFFF  }
0xa7: {  	s28 =	simm.s32 $_size_execute0_lowered;
	s3 =	sadd.s32 s3, s5;
	[dreg:$0x0] =	wrdreg $0x0  }
0xa8: {  	s5 =	sshll.u32 s28, $0x1;
	[dreg:$0x2] =	wrdreg s3  }
0xa9: {  	[dreg:$0x3] =	wrdreg s5  }
0xaa: {  	[dreg:$0x4] =	wrdreg $0xC0  }
0xab: {  	_ =	task [dreg:s7], $0x5FFFF  }
0xac: {  	[dreg:$0x1] =	wrdreg $0xFFFFFFFF  }
0xad: {  	[dreg:$0x0] =	wrdreg $0x60  }
0xae: {  	[dreg:$0x2] =	wrdreg s24  }
0xaf: {  	[dreg:$0x3] =	wrdreg s2  }
0xb0: {  	[dreg:$0x4] =	wrdreg $0x190000  }
0xb1: {  	[dreg:$0x5] =	wrdreg $0x9  }
0xb2: {  	_ =	task.clear_ibuf [dreg:s7], $0x6FFFF;
	_ =	strace $0x9000004C  }
0xb3: {  	s29 =	simm.s32 $0x9;
	_ =	strace $0x8000004E  }
0xb4: {  	_ =	swait.ge [sflag:s29], $0x1  }
0xb5: {  	[sflag:s29] =	ssyncadd.s32 $0xFFFFFFFF  }
0xb6: {  	_ =	strace $0x9000004E  }
0xb7: {  	_ =	sfence  }
0xb8: {  	s30 =	sld [smem:$0x0];
	_ =	sdelay $0x2  }
0xb9: {  	s31 =	sshll.u32 s1, $0xD;
	s1 =	sshrl.u32 s1, $0x2  }
0xba: {  	s3 =	sand.u32 $0x4000, s31;
	s1 =	sadd.s32 s1, s30  }
0xbb: {  	s0 =	sor.u32 s3, s0;
	s1 =	sshll.u32 s1, $0x11  }
0xbc: {  	s0 =	sor.u32 s1, s0  }
0xbd: {  	s0 =	sadd.s32 $0x8F2B, s0  }
0xbe: {  	[sflag:s0] =	ssyncadd.remote.s32 $0x1  }
0xbf: {  	_ =	sfence.sel $0xFFFF  }
0xc0: {  	[dreg:$0x0] =	wrdreg $0xFFFFFFFF;
	(pc) =	sbr.abs _section_cstart, $3  }
0xc1: {  	[dreg:$0x1] =	wrdreg $0xFFFFFFFF  }
0xc2: {  	_ =	task.clear_ibuf [dreg:s7], $0x2FFFF;
	_ =	strace $0x9FFFFFFF  }
0xc3: {  	(tm) =	ssettm $0x7FFFFFFF  }
tec
execute0_lowered:
.L_overlay_start_1:
0x0: {  	(tag) =	ssettag $0x1  }
0x1: {  	s0 =	rddreg [dreg:$0x0]  }
0x2: {  	s1 =	rddreg [dreg:$0x1]  }
0x3: {  	s2 =	rddreg [dreg:$0x2];
	s24 =	srdreg.scid  }
0x4: {  	s22 =	rddreg [dreg:$0x3];
	s10 =	stileid.u32;
	s30 =	simm.s32 $0x0  }
0x5: {  	s8 =	simm.s32 $0x880;
	s9 =	simm.s32 $0x180;
	s12 =	simm.s32 $0x900  }
0x6: {  	s14 =	simm.s32 $0x200;
	s15 =	simm.s32 $0x980;
	[dreg:$0x4] =	wrdreg s1  }
0x7: {  	s16 =	simm.s32 $0x280;
	s31 =	simm.s32 $0x800;
	[smem:$0x7FF] =	sst s30  }
0x8: {  	s17 =	simm.s32 $0xA00;
	_ =	strace $0x8000004D;
	[dreg:$0x9] =	wrdreg s8  }
0x9: {  	s18 =	simm.s32 $0x300;
	s19 =	simm.s32 $0xA80;
	[dreg:$0xa] =	wrdreg s9  }
0xa: {  	s20 =	simm.s32 $0x380;
	s23 =	simm.s32 $0xB00;
	[dreg:$0xb] =	wrdreg s12  }
0xb: {  	s29 =	simm.s32 $0x5;
	s28 =	simm.s32 $0x6;
	[dreg:$0xc] =	wrdreg s14  }
0xc: {  	p0 =	por $0x0, $0x0;
	s1 =	sand.u32 $0x1, s24;
	[dreg:$0xd] =	wrdreg s15  }
0xd: {  	s3 =	sshll.u32 s10, $0x9;
	s25 =	sshll.u32 s10, $0xB;
	[dreg:$0xe] =	wrdreg s16  }
0xe: {  	s11 =	sshll.u32 s10, $0xE;
	s21 =	sshll.u32 s10, $0x6;
	[dreg:$0xf] =	wrdreg s17  }
0xf: {  	s24 =	simm.s32 $0x400;
	s10 =	simm.s32 $0x9000;
	[dreg:$0x10] =	wrdreg s18  }
0x10: {  	s4 =	sshll.u32 s1, $0x8;
	s6 =	sshll.u32 s1, $0xF;
	[dreg:$0x11] =	wrdreg s19  }
0x11: {  	s1 =	ssub.s32 $0x2, s1;
	s13 =	sadd.s32 s11, s2;
	[dreg:$0x12] =	wrdreg s20  }
0x12: {  	s9 =	simm.s32 $0x1000;
	s8 =	simm.s32 $0x5000;
	[dreg:$0x13] =	wrdreg s23  }
0x13: {  	[dreg:$0x14] =	wrdreg s24;
	s18 =	simm.s32 $0x1;
	s11 =	simm.s32 $0xC00  }
0x14: {  	s14 =	simm.s32 $0x2;
	s12 =	simm.s32 $0x500;
	[dreg:$0x17] =	wrdreg s11  }
0x15: {  	s15 =	simm.s32 $0x580;
	s16 =	simm.s32 $0xD00;
	[dreg:$0x18] =	wrdreg s12  }
0x16: {  	s17 =	simm.s32 $0x600;
	s19 =	simm.s32 $0xD80;
	[dreg:$0x1a] =	wrdreg s15  }
0x17: {  	s20 =	simm.s32 $0x680;
	s23 =	simm.s32 $0x700;
	[dreg:$0x1b] =	wrdreg s16  }
0x18: {  	s24 =	simm.s32 $0xE80;
	s3 =	sor.u32 s4, s3;
	[dreg:$0x1c] =	wrdreg s17  }
0x19: {  	s4 =	sadd.s32 s25, s0;
	s7 =	sshrl.u32 s1, $0x1;
	[dreg:$0x1d] =	wrdreg s19  }
0x1a: {  	s25 =	simm.s32 $0xB80;
	s11 =	simm.s32 $0xD000;
	[dreg:$0x1e] =	wrdreg s20  }
0x1b: {  	s12 =	simm.s32 $0x3;
	s15 =	simm.s32 $0x4;
	[smem:$0x7FC] =	sst s23  }
0x1c: {  	s16 =	simm.s32 $0x8;
	[smem:$0x7FD] =	sst s24;
	s17 =	simm.s32 $0x9  }
0x1d: {  	s19 =	simm.s32 $0xA;
	s20 =	simm.s32 $0xC;
	s24 =	simm.s32 $0x780  }
0x1e: {  	s23 =	simm.s32 $0xF80;
	s3 =	sadd.s32 s3, s0;
	s26 =	sadd.s32 s6, s4  }
0x1f: {  	s4 =	sadd.s32 $0xB600, s0;
	s6 =	simm.s32 $0x100;
	s1 =	ssub.s32 s1, s7  }
0x20: {  	s7 =	simm.s32 $0x80;
	[dreg:$0x15] =	wrdreg s25;
	s25 =	simm.s32 $0x15000  }
0x21: {  	s5 =	sadd.s32 $0x7600, s3;
	s3 =	sadd.s32 $0x9600, s3;
	[dreg:$0x8] =	wrdreg s6  }
0x22: {  	s0 =	smax.u32 s1, $0x1;
	s6 =	sshrl.u32 s13, $0x3;
	[dreg:$0x5] =	wrdreg s5  }
0x23: {  	s13 =	simm.s32 $0xC80;
	[dreg:$0x6] =	wrdreg s3;
	p1 =	sne.s32 s0, $0x1  }
.Ltmp0:
0x24: {  	s5 =	sadd.s32 $0x13600, s26;
	[dreg:$0x19] =	wrdreg s13;
	(pc) =	sbr.rel @!p1 .LBB2_1-.Ltmp0, $4  }
0x25: {  	s3 =	simm.s32 $0xD;
	s26 =	simm.s32 $0x480;
	[dreg:$0x7] =	wrdreg s5  }
0x26: {  	s13 =	simm.s32 $0x7;
	s0 =	sadd.s32 $0xFFFFFFFF, s0;
	[dreg:$0x16] =	wrdreg s26  }
0x27: {  	s5 =	sor.u32 $0x1C0D, s21;
	s21 =	simm.s32 $0xE00;
	s1 =	rddreg [dreg:$0x5]  }
0x28: {  	s26 =	simm.s32 $0x11000;
	[dreg:$0x1f] =	wrdreg s21;
	s21 =	simm.s32 $0xB  }
0x29: {  	[tilespmem:s30], [sflag:$0xD] =	stream.linear.gather [hbm4b:s1+s30], $0x800, $0x38;
	[tilespmem:$0x1D000] =	vst v63  }
0x2a: {  	_ =	swait.ge [sflag:s3], $0x800  }
0x2b: {  	[sflag:s3] =	ssyncset.done $0x0  }
0x2c: {  	s22 =	rddreg [dreg:$0x6];
	[sflag:s3] =	ssyncadd.s32 $0xFFFFF800  }
0x2d: {  	[tilespmem:s31], [sflag:$0xD] =	stream.linear.gather [hbm4b:s22+s30], $0x800, $0x38;
	[tilespmem:$0x1D000] =	vst v63  }
0x2e: {  	_ =	swait.ge [sflag:s3], $0x800  }
0x2f: {  	[sflag:s3] =	ssyncset.done $0x0  }
0x30: {  	[sflag:s3] =	ssyncadd.s32 $0xFFFFF800  }
0x31: {  	[tilespmem:s9], [sflag:$0x1] =	stream.indirect.gather [hbm4b:s4+s7], $0x80, s30, s7, $0xb8;
	[tilespmem:$0x1D000] =	vst v63  }
0x32: {  	s22 =	rddreg [dreg:$0x4]  }
0x33: {  	[tilespmem:s8], [sflag:$0x2] =	stream.indirect.gather [hbm4b:s4+s7], $0x80, s7, s7, $0xb8;
	[tilespmem:$0x1D000] =	vst v63  }
0x34: {  	[spmem:s6], [sflag:s5] =	dma.local [hbm:s22], $0x800  }
0x35: {  	_ =	swait.ge [sflag:s3], $0x800  }
0x36: {  	[sflag:s3] =	ssyncset.done $0x0  }
0x37: {  	[sflag:s3] =	ssyncadd.s32 $0xFFFFF800  }
0x38: {  	[bflag:$0x0] =	sbarrier.arrive $0xFFFF  }
0x39: {  	_ =	swait.ge [sflag:s18], $0x4000  }
0x3a: {  	[sflag:s18] =	ssyncset.done $0x0  }
0x3b: {  	[sflag:s18] =	ssyncadd.s32 $0xFFFFC000  }
0x3c: {  	[spmem:s2] =	stream.indirect.scatter.add.f32 [tilespmem:s9], [sflag:$0x7], $0x80, s31, s7, $0xb8;
	[tilespmem:$0x1D000] =	vst v63  }
0x3d: {  	s22 =	rddreg [dreg:$0x8]  }
0x3e: {  	[tilespmem:s10], [sflag:$0x3] =	stream.indirect.gather [hbm4b:s4+s7], $0x80, s22, s7, $0xb8;
	[tilespmem:$0x1D000] =	vst v63  }
0x3f: {  	_ =	swait.ge [sflag:s14], $0x4000  }
0x40: {  	[sflag:s14] =	ssyncset.done $0x0  }
0x41: {  	s1 =	rddreg [dreg:$0x9];
	[sflag:s14] =	ssyncadd.s32 $0xFFFFC000  }
0x42: {  	[spmem:s2] =	stream.indirect.scatter.add.f32 [tilespmem:s8], [sflag:$0x8], $0x80, s1, s7, $0xb8;
	[tilespmem:$0x1D000] =	vst v63  }
0x43: {  	s22 =	smov.u32 s0;
	s0 =	rddreg [dreg:$0xa]  }
0x44: {  	[tilespmem:s11], [sflag:$0x4] =	stream.indirect.gather [hbm4b:s4+s7], $0x80, s0, s7, $0xb8;
	[tilespmem:$0x1D000] =	vst v63  }
0x45: {  	_ =	swait.ge [sflag:s12], $0x4000  }
0x46: {  	[sflag:s12] =	ssyncset.done $0x0  }
0x47: {  	s0 =	rddreg [dreg:$0xb];
	[sflag:s12] =	ssyncadd.s32 $0xFFFFC000  }
0x48: {  	[spmem:s2] =	stream.indirect.scatter.add.f32 [tilespmem:s10], [sflag:$0x9], $0x80, s0, s7, $0xb8;
	[tilespmem:$0x1D000] =	vst v63  }
0x49: {  	s1 =	rddreg [dreg:$0xc]  }
0x4a: {  	[tilespmem:s26], [sflag:$0x5] =	stream.indirect.gather [hbm4b:s4+s7], $0x80, s1, s7, $0xb8;
	[tilespmem:$0x1D000] =	vst v63  }
0x4b: {  	_ =	swait.ge [sflag:s15], $0x4000  }
0x4c: {  	[sflag:s15] =	ssyncset.done $0x0  }
0x4d: {  	s0 =	rddreg [dreg:$0xd];
	[sflag:s15] =	ssyncadd.s32 $0xFFFFC000  }
0x4e: {  	[spmem:s2] =	stream.indirect.scatter.add.f32 [tilespmem:s11], [sflag:$0xA], $0x80, s0, s7, $0xb8;
	[tilespmem:$0x1D000] =	vst v63  }
0x4f: {  	s1 =	rddreg [dreg:$0xe]  }
0x50: {  	[tilespmem:s25], [sflag:$0x6] =	stream.indirect.gather [hbm4b:s4+s7], $0x80, s1, s7, $0xb8;
	[tilespmem:$0x1D000] =	vst v63  }
0x51: {  	_ =	swait.ge [sflag:s29], $0x4000  }
0x52: {  	[sflag:s29] =	ssyncset.done $0x0  }
0x53: {  	s1 =	rddreg [dreg:$0xf];
	[sflag:s29] =	ssyncadd.s32 $0xFFFFC000  }
0x54: {  	[spmem:s2] =	stream.indirect.scatter.add.f32 [tilespmem:s26], [sflag:$0xB], $0x80, s1, s7, $0xb8;
	[tilespmem:$0x1D000] =	vst v63  }
0x55: {  	_ =	swait.ge [sflag:s13], $0x4000  }
0x56: {  	[sflag:s13] =	ssyncset.done $0x0  }
0x57: {  	s1 =	rddreg [dreg:$0x10];
	[sflag:s13] =	ssyncadd.s32 $0xFFFFC000  }
0x58: {  	[tilespmem:s9], [sflag:$0x1] =	stream.indirect.gather [hbm4b:s4+s7], $0x80, s1, s7, $0xb8;
	[tilespmem:$0x1D000] =	vst v63  }
0x59: {  	_ =	swait.ge [sflag:s28], $0x4000  }
0x5a: {  	[sflag:s28] =	ssyncset.done $0x0  }
0x5b: {  	s1 =	rddreg [dreg:$0x11];
	[sflag:s28] =	ssyncadd.s32 $0xFFFFC000  }
0x5c: {  	[spmem:s2] =	stream.indirect.scatter.add.f32 [tilespmem:s25], [sflag:$0xC], $0x80, s1, s7, $0xb8;
	[tilespmem:$0x1D000] =	vst v63  }
0x5d: {  	_ =	swait.ge [sflag:s16], $0x4000  }
0x5e: {  	[sflag:s16] =	ssyncset.done $0x0  }
0x5f: {  	s1 =	rddreg [dreg:$0x12];
	[sflag:s16] =	ssyncadd.s32 $0xFFFFC000  }
0x60: {  	[tilespmem:s8], [sflag:$0x2] =	stream.indirect.gather [hbm4b:s4+s7], $0x80, s1, s7, $0xb8;
	[tilespmem:$0x1D000] =	vst v63  }
0x61: {  	_ =	swait.ge [sflag:s18], $0x4000  }
0x62: {  	[sflag:s18] =	ssyncset.done $0x0  }
0x63: {  	s1 =	rddreg [dreg:$0x13];
	[sflag:s18] =	ssyncadd.s32 $0xFFFFC000  }
0x64: {  	[spmem:s2] =	stream.indirect.scatter.add.f32 [tilespmem:s9], [sflag:$0x7], $0x80, s1, s7, $0xb8;
	[tilespmem:$0x1D000] =	vst v63  }
0x65: {  	_ =	swait.ge [sflag:s17], $0x4000  }
0x66: {  	[sflag:s17] =	ssyncset.done $0x0  }
0x67: {  	s1 =	rddreg [dreg:$0x14];
	[sflag:s17] =	ssyncadd.s32 $0xFFFFC000  }
0x68: {  	[tilespmem:s10], [sflag:$0x3] =	stream.indirect.gather [hbm4b:s4+s7], $0x80, s1, s7, $0xb8;
	[tilespmem:$0x1D000] =	vst v63  }
0x69: {  	_ =	swait.ge [sflag:s14], $0x4000  }
0x6a: {  	[sflag:s14] =	ssyncset.done $0x0  }
0x6b: {  	s1 =	rddreg [dreg:$0x15];
	[sflag:s14] =	ssyncadd.s32 $0xFFFFC000  }
0x6c: {  	[spmem:s2] =	stream.indirect.scatter.add.f32 [tilespmem:s8], [sflag:$0x8], $0x80, s1, s7, $0xb8;
	[tilespmem:$0x1D000] =	vst v63  }
0x6d: {  	_ =	swait.ge [sflag:s19], $0x4000  }
0x6e: {  	[sflag:s19] =	ssyncset.done $0x0  }
0x6f: {  	s1 =	rddreg [dreg:$0x16];
	[sflag:s19] =	ssyncadd.s32 $0xFFFFC000  }
0x70: {  	[tilespmem:s11], [sflag:$0x4] =	stream.indirect.gather [hbm4b:s4+s7], $0x80, s1, s7, $0xb8;
	[tilespmem:$0x1D000] =	vst v63  }
0x71: {  	_ =	swait.ge [sflag:s12], $0x4000  }
0x72: {  	[sflag:s12] =	ssyncset.done $0x0  }
0x73: {  	s1 =	rddreg [dreg:$0x17];
	[sflag:s12] =	ssyncadd.s32 $0xFFFFC000  }
0x74: {  	[spmem:s2] =	stream.indirect.scatter.add.f32 [tilespmem:s10], [sflag:$0x9], $0x80, s1, s7, $0xb8;
	[tilespmem:$0x1D000] =	vst v63  }
0x75: {  	_ =	swait.ge [sflag:s21], $0x4000  }
0x76: {  	[sflag:s21] =	ssyncset.done $0x0  }
0x77: {  	s1 =	rddreg [dreg:$0x18];
	[sflag:s21] =	ssyncadd.s32 $0xFFFFC000  }
0x78: {  	[tilespmem:s26], [sflag:$0x5] =	stream.indirect.gather [hbm4b:s4+s7], $0x80, s1, s7, $0xb8;
	[tilespmem:$0x1D000] =	vst v63  }
0x79: {  	_ =	swait.ge [sflag:s15], $0x4000  }
0x7a: {  	[sflag:s15] =	ssyncset.done $0x0  }
0x7b: {  	s1 =	rddreg [dreg:$0x19];
	[sflag:s15] =	ssyncadd.s32 $0xFFFFC000  }
0x7c: {  	[spmem:s2] =	stream.indirect.scatter.add.f32 [tilespmem:s11], [sflag:$0xA], $0x80, s1, s7, $0xb8;
	[tilespmem:$0x1D000] =	vst v63  }
0x7d: {  	_ =	swait.ge [sflag:s20], $0x4000  }
0x7e: {  	[sflag:s20] =	ssyncset.done $0x0  }
0x7f: {  	s1 =	rddreg [dreg:$0x1a];
	[sflag:s20] =	ssyncadd.s32 $0xFFFFC000  }
0x80: {  	[tilespmem:s25], [sflag:$0x6] =	stream.indirect.gather [hbm4b:s4+s7], $0x80, s1, s7, $0xb8;
	[tilespmem:$0x1D000] =	vst v63  }
0x81: {  	_ =	swait.ge [sflag:s29], $0x4000  }
0x82: {  	[sflag:s29] =	ssyncset.done $0x0  }
0x83: {  	s1 =	rddreg [dreg:$0x1b];
	[sflag:s29] =	ssyncadd.s32 $0xFFFFC000  }
0x84: {  	[spmem:s2] =	stream.indirect.scatter.add.f32 [tilespmem:s26], [sflag:$0xB], $0x80, s1, s7, $0xb8;
	[tilespmem:$0x1D000] =	vst v63  }
0x85: {  	_ =	swait.ge [sflag:s13], $0x4000  }
0x86: {  	[sflag:s13] =	ssyncset.done $0x0  }
0x87: {  	s1 =	rddreg [dreg:$0x1c];
	[sflag:s13] =	ssyncadd.s32 $0xFFFFC000  }
0x88: {  	[tilespmem:s9], [sflag:$0x1] =	stream.indirect.gather [hbm4b:s4+s7], $0x80, s1, s7, $0xb8;
	[tilespmem:$0x1D000] =	vst v63  }
0x89: {  	_ =	swait.ge [sflag:s28], $0x4000  }
0x8a: {  	[sflag:s28] =	ssyncset.done $0x0  }
0x8b: {  	s1 =	rddreg [dreg:$0x1d];
	[sflag:s28] =	ssyncadd.s32 $0xFFFFC000  }
0x8c: {  	[spmem:s2] =	stream.indirect.scatter.add.f32 [tilespmem:s25], [sflag:$0xC], $0x80, s1, s7, $0xb8;
	[tilespmem:$0x1D000] =	vst v63  }
0x8d: {  	_ =	swait.ge [sflag:s16], $0x4000  }
0x8e: {  	[sflag:s16] =	ssyncset.done $0x0  }
0x8f: {  	s1 =	rddreg [dreg:$0x1e];
	[sflag:s16] =	ssyncadd.s32 $0xFFFFC000  }
0x90: {  	[tilespmem:s8], [sflag:$0x2] =	stream.indirect.gather [hbm4b:s4+s7], $0x80, s1, s7, $0xb8;
	[tilespmem:$0x1D000] =	vst v63  }
0x91: {  	_ =	swait.ge [sflag:s18], $0x4000  }
0x92: {  	[sflag:s18] =	ssyncset.done $0x0  }
0x93: {  	s1 =	rddreg [dreg:$0x1f];
	[sflag:s18] =	ssyncadd.s32 $0xFFFFC000  }
0x94: {  	[spmem:s2] =	stream.indirect.scatter.add.f32 [tilespmem:s9], [sflag:$0x7], $0x80, s1, s7, $0xb8;
	[tilespmem:$0x1D000] =	vst v63  }
0x95: {  	_ =	swait.ge [sflag:s17], $0x4000  }
0x96: {  	s1 =	sld [smem:$0x7FC]  }
0x97: {  	[sflag:s17] =	ssyncset.done $0x0  }
0x98: {  	[sflag:s17] =	ssyncadd.s32 $0xFFFFC000  }
0x99: {  	[tilespmem:s10], [sflag:$0x3] =	stream.indirect.gather [hbm4b:s4+s7], $0x80, s1, s7, $0xb8;
	[tilespmem:$0x1D000] =	vst v63  }
0x9a: {  	_ =	swait.ge [sflag:s14], $0x4000  }
0x9b: {  	s1 =	sld [smem:$0x7FD]  }
0x9c: {  	[sflag:s14] =	ssyncset.done $0x0  }
0x9d: {  	[sflag:s14] =	ssyncadd.s32 $0xFFFFC000  }
0x9e: {  	[spmem:s2] =	stream.indirect.scatter.add.f32 [tilespmem:s8], [sflag:$0x8], $0x80, s1, s7, $0xb8;
	[tilespmem:$0x1D000] =	vst v63  }
0x9f: {  	_ =	swait.ge [sflag:s19], $0x4000  }
0xa0: {  	[sflag:s19] =	ssyncset.done $0x0  }
0xa1: {  	[sflag:s19] =	ssyncadd.s32 $0xFFFFC000  }
0xa2: {  	[tilespmem:s11], [sflag:$0x4] =	stream.indirect.gather [hbm4b:s4+s7], $0x80, s24, s7, $0xb8;
	[tilespmem:$0x1D000] =	vst v63  }
0xa3: {  	_ =	swait.ge [sflag:s12], $0x4000  }
0xa4: {  	[sflag:s12] =	ssyncset.done $0x0  }
0xa5: {  	s1 =	simm.s32 $0xF00;
	[sflag:s12] =	ssyncadd.s32 $0xFFFFC000  }
0xa6: {  	[spmem:s2] =	stream.indirect.scatter.add.f32 [tilespmem:s10], [sflag:$0x9], $0x80, s1, s7, $0xb8;
	[tilespmem:$0x1D000] =	vst v63  }
0xa7: {  	_ =	swait.ge [sflag:s15], $0x4000  }
0xa8: {  	[sflag:s15] =	ssyncset.done $0x0  }
0xa9: {  	[sflag:s15] =	ssyncadd.s32 $0xFFFFC000  }
0xaa: {  	[spmem:s2] =	stream.indirect.scatter.add.f32 [tilespmem:s11], [sflag:$0xA], $0x80, s23, s7, $0xb8;
	[tilespmem:$0x1D000] =	vst v63  }
0xab: {  	_ =	swait.ge [sflag:s21], $0x4000  }
0xac: {  	[sflag:s21] =	ssyncset.done $0x0  }
0xad: {  	[sflag:s21] =	ssyncadd.s32 $0xFFFFC000  }
0xae: {  	_ =	swait.ge [sflag:s20], $0x4000  }
0xaf: {  	[sflag:s20] =	ssyncset.done $0x0  }
0xb0: {  	[sflag:s20] =	ssyncadd.s32 $0xFFFFC000  }
0xb1: {  	_ =	swait.ge [sflag:s13], $0x4000  }
0xb2: {  	[sflag:s13] =	ssyncset.done $0x0  }
0xb3: {  	[sflag:s13] =	ssyncadd.s32 $0xFFFFC000  }
0xb4: {  	_ =	swait.ge [sflag:s16], $0x4000  }
0xb5: {  	[sflag:s16] =	ssyncset.done $0x0  }
0xb6: {  	[sflag:s16] =	ssyncadd.s32 $0xFFFFC000  }
0xb7: {  	_ =	swait.ge [sflag:s17], $0x4000  }
0xb8: {  	[sflag:s17] =	ssyncset.done $0x0  }
0xb9: {  	[sflag:s17] =	ssyncadd.s32 $0xFFFFC000  }
0xba: {  	_ =	swait.ge [sflag:s19], $0x4000  }
0xbb: {  	[sflag:s19] =	ssyncset.done $0x0  }
0xbc: {  	p1 =	sne.s32 s22, $0x1;
	[sflag:s19] =	ssyncadd.s32 $0xFFFFC000  }
.Ltmp1:
0xbd: {  	[bflag:$0x0] =	sbarrier.arrive $0xFFFF;
	(pc) =	sbr.rel @!p1 .LBB2_3-.Ltmp1, $4  }
0xbe: {  	s1 =	rddreg [dreg:$0x7]  }
0xbf: {  	[hbm:s1], [sflag:s5] =	dma.local [spmem:s6], $0x800  }
0xc0: {  	p0 =	por $0x1, $0x1;
	_ =	swait.ge [sflag:s3], $0x800  }
0xc1: {  	s0 =	sadd.s32 $0xFFFFFFFF, s22;
	s1 =	rddreg [dreg:$0x5];
	[sflag:s3] =	ssyncset.done $0x0  }
.LBB2_4:
0xc2: {  	[sflag:s3] =	ssyncadd.s32 $0xFFFFF800  }
0xc3: {  	[tilespmem:s30], [sflag:$0xD] =	stream.linear.gather [hbm4b:s1+s30], $0x800, $0x38;
	[tilespmem:$0x1D000] =	vst v63  }
0xc4: {  	_ =	swait.ge [sflag:s3], $0x800  }
0xc5: {  	[sflag:s3] =	ssyncset.done $0x0  }
0xc6: {  	s22 =	rddreg [dreg:$0x6];
	[sflag:s3] =	ssyncadd.s32 $0xFFFFF800  }
0xc7: {  	[tilespmem:s31], [sflag:$0xD] =	stream.linear.gather [hbm4b:s22+s30], $0x800, $0x38;
	[tilespmem:$0x1D000] =	vst v63  }
0xc8: {  	_ =	swait.ge [sflag:s3], $0x800  }
0xc9: {  	[sflag:s3] =	ssyncset.done $0x0  }
0xca: {  	[sflag:s3] =	ssyncadd.s32 $0xFFFFF800  }
0xcb: {  	[tilespmem:s9], [sflag:$0x1] =	stream.indirect.gather [hbm4b:s4+s7], $0x80, s30, s7, $0xb8;
	[tilespmem:$0x1D000] =	vst v63  }
0xcc: {  	s22 =	rddreg [dreg:$0x4]  }
0xcd: {  	[tilespmem:s8], [sflag:$0x2] =	stream.indirect.gather [hbm4b:s4+s7], $0x80, s7, s7, $0xb8;
	[tilespmem:$0x1D000] =	vst v63  }
0xce: {  	[spmem:s6], [sflag:s5] =	dma.local [hbm:s22], $0x800  }
0xcf: {  	_ =	swait.ge [sflag:s3], $0x800  }
0xd0: {  	[sflag:s3] =	ssyncset.done $0x0  }
0xd1: {  	[sflag:s3] =	ssyncadd.s32 $0xFFFFF800  }
0xd2: {  	[bflag:$0x0] =	sbarrier.arrive $0xFFFF  }
0xd3: {  	_ =	swait.ge [sflag:s18], $0x4000  }
0xd4: {  	[sflag:s18] =	ssyncset.done $0x0  }
0xd5: {  	[sflag:s18] =	ssyncadd.s32 $0xFFFFC000  }
0xd6: {  	[spmem:s2] =	stream.indirect.scatter.add.f32 [tilespmem:s9], [sflag:$0x7], $0x80, s31, s7, $0xb8;
	[tilespmem:$0x1D000] =	vst v63  }
0xd7: {  	s22 =	rddreg [dreg:$0x8]  }
0xd8: {  	[tilespmem:s10], [sflag:$0x3] =	stream.indirect.gather [hbm4b:s4+s7], $0x80, s22, s7, $0xb8;
	[tilespmem:$0x1D000] =	vst v63  }
0xd9: {  	_ =	swait.ge [sflag:s14], $0x4000  }
0xda: {  	[sflag:s14] =	ssyncset.done $0x0  }
0xdb: {  	s1 =	rddreg [dreg:$0x9];
	[sflag:s14] =	ssyncadd.s32 $0xFFFFC000  }
0xdc: {  	[spmem:s2] =	stream.indirect.scatter.add.f32 [tilespmem:s8], [sflag:$0x8], $0x80, s1, s7, $0xb8;
	[tilespmem:$0x1D000] =	vst v63  }
0xdd: {  	s22 =	rddreg [dreg:$0xa]  }
0xde: {  	[tilespmem:s11], [sflag:$0x4] =	stream.indirect.gather [hbm4b:s4+s7], $0x80, s22, s7, $0xb8;
	[tilespmem:$0x1D000] =	vst v63  }
0xdf: {  	_ =	swait.ge [sflag:s12], $0x4000  }
0xe0: {  	[sflag:s12] =	ssyncset.done $0x0  }
0xe1: {  	s1 =	rddreg [dreg:$0xb];
	[sflag:s12] =	ssyncadd.s32 $0xFFFFC000  }
0xe2: {  	[spmem:s2] =	stream.indirect.scatter.add.f32 [tilespmem:s10], [sflag:$0x9], $0x80, s1, s7, $0xb8;
	[tilespmem:$0x1D000] =	vst v63  }
0xe3: {  	s22 =	rddreg [dreg:$0xc]  }
0xe4: {  	[tilespmem:s26], [sflag:$0x5] =	stream.indirect.gather [hbm4b:s4+s7], $0x80, s22, s7, $0xb8;
	[tilespmem:$0x1D000] =	vst v63  }
0xe5: {  	_ =	swait.ge [sflag:s15], $0x4000  }
0xe6: {  	[sflag:s15] =	ssyncset.done $0x0  }
0xe7: {  	s1 =	rddreg [dreg:$0xd];
	[sflag:s15] =	ssyncadd.s32 $0xFFFFC000  }
0xe8: {  	[spmem:s2] =	stream.indirect.scatter.add.f32 [tilespmem:s11], [sflag:$0xA], $0x80, s1, s7, $0xb8;
	[tilespmem:$0x1D000] =	vst v63  }
0xe9: {  	s22 =	rddreg [dreg:$0xe]  }
0xea: {  	[tilespmem:s25], [sflag:$0x6] =	stream.indirect.gather [hbm4b:s4+s7], $0x80, s22, s7, $0xb8;
	[tilespmem:$0x1D000] =	vst v63  }
0xeb: {  	_ =	swait.ge [sflag:s29], $0x4000  }
0xec: {  	[sflag:s29] =	ssyncset.done $0x0  }
0xed: {  	s22 =	rddreg [dreg:$0xf];
	[sflag:s29] =	ssyncadd.s32 $0xFFFFC000  }
0xee: {  	[spmem:s2] =	stream.indirect.scatter.add.f32 [tilespmem:s26], [sflag:$0xB], $0x80, s22, s7, $0xb8;
	[tilespmem:$0x1D000] =	vst v63  }
0xef: {  	_ =	swait.ge [sflag:s13], $0x4000  }
0xf0: {  	[sflag:s13] =	ssyncset.done $0x0  }
0xf1: {  	s22 =	rddreg [dreg:$0x10];
	[sflag:s13] =	ssyncadd.s32 $0xFFFFC000  }
0xf2: {  	[tilespmem:s9], [sflag:$0x1] =	stream.indirect.gather [hbm4b:s4+s7], $0x80, s22, s7, $0xb8;
	[tilespmem:$0x1D000] =	vst v63  }
0xf3: {  	_ =	swait.ge [sflag:s28], $0x4000  }
0xf4: {  	[sflag:s28] =	ssyncset.done $0x0  }
0xf5: {  	s22 =	rddreg [dreg:$0x11];
	[sflag:s28] =	ssyncadd.s32 $0xFFFFC000  }
0xf6: {  	[spmem:s2] =	stream.indirect.scatter.add.f32 [tilespmem:s25], [sflag:$0xC], $0x80, s22, s7, $0xb8;
	[tilespmem:$0x1D000] =	vst v63  }
0xf7: {  	_ =	swait.ge [sflag:s16], $0x4000  }
0xf8: {  	[sflag:s16] =	ssyncset.done $0x0  }
0xf9: {  	s22 =	rddreg [dreg:$0x12];
	[sflag:s16] =	ssyncadd.s32 $0xFFFFC000  }
0xfa: {  	[tilespmem:s8], [sflag:$0x2] =	stream.indirect.gather [hbm4b:s4+s7], $0x80, s22, s7, $0xb8;
	[tilespmem:$0x1D000] =	vst v63  }
0xfb: {  	_ =	swait.ge [sflag:s18], $0x4000  }
0xfc: {  	[sflag:s18] =	ssyncset.done $0x0  }
0xfd: {  	s22 =	rddreg [dreg:$0x13];
	[sflag:s18] =	ssyncadd.s32 $0xFFFFC000  }
0xfe: {  	[spmem:s2] =	stream.indirect.scatter.add.f32 [tilespmem:s9], [sflag:$0x7], $0x80, s22, s7, $0xb8;
	[tilespmem:$0x1D000] =	vst v63  }
0xff: {  	_ =	swait.ge [sflag:s17], $0x4000  }
0x100: {  	[sflag:s17] =	ssyncset.done $0x0  }
0x101: {  	s22 =	rddreg [dreg:$0x14];
	[sflag:s17] =	ssyncadd.s32 $0xFFFFC000  }
0x102: {  	[tilespmem:s10], [sflag:$0x3] =	stream.indirect.gather [hbm4b:s4+s7], $0x80, s22, s7, $0xb8;
	[tilespmem:$0x1D000] =	vst v63  }
0x103: {  	_ =	swait.ge [sflag:s14], $0x4000  }
0x104: {  	[sflag:s14] =	ssyncset.done $0x0  }
0x105: {  	s22 =	rddreg [dreg:$0x15];
	[sflag:s14] =	ssyncadd.s32 $0xFFFFC000  }
0x106: {  	[spmem:s2] =	stream.indirect.scatter.add.f32 [tilespmem:s8], [sflag:$0x8], $0x80, s22, s7, $0xb8;
	[tilespmem:$0x1D000] =	vst v63  }
0x107: {  	_ =	swait.ge [sflag:s19], $0x4000  }
0x108: {  	[sflag:s19] =	ssyncset.done $0x0  }
0x109: {  	s22 =	rddreg [dreg:$0x16];
	[sflag:s19] =	ssyncadd.s32 $0xFFFFC000  }
0x10a: {  	[tilespmem:s11], [sflag:$0x4] =	stream.indirect.gather [hbm4b:s4+s7], $0x80, s22, s7, $0xb8;
	[tilespmem:$0x1D000] =	vst v63  }
0x10b: {  	_ =	swait.ge [sflag:s12], $0x4000  }
0x10c: {  	[sflag:s12] =	ssyncset.done $0x0  }
0x10d: {  	s22 =	rddreg [dreg:$0x17];
	[sflag:s12] =	ssyncadd.s32 $0xFFFFC000  }
0x10e: {  	[spmem:s2] =	stream.indirect.scatter.add.f32 [tilespmem:s10], [sflag:$0x9], $0x80, s22, s7, $0xb8;
	[tilespmem:$0x1D000] =	vst v63  }
0x10f: {  	_ =	swait.ge [sflag:s21], $0x4000  }
0x110: {  	[sflag:s21] =	ssyncset.done $0x0  }
0x111: {  	s22 =	rddreg [dreg:$0x18];
	[sflag:s21] =	ssyncadd.s32 $0xFFFFC000  }
0x112: {  	[tilespmem:s26], [sflag:$0x5] =	stream.indirect.gather [hbm4b:s4+s7], $0x80, s22, s7, $0xb8;
	[tilespmem:$0x1D000] =	vst v63  }
0x113: {  	_ =	swait.ge [sflag:s15], $0x4000  }
0x114: {  	[sflag:s15] =	ssyncset.done $0x0  }
0x115: {  	s22 =	rddreg [dreg:$0x19];
	[sflag:s15] =	ssyncadd.s32 $0xFFFFC000  }
0x116: {  	[spmem:s2] =	stream.indirect.scatter.add.f32 [tilespmem:s11], [sflag:$0xA], $0x80, s22, s7, $0xb8;
	[tilespmem:$0x1D000] =	vst v63  }
0x117: {  	_ =	swait.ge [sflag:s20], $0x4000  }
0x118: {  	[sflag:s20] =	ssyncset.done $0x0  }
0x119: {  	s22 =	rddreg [dreg:$0x1a];
	[sflag:s20] =	ssyncadd.s32 $0xFFFFC000  }
0x11a: {  	[tilespmem:s25], [sflag:$0x6] =	stream.indirect.gather [hbm4b:s4+s7], $0x80, s22, s7, $0xb8;
	[tilespmem:$0x1D000] =	vst v63  }
0x11b: {  	_ =	swait.ge [sflag:s29], $0x4000  }
0x11c: {  	[sflag:s29] =	ssyncset.done $0x0  }
0x11d: {  	s22 =	rddreg [dreg:$0x1b];
	[sflag:s29] =	ssyncadd.s32 $0xFFFFC000  }
0x11e: {  	[spmem:s2] =	stream.indirect.scatter.add.f32 [tilespmem:s26], [sflag:$0xB], $0x80, s22, s7, $0xb8;
	[tilespmem:$0x1D000] =	vst v63  }
0x11f: {  	_ =	swait.ge [sflag:s13], $0x4000  }
0x120: {  	[sflag:s13] =	ssyncset.done $0x0  }
0x121: {  	s22 =	rddreg [dreg:$0x1c];
	[sflag:s13] =	ssyncadd.s32 $0xFFFFC000  }
0x122: {  	[tilespmem:s9], [sflag:$0x1] =	stream.indirect.gather [hbm4b:s4+s7], $0x80, s22, s7, $0xb8;
	[tilespmem:$0x1D000] =	vst v63  }
0x123: {  	_ =	swait.ge [sflag:s28], $0x4000  }
0x124: {  	[sflag:s28] =	ssyncset.done $0x0  }
0x125: {  	s22 =	rddreg [dreg:$0x1d];
	[sflag:s28] =	ssyncadd.s32 $0xFFFFC000  }
0x126: {  	[spmem:s2] =	stream.indirect.scatter.add.f32 [tilespmem:s25], [sflag:$0xC], $0x80, s22, s7, $0xb8;
	[tilespmem:$0x1D000] =	vst v63  }
0x127: {  	_ =	swait.ge [sflag:s16], $0x4000  }
0x128: {  	[sflag:s16] =	ssyncset.done $0x0  }
0x129: {  	s22 =	rddreg [dreg:$0x1e];
	[sflag:s16] =	ssyncadd.s32 $0xFFFFC000  }
0x12a: {  	[tilespmem:s8], [sflag:$0x2] =	stream.indirect.gather [hbm4b:s4+s7], $0x80, s22, s7, $0xb8;
	[tilespmem:$0x1D000] =	vst v63  }
0x12b: {  	_ =	swait.ge [sflag:s18], $0x4000  }
0x12c: {  	[sflag:s18] =	ssyncset.done $0x0  }
0x12d: {  	s22 =	rddreg [dreg:$0x1f];
	[sflag:s18] =	ssyncadd.s32 $0xFFFFC000  }
0x12e: {  	[spmem:s2] =	stream.indirect.scatter.add.f32 [tilespmem:s9], [sflag:$0x7], $0x80, s22, s7, $0xb8;
	[tilespmem:$0x1D000] =	vst v63  }
0x12f: {  	_ =	swait.ge [sflag:s17], $0x4000  }
0x130: {  	s22 =	sld [smem:$0x7FC]  }
0x131: {  	[sflag:s17] =	ssyncset.done $0x0  }
0x132: {  	[sflag:s17] =	ssyncadd.s32 $0xFFFFC000  }
0x133: {  	[tilespmem:s10], [sflag:$0x3] =	stream.indirect.gather [hbm4b:s4+s7], $0x80, s22, s7, $0xb8;
	[tilespmem:$0x1D000] =	vst v63  }
0x134: {  	_ =	swait.ge [sflag:s14], $0x4000  }
0x135: {  	s22 =	sld [smem:$0x7FD]  }
0x136: {  	[sflag:s14] =	ssyncset.done $0x0  }
0x137: {  	[sflag:s14] =	ssyncadd.s32 $0xFFFFC000  }
0x138: {  	[spmem:s2] =	stream.indirect.scatter.add.f32 [tilespmem:s8], [sflag:$0x8], $0x80, s22, s7, $0xb8;
	[tilespmem:$0x1D000] =	vst v63  }
0x139: {  	_ =	swait.ge [sflag:s19], $0x4000  }
0x13a: {  	[sflag:s19] =	ssyncset.done $0x0  }
0x13b: {  	[sflag:s19] =	ssyncadd.s32 $0xFFFFC000  }
0x13c: {  	[tilespmem:s11], [sflag:$0x4] =	stream.indirect.gather [hbm4b:s4+s7], $0x80, s24, s7, $0xb8;
	[tilespmem:$0x1D000] =	vst v63  }
0x13d: {  	_ =	swait.ge [sflag:s12], $0x4000  }
0x13e: {  	[sflag:s12] =	ssyncset.done $0x0  }
0x13f: {  	s22 =	simm.s32 $0xF00;
	[sflag:s12] =	ssyncadd.s32 $0xFFFFC000  }
0x140: {  	[spmem:s2] =	stream.indirect.scatter.add.f32 [tilespmem:s10], [sflag:$0x9], $0x80, s22, s7, $0xb8;
	[tilespmem:$0x1D000] =	vst v63  }
0x141: {  	_ =	swait.ge [sflag:s15], $0x4000  }
0x142: {  	[sflag:s15] =	ssyncset.done $0x0  }
0x143: {  	[sflag:s15] =	ssyncadd.s32 $0xFFFFC000  }
0x144: {  	[spmem:s2] =	stream.indirect.scatter.add.f32 [tilespmem:s11], [sflag:$0xA], $0x80, s23, s7, $0xb8;
	[tilespmem:$0x1D000] =	vst v63  }
0x145: {  	_ =	swait.ge [sflag:s21], $0x4000  }
0x146: {  	[sflag:s21] =	ssyncset.done $0x0  }
0x147: {  	[sflag:s21] =	ssyncadd.s32 $0xFFFFC000  }
0x148: {  	_ =	swait.ge [sflag:s20], $0x4000  }
0x149: {  	[sflag:s20] =	ssyncset.done $0x0  }
0x14a: {  	[sflag:s20] =	ssyncadd.s32 $0xFFFFC000  }
0x14b: {  	_ =	swait.ge [sflag:s13], $0x4000  }
0x14c: {  	[sflag:s13] =	ssyncset.done $0x0  }
0x14d: {  	[sflag:s13] =	ssyncadd.s32 $0xFFFFC000  }
0x14e: {  	_ =	swait.ge [sflag:s16], $0x4000  }
0x14f: {  	[sflag:s16] =	ssyncset.done $0x0  }
0x150: {  	[sflag:s16] =	ssyncadd.s32 $0xFFFFC000  }
0x151: {  	_ =	swait.ge [sflag:s17], $0x4000  }
0x152: {  	[sflag:s17] =	ssyncset.done $0x0  }
0x153: {  	[sflag:s17] =	ssyncadd.s32 $0xFFFFC000  }
0x154: {  	_ =	swait.ge [sflag:s19], $0x4000  }
0x155: {  	[sflag:s19] =	ssyncset.done $0x0  }
0x156: {  	p1 =	sne.s32 s0, $0x1;
	[sflag:s19] =	ssyncadd.s32 $0xFFFFC000  }
.Ltmp2:
0x157: {  	[bflag:$0x0] =	sbarrier.arrive $0xFFFF;
	(pc) =	sbr.rel @p1 .LBB2_4-.Ltmp2, $4  }
0x158: {  	s22 =	rddreg [dreg:$0x7]  }
0x159: {  	[hbm:s22], [sflag:s5] =	dma.local [spmem:s6], $0x800  }
0x15a: {  	_ =	swait.ge [sflag:s3], $0x800  }
0x15b: {  	s0 =	sadd.s32 $0xFFFFFFFF, s0;
	s1 =	rddreg [dreg:$0x5];
	[sflag:s3] =	ssyncset.done $0x0  }
0x15c: {  	s23 =	simm.s32 $0x780;
	s24 =	simm.s32 $0xF00;
	s22 =	rddreg [dreg:$0x3]  }
.LBB2_6:
0x15d: {  	[sflag:s3] =	ssyncadd.s32 @p0 $0xFFFFF800  }
0x15e: {  	[tilespmem:s30], [sflag:$0xD] =	stream.linear.gather [hbm4b:s1+s30], $0x800, $0x38;
	[tilespmem:$0x1D000] =	vst v63  }
0x15f: {  	_ =	swait.ge [sflag:s3], $0x800  }
0x160: {  	[sflag:s3] =	ssyncset.done $0x0  }
0x161: {  	s0 =	rddreg [dreg:$0x6];
	[sflag:s3] =	ssyncadd.s32 $0xFFFFF800  }
0x162: {  	[tilespmem:s31], [sflag:$0xD] =	stream.linear.gather [hbm4b:s0+s30], $0x800, $0x38;
	[tilespmem:$0x1D000] =	vst v63  }
0x163: {  	_ =	swait.ge [sflag:s3], $0x800  }
0x164: {  	[sflag:s3] =	ssyncset.done $0x0  }
0x165: {  	[sflag:s3] =	ssyncadd.s32 $0xFFFFF800  }
0x166: {  	[tilespmem:s9], [sflag:$0x1] =	stream.indirect.gather [hbm4b:s4+s7], $0x80, s30, s7, $0xb8;
	[tilespmem:$0x1D000] =	vst v63  }
0x167: {  	s30 =	rddreg [dreg:$0x4]  }
0x168: {  	[tilespmem:s8], [sflag:$0x2] =	stream.indirect.gather [hbm4b:s4+s7], $0x80, s7, s7, $0xb8;
	[tilespmem:$0x1D000] =	vst v63  }
0x169: {  	[spmem:s6], [sflag:s5] =	dma.local [hbm:s30], $0x800  }
0x16a: {  	_ =	swait.ge [sflag:s3], $0x800  }
0x16b: {  	[sflag:s3] =	ssyncset.done $0x0  }
0x16c: {  	[sflag:s3] =	ssyncadd.s32 $0xFFFFF800  }
0x16d: {  	[bflag:$0x0] =	sbarrier.arrive $0xFFFF  }
0x16e: {  	_ =	swait.ge [sflag:s18], $0x4000  }
0x16f: {  	[sflag:s18] =	ssyncset.done $0x0  }
0x170: {  	[sflag:s18] =	ssyncadd.s32 $0xFFFFC000  }
0x171: {  	[spmem:s2] =	stream.indirect.scatter.add.f32 [tilespmem:s9], [sflag:$0x7], $0x80, s31, s7, $0xb8;
	[tilespmem:$0x1D000] =	vst v63  }
0x172: {  	s1 =	rddreg [dreg:$0x8]  }
0x173: {  	[tilespmem:s10], [sflag:$0x3] =	stream.indirect.gather [hbm4b:s4+s7], $0x80, s1, s7, $0xb8;
	[tilespmem:$0x1D000] =	vst v63  }
0x174: {  	_ =	swait.ge [sflag:s14], $0x4000  }
0x175: {  	[sflag:s14] =	ssyncset.done $0x0  }
0x176: {  	s30 =	rddreg [dreg:$0x9];
	[sflag:s14] =	ssyncadd.s32 $0xFFFFC000  }
0x177: {  	[spmem:s2] =	stream.indirect.scatter.add.f32 [tilespmem:s8], [sflag:$0x8], $0x80, s30, s7, $0xb8;
	[tilespmem:$0x1D000] =	vst v63  }
0x178: {  	s31 =	rddreg [dreg:$0xa]  }
0x179: {  	[tilespmem:s11], [sflag:$0x4] =	stream.indirect.gather [hbm4b:s4+s7], $0x80, s31, s7, $0xb8;
	[tilespmem:$0x1D000] =	vst v63  }
0x17a: {  	_ =	swait.ge [sflag:s12], $0x4000  }
0x17b: {  	[sflag:s12] =	ssyncset.done $0x0  }
0x17c: {  	s30 =	rddreg [dreg:$0xb];
	[sflag:s12] =	ssyncadd.s32 $0xFFFFC000  }
0x17d: {  	[spmem:s2] =	stream.indirect.scatter.add.f32 [tilespmem:s10], [sflag:$0x9], $0x80, s30, s7, $0xb8;
	[tilespmem:$0x1D000] =	vst v63  }
0x17e: {  	s31 =	rddreg [dreg:$0xc]  }
0x17f: {  	[tilespmem:s26], [sflag:$0x5] =	stream.indirect.gather [hbm4b:s4+s7], $0x80, s31, s7, $0xb8;
	[tilespmem:$0x1D000] =	vst v63  }
0x180: {  	_ =	swait.ge [sflag:s15], $0x4000  }
0x181: {  	[sflag:s15] =	ssyncset.done $0x0  }
0x182: {  	s30 =	rddreg [dreg:$0xd];
	[sflag:s15] =	ssyncadd.s32 $0xFFFFC000  }
0x183: {  	[spmem:s2] =	stream.indirect.scatter.add.f32 [tilespmem:s11], [sflag:$0xA], $0x80, s30, s7, $0xb8;
	[tilespmem:$0x1D000] =	vst v63  }
0x184: {  	s31 =	rddreg [dreg:$0xe]  }
0x185: {  	[tilespmem:s25], [sflag:$0x6] =	stream.indirect.gather [hbm4b:s4+s7], $0x80, s31, s7, $0xb8;
	[tilespmem:$0x1D000] =	vst v63  }
0x186: {  	_ =	swait.ge [sflag:s29], $0x4000  }
0x187: {  	[sflag:s29] =	ssyncset.done $0x0  }
0x188: {  	s1 =	rddreg [dreg:$0xf];
	[sflag:s29] =	ssyncadd.s32 $0xFFFFC000  }
0x189: {  	[spmem:s2] =	stream.indirect.scatter.add.f32 [tilespmem:s26], [sflag:$0xB], $0x80, s1, s7, $0xb8;
	[tilespmem:$0x1D000] =	vst v63  }
0x18a: {  	_ =	swait.ge [sflag:s13], $0x4000  }
0x18b: {  	[sflag:s13] =	ssyncset.done $0x0  }
0x18c: {  	s30 =	rddreg [dreg:$0x10];
	[sflag:s13] =	ssyncadd.s32 $0xFFFFC000  }
0x18d: {  	[tilespmem:s9], [sflag:$0x1] =	stream.indirect.gather [hbm4b:s4+s7], $0x80, s30, s7, $0xb8;
	[tilespmem:$0x1D000] =	vst v63  }
0x18e: {  	_ =	swait.ge [sflag:s28], $0x4000  }
0x18f: {  	[sflag:s28] =	ssyncset.done $0x0  }
0x190: {  	s31 =	rddreg [dreg:$0x11];
	[sflag:s28] =	ssyncadd.s32 $0xFFFFC000  }
0x191: {  	[spmem:s2] =	stream.indirect.scatter.add.f32 [tilespmem:s25], [sflag:$0xC], $0x80, s31, s7, $0xb8;
	[tilespmem:$0x1D000] =	vst v63  }
0x192: {  	_ =	swait.ge [sflag:s16], $0x4000  }
0x193: {  	[sflag:s16] =	ssyncset.done $0x0  }
0x194: {  	s1 =	rddreg [dreg:$0x12];
	[sflag:s16] =	ssyncadd.s32 $0xFFFFC000  }
0x195: {  	[tilespmem:s8], [sflag:$0x2] =	stream.indirect.gather [hbm4b:s4+s7], $0x80, s1, s7, $0xb8;
	[tilespmem:$0x1D000] =	vst v63  }
0x196: {  	_ =	swait.ge [sflag:s18], $0x4000  }
0x197: {  	[sflag:s18] =	ssyncset.done $0x0  }
0x198: {  	s30 =	rddreg [dreg:$0x13];
	[sflag:s18] =	ssyncadd.s32 $0xFFFFC000  }
0x199: {  	[spmem:s2] =	stream.indirect.scatter.add.f32 [tilespmem:s9], [sflag:$0x7], $0x80, s30, s7, $0xb8;
	[tilespmem:$0x1D000] =	vst v63  }
0x19a: {  	_ =	swait.ge [sflag:s17], $0x4000  }
0x19b: {  	[sflag:s17] =	ssyncset.done $0x0  }
0x19c: {  	s31 =	rddreg [dreg:$0x14];
	[sflag:s17] =	ssyncadd.s32 $0xFFFFC000  }
0x19d: {  	[tilespmem:s10], [sflag:$0x3] =	stream.indirect.gather [hbm4b:s4+s7], $0x80, s31, s7, $0xb8;
	[tilespmem:$0x1D000] =	vst v63  }
0x19e: {  	_ =	swait.ge [sflag:s14], $0x4000  }
0x19f: {  	[sflag:s14] =	ssyncset.done $0x0  }
0x1a0: {  	s1 =	rddreg [dreg:$0x15];
	[sflag:s14] =	ssyncadd.s32 $0xFFFFC000  }
0x1a1: {  	[spmem:s2] =	stream.indirect.scatter.add.f32 [tilespmem:s8], [sflag:$0x8], $0x80, s1, s7, $0xb8;
	[tilespmem:$0x1D000] =	vst v63  }
0x1a2: {  	_ =	swait.ge [sflag:s19], $0x4000  }
0x1a3: {  	[sflag:s19] =	ssyncset.done $0x0  }
0x1a4: {  	s30 =	rddreg [dreg:$0x16];
	[sflag:s19] =	ssyncadd.s32 $0xFFFFC000  }
0x1a5: {  	[tilespmem:s11], [sflag:$0x4] =	stream.indirect.gather [hbm4b:s4+s7], $0x80, s30, s7, $0xb8;
	[tilespmem:$0x1D000] =	vst v63  }
0x1a6: {  	_ =	swait.ge [sflag:s12], $0x4000  }
0x1a7: {  	[sflag:s12] =	ssyncset.done $0x0  }
0x1a8: {  	s31 =	rddreg [dreg:$0x17];
	[sflag:s12] =	ssyncadd.s32 $0xFFFFC000  }
0x1a9: {  	[spmem:s2] =	stream.indirect.scatter.add.f32 [tilespmem:s10], [sflag:$0x9], $0x80, s31, s7, $0xb8;
	[tilespmem:$0x1D000] =	vst v63  }
0x1aa: {  	_ =	swait.ge [sflag:s21], $0x4000  }
0x1ab: {  	[sflag:s21] =	ssyncset.done $0x0  }
0x1ac: {  	s1 =	rddreg [dreg:$0x18];
	[sflag:s21] =	ssyncadd.s32 $0xFFFFC000  }
0x1ad: {  	[tilespmem:s26], [sflag:$0x5] =	stream.indirect.gather [hbm4b:s4+s7], $0x80, s1, s7, $0xb8;
	[tilespmem:$0x1D000] =	vst v63  }
0x1ae: {  	_ =	swait.ge [sflag:s15], $0x4000  }
0x1af: {  	[sflag:s15] =	ssyncset.done $0x0  }
0x1b0: {  	s30 =	rddreg [dreg:$0x19];
	[sflag:s15] =	ssyncadd.s32 $0xFFFFC000  }
0x1b1: {  	[spmem:s2] =	stream.indirect.scatter.add.f32 [tilespmem:s11], [sflag:$0xA], $0x80, s30, s7, $0xb8;
	[tilespmem:$0x1D000] =	vst v63  }
0x1b2: {  	_ =	swait.ge [sflag:s20], $0x4000  }
0x1b3: {  	[sflag:s20] =	ssyncset.done $0x0  }
0x1b4: {  	s31 =	rddreg [dreg:$0x1a];
	[sflag:s20] =	ssyncadd.s32 $0xFFFFC000  }
0x1b5: {  	[tilespmem:s25], [sflag:$0x6] =	stream.indirect.gather [hbm4b:s4+s7], $0x80, s31, s7, $0xb8;
	[tilespmem:$0x1D000] =	vst v63  }
0x1b6: {  	_ =	swait.ge [sflag:s29], $0x4000  }
0x1b7: {  	[sflag:s29] =	ssyncset.done $0x0  }
0x1b8: {  	s1 =	rddreg [dreg:$0x1b];
	[sflag:s29] =	ssyncadd.s32 $0xFFFFC000  }
0x1b9: {  	[spmem:s2] =	stream.indirect.scatter.add.f32 [tilespmem:s26], [sflag:$0xB], $0x80, s1, s7, $0xb8;
	[tilespmem:$0x1D000] =	vst v63  }
0x1ba: {  	_ =	swait.ge [sflag:s13], $0x4000  }
0x1bb: {  	[sflag:s13] =	ssyncset.done $0x0  }
0x1bc: {  	s30 =	rddreg [dreg:$0x1c];
	[sflag:s13] =	ssyncadd.s32 $0xFFFFC000  }
0x1bd: {  	[tilespmem:s9], [sflag:$0x1] =	stream.indirect.gather [hbm4b:s4+s7], $0x80, s30, s7, $0xb8;
	[tilespmem:$0x1D000] =	vst v63  }
0x1be: {  	_ =	swait.ge [sflag:s28], $0x4000  }
0x1bf: {  	[sflag:s28] =	ssyncset.done $0x0  }
0x1c0: {  	s31 =	rddreg [dreg:$0x1d];
	[sflag:s28] =	ssyncadd.s32 $0xFFFFC000  }
0x1c1: {  	[spmem:s2] =	stream.indirect.scatter.add.f32 [tilespmem:s25], [sflag:$0xC], $0x80, s31, s7, $0xb8;
	[tilespmem:$0x1D000] =	vst v63  }
0x1c2: {  	_ =	swait.ge [sflag:s16], $0x4000  }
0x1c3: {  	[sflag:s16] =	ssyncset.done $0x0  }
0x1c4: {  	s1 =	rddreg [dreg:$0x1e];
	[sflag:s16] =	ssyncadd.s32 $0xFFFFC000  }
0x1c5: {  	[tilespmem:s8], [sflag:$0x2] =	stream.indirect.gather [hbm4b:s4+s7], $0x80, s1, s7, $0xb8;
	[tilespmem:$0x1D000] =	vst v63  }
0x1c6: {  	_ =	swait.ge [sflag:s18], $0x4000  }
0x1c7: {  	[sflag:s18] =	ssyncset.done $0x0  }
0x1c8: {  	s25 =	rddreg [dreg:$0x1f];
	[sflag:s18] =	ssyncadd.s32 $0xFFFFC000  }
0x1c9: {  	[spmem:s2] =	stream.indirect.scatter.add.f32 [tilespmem:s9], [sflag:$0x7], $0x80, s25, s7, $0xb8;
	[tilespmem:$0x1D000] =	vst v63  }
0x1ca: {  	_ =	swait.ge [sflag:s17], $0x4000  }
0x1cb: {  	s26 =	sld [smem:$0x7FC]  }
0x1cc: {  	[sflag:s17] =	ssyncset.done $0x0  }
0x1cd: {  	[sflag:s17] =	ssyncadd.s32 $0xFFFFC000  }
0x1ce: {  	[tilespmem:s10], [sflag:$0x3] =	stream.indirect.gather [hbm4b:s4+s7], $0x80, s26, s7, $0xb8;
	[tilespmem:$0x1D000] =	vst v63  }
0x1cf: {  	_ =	swait.ge [sflag:s14], $0x4000  }
0x1d0: {  	s28 =	sld [smem:$0x7FD]  }
0x1d1: {  	[sflag:s14] =	ssyncset.done $0x0  }
0x1d2: {  	[sflag:s14] =	ssyncadd.s32 $0xFFFFC000  }
0x1d3: {  	[spmem:s2] =	stream.indirect.scatter.add.f32 [tilespmem:s8], [sflag:$0x8], $0x80, s28, s7, $0xb8;
	[tilespmem:$0x1D000] =	vst v63  }
0x1d4: {  	_ =	swait.ge [sflag:s19], $0x4000  }
0x1d5: {  	[sflag:s19] =	ssyncset.done $0x0  }
0x1d6: {  	[sflag:s19] =	ssyncadd.s32 $0xFFFFC000  }
0x1d7: {  	[tilespmem:s11], [sflag:$0x4] =	stream.indirect.gather [hbm4b:s4+s7], $0x80, s23, s7, $0xb8;
	[tilespmem:$0x1D000] =	vst v63  }
0x1d8: {  	_ =	swait.ge [sflag:s12], $0x4000  }
0x1d9: {  	[sflag:s12] =	ssyncset.done $0x0  }
0x1da: {  	[sflag:s12] =	ssyncadd.s32 $0xFFFFC000  }
0x1db: {  	[spmem:s2] =	stream.indirect.scatter.add.f32 [tilespmem:s10], [sflag:$0x9], $0x80, s24, s7, $0xb8;
	[tilespmem:$0x1D000] =	vst v63  }
0x1dc: {  	_ =	swait.ge [sflag:s15], $0x4000  }
0x1dd: {  	[sflag:s15] =	ssyncset.done $0x0  }
0x1de: {  	s29 =	simm.s32 $0xF80;
	[sflag:s15] =	ssyncadd.s32 $0xFFFFC000  }
0x1df: {  	[spmem:s2] =	stream.indirect.scatter.add.f32 [tilespmem:s11], [sflag:$0xA], $0x80, s29, s7, $0xb8;
	[tilespmem:$0x1D000] =	vst v63  }
0x1e0: {  	_ =	swait.ge [sflag:s21], $0x4000  }
0x1e1: {  	[sflag:s21] =	ssyncset.done $0x0  }
0x1e2: {  	[sflag:s21] =	ssyncadd.s32 $0xFFFFC000  }
0x1e3: {  	_ =	swait.ge [sflag:s20], $0x4000  }
0x1e4: {  	[sflag:s20] =	ssyncset.done $0x0  }
0x1e5: {  	[sflag:s20] =	ssyncadd.s32 $0xFFFFC000  }
0x1e6: {  	_ =	swait.ge [sflag:s13], $0x4000  }
0x1e7: {  	[sflag:s13] =	ssyncset.done $0x0  }
0x1e8: {  	[sflag:s13] =	ssyncadd.s32 $0xFFFFC000  }
0x1e9: {  	_ =	swait.ge [sflag:s16], $0x4000  }
0x1ea: {  	[sflag:s16] =	ssyncset.done $0x0  }
0x1eb: {  	[sflag:s16] =	ssyncadd.s32 $0xFFFFC000  }
0x1ec: {  	_ =	swait.ge [sflag:s17], $0x4000  }
0x1ed: {  	[sflag:s17] =	ssyncset.done $0x0  }
0x1ee: {  	[sflag:s17] =	ssyncadd.s32 $0xFFFFC000  }
0x1ef: {  	_ =	swait.ge [sflag:s19], $0x4000  }
0x1f0: {  	[sflag:s19] =	ssyncset.done $0x0  }
0x1f1: {  	[sflag:s19] =	ssyncadd.s32 $0xFFFFC000  }
0x1f2: {  	[bflag:$0x0] =	sbarrier.arrive $0xFFFF  }
0x1f3: {  	s30 =	rddreg [dreg:$0x7]  }
0x1f4: {  	[hbm:s30], [sflag:s5] =	dma.local [spmem:s6], $0x800  }
0x1f5: {  	_ =	swait.ge [sflag:s3], $0x800  }
0x1f6: {  	[sflag:s3] =	ssyncset.done $0x0  }
0x1f7: {  	[sflag:s3] =	ssyncadd.s32 $0xFFFFF800  }
0x1f8: {  	_ =	sfence.sel $0x180000  }
0x1f9: {  	s31 =	stileid.u32;
	[bflag:$0x0] =	sbarrier.arrive $0xFFFF  }
0x1fa: {  	p0 =	sne.s32 s31, $0x0;
	_ =	strace $0x9000004D  }
0x1fb: {  	s0 =	sadd.s32 @!p0 $0x100000, s22;
	[bflag:$0x2] =	sbarrier.arrive $0xFFFF  }
0x1fc: {  	[sflag:s0] =	ssyncadd.tile.s32 @!p0 $0x1;
	_ =	shalt  }
.LBB2_1:
.Ltmp3:
0x1fd: {  	(pc) =	sbr.rel .LBB2_6-.Ltmp3, $2  }
0x1fe: {  	_ =	sdelay $0x2  }
0x1ff: {  	s23 =	simm.s32 $0x780;
	s24 =	simm.s32 $0xF00  }
.LBB2_3:
.Ltmp4:
0x200: {  	(pc) =	sbr.rel .LBB2_6-.Ltmp4, $2  }
0x201: {  	_ =	sdelay $0x2  }
0x202: {  	s23 =	simm.s32 $0x780;
	s24 =	simm.s32 $0xF00;
	s22 =	rddreg [dreg:$0x3]  }
.Lfunc_end2:
_tile_overlayer_lowered:
.L_overlay_start_2:
0x203: {  	(tag) =	ssettag $0x2  }
0x204: {  	s0 =	rddreg [dreg:$0x0];
	s2 =	stileid.u32  }
0x205: {  	s1 =	rddreg [dreg:$0x1];
	p0 =	sne.s32 s2, $0x0  }
0x206: {  	s3 =	rddreg [dreg:$0x2];
	[bflag:$0x3] =	sbarrier.arrive $0xFFFF;
	s2 =	simm.s32 @!p0 $0x1C0D  }
0x207: {  	[timem:s3], [sflag:s2] =	dma.local @!p0 [hbm:s0], s1  }
0x208: {  	s0 =	simm.s32 @!p0 $0xD  }
0x209: {  	_ =	swait.ge @!p0 [sflag:s0], s1  }
0x20a: {  	s1 =	ssub.s32 @!p0 $0x0, s1;
	[sflag:s0] =	ssyncset.done @!p0 $0x0  }
0x20b: {  	[sflag:s0] =	ssyncadd.s32 @!p0 s1  }
0x20c: {  	[bflag:$0x3] =	sbarrier.arrive $0xFFFF  }
0x20d: {  	_ =	shalt  }

// kernel: kernel.9.cloned.1.call-start
scs
__scs_entry_jumppad:
0x0: {  	(pc) =	sbr.rel $0x88, $3  }
0x1: {  	(tag) =	ssettag $0x0;
	lr =	simm.s32 $0x1  }
0x2: {  	[smem:$0x3F94] =	sst lr;
	_ =	strace $0xD0000000  }
0x3: {  	_ = 	snop  }
0x4: {  	_ = 	snop  }
0x5: {  	_ = 	snop  }
0x6: {  	_ = 	snop  }
0x7: {  	_ = 	snop  }
__scs_overlays_trampoline_lowered:
0x8: {  	[smem:$0x3FA3] =	sst s0  }
0x9: {  	[smem:$0x3FA4] =	sst s1  }
0xa: {  	[smem:$0x3FA5] =	sst s2  }
0xb: {  	[smem:$0x3FA6] =	sst s3  }
0xc: {  	[smem:$0x3FA7] =	sst s4  }
0xd: {  	[smem:$0x3FA8] =	sst s5  }
0xe: {  	[smem:$0x3FA9] =	sst s6  }
0xf: {  	[smem:$0x3FAA] =	sst s7  }
0x10: {  	[smem:$0x3FAB] =	sst s8  }
0x11: {  	[smem:$0x3FAC] =	sst s9;
	s0 =	simm.s32 @!p0 $0x0  }
0x12: {  	s1 =	sld [smem:$0x3F92];
	s0 =	simm.s32 @p0 $0x1  }
0x13: {  	[smem:$0x3FAD] =	sst s0;
	s0 =	simm.s32 @!p1 $0x0  }
0x14: {  	s2 =	sld [smem:$0x3F91];
	s0 =	simm.s32 @p1 $0x1  }
0x15: {  	[smem:$0x3FAE] =	sst s0;
	s0 =	simm.s32 @!p2 $0x0  }
0x16: {  	s3 =	sld [smem:$0x3FDB];
	s0 =	simm.s32 @p2 $0x1  }
0x17: {  	s4 =	simm.s32 $0x1BF5;
	[smem:$0x3FB0] =	sst s0  }
0x18: {  	s0 =	sld [smem:$0x3F93];
	_ =	swait.ge [sflag:s4], $0x0  }
0x19: {  	s7 =	sld [smem:$0x3F94]  }
0x1a: {  	s8 =	sadd.s32 $0xFFFFE003, lr  }
0x1b: {  	s9 =	sadd.s32 $0xFFFFFEF7, lr;
	s5 =	simm.s32 $0xFFFFFFFF;
	p2 =	slt.u32 s8, $0xFFFFF086  }
0x1c: {  	p1 =	slt.u32 s9, $0xF7A;
	s5 =	simm.s32 @!p2 $0x0  }
0x1d: {  	s5 =	simm.s32 @p1 $0x1;
	p0 =	seq.s32 s7, s2  }
0x1e: {  	s7 =	smul.u32 @!p0 $0xF7A, s2;
	p2 =	seq.s32 @!p0 s5, $0x0  }
0x1f: {  	s9 =	smul.u32 $0xF7A, s1;
	s8 =	simm.s32 @!p0 $0x1BF5;
	p2 =	por !p2, p0  }
0x20: {  	[sflag:s8] =	ssyncset.s32 @!p0 $0xFFFFF086;
	s6 =	sadd.s32 @!p0 s3, s7;
	s7 =	simm.s32 @!p0 $0x108  }
0x21: {  	s3 =	sadd.s32 s3, s9;
	s6 =	sadd.s32 @!p0 $0x88, s6;
	s7 =	simm.s32 @p2 $0x1082  }
0x22: {  	[simem:s7], [sflag:s8] =	dma.local @!p0 [hbm:s6], $0xF7A  }
0x23: {  	s9 =	sor.u32 $0xD0000000, s2;
	s6 =	simm.s32 $0x108;
	_ =	swait.ge @!p0 [sflag:s8], $0x0  }
0x24: {  	s3 =	sadd.s32 $0x88, s3;
	s6 =	simm.s32 @!p1 $0x1082;
	[sflag:s4] =	ssyncset.s32 $0xFFFFF086  }
0x25: {  	[simem:s6], [sflag:s4] =	dma.local [hbm:s3], $0xF7A  }
0x26: {  	[smem:$0x3F94] =	sst s1;
	(tag) =	ssettag s2;
	_ =	strace s9  }
0x27: {  	s1 =	sld [smem:$0x3FA4]  }
0x28: {  	s2 =	sld [smem:$0x3FA5]  }
0x29: {  	s4 =	sld [smem:$0x3FA7]  }
0x2a: {  	p0 =	seq.s32 s5, $0x0;
	s5 =	sld [smem:$0x3FA8]  }
0x2b: {  	s6 =	sld [smem:$0x3FA9]  }
0x2c: {  	s7 =	sld [smem:$0x3FAA]  }
0x2d: {  	s3 =	simm.s32 $0x108;
	s8 =	sld [smem:$0x3FAB]  }
0x2e: {  	s3 =	simm.s32 @!p0 $0x1082;
	s9 =	sld [smem:$0x3FAC]  }
0x2f: {  	lr =	sadd.s32 s0, s3;
	s0 =	sld [smem:$0x3FA3]  }
0x30: {  	s3 =	sld [smem:$0x3FA6]  }
0x31: {  	[smem:$0x3FAF] =	sst s10  }
0x32: {  	s10 =	sld [smem:$0x3FAD];
	_ =	sdelay $0x3  }
0x33: {  	p0 =	seq.s32 s10, $0x1;
	s10 =	sld [smem:$0x3FAF];
	_ =	sdelay $0x3  }
0x34: {  	[smem:$0x3FAF] =	sst s10  }
0x35: {  	s10 =	sld [smem:$0x3FAE];
	_ =	sdelay $0x3  }
0x36: {  	p1 =	seq.s32 s10, $0x1;
	s10 =	sld [smem:$0x3FAF];
	_ =	sdelay $0x3  }
0x37: {  	[smem:$0x3FAF] =	sst s10  }
0x38: {  	s10 =	sld [smem:$0x3FB0]  }
0x39: {  	_ = 	snop;
	(pc) =	sbr.ind lr, $3  }
0x3a: {  	_ = 	snop  }
0x3b: {  	_ = 	snop  }
0x3c: {  	p2 =	seq.s32 s10, $0x1;
	s10 =	sld [smem:$0x3FAF]  }
0x3d: {  	_ =	shalt  }
0x3e: {  	_ =	shalt  }
0x3f: {  	_ =	shalt  }
0x40: {  	_ =	shalt  }
0x41: {  	_ =	shalt  }
0x42: {  	_ =	shalt  }
0x43: {  	_ =	shalt  }
0x44: {  	_ =	shalt  }
0x45: {  	_ =	shalt  }
0x46: {  	_ =	shalt  }
0x47: {  	_ =	shalt  }
0x48: {  	_ =	shalt  }
0x49: {  	_ =	shalt  }
0x4a: {  	_ =	shalt  }
0x4b: {  	_ =	shalt  }
0x4c: {  	_ =	shalt  }
0x4d: {  	_ =	shalt  }
0x4e: {  	_ =	shalt  }
0x4f: {  	_ =	shalt  }
0x50: {  	_ =	shalt  }
0x51: {  	_ =	shalt  }
0x52: {  	_ =	shalt  }
0x53: {  	_ =	shalt  }
0x54: {  	_ =	shalt  }
0x55: {  	_ =	shalt  }
0x56: {  	_ =	shalt  }
0x57: {  	_ =	shalt  }
0x58: {  	_ =	shalt  }
0x59: {  	_ =	shalt  }
0x5a: {  	_ =	shalt  }
0x5b: {  	_ =	shalt  }
0x5c: {  	_ =	shalt  }
0x5d: {  	_ =	shalt  }
0x5e: {  	_ =	shalt  }
0x5f: {  	_ =	shalt  }
0x60: {  	_ =	shalt  }
0x61: {  	_ =	shalt  }
0x62: {  	_ =	shalt  }
0x63: {  	_ =	shalt  }
0x64: {  	_ =	shalt  }
0x65: {  	_ =	shalt  }
0x66: {  	_ =	shalt  }
0x67: {  	_ =	shalt  }
0x68: {  	_ =	shalt  }
0x69: {  	_ =	shalt  }
0x6a: {  	_ =	shalt  }
0x6b: {  	_ =	shalt  }
0x6c: {  	_ =	shalt  }
0x6d: {  	_ =	shalt  }
0x6e: {  	_ =	shalt  }
0x6f: {  	_ =	shalt  }
0x70: {  	_ =	shalt  }
0x71: {  	_ =	shalt  }
0x72: {  	_ =	shalt  }
0x73: {  	_ =	shalt  }
0x74: {  	_ =	shalt  }
0x75: {  	_ =	shalt  }
0x76: {  	_ =	shalt  }
0x77: {  	_ =	shalt  }
0x78: {  	_ =	shalt  }
0x79: {  	_ =	shalt  }
0x7a: {  	_ =	shalt  }
0x7b: {  	_ =	shalt  }
0x7c: {  	_ =	shalt  }
0x7d: {  	_ =	shalt  }
0x7e: {  	_ =	shalt  }
0x7f: {  	_ =	shalt  }
0x80: {  	_ =	shalt  }
0x81: {  	_ =	shalt  }
0x82: {  	_ =	shalt  }
0x83: {  	_ =	shalt  }
0x84: {  	_ =	shalt  }
0x85: {  	_ =	shalt  }
0x86: {  	_ =	shalt  }
0x87: {  	_ =	shalt  }
.Lfunc_end0:
.L_simem_size_0:
called_computation_lowered:
.L_overlay_start_0:
0x88: {  	s2 =	sld [smem:$0x3FD9]  }
0x89: {  	s3 =	sld [smem:$0x3FFE];
	_ =	sdelay $0x1  }
0x8a: {  	s1 =	srdreg.scid  }
0x8b: {  	s0 =	sand.u32 $0x1, s1  }
0x8c: {  	s17 =	sshll.u32 s0, $0xA;
	s2 =	sadd.s32 s3, s2  }
0x8d: {  	s2 =	sadd.s32 s2, s17  }
0x8e: {  	[smem:$0x3FBB] =	sst s2  }
0x8f: {  	_ = 	snop  }
0x90: {  	s2 =	sld [smem:$0x3FD0];
	(tm) =	ssettm $0x1  }
0x91: {  	s18 =	sld [smem:$0x3FFB];
	_ =	sdelay $0x3  }
0x92: {  	_ =	strace s18  }
0x93: {  	s3 =	sld [smem:$0x3FFC];
	_ =	sdelay $0x3  }
0x94: {  	_ =	strace s3  }
0x95: {  	s3 =	sld [smem:$0x3FFD];
	_ =	sdelay $0x3  }
0x96: {  	_ =	strace s3  }
0x97: {  	_ =	strace $0x8FFFFFFF  }
0x98: {  	s19 =	sld [smem:$0x3FDB];
	_ =	sdelay $0x1  }
0x99: {  	s4 =	simm.s32 $_scs_section_size  }
0x9a: {  	s5 =	simm.s32 $_size__tile_overlayer_lowered;
	s6 =	simm.s32 $_tile_overlayer_lowered  }
0x9b: {  	s22 =	simm.s32 $0x1BFF;
	s21 =	sshll.u32 s6, $0x1;
	s3 =	sadd.s32 s4, s19  }
0x9c: {  	s7 =	simm.s32 $0x0;
	s20 =	sshll.u32 s5, $0x1;
	s5 =	sadd.s32 s21, s3  }
0x9d: {  	[timem:s7], [sflag:s22] =	dma.local [hbm:s5], s20  }
0x9e: {  	_ =	swait.ge [sflag:s22], s20  }
0x9f: {  	s4 =	ssub.s32 $0x0, s20;
	[sflag:s22] =	ssyncset.done $0x0  }
0xa0: {  	[sflag:s22] =	ssyncadd.s32 s4;
	_ =	sdelay $0x1  }
0xa1: {  	s23 =	simm.s32 $0x1B8B  }
0xa2: {  	_ =	swait.ge [sflag:s23], $0x1  }
0xa3: {  	[sflag:s23] =	ssyncset.done $0x0  }
0xa4: {  	s25 =	simm.s32 $0x1B8E;
	s24 =	sld [smem:$0x3FFE];
	[sflag:s23] =	ssyncadd.s32 $0xFFFFFFFF  }
0xa5: {  	s26 =	simm.s32 $execute0_lowered;
	[smem:$0x3FD2] =	sst s25  }
0xa6: {  	s5 =	sshll.u32 s26, $0x1;
	_ =	strace $0x80000046;
	[dreg:$0x1] =	wrdreg $0xFFFFFFFF  }
0xa7: {  	s28 =	simm.s32 $_size_execute0_lowered;
	s3 =	sadd.s32 s3, s5;
	[dreg:$0x0] =	wrdreg $0x0  }
0xa8: {  	s5 =	sshll.u32 s28, $0x1;
	[dreg:$0x2] =	wrdreg s3  }
0xa9: {  	[dreg:$0x3] =	wrdreg s5  }
0xaa: {  	[dreg:$0x4] =	wrdreg $0xC0  }
0xab: {  	_ =	task [dreg:s7], $0x5FFFF  }
0xac: {  	[dreg:$0x1] =	wrdreg $0xFFFFFFFF  }
0xad: {  	[dreg:$0x0] =	wrdreg $0x60  }
0xae: {  	[dreg:$0x2] =	wrdreg s24  }
0xaf: {  	[dreg:$0x3] =	wrdreg s2  }
0xb0: {  	[dreg:$0x4] =	wrdreg $0x18800  }
0xb1: {  	[dreg:$0x5] =	wrdreg $0x9  }
0xb2: {  	_ =	task.clear_ibuf [dreg:s7], $0x6FFFF;
	_ =	strace $0x90000046  }
0xb3: {  	s29 =	simm.s32 $0x9;
	_ =	strace $0x80000048  }
0xb4: {  	_ =	swait.ge [sflag:s29], $0x1  }
0xb5: {  	[sflag:s29] =	ssyncadd.s32 $0xFFFFFFFF  }
0xb6: {  	_ =	strace $0x90000048  }
0xb7: {  	_ =	sfence  }
0xb8: {  	s30 =	sld [smem:$0x0];
	_ =	sdelay $0x2  }
0xb9: {  	s31 =	sshll.u32 s1, $0xD;
	s1 =	sshrl.u32 s1, $0x2  }
0xba: {  	s3 =	sand.u32 $0x4000, s31;
	s1 =	sadd.s32 s1, s30  }
0xbb: {  	s0 =	sor.u32 s3, s0;
	s1 =	sshll.u32 s1, $0x11  }
0xbc: {  	s0 =	sor.u32 s1, s0  }
0xbd: {  	s0 =	sadd.s32 $0x8F2B, s0  }
0xbe: {  	[sflag:s0] =	ssyncadd.remote.s32 $0x1  }
0xbf: {  	_ =	sfence.sel $0xFFFF  }
0xc0: {  	[dreg:$0x0] =	wrdreg $0xFFFFFFFF;
	(pc) =	sbr.abs _section_cstart, $3  }
0xc1: {  	[dreg:$0x1] =	wrdreg $0xFFFFFFFF  }
0xc2: {  	_ =	task.clear_ibuf [dreg:s7], $0x2FFFF;
	_ =	strace $0x9FFFFFFF  }
0xc3: {  	(tm) =	ssettm $0x7FFFFFFF  }
tec
execute0_lowered:
.L_overlay_start_1:
0x0: {  	(tag) =	ssettag $0x1  }
0x1: {  	s4 =	rddreg [dreg:$0x0]  }
0x2: {  	s9 =	rddreg [dreg:$0x1]  }
0x3: {  	s1 =	rddreg [dreg:$0x2]  }
0x4: {  	s0 =	rddreg [dreg:$0x3];
	s2 =	simm.s32 $0x0  }
0x5: {  	s5 =	srdreg.scid;
	s3 =	stileid.u32;
	s14 =	simm.s32 $0x10  }
0x6: {  	s15 =	simm.s32 $0x1800;
	s17 =	simm.s32 $0x0;
	[smem:$0x7FF] =	sst s2  }
0x7: {  	s6 =	sadd.s32 $0x3600, s4;
	s5 =	sand.u32 $0x1, s5;
	s8 =	sshll.u32 s3, $0xC  }
0x8: {  	s10 =	sadd.s32 $0x7600, s4;
	s31 =	sshll.u32 s3, $0x7;
	s16 =	sshll.u32 s3, $0x6  }
0x9: {  	_ =	strace $0x80000047;
	s7 =	ssub.s32 $0x2, s5;
	s5 =	sshll.u32 s5, $0xB  }
0xa: {  	s16 =	sor.u32 $0x1C01, s16;
	s29 =	sshrl.u32 s7, $0x1;
	s8 =	sor.u32 s5, s8  }
0xb: {  	s13 =	sor.u32 s31, s5;
	s11 =	ssub.s32 s7, s29;
	s30 =	sshrl.u32 s8, $0x3  }
0xc: {  	s13 =	sshrl.u32 s13, $0x3;
	s4 =	sadd.s32 s6, s30;
	s12 =	sor.u32 $0x2000, s30  }
0xd: {  	s7 =	sadd.s32 s10, s30;
	s9 =	sadd.s32 s9, s13;
	s13 =	simm.s32 $0x1000  }
0xe: {  	s5 =	sadd.s32 s6, s12;
	s6 =	sadd.s32 s31, s1;
	s8 =	sadd.s32 s10, s12  }
0xf: {  	v0 =	vimm.f32 $0.0e+00;
	v1 =	vlaneseq.u32;
	v2 =	vimm.f32 $1.000000000e+00;
	s10 =	smax.u32 s11, $0x1;
	s11 =	simm.s32 $0x1;
	s12 =	simm.s32 $0x800  }
.LBB2_1:
0x10: {  	[tilespmem:s2], [sflag:$0x1] =	stream.linear.gather [hbm4b:s4+s2], $0x800, $0x38;
	[tilespmem:$0x1900] =	vst v63  }
0x11: {  	_ =	swait.ge [sflag:s11], $0x800  }
0x12: {  	[sflag:s11] =	ssyncset.done $0x0  }
0x13: {  	[sflag:s11] =	ssyncadd.s32 $0xFFFFF800  }
0x14: {  	[tilespmem:s12], [sflag:$0x1] =	stream.linear.gather [hbm4b:s5+s2], $0x800, $0x38;
	[tilespmem:$0x1900] =	vst v63  }
0x15: {  	_ =	swait.ge [sflag:s11], $0x800  }
0x16: {  	[sflag:s11] =	ssyncset.done $0x0  }
0x17: {  	s18 =	simm.s32 $0x0;
	s19 =	simm.s32 $0x200;
	[sflag:s11] =	ssyncadd.s32 $0xFFFFF800  }
.LBB2_2:
0x18: {  	p0 =	sne.s32 s19, $0x1E00;
	[tilespmem:s18+$0x1070] =	vst v0  }
0x19: {  	[tilespmem:s18+$0x1000] =	vst v0  }
0x1a: {  	[tilespmem:s18+$0x1010] =	vst v0  }
.Ltmp0:
0x1b: {  	[tilespmem:s18+$0x1020] =	vst v0;
	(pc) =	sbr.rel @p0 .LBB2_2-.Ltmp0, $4  }
0x1c: {  	[tilespmem:s18+$0x1030] =	vst v0  }
0x1d: {  	[tilespmem:s18+$0x1040] =	vst v0  }
0x1e: {  	[tilespmem:s18+$0x1050] =	vst v0  }
0x1f: {  	[tilespmem:s18+$0x1060] =	vst v0;
	s18 =	sshra.s32 s19, $0x2;
	s19 =	sadd.s32 $0x200, s19  }
0x20: {  	[tilespmem:s18+$0x1070] =	vst v0  }
0x21: {  	[tilespmem:s18+$0x1000] =	vst v0  }
0x22: {  	[tilespmem:s18+$0x1010] =	vst v0  }
0x23: {  	[tilespmem:s18+$0x1020] =	vst v0  }
0x24: {  	[tilespmem:s18+$0x1030] =	vst v0  }
0x25: {  	[tilespmem:s18+$0x1040] =	vst v0  }
0x26: {  	[tilespmem:s18+$0x1050] =	vst v0  }
0x27: {  	[tilespmem:s18+$0x1060] =	vst v0  }
0x28: {  	[tilespmem:$0x1800] =	vst v1  }
0x29: {  	[spmem:s6] =	stream.linear.scatter [tilespmem:s13], [sflag:$0x1], $0x80, $0x38;
	[tilespmem:$0x1900] =	vst v63  }
0x2a: {  	_ =	swait.ge [sflag:s11], $0x80  }
0x2b: {  	[sflag:s11] =	ssyncset.done $0x0  }
0x2c: {  	s18 =	simm.s32 $0x0;
	[sflag:s11] =	ssyncadd.s32 $0xFFFFFF80  }
.LBB2_4:
0x2d: {  	s19 =	sshra.s32 s18, $0x2  }
0x2e: {  	v3 =	vld [tilespmem:s19+$0x800];
	_ =	sdelay $0x2  }
0x2f: {  	v4 =	vld [tilespmem:s19+$0x0];
	_ =	sdelay $0x1  }
0x30: {  	v5 =	vshll.u32 v3, $0x4  }
0x31: {  	v3 =	vshra.s32 v3, $0x7;
	v5 =	vand.u32 $0x7F0, v5  }
0x32: {  	v3 =	vor.u32 v3, v5  }
0x33: {  	v42 =	vshll.u32 v4, $0x4  }
0x34: {  	v4 =	vshra.s32 v4, $0x7;
	v5 =	vand.u32 $0x7F0, v42  }
0x35: {  	v4 =	vor.u32 v4, v5;
	[tilespmem:s19+$0x800] =	vst v3  }
0x36: {  	[tilespmem:s19+$0x0] =	vst v4  }
0x37: {  	[tilespmem:v3+s13+$0x0] =	vst.idx.add.f32.msk $0xffff, v2  }
0x38: {  	v3 =	vld [tilespmem:s19+$0x810];
	_ =	sdelay $0x2  }
0x39: {  	v43 =	vld [tilespmem:s19+$0x10];
	_ =	sdelay $0x1  }
0x3a: {  	v44 =	vshll.u32 v3, $0x4  }
0x3b: {  	v3 =	vshra.s32 v3, $0x7;
	v5 =	vand.u32 $0x7F0, v44  }
0x3c: {  	v3 =	vor.u32 v3, v5  }
0x3d: {  	v45 =	vshll.u32 v43, $0x4  }
0x3e: {  	v4 =	vshra.s32 v43, $0x7;
	v5 =	vand.u32 $0x7F0, v45  }
0x3f: {  	v4 =	vor.u32 v4, v5;
	[tilespmem:s19+$0x810] =	vst v3  }
0x40: {  	[tilespmem:s19+$0x10] =	vst v4  }
0x41: {  	[tilespmem:v3+s13+$0x0] =	vst.idx.add.f32.msk $0xffff, v2  }
0x42: {  	v3 =	vld [tilespmem:s19+$0x820];
	_ =	sdelay $0x2  }
0x43: {  	v46 =	vld [tilespmem:s19+$0x20];
	_ =	sdelay $0x1  }
0x44: {  	v47 =	vshll.u32 v3, $0x4  }
0x45: {  	v3 =	vshra.s32 v3, $0x7;
	v5 =	vand.u32 $0x7F0, v47  }
0x46: {  	v3 =	vor.u32 v3, v5  }
0x47: {  	v48 =	vshll.u32 v46, $0x4  }
0x48: {  	v4 =	vshra.s32 v46, $0x7;
	v5 =	vand.u32 $0x7F0, v48  }
0x49: {  	v4 =	vor.u32 v4, v5;
	[tilespmem:s19+$0x820] =	vst v3  }
0x4a: {  	[tilespmem:s19+$0x20] =	vst v4  }
0x4b: {  	[tilespmem:v3+s13+$0x0] =	vst.idx.add.f32.msk $0xffff, v2  }
0x4c: {  	v3 =	vld [tilespmem:s19+$0x830];
	_ =	sdelay $0x2  }
0x4d: {  	v49 =	vld [tilespmem:s19+$0x30];
	_ =	sdelay $0x1  }
0x4e: {  	v50 =	vshll.u32 v3, $0x4  }
0x4f: {  	v3 =	vshra.s32 v3, $0x7;
	v5 =	vand.u32 $0x7F0, v50  }
0x50: {  	v3 =	vor.u32 v3, v5  }
0x51: {  	v51 =	vshll.u32 v49, $0x4  }
0x52: {  	v4 =	vshra.s32 v49, $0x7;
	v5 =	vand.u32 $0x7F0, v51  }
0x53: {  	v4 =	vor.u32 v4, v5;
	[tilespmem:s19+$0x830] =	vst v3  }
0x54: {  	[tilespmem:s19+$0x30] =	vst v4  }
0x55: {  	[tilespmem:v3+s13+$0x0] =	vst.idx.add.f32.msk $0xffff, v2  }
0x56: {  	v3 =	vld [tilespmem:s19+$0x840];
	_ =	sdelay $0x2  }
0x57: {  	v52 =	vld [tilespmem:s19+$0x40];
	_ =	sdelay $0x1  }
0x58: {  	v53 =	vshll.u32 v3, $0x4  }
0x59: {  	v3 =	vshra.s32 v3, $0x7;
	v5 =	vand.u32 $0x7F0, v53  }
0x5a: {  	v3 =	vor.u32 v3, v5  }
0x5b: {  	v54 =	vshll.u32 v52, $0x4  }
0x5c: {  	v4 =	vshra.s32 v52, $0x7;
	v5 =	vand.u32 $0x7F0, v54  }
0x5d: {  	v4 =	vor.u32 v4, v5;
	[tilespmem:s19+$0x840] =	vst v3  }
0x5e: {  	[tilespmem:s19+$0x40] =	vst v4  }
0x5f: {  	[tilespmem:v3+s13+$0x0] =	vst.idx.add.f32.msk $0xffff, v2  }
0x60: {  	v3 =	vld [tilespmem:s19+$0x850];
	_ =	sdelay $0x2  }
0x61: {  	v55 =	vld [tilespmem:s19+$0x50];
	_ =	sdelay $0x1  }
0x62: {  	v56 =	vshll.u32 v3, $0x4  }
0x63: {  	v3 =	vshra.s32 v3, $0x7;
	v5 =	vand.u32 $0x7F0, v56  }
0x64: {  	v3 =	vor.u32 v3, v5  }
0x65: {  	v57 =	vshll.u32 v55, $0x4  }
0x66: {  	v4 =	vshra.s32 v55, $0x7;
	v5 =	vand.u32 $0x7F0, v57  }
0x67: {  	v4 =	vor.u32 v4, v5;
	[tilespmem:s19+$0x850] =	vst v3  }
0x68: {  	[tilespmem:s19+$0x50] =	vst v4  }
0x69: {  	[tilespmem:v3+s13+$0x0] =	vst.idx.add.f32.msk $0xffff, v2  }
0x6a: {  	v3 =	vld [tilespmem:s19+$0x860];
	_ =	sdelay $0x2  }
0x6b: {  	v58 =	vld [tilespmem:s19+$0x60];
	_ =	sdelay $0x1  }
0x6c: {  	v59 =	vshll.u32 v3, $0x4  }
0x6d: {  	v3 =	vshra.s32 v3, $0x7;
	v5 =	vand.u32 $0x7F0, v59  }
0x6e: {  	v3 =	vor.u32 v3, v5  }
0x6f: {  	v60 =	vshll.u32 v58, $0x4  }
0x70: {  	v4 =	vshra.s32 v58, $0x7;
	v5 =	vand.u32 $0x7F0, v60  }
0x71: {  	v4 =	vor.u32 v4, v5;
	[tilespmem:s19+$0x860] =	vst v3  }
0x72: {  	[tilespmem:s19+$0x60] =	vst v4  }
0x73: {  	[tilespmem:v3+s13+$0x0] =	vst.idx.add.f32.msk $0xffff, v2  }
0x74: {  	v3 =	vld [tilespmem:s19+$0x870];
	_ =	sdelay $0x2  }
0x75: {  	v61 =	vld [tilespmem:s19+$0x70];
	_ =	sdelay $0x1  }
0x76: {  	v62 =	vshll.u32 v3, $0x4  }
0x77: {  	v3 =	vshra.s32 v3, $0x7;
	v5 =	vand.u32 $0x7F0, v62  }
0x78: {  	p0 =	sne.s32 s18, $0x1E00;
	v3 =	vor.u32 v3, v5  }
.Ltmp1:
0x79: {  	v63 =	vshll.u32 v61, $0x4;
	(pc) =	sbr.rel @p0 .LBB2_4-.Ltmp1, $4  }
0x7a: {  	v4 =	vshra.s32 v61, $0x7;
	v5 =	vand.u32 $0x7F0, v63  }
0x7b: {  	v4 =	vor.u32 v4, v5;
	[tilespmem:s19+$0x870] =	vst v3  }
0x7c: {  	[tilespmem:s19+$0x70] =	vst v4  }
0x7d: {  	s18 =	sadd.s32 $0x200, s18;
	[tilespmem:v3+s13+$0x0] =	vst.idx.add.f32.msk $0xffff, v2  }
0x7e: {  	[hbm4b:s7+s2] =	stream.linear.scatter [tilespmem:s2], [sflag:$0x1], $0x800, $0x38;
	[tilespmem:$0x1900] =	vst v63  }
0x7f: {  	_ =	swait.ge [sflag:s11], $0x800  }
0x80: {  	[sflag:s11] =	ssyncset.done $0x0  }
0x81: {  	[sflag:s11] =	ssyncadd.s32 $0xFFFFF800  }
0x82: {  	[hbm4b:s8+s2] =	stream.linear.scatter [tilespmem:s12], [sflag:$0x1], $0x800, $0x38;
	[tilespmem:$0x1900] =	vst v63  }
0x83: {  	_ =	swait.ge [sflag:s11], $0x800  }
0x84: {  	[sflag:s11] =	ssyncset.done $0x0  }
0x85: {  	[sflag:s11] =	ssyncadd.s32 $0xFFFFF800  }
0x86: {  	[bflag:$0x0] =	sbarrier.arrive $0xFFFF  }
0x87: {  	[spmem:s1] =	stream.indirect.scatter.add.f32 [tilespmem:s13], [sflag:$0x1], $0x80, s15, s14, $0xb8;
	[tilespmem:$0x1900] =	vst v63  }
0x88: {  	_ =	swait.ge [sflag:s11], $0x800  }
0x89: {  	s17 =	sadd.s32 $0x1, s17;
	[sflag:s11] =	ssyncset.done $0x0  }
0x8a: {  	p0 =	sne.s32 s17, s10;
	[sflag:s11] =	ssyncadd.s32 $0xFFFFF800  }
.Ltmp2:
0x8b: {  	s18 =	sshrl.u32 s6, $0x3;
	[bflag:$0x0] =	sbarrier.arrive $0xFFFF;
	(pc) =	sbr.rel @p0 .LBB2_1-.Ltmp2, $4  }
0x8c: {  	[hbm:s9], [sflag:s16] =	dma.local [spmem:s18], $0x10  }
0x8d: {  	_ =	swait.ge [sflag:s11], $0x10  }
0x8e: {  	[sflag:s11] =	ssyncset.done $0x0  }
0x8f: {  	[sflag:s11] =	ssyncadd.s32 $0xFFFFFFF0  }
0x90: {  	_ =	sfence.sel $0x180000  }
0x91: {  	[bflag:$0x0] =	sbarrier.arrive $0xFFFF  }
0x92: {  	p0 =	sne.s32 s3, $0x0;
	_ =	strace $0x90000047  }
0x93: {  	s0 =	sadd.s32 @!p0 $0x100000, s0;
	[bflag:$0x2] =	sbarrier.arrive $0xFFFF  }
0x94: {  	[sflag:s0] =	ssyncadd.tile.s32 @!p0 $0x1;
	_ =	shalt  }
.Lfunc_end2:
_tile_overlayer_lowered:
.L_overlay_start_2:
0x95: {  	(tag) =	ssettag $0x2  }
0x96: {  	s0 =	rddreg [dreg:$0x0];
	s2 =	stileid.u32  }
0x97: {  	s1 =	rddreg [dreg:$0x1];
	p0 =	sne.s32 s2, $0x0  }
0x98: {  	s3 =	rddreg [dreg:$0x2];
	[bflag:$0x3] =	sbarrier.arrive $0xFFFF;
	s2 =	simm.s32 @!p0 $0x1C01  }
0x99: {  	[timem:s3], [sflag:s2] =	dma.local @!p0 [hbm:s0], s1  }
0x9a: {  	s0 =	simm.s32 @!p0 $0x1  }
0x9b: {  	_ =	swait.ge @!p0 [sflag:s0], s1  }
0x9c: {  	s1 =	ssub.s32 @!p0 $0x0, s1;
	[sflag:s0] =	ssyncset.done @!p0 $0x0  }
0x9d: {  	[sflag:s0] =	ssyncadd.s32 @!p0 s1  }
0x9e: {  	[bflag:$0x3] =	sbarrier.arrive $0xFFFF  }
0x9f: {  	_ =	shalt  }

</sc_bundles>
